<compile_context>
chip_gen: v7x
topology: tpu7x:2x2x1
jax: 0.10.2.dev20260603
libtpu: 0.0.44.dev20260713+nightly
codegen_flags: <defaults>
</compile_context>

<pallas_src>
import functools

import jax
import jax.numpy as jnp
from jax import lax
from jax.experimental import pallas as pl
from jax.experimental.pallas import tpu as pltpu
from jax.experimental.pallas import tpu_sc as plsc

DIM = 32
BAGS = 106496
N_IDX = 425984

NUM_CORES = 2
NUM_SUBCORES = 16
NW = NUM_CORES * NUM_SUBCORES
BPW = BAGS // NW
SLAB = BPW + 8
C = 256
GSUB = 128
HALF = 16
NGRP = C // HALF


def _sload(ref, i):
    return ref[pl.ds(i, HALF)][0]


def _upper_bound(off_v, lo0, val):
    def step(_, lohi):
        lo, hi = lohi
        mid = (lo + hi) // 2
        go = (lo < hi) & (_sload(off_v, mid + 1) <= val)
        return (jnp.where(go, mid + 1, lo), jnp.where(go, hi, mid))
    lo, _ = lax.fori_loop(0, 12, step, (lo0, jnp.int32(BPW)))
    return lo


def _pooled_body(idx_hbm, off_hbm, table_hbm, out_hbm,
                 off_v, ia0, ib0, ia1, ib1, rows0, rows1, m_v, sg0, sg1,
                 acc_sh, semi0, semi1, semg0, semg1, sems0, sems1, semz):
    w = lax.axis_index("s") * NUM_CORES + lax.axis_index("c")
    sid = lax.axis_index("s")
    obase = w * BPW
    sbase = sid * SLAB
    dummy = sbase + BPW
    pltpu.sync_copy(off_hbm.at[pl.ds(obase, BPW + 24)], off_v)
    start = _sload(off_v, 0)
    end = _sload(off_v, BPW)
    astart = (start // 8) * 8
    nch = jnp.maximum((end - astart + C - 1) // C, 1)
    nch2 = ((nch + 1) // 2) * 2

    idx_bufs = ((ia0, ib0), (ia1, ib1))
    row_bufs = (rows0, rows1)
    seg_bufs = (sg0, sg1)
    semi = (semi0, semi1)
    semg = (semg0, semg1)
    sems = (sems0, sems1)
    zero = jnp.zeros((HALF,), jnp.float32)
    zero_i = jnp.zeros((HALF,), jnp.int32)
    lane = jnp.arange(HALF, dtype=jnp.int32)

    def zrow(r, _):
        rows0[r, 0:HALF] = zero
        rows0[r, HALF:DIM] = zero
        return 0
    lax.fori_loop(0, C, zrow, 0)
    for s in range(2):
        for j in range(2):
            for k in range(GSUB // HALF):
                seg_bufs[s][j, pl.ds(k * HALF, HALF)] = (
                    jnp.full((HALF,), 0, jnp.int32) + dummy)
    nzc = BPW // C
    for k in range(nzc):
        pltpu.async_copy(rows0, acc_sh.at[pl.ds(sbase + k * C, C)], semz)
    pltpu.async_copy(rows0.at[pl.ds(0, 8)],
                     acc_sh.at[pl.ds(sbase + BPW, 8)], semz)
    for k in range(nzc):
        pltpu.make_async_copy(rows0,
                              acc_sh.at[pl.ds(sbase + k * C, C)], semz).wait()
    pltpu.make_async_copy(rows0.at[pl.ds(0, 8)],
                          acc_sh.at[pl.ds(sbase + BPW, 8)], semz).wait()

    for s in range(2):
        pltpu.async_copy(rows0.at[pl.ds(0, GSUB)],
                         acc_sh.at[seg_bufs[s].at[0]], sems[s], add=True)
        pltpu.async_copy(rows0.at[pl.ds(GSUB, GSUB)],
                         acc_sh.at[seg_bufs[s].at[1]], sems[s], add=True)

    def stage_idx(g, s):
        p0 = astart + g * C
        pltpu.async_copy(idx_hbm.at[pl.ds(p0, GSUB)], idx_bufs[s][0], semi[s])
        pltpu.async_copy(idx_hbm.at[pl.ds(p0 + GSUB, GSUB)],
                         idx_bufs[s][1], semi[s])

    def stage_gather(g, s):
        pltpu.make_async_copy(row_bufs[s].at[pl.ds(0, GSUB)],
                              acc_sh.at[seg_bufs[s].at[0]], sems[s]).wait()
        pltpu.make_async_copy(row_bufs[s].at[pl.ds(GSUB, GSUB)],
                              acc_sh.at[seg_bufs[s].at[1]], sems[s]).wait()
        pltpu.make_async_copy(idx_hbm.at[pl.ds(0, GSUB)], idx_bufs[s][0],
                              semi[s]).wait()
        pltpu.make_async_copy(idx_hbm.at[pl.ds(0, GSUB)], idx_bufs[s][1],
                              semi[s]).wait()
        pltpu.async_copy(table_hbm.at[idx_bufs[s][0]],
                         row_bufs[s].at[pl.ds(0, GSUB)], semg[s])
        pltpu.async_copy(table_hbm.at[idx_bufs[s][1]],
                         row_bufs[s].at[pl.ds(GSUB, GSUB)], semg[s])

    def process(g, s, b_cur):
        rows_v = row_bufs[s]
        seg_v = seg_bufs[s]
        p0 = astart + g * C
        pltpu.make_async_copy(
            table_hbm.at[idx_bufs[s][0]],
            rows_v.at[pl.ds(0, GSUB)], semg[s]).wait()
        pltpu.make_async_copy(
            table_hbm.at[idx_bufs[s][1]],
            rows_v.at[pl.ds(GSUB, GSUB)], semg[s]).wait()

        b_new = _upper_bound(off_v, b_cur, p0 + C - 1)
        for j in range(NGRP):
            m_v[pl.ds(j * HALF, HALF)] = zero_i
        ng = (b_new - b_cur + HALF - 1) // HALF

        def mark(gi, _):
            b = b_cur + gi * HALF
            e = off_v[pl.ds(b + 1, HALF)]
            enext = off_v[pl.ds(b + 2, HALF)]
            valid = ((lane + b) < b_new) & (e < enext)
            q = jnp.clip(e - p0, 0, C - 1)
            plsc.store_scatter(m_v, [q], lane + (b + 1), mask=valid)
            return 0
        lax.fori_loop(0, ng, mark, 0)

        carry = b_cur
        for j in range(NGRP):
            mv = m_v[pl.ds(j * HALF, HALF)]
            cm = plsc.cummax(mv)
            seg = jnp.maximum(cm, carry)
            carry = seg[HALF - 1]
            pos = (p0 + j * HALF) + lane
            ok = (pos >= start) & (pos < end)
            segc = jnp.where(ok, seg + sbase, dummy)
            seg_v[j // (GSUB // HALF),
                  pl.ds((j % (GSUB // HALF)) * HALF, HALF)] = segc

        pltpu.async_copy(rows_v.at[pl.ds(0, GSUB)],
                         acc_sh.at[seg_v.at[0]], sems[s], add=True)
        pltpu.async_copy(rows_v.at[pl.ds(GSUB, GSUB)],
                         acc_sh.at[seg_v.at[1]], sems[s], add=True)
        return b_new

    stage_idx(0, 0)
    stage_gather(0, 0)
    stage_idx(1, 1)

    def pair_body(h, b_cur):
        g0 = h * 2
        stage_gather(g0 + 1, 1)

        @pl.when(g0 + 2 < nch2)
        def _():
            stage_idx(g0 + 2, 0)
        b_cur = process(g0, 0, b_cur)

        @pl.when(g0 + 3 < nch2)
        def _():
            stage_idx(g0 + 3, 1)

        @pl.when(g0 + 2 < nch2)
        def _():
            stage_gather(g0 + 2, 0)
        b_cur = process(g0 + 1, 1, b_cur)
        return b_cur

    lax.fori_loop(0, nch2 // 2, pair_body, jnp.int32(0))

    for s in range(2):
        pltpu.make_async_copy(row_bufs[s].at[pl.ds(0, GSUB)],
                              acc_sh.at[seg_bufs[s].at[0]], sems[s]).wait()
        pltpu.make_async_copy(row_bufs[s].at[pl.ds(GSUB, GSUB)],
                              acc_sh.at[seg_bufs[s].at[1]], sems[s]).wait()
    pltpu.sync_copy(acc_sh.at[pl.ds(sbase, BPW)],
                    out_hbm.at[pl.ds(obase, BPW)])


_pooled = functools.partial(
    pl.kernel,
    out_type=jax.ShapeDtypeStruct((BAGS, DIM), jnp.float32),
    mesh=plsc.VectorSubcoreMesh(core_axis_name="c", subcore_axis_name="s"),
    compiler_params=pltpu.CompilerParams(use_tc_tiling_on_sc=False,
                                         needs_layout_passes=False),
    scratch_types=[
        pltpu.VMEM((BPW + 24,), jnp.int32),
        pltpu.VMEM((GSUB,), jnp.int32),
        pltpu.VMEM((GSUB,), jnp.int32),
        pltpu.VMEM((GSUB,), jnp.int32),
        pltpu.VMEM((GSUB,), jnp.int32),
        pltpu.VMEM((C, DIM), jnp.float32),
        pltpu.VMEM((C, DIM), jnp.float32),
        pltpu.VMEM((C,), jnp.int32),
        pltpu.VMEM((2, GSUB), jnp.int32),
        pltpu.VMEM((2, GSUB), jnp.int32),
        pltpu.VMEM_SHARED((NUM_SUBCORES * SLAB, DIM), jnp.float32),
        pltpu.SemaphoreType.DMA,
        pltpu.SemaphoreType.DMA,
        pltpu.SemaphoreType.DMA,
        pltpu.SemaphoreType.DMA,
        pltpu.SemaphoreType.DMA,
        pltpu.SemaphoreType.DMA,
        pltpu.SemaphoreType.DMA,
    ],
)(_pooled_body)


def kernel(indices, offsets, table):
    idx = indices.astype(jnp.int32)
    off = offsets.astype(jnp.int32)
    idx = jnp.concatenate([idx, jnp.zeros((2 * C + 8,), jnp.int32)])
    off = jnp.concatenate([off, jnp.full((24,), N_IDX, jnp.int32)])
    return _pooled(idx, off, table)

# --- scband reference (transcript-rebuilt; emitter-appended) ---
"""Pipeline reference for scband-batched-dynamic-embedding-tables-31825707663710 (READ-ONLY COPY).

The authoritative reference and input builder live on the scoring server;
editing this copy changes nothing except your own understanding.
"""

import jax, jax.numpy as jnp
import numpy as np

VOCAB = 1000000
DIM = 32
BAGS = 4096 * 26  # batch * n_sparse_fields = 106496
N = 425984        # total indices (avg pooling factor 4)


def setup_inputs(seed: int = 0) -> dict:
    key = jax.random.key(seed)
    k_idx, k_off, k_tab = jax.random.split(key, 3)
    indices = jax.random.randint(k_idx, (N,), 0, VOCAB, dtype=jnp.int64)
    offsets = jnp.sort(jax.random.randint(k_off, (BAGS + 1,), 0, N, dtype=jnp.int64))
    offsets = offsets.at[0].set(0).at[-1].set(N)
    table = jax.random.normal(k_tab, (VOCAB, DIM), dtype=jnp.float32)
    return {"indices": indices, "offsets": offsets, "table": table}


def reference(indices, offsets, table):
    # Dynamic embedding lookup: gather rows for all indices, then SUM-pool
    # each ragged bag defined by the offsets (KJT / TBE layout).
    emb = jnp.take(table, indices, axis=0)  # [N, DIM]
    positions = jnp.arange(N)
    seg_ids = jnp.searchsorted(offsets, positions, side='right') - 1
    seg_ids = jnp.clip(seg_ids, 0, BAGS - 1)
    pooled = jax.ops.segment_sum(emb, seg_ids, num_segments=BAGS)  # [BAGS, DIM]
    return pooled.astype(jnp.float32)

if __name__ == "__main__":
    import jax
    _d = setup_inputs()
    print(jax.jit(kernel)(*tuple(_d.values())))

</pallas_src>

<mosaic_0001>
#map = affine_map<(d0, d1) -> (0)>
#map1 = affine_map<(d0, d1) -> (0, 0)>
module attributes {stable_mosaic.version = 14 : i64} {
  func.func @_pooled_body(%arg0: i32, %arg1: i32, %arg2: memref<426504xi32, #tpu.memory_space<hbm>>, %arg3: memref<106521xi32, #tpu.memory_space<hbm>>, %arg4: memref<1000000x32xf32, #tpu.memory_space<hbm>>, %arg5: memref<106496x32xf32, #tpu.memory_space<hbm>>, %arg6: memref<3352xi32, #tpu.memory_space<vmem>>, %arg7: memref<128xi32, #tpu.memory_space<vmem>>, %arg8: memref<128xi32, #tpu.memory_space<vmem>>, %arg9: memref<128xi32, #tpu.memory_space<vmem>>, %arg10: memref<128xi32, #tpu.memory_space<vmem>>, %arg11: memref<256x32xf32, #tpu.memory_space<vmem>>, %arg12: memref<256x32xf32, #tpu.memory_space<vmem>>, %arg13: memref<256xi32, #tpu.memory_space<vmem>>, %arg14: memref<2x128xi32, #tpu.memory_space<vmem>>, %arg15: memref<2x128xi32, #tpu.memory_space<vmem>>, %arg16: memref<53376x32xf32, #tpu.memory_space<vmem_shared>>, %arg17: memref<!tpu.dma_semaphore, #tpu.memory_space<semaphore_mem>>, %arg18: memref<!tpu.dma_semaphore, #tpu.memory_space<semaphore_mem>>, %arg19: memref<!tpu.dma_semaphore, #tpu.memory_space<semaphore_mem>>, %arg20: memref<!tpu.dma_semaphore, #tpu.memory_space<semaphore_mem>>, %arg21: memref<!tpu.dma_semaphore, #tpu.memory_space<semaphore_mem>>, %arg22: memref<!tpu.dma_semaphore, #tpu.memory_space<semaphore_mem>>, %arg23: memref<!tpu.dma_semaphore, #tpu.memory_space<semaphore_mem>>) attributes {dimension_semantics = [#tpu.dimension_semantics<core_parallel>, #tpu.dimension_semantics<subcore_parallel>], iteration_bounds = array<i64: 2, 16>, scalar_prefetch = 0 : i64, scratch_operands = 18 : i64, tpu.core_type = #tpu.core_type<sc_vector_subcore>, window_params = [{transform_indices = #map}, {transform_indices = #map}, {transform_indices = #map1}, {transform_indices = #map1}]} {
    %mul3A = arith.constant 2 : i32
    %mul3A_0 = arith.muli %arg1, %mul3A : i32
    %add3A = arith.addi %mul3A_0, %arg0 : i32
    %mul3A_1 = arith.constant 3328 : i32
    %mul3A_2 = arith.muli %add3A, %mul3A_1 : i32
    %mul3A_3 = arith.constant 3336 : i32
    %mul3A_4 = arith.muli %arg1, %mul3A_3 : i32
    %add3A_5 = arith.constant 3328 : i32
    %add3A_6 = arith.addi %mul3A_4, %add3A_5 : i32
    "tpu.region"() ({
      %run_scoped3A = tpu.sem_alloc : memref<!tpu.dma_semaphore, #tpu.memory_space<semaphore_mem>>
      %dma_start3A_701 = tpu.memref_slice %arg3[%mul3A_2] : memref<106521xi32, #tpu.memory_space<hbm>> -> memref<3352xi32, #tpu.memory_space<hbm>>
      %dma_start3A_702 = tpu.memref_slice %arg3[%mul3A_2] : memref<106521xi32, #tpu.memory_space<hbm>> -> memref<3352xi32, #tpu.memory_space<hbm>>
      tpu.enqueue_dma source(%dma_start3A_702 : memref<3352xi32, #tpu.memory_space<hbm>>) target(%arg6 : memref<3352xi32, #tpu.memory_space<vmem>>) target_semaphore(%run_scoped3A : memref<!tpu.dma_semaphore, #tpu.memory_space<semaphore_mem>>)
      %dma_wait3A_703 = tpu.memref_slice %arg3[%mul3A_2] : memref<106521xi32, #tpu.memory_space<hbm>> -> memref<3352xi32, #tpu.memory_space<hbm>>
      %dma_wait3A_704 = tpu.memref_slice %arg3[%mul3A_2] : memref<106521xi32, #tpu.memory_space<hbm>> -> memref<3352xi32, #tpu.memory_space<hbm>>
      tpu.wait_dma2 semaphore(%run_scoped3A : memref<!tpu.dma_semaphore, #tpu.memory_space<semaphore_mem>>) src(%dma_wait3A_704 : memref<3352xi32, #tpu.memory_space<hbm>>) dst(%arg6 : memref<3352xi32, #tpu.memory_space<vmem>>)
      tpu.yield
    }) : () -> ()
    %get3A = arith.constant 0 : index
    %get3A_7 = tpu.vector_load %arg6[%get3A] {strides = array<i32>} : memref<3352xi32, #tpu.memory_space<vmem>>, vector<16xi32>,
    %slice3A = vector.extract_strided_slice %get3A_7 {offsets = [0], sizes = [1], strides = [1]} : vector<16xi32> to vector<1xi32>
    %squeeze3A = vector.extract %slice3A[0] : i32 from vector<1xi32>
    %get3A_8 = arith.constant 3328 : index
    %get3A_9 = tpu.vector_load %arg6[%get3A_8] {strides = array<i32>} : memref<3352xi32, #tpu.memory_space<vmem>>, vector<16xi32>,
    %slice3A_10 = vector.extract_strided_slice %get3A_9 {offsets = [0], sizes = [1], strides = [1]} : vector<16xi32> to vector<1xi32>
    %squeeze3A_11 = vector.extract %slice3A_10[0] : i32 from vector<1xi32>
    %jit3A = arith.constant 8 : i32
    %div3A = arith.divsi %squeeze3A, %jit3A : i32
    %sign3A = arith.constant 0 : i32
    %sign3A_12 = arith.cmpi sgt, %squeeze3A, %sign3A : i32
    %sign3A_13 = arith.extui %sign3A_12 : i1 to i32
    %sign3A_14 = arith.constant 0 : i32
    %sign3A_15 = arith.cmpi slt, %squeeze3A, %sign3A_14 : i32
    %sign3A_16 = arith.extui %sign3A_15 : i1 to i32
    %sign3A_17 = arith.subi %sign3A_13, %sign3A_16 : i32
    %sign3A_18 = arith.constant 0 : i32
    %sign3A_19 = arith.cmpi sgt, %jit3A, %sign3A_18 : i32
    %sign3A_20 = arith.extui %sign3A_19 : i1 to i32
    %sign3A_21 = arith.constant 0 : i32
    %sign3A_22 = arith.cmpi slt, %jit3A, %sign3A_21 : i32
    %sign3A_23 = arith.extui %sign3A_22 : i1 to i32
    %sign3A_24 = arith.subi %sign3A_20, %sign3A_23 : i32
    %ne3A = arith.cmpi ne, %sign3A_17, %sign3A_24 : i32
    %rem3A = arith.remsi %squeeze3A, %jit3A : i32
    %ne3A_25 = arith.constant 0 : i32
    %ne3A_26 = arith.cmpi ne, %rem3A, %ne3A_25 : i32
    %and3A = arith.andi %ne3A, %ne3A_26 : i1
    %sub3A = arith.constant 1 : i32
    %sub3A_27 = arith.subi %div3A, %sub3A : i32
    %select_n3A = arith.select %and3A, %sub3A_27, %div3A : i32
    %mul3A_28 = arith.constant 8 : i32
    %mul3A_29 = arith.muli %select_n3A, %mul3A_28 : i32
    %sub3A_30 = arith.subi %squeeze3A_11, %mul3A_29 : i32
    %add3A_31 = arith.constant 256 : i32
    %add3A_32 = arith.addi %sub3A_30, %add3A_31 : i32
    %sub3A_33 = arith.constant 1 : i32
    %sub3A_34 = arith.subi %add3A_32, %sub3A_33 : i32
    %jit3A_35 = arith.constant 256 : i32
    %div3A_36 = arith.divsi %sub3A_34, %jit3A_35 : i32
    %sign3A_37 = arith.constant 0 : i32
    %sign3A_38 = arith.cmpi sgt, %sub3A_34, %sign3A_37 : i32
    %sign3A_39 = arith.extui %sign3A_38 : i1 to i32
    %sign3A_40 = arith.constant 0 : i32
    %sign3A_41 = arith.cmpi slt, %sub3A_34, %sign3A_40 : i32
    %sign3A_42 = arith.extui %sign3A_41 : i1 to i32
    %sign3A_43 = arith.subi %sign3A_39, %sign3A_42 : i32
    %sign3A_44 = arith.constant 0 : i32
    %sign3A_45 = arith.cmpi sgt, %jit3A_35, %sign3A_44 : i32
    %sign3A_46 = arith.extui %sign3A_45 : i1 to i32
    %sign3A_47 = arith.constant 0 : i32
    %sign3A_48 = arith.cmpi slt, %jit3A_35, %sign3A_47 : i32
    %sign3A_49 = arith.extui %sign3A_48 : i1 to i32
    %sign3A_50 = arith.subi %sign3A_46, %sign3A_49 : i32
    %ne3A_51 = arith.cmpi ne, %sign3A_43, %sign3A_50 : i32
    %rem3A_52 = arith.remsi %sub3A_34, %jit3A_35 : i32
    %ne3A_53 = arith.constant 0 : i32
    %ne3A_54 = arith.cmpi ne, %rem3A_52, %ne3A_53 : i32
    %and3A_55 = arith.andi %ne3A_51, %ne3A_54 : i1
    %sub3A_56 = arith.constant 1 : i32
    %sub3A_57 = arith.subi %div3A_36, %sub3A_56 : i32
    %select_n3A_58 = arith.select %and3A_55, %sub3A_57, %div3A_36 : i32
    %max3A = arith.constant 1 : i32
    %max3A_59 = arith.maxsi %select_n3A_58, %max3A : i32
    %add3A_60 = arith.constant 1 : i32
    %add3A_61 = arith.addi %max3A_59, %add3A_60 : i32
    %jit3A_62 = arith.constant 2 : i32
    %div3A_63 = arith.divsi %add3A_61, %jit3A_62 : i32
    %sign3A_64 = arith.constant 0 : i32
    %sign3A_65 = arith.cmpi sgt, %add3A_61, %sign3A_64 : i32
    %sign3A_66 = arith.extui %sign3A_65 : i1 to i32
    %sign3A_67 = arith.constant 0 : i32
    %sign3A_68 = arith.cmpi slt, %add3A_61, %sign3A_67 : i32
    %sign3A_69 = arith.extui %sign3A_68 : i1 to i32
    %sign3A_70 = arith.subi %sign3A_66, %sign3A_69 : i32
    %sign3A_71 = arith.constant 0 : i32
    %sign3A_72 = arith.cmpi sgt, %jit3A_62, %sign3A_71 : i32
    %sign3A_73 = arith.extui %sign3A_72 : i1 to i32
    %sign3A_74 = arith.constant 0 : i32
    %sign3A_75 = arith.cmpi slt, %jit3A_62, %sign3A_74 : i32
    %sign3A_76 = arith.extui %sign3A_75 : i1 to i32
    %sign3A_77 = arith.subi %sign3A_73, %sign3A_76 : i32
    %ne3A_78 = arith.cmpi ne, %sign3A_70, %sign3A_77 : i32
    %rem3A_79 = arith.remsi %add3A_61, %jit3A_62 : i32
    %ne3A_80 = arith.constant 0 : i32
    %ne3A_81 = arith.cmpi ne, %rem3A_79, %ne3A_80 : i32
    %and3A_82 = arith.andi %ne3A_78, %ne3A_81 : i1
    %sub3A_83 = arith.constant 1 : i32
    %sub3A_84 = arith.subi %div3A_63, %sub3A_83 : i32
    %select_n3A_85 = arith.select %and3A_82, %sub3A_84, %div3A_63 : i32
    %mul3A_86 = arith.constant 2 : i32
    %mul3A_87 = arith.muli %select_n3A_85, %mul3A_86 : i32
    %broadcast_in_dim3A = arith.constant 0.000000e+00 : f32
    %broadcast_in_dim3A_88 = vector.broadcast %broadcast_in_dim3A : f32 to vector<16xf32>
    %broadcast_in_dim3A_89 = arith.constant 0 : i32
    %broadcast_in_dim3A_90 = vector.broadcast %broadcast_in_dim3A_89 : i32 to vector<16xi32>
    %iota3A = tpu.iota {dimensions = array<i32: 0>} : vector<16xi32>
    %scan3A = arith.constant 0 : i32
    %scan3A_91 = arith.constant 0 : i32
    %scan3A_92 = arith.constant 256 : i32
    %scan3A_93 = arith.addi %scan3A_91, %scan3A_92 : i32
    %scan3A_94 = arith.constant 1 : i32
    %scan3A_95 = scf.for %scan3A_701 = %scan3A_91 to %scan3A_93 step %scan3A_94 iter_args(%scan3A_702 = %scan3A) -> (i32)  : i32 {
      %swap3A_703 = arith.index_cast %scan3A_701 : i32 to index
      %swap3A_704 = arith.constant 0 : index
      %swap3A_705 = tpu.vector_load %arg11[%swap3A_703, %swap3A_704] {strides = array<i32>} : memref<256x32xf32, #tpu.memory_space<vmem>>, vector<16xf32>,
      tpu.vector_store %arg11[%swap3A_703, %swap3A_704], %broadcast_in_dim3A_88 {strides = array<i32>} : memref<256x32xf32, #tpu.memory_space<vmem>>, vector<16xf32>,
      %swap3A_706 = arith.index_cast %scan3A_701 : i32 to index
      %swap3A_707 = arith.constant 16 : index
      %swap3A_708 = tpu.vector_load %arg11[%swap3A_706, %swap3A_707] {strides = array<i32>} : memref<256x32xf32, #tpu.memory_space<vmem>>, vector<16xf32>,
      tpu.vector_store %arg11[%swap3A_706, %swap3A_707], %broadcast_in_dim3A_88 {strides = array<i32>} : memref<256x32xf32, #tpu.memory_space<vmem>>, vector<16xf32>,
      %scan3A_709 = arith.constant 0 : i32
      scf.yield %scan3A_709 : i32
    }
    %scan3A_96 = arith.constant 256 : i32
    %broadcast_in_dim3A_97 = arith.constant 0 : i32
    %broadcast_in_dim3A_98 = vector.broadcast %broadcast_in_dim3A_97 : i32 to vector<16xi32>
    %add3A_99 = vector.broadcast %add3A_6 : i32 to vector<16xi32>
    %add3A_100 = arith.addi %broadcast_in_dim3A_98, %add3A_99 : vector<16xi32>
    %swap3A = arith.constant 0 : i32
    %swap3A_101 = arith.index_cast %swap3A : i32 to index
    %swap3A_102 = arith.constant 0 : index
    %swap3A_103 = tpu.vector_load %arg14[%swap3A_101, %swap3A_102] {strides = array<i32>} : memref<2x128xi32, #tpu.memory_space<vmem>>, vector<16xi32>,
    tpu.vector_store %arg14[%swap3A_101, %swap3A_102], %add3A_100 {strides = array<i32>} : memref<2x128xi32, #tpu.memory_space<vmem>>, vector<16xi32>,
    %broadcast_in_dim3A_104 = arith.constant 0 : i32
    %broadcast_in_dim3A_105 = vector.broadcast %broadcast_in_dim3A_104 : i32 to vector<16xi32>
    %add3A_106 = vector.broadcast %add3A_6 : i32 to vector<16xi32>
    %add3A_107 = arith.addi %broadcast_in_dim3A_105, %add3A_106 : vector<16xi32>
    %swap3A_108 = arith.constant 0 : i32
    %swap3A_109 = arith.index_cast %swap3A_108 : i32 to index
    %swap3A_110 = arith.constant 16 : index
    %swap3A_111 = tpu.vector_load %arg14[%swap3A_109, %swap3A_110] {strides = array<i32>} : memref<2x128xi32, #tpu.memory_space<vmem>>, vector<16xi32>,
    tpu.vector_store %arg14[%swap3A_109, %swap3A_110], %add3A_107 {strides = array<i32>} : memref<2x128xi32, #tpu.memory_space<vmem>>, vector<16xi32>,
    %broadcast_in_dim3A_112 = arith.constant 0 : i32
    %broadcast_in_dim3A_113 = vector.broadcast %broadcast_in_dim3A_112 : i32 to vector<16xi32>
    %add3A_114 = vector.broadcast %add3A_6 : i32 to vector<16xi32>
    %add3A_115 = arith.addi %broadcast_in_dim3A_113, %add3A_114 : vector<16xi32>
    %swap3A_116 = arith.constant 0 : i32
    %swap3A_117 = arith.index_cast %swap3A_116 : i32 to index
    %swap3A_118 = arith.constant 32 : index
    %swap3A_119 = tpu.vector_load %arg14[%swap3A_117, %swap3A_118] {strides = array<i32>} : memref<2x128xi32, #tpu.memory_space<vmem>>, vector<16xi32>,
    tpu.vector_store %arg14[%swap3A_117, %swap3A_118], %add3A_115 {strides = array<i32>} : memref<2x128xi32, #tpu.memory_space<vmem>>, vector<16xi32>,
    %broadcast_in_dim3A_120 = arith.constant 0 : i32
    %broadcast_in_dim3A_121 = vector.broadcast %broadcast_in_dim3A_120 : i32 to vector<16xi32>
    %add3A_122 = vector.broadcast %add3A_6 : i32 to vector<16xi32>
    %add3A_123 = arith.addi %broadcast_in_dim3A_121, %add3A_122 : vector<16xi32>
    %swap3A_124 = arith.constant 0 : i32
    %swap3A_125 = arith.index_cast %swap3A_124 : i32 to index
    %swap3A_126 = arith.constant 48 : index
    %swap3A_127 = tpu.vector_load %arg14[%swap3A_125, %swap3A_126] {strides = array<i32>} : memref<2x128xi32, #tpu.memory_space<vmem>>, vector<16xi32>,
    tpu.vector_store %arg14[%swap3A_125, %swap3A_126], %add3A_123 {strides = array<i32>} : memref<2x128xi32, #tpu.memory_space<vmem>>, vector<16xi32>,
    %broadcast_in_dim3A_128 = arith.constant 0 : i32
    %broadcast_in_dim3A_129 = vector.broadcast %broadcast_in_dim3A_128 : i32 to vector<16xi32>
    %add3A_130 = vector.broadcast %add3A_6 : i32 to vector<16xi32>
    %add3A_131 = arith.addi %broadcast_in_dim3A_129, %add3A_130 : vector<16xi32>
    %swap3A_132 = arith.constant 0 : i32
    %swap3A_133 = arith.index_cast %swap3A_132 : i32 to index
    %swap3A_134 = arith.constant 64 : index
    %swap3A_135 = tpu.vector_load %arg14[%swap3A_133, %swap3A_134] {strides = array<i32>} : memref<2x128xi32, #tpu.memory_space<vmem>>, vector<16xi32>,
    tpu.vector_store %arg14[%swap3A_133, %swap3A_134], %add3A_131 {strides = array<i32>} : memref<2x128xi32, #tpu.memory_space<vmem>>, vector<16xi32>,
    %broadcast_in_dim3A_136 = arith.constant 0 : i32
    %broadcast_in_dim3A_137 = vector.broadcast %broadcast_in_dim3A_136 : i32 to vector<16xi32>
    %add3A_138 = vector.broadcast %add3A_6 : i32 to vector<16xi32>
    %add3A_139 = arith.addi %broadcast_in_dim3A_137, %add3A_138 : vector<16xi32>
    %swap3A_140 = arith.constant 0 : i32
    %swap3A_141 = arith.index_cast %swap3A_140 : i32 to index
    %swap3A_142 = arith.constant 80 : index
    %swap3A_143 = tpu.vector_load %arg14[%swap3A_141, %swap3A_142] {strides = array<i32>} : memref<2x128xi32, #tpu.memory_space<vmem>>, vector<16xi32>,
    tpu.vector_store %arg14[%swap3A_141, %swap3A_142], %add3A_139 {strides = array<i32>} : memref<2x128xi32, #tpu.memory_space<vmem>>, vector<16xi32>,
    %broadcast_in_dim3A_144 = arith.constant 0 : i32
    %broadcast_in_dim3A_145 = vector.broadcast %broadcast_in_dim3A_144 : i32 to vector<16xi32>
    %add3A_146 = vector.broadcast %add3A_6 : i32 to vector<16xi32>
    %add3A_147 = arith.addi %broadcast_in_dim3A_145, %add3A_146 : vector<16xi32>
    %swap3A_148 = arith.constant 0 : i32
    %swap3A_149 = arith.index_cast %swap3A_148 : i32 to index
    %swap3A_150 = arith.constant 96 : index
    %swap3A_151 = tpu.vector_load %arg14[%swap3A_149, %swap3A_150] {strides = array<i32>} : memref<2x128xi32, #tpu.memory_space<vmem>>, vector<16xi32>,
    tpu.vector_store %arg14[%swap3A_149, %swap3A_150], %add3A_147 {strides = array<i32>} : memref<2x128xi32, #tpu.memory_space<vmem>>, vector<16xi32>,
    %broadcast_in_dim3A_152 = arith.constant 0 : i32
    %broadcast_in_dim3A_153 = vector.broadcast %broadcast_in_dim3A_152 : i32 to vector<16xi32>
    %add3A_154 = vector.broadcast %add3A_6 : i32 to vector<16xi32>
    %add3A_155 = arith.addi %broadcast_in_dim3A_153, %add3A_154 : vector<16xi32>
    %swap3A_156 = arith.constant 0 : i32
    %swap3A_157 = arith.index_cast %swap3A_156 : i32 to index
    %swap3A_158 = arith.constant 112 : index
    %swap3A_159 = tpu.vector_load %arg14[%swap3A_157, %swap3A_158] {strides = array<i32>} : memref<2x128xi32, #tpu.memory_space<vmem>>, vector<16xi32>,
    tpu.vector_store %arg14[%swap3A_157, %swap3A_158], %add3A_155 {strides = array<i32>} : memref<2x128xi32, #tpu.memory_space<vmem>>, vector<16xi32>,
    %broadcast_in_dim3A_160 = arith.constant 0 : i32
    %broadcast_in_dim3A_161 = vector.broadcast %broadcast_in_dim3A_160 : i32 to vector<16xi32>
    %add3A_162 = vector.broadcast %add3A_6 : i32 to vector<16xi32>
    %add3A_163 = arith.addi %broadcast_in_dim3A_161, %add3A_162 : vector<16xi32>
    %swap3A_164 = arith.constant 1 : i32
    %swap3A_165 = arith.index_cast %swap3A_164 : i32 to index
    %swap3A_166 = arith.constant 0 : index
    %swap3A_167 = tpu.vector_load %arg14[%swap3A_165, %swap3A_166] {strides = array<i32>} : memref<2x128xi32, #tpu.memory_space<vmem>>, vector<16xi32>,
    tpu.vector_store %arg14[%swap3A_165, %swap3A_166], %add3A_163 {strides = array<i32>} : memref<2x128xi32, #tpu.memory_space<vmem>>, vector<16xi32>,
    %broadcast_in_dim3A_168 = arith.constant 0 : i32
    %broadcast_in_dim3A_169 = vector.broadcast %broadcast_in_dim3A_168 : i32 to vector<16xi32>
    %add3A_170 = vector.broadcast %add3A_6 : i32 to vector<16xi32>
    %add3A_171 = arith.addi %broadcast_in_dim3A_169, %add3A_170 : vector<16xi32>
    %swap3A_172 = arith.constant 1 : i32
    %swap3A_173 = arith.index_cast %swap3A_172 : i32 to index
    %swap3A_174 = arith.constant 16 : index
    %swap3A_175 = tpu.vector_load %arg14[%swap3A_173, %swap3A_174] {strides = array<i32>} : memref<2x128xi32, #tpu.memory_space<vmem>>, vector<16xi32>,
    tpu.vector_store %arg14[%swap3A_173, %swap3A_174], %add3A_171 {strides = array<i32>} : memref<2x128xi32, #tpu.memory_space<vmem>>, vector<16xi32>,
    %broadcast_in_dim3A_176 = arith.constant 0 : i32
    %broadcast_in_dim3A_177 = vector.broadcast %broadcast_in_dim3A_176 : i32 to vector<16xi32>
    %add3A_178 = vector.broadcast %add3A_6 : i32 to vector<16xi32>
    %add3A_179 = arith.addi %broadcast_in_dim3A_177, %add3A_178 : vector<16xi32>
    %swap3A_180 = arith.constant 1 : i32
    %swap3A_181 = arith.index_cast %swap3A_180 : i32 to index
    %swap3A_182 = arith.constant 32 : index
    %swap3A_183 = tpu.vector_load %arg14[%swap3A_181, %swap3A_182] {strides = array<i32>} : memref<2x128xi32, #tpu.memory_space<vmem>>, vector<16xi32>,
    tpu.vector_store %arg14[%swap3A_181, %swap3A_182], %add3A_179 {strides = array<i32>} : memref<2x128xi32, #tpu.memory_space<vmem>>, vector<16xi32>,
    %broadcast_in_dim3A_184 = arith.constant 0 : i32
    %broadcast_in_dim3A_185 = vector.broadcast %broadcast_in_dim3A_184 : i32 to vector<16xi32>
    %add3A_186 = vector.broadcast %add3A_6 : i32 to vector<16xi32>
    %add3A_187 = arith.addi %broadcast_in_dim3A_185, %add3A_186 : vector<16xi32>
    %swap3A_188 = arith.constant 1 : i32
    %swap3A_189 = arith.index_cast %swap3A_188 : i32 to index
    %swap3A_190 = arith.constant 48 : index
    %swap3A_191 = tpu.vector_load %arg14[%swap3A_189, %swap3A_190] {strides = array<i32>} : memref<2x128xi32, #tpu.memory_space<vmem>>, vector<16xi32>,
    tpu.vector_store %arg14[%swap3A_189, %swap3A_190], %add3A_187 {strides = array<i32>} : memref<2x128xi32, #tpu.memory_space<vmem>>, vector<16xi32>,
    %broadcast_in_dim3A_192 = arith.constant 0 : i32
    %broadcast_in_dim3A_193 = vector.broadcast %broadcast_in_dim3A_192 : i32 to vector<16xi32>
    %add3A_194 = vector.broadcast %add3A_6 : i32 to vector<16xi32>
    %add3A_195 = arith.addi %broadcast_in_dim3A_193, %add3A_194 : vector<16xi32>
    %swap3A_196 = arith.constant 1 : i32
    %swap3A_197 = arith.index_cast %swap3A_196 : i32 to index
    %swap3A_198 = arith.constant 64 : index
    %swap3A_199 = tpu.vector_load %arg14[%swap3A_197, %swap3A_198] {strides = array<i32>} : memref<2x128xi32, #tpu.memory_space<vmem>>, vector<16xi32>,
    tpu.vector_store %arg14[%swap3A_197, %swap3A_198], %add3A_195 {strides = array<i32>} : memref<2x128xi32, #tpu.memory_space<vmem>>, vector<16xi32>,
    %broadcast_in_dim3A_200 = arith.constant 0 : i32
    %broadcast_in_dim3A_201 = vector.broadcast %broadcast_in_dim3A_200 : i32 to vector<16xi32>
    %add3A_202 = vector.broadcast %add3A_6 : i32 to vector<16xi32>
    %add3A_203 = arith.addi %broadcast_in_dim3A_201, %add3A_202 : vector<16xi32>
    %swap3A_204 = arith.constant 1 : i32
    %swap3A_205 = arith.index_cast %swap3A_204 : i32 to index
    %swap3A_206 = arith.constant 80 : index
    %swap3A_207 = tpu.vector_load %arg14[%swap3A_205, %swap3A_206] {strides = array<i32>} : memref<2x128xi32, #tpu.memory_space<vmem>>, vector<16xi32>,
    tpu.vector_store %arg14[%swap3A_205, %swap3A_206], %add3A_203 {strides = array<i32>} : memref<2x128xi32, #tpu.memory_space<vmem>>, vector<16xi32>,
    %broadcast_in_dim3A_208 = arith.constant 0 : i32
    %broadcast_in_dim3A_209 = vector.broadcast %broadcast_in_dim3A_208 : i32 to vector<16xi32>
    %add3A_210 = vector.broadcast %add3A_6 : i32 to vector<16xi32>
    %add3A_211 = arith.addi %broadcast_in_dim3A_209, %add3A_210 : vector<16xi32>
    %swap3A_212 = arith.constant 1 : i32
    %swap3A_213 = arith.index_cast %swap3A_212 : i32 to index
    %swap3A_214 = arith.constant 96 : index
    %swap3A_215 = tpu.vector_load %arg14[%swap3A_213, %swap3A_214] {strides = array<i32>} : memref<2x128xi32, #tpu.memory_space<vmem>>, vector<16xi32>,
    tpu.vector_store %arg14[%swap3A_213, %swap3A_214], %add3A_211 {strides = array<i32>} : memref<2x128xi32, #tpu.memory_space<vmem>>, vector<16xi32>,
    %broadcast_in_dim3A_216 = arith.constant 0 : i32
    %broadcast_in_dim3A_217 = vector.broadcast %broadcast_in_dim3A_216 : i32 to vector<16xi32>
    %add3A_218 = vector.broadcast %add3A_6 : i32 to vector<16xi32>
    %add3A_219 = arith.addi %broadcast_in_dim3A_217, %add3A_218 : vector<16xi32>
    %swap3A_220 = arith.constant 1 : i32
    %swap3A_221 = arith.index_cast %swap3A_220 : i32 to index
    %swap3A_222 = arith.constant 112 : index
    %swap3A_223 = tpu.vector_load %arg14[%swap3A_221, %swap3A_222] {strides = array<i32>} : memref<2x128xi32, #tpu.memory_space<vmem>>, vector<16xi32>,
    tpu.vector_store %arg14[%swap3A_221, %swap3A_222], %add3A_219 {strides = array<i32>} : memref<2x128xi32, #tpu.memory_space<vmem>>, vector<16xi32>,
    %broadcast_in_dim3A_224 = arith.constant 0 : i32
    %broadcast_in_dim3A_225 = vector.broadcast %broadcast_in_dim3A_224 : i32 to vector<16xi32>
    %add3A_226 = vector.broadcast %add3A_6 : i32 to vector<16xi32>
    %add3A_227 = arith.addi %broadcast_in_dim3A_225, %add3A_226 : vector<16xi32>
    %swap3A_228 = arith.constant 0 : i32
    %swap3A_229 = arith.index_cast %swap3A_228 : i32 to index
    %swap3A_230 = arith.constant 0 : index
    %swap3A_231 = tpu.vector_load %arg15[%swap3A_229, %swap3A_230] {strides = array<i32>} : memref<2x128xi32, #tpu.memory_space<vmem>>, vector<16xi32>,
    tpu.vector_store %arg15[%swap3A_229, %swap3A_230], %add3A_227 {strides = array<i32>} : memref<2x128xi32, #tpu.memory_space<vmem>>, vector<16xi32>,
    %broadcast_in_dim3A_232 = arith.constant 0 : i32
    %broadcast_in_dim3A_233 = vector.broadcast %broadcast_in_dim3A_232 : i32 to vector<16xi32>
    %add3A_234 = vector.broadcast %add3A_6 : i32 to vector<16xi32>
    %add3A_235 = arith.addi %broadcast_in_dim3A_233, %add3A_234 : vector<16xi32>
    %swap3A_236 = arith.constant 0 : i32
    %swap3A_237 = arith.index_cast %swap3A_236 : i32 to index
    %swap3A_238 = arith.constant 16 : index
    %swap3A_239 = tpu.vector_load %arg15[%swap3A_237, %swap3A_238] {strides = array<i32>} : memref<2x128xi32, #tpu.memory_space<vmem>>, vector<16xi32>,
    tpu.vector_store %arg15[%swap3A_237, %swap3A_238], %add3A_235 {strides = array<i32>} : memref<2x128xi32, #tpu.memory_space<vmem>>, vector<16xi32>,
    %broadcast_in_dim3A_240 = arith.constant 0 : i32
    %broadcast_in_dim3A_241 = vector.broadcast %broadcast_in_dim3A_240 : i32 to vector<16xi32>
    %add3A_242 = vector.broadcast %add3A_6 : i32 to vector<16xi32>
    %add3A_243 = arith.addi %broadcast_in_dim3A_241, %add3A_242 : vector<16xi32>
    %swap3A_244 = arith.constant 0 : i32
    %swap3A_245 = arith.index_cast %swap3A_244 : i32 to index
    %swap3A_246 = arith.constant 32 : index
    %swap3A_247 = tpu.vector_load %arg15[%swap3A_245, %swap3A_246] {strides = array<i32>} : memref<2x128xi32, #tpu.memory_space<vmem>>, vector<16xi32>,
    tpu.vector_store %arg15[%swap3A_245, %swap3A_246], %add3A_243 {strides = array<i32>} : memref<2x128xi32, #tpu.memory_space<vmem>>, vector<16xi32>,
    %broadcast_in_dim3A_248 = arith.constant 0 : i32
    %broadcast_in_dim3A_249 = vector.broadcast %broadcast_in_dim3A_248 : i32 to vector<16xi32>
    %add3A_250 = vector.broadcast %add3A_6 : i32 to vector<16xi32>
    %add3A_251 = arith.addi %broadcast_in_dim3A_249, %add3A_250 : vector<16xi32>
    %swap3A_252 = arith.constant 0 : i32
    %swap3A_253 = arith.index_cast %swap3A_252 : i32 to index
    %swap3A_254 = arith.constant 48 : index
    %swap3A_255 = tpu.vector_load %arg15[%swap3A_253, %swap3A_254] {strides = array<i32>} : memref<2x128xi32, #tpu.memory_space<vmem>>, vector<16xi32>,
    tpu.vector_store %arg15[%swap3A_253, %swap3A_254], %add3A_251 {strides = array<i32>} : memref<2x128xi32, #tpu.memory_space<vmem>>, vector<16xi32>,
    %broadcast_in_dim3A_256 = arith.constant 0 : i32
    %broadcast_in_dim3A_257 = vector.broadcast %broadcast_in_dim3A_256 : i32 to vector<16xi32>
    %add3A_258 = vector.broadcast %add3A_6 : i32 to vector<16xi32>
    %add3A_259 = arith.addi %broadcast_in_dim3A_257, %add3A_258 : vector<16xi32>
    %swap3A_260 = arith.constant 0 : i32
    %swap3A_261 = arith.index_cast %swap3A_260 : i32 to index
    %swap3A_262 = arith.constant 64 : index
    %swap3A_263 = tpu.vector_load %arg15[%swap3A_261, %swap3A_262] {strides = array<i32>} : memref<2x128xi32, #tpu.memory_space<vmem>>, vector<16xi32>,
    tpu.vector_store %arg15[%swap3A_261, %swap3A_262], %add3A_259 {strides = array<i32>} : memref<2x128xi32, #tpu.memory_space<vmem>>, vector<16xi32>,
    %broadcast_in_dim3A_264 = arith.constant 0 : i32
    %broadcast_in_dim3A_265 = vector.broadcast %broadcast_in_dim3A_264 : i32 to vector<16xi32>
    %add3A_266 = vector.broadcast %add3A_6 : i32 to vector<16xi32>
    %add3A_267 = arith.addi %broadcast_in_dim3A_265, %add3A_266 : vector<16xi32>
    %swap3A_268 = arith.constant 0 : i32
    %swap3A_269 = arith.index_cast %swap3A_268 : i32 to index
    %swap3A_270 = arith.constant 80 : index
    %swap3A_271 = tpu.vector_load %arg15[%swap3A_269, %swap3A_270] {strides = array<i32>} : memref<2x128xi32, #tpu.memory_space<vmem>>, vector<16xi32>,
    tpu.vector_store %arg15[%swap3A_269, %swap3A_270], %add3A_267 {strides = array<i32>} : memref<2x128xi32, #tpu.memory_space<vmem>>, vector<16xi32>,
    %broadcast_in_dim3A_272 = arith.constant 0 : i32
    %broadcast_in_dim3A_273 = vector.broadcast %broadcast_in_dim3A_272 : i32 to vector<16xi32>
    %add3A_274 = vector.broadcast %add3A_6 : i32 to vector<16xi32>
    %add3A_275 = arith.addi %broadcast_in_dim3A_273, %add3A_274 : vector<16xi32>
    %swap3A_276 = arith.constant 0 : i32
    %swap3A_277 = arith.index_cast %swap3A_276 : i32 to index
    %swap3A_278 = arith.constant 96 : index
    %swap3A_279 = tpu.vector_load %arg15[%swap3A_277, %swap3A_278] {strides = array<i32>} : memref<2x128xi32, #tpu.memory_space<vmem>>, vector<16xi32>,
    tpu.vector_store %arg15[%swap3A_277, %swap3A_278], %add3A_275 {strides = array<i32>} : memref<2x128xi32, #tpu.memory_space<vmem>>, vector<16xi32>,
    %broadcast_in_dim3A_280 = arith.constant 0 : i32
    %broadcast_in_dim3A_281 = vector.broadcast %broadcast_in_dim3A_280 : i32 to vector<16xi32>
    %add3A_282 = vector.broadcast %add3A_6 : i32 to vector<16xi32>
    %add3A_283 = arith.addi %broadcast_in_dim3A_281, %add3A_282 : vector<16xi32>
    %swap3A_284 = arith.constant 0 : i32
    %swap3A_285 = arith.index_cast %swap3A_284 : i32 to index
    %swap3A_286 = arith.constant 112 : index
    %swap3A_287 = tpu.vector_load %arg15[%swap3A_285, %swap3A_286] {strides = array<i32>} : memref<2x128xi32, #tpu.memory_space<vmem>>, vector<16xi32>,
    tpu.vector_store %arg15[%swap3A_285, %swap3A_286], %add3A_283 {strides = array<i32>} : memref<2x128xi32, #tpu.memory_space<vmem>>, vector<16xi32>,
    %broadcast_in_dim3A_288 = arith.constant 0 : i32
    %broadcast_in_dim3A_289 = vector.broadcast %broadcast_in_dim3A_288 : i32 to vector<16xi32>
    %add3A_290 = vector.broadcast %add3A_6 : i32 to vector<16xi32>
    %add3A_291 = arith.addi %broadcast_in_dim3A_289, %add3A_290 : vector<16xi32>
    %swap3A_292 = arith.constant 1 : i32
    %swap3A_293 = arith.index_cast %swap3A_292 : i32 to index
    %swap3A_294 = arith.constant 0 : index
    %swap3A_295 = tpu.vector_load %arg15[%swap3A_293, %swap3A_294] {strides = array<i32>} : memref<2x128xi32, #tpu.memory_space<vmem>>, vector<16xi32>,
    tpu.vector_store %arg15[%swap3A_293, %swap3A_294], %add3A_291 {strides = array<i32>} : memref<2x128xi32, #tpu.memory_space<vmem>>, vector<16xi32>,
    %broadcast_in_dim3A_296 = arith.constant 0 : i32
    %broadcast_in_dim3A_297 = vector.broadcast %broadcast_in_dim3A_296 : i32 to vector<16xi32>
    %add3A_298 = vector.broadcast %add3A_6 : i32 to vector<16xi32>
    %add3A_299 = arith.addi %broadcast_in_dim3A_297, %add3A_298 : vector<16xi32>
    %swap3A_300 = arith.constant 1 : i32
    %swap3A_301 = arith.index_cast %swap3A_300 : i32 to index
    %swap3A_302 = arith.constant 16 : index
    %swap3A_303 = tpu.vector_load %arg15[%swap3A_301, %swap3A_302] {strides = array<i32>} : memref<2x128xi32, #tpu.memory_space<vmem>>, vector<16xi32>,
    tpu.vector_store %arg15[%swap3A_301, %swap3A_302], %add3A_299 {strides = array<i32>} : memref<2x128xi32, #tpu.memory_space<vmem>>, vector<16xi32>,
    %broadcast_in_dim3A_304 = arith.constant 0 : i32
    %broadcast_in_dim3A_305 = vector.broadcast %broadcast_in_dim3A_304 : i32 to vector<16xi32>
    %add3A_306 = vector.broadcast %add3A_6 : i32 to vector<16xi32>
    %add3A_307 = arith.addi %broadcast_in_dim3A_305, %add3A_306 : vector<16xi32>
    %swap3A_308 = arith.constant 1 : i32
    %swap3A_309 = arith.index_cast %swap3A_308 : i32 to index
    %swap3A_310 = arith.constant 32 : index
    %swap3A_311 = tpu.vector_load %arg15[%swap3A_309, %swap3A_310] {strides = array<i32>} : memref<2x128xi32, #tpu.memory_space<vmem>>, vector<16xi32>,
    tpu.vector_store %arg15[%swap3A_309, %swap3A_310], %add3A_307 {strides = array<i32>} : memref<2x128xi32, #tpu.memory_space<vmem>>, vector<16xi32>,
    %broadcast_in_dim3A_312 = arith.constant 0 : i32
    %broadcast_in_dim3A_313 = vector.broadcast %broadcast_in_dim3A_312 : i32 to vector<16xi32>
    %add3A_314 = vector.broadcast %add3A_6 : i32 to vector<16xi32>
    %add3A_315 = arith.addi %broadcast_in_dim3A_313, %add3A_314 : vector<16xi32>
    %swap3A_316 = arith.constant 1 : i32
    %swap3A_317 = arith.index_cast %swap3A_316 : i32 to index
    %swap3A_318 = arith.constant 48 : index
    %swap3A_319 = tpu.vector_load %arg15[%swap3A_317, %swap3A_318] {strides = array<i32>} : memref<2x128xi32, #tpu.memory_space<vmem>>, vector<16xi32>,
    tpu.vector_store %arg15[%swap3A_317, %swap3A_318], %add3A_315 {strides = array<i32>} : memref<2x128xi32, #tpu.memory_space<vmem>>, vector<16xi32>,
    %broadcast_in_dim3A_320 = arith.constant 0 : i32
    %broadcast_in_dim3A_321 = vector.broadcast %broadcast_in_dim3A_320 : i32 to vector<16xi32>
    %add3A_322 = vector.broadcast %add3A_6 : i32 to vector<16xi32>
    %add3A_323 = arith.addi %broadcast_in_dim3A_321, %add3A_322 : vector<16xi32>
    %swap3A_324 = arith.constant 1 : i32
    %swap3A_325 = arith.index_cast %swap3A_324 : i32 to index
    %swap3A_326 = arith.constant 64 : index
    %swap3A_327 = tpu.vector_load %arg15[%swap3A_325, %swap3A_326] {strides = array<i32>} : memref<2x128xi32, #tpu.memory_space<vmem>>, vector<16xi32>,
    tpu.vector_store %arg15[%swap3A_325, %swap3A_326], %add3A_323 {strides = array<i32>} : memref<2x128xi32, #tpu.memory_space<vmem>>, vector<16xi32>,
    %broadcast_in_dim3A_328 = arith.constant 0 : i32
    %broadcast_in_dim3A_329 = vector.broadcast %broadcast_in_dim3A_328 : i32 to vector<16xi32>
    %add3A_330 = vector.broadcast %add3A_6 : i32 to vector<16xi32>
    %add3A_331 = arith.addi %broadcast_in_dim3A_329, %add3A_330 : vector<16xi32>
    %swap3A_332 = arith.constant 1 : i32
    %swap3A_333 = arith.index_cast %swap3A_332 : i32 to index
    %swap3A_334 = arith.constant 80 : index
    %swap3A_335 = tpu.vector_load %arg15[%swap3A_333, %swap3A_334] {strides = array<i32>} : memref<2x128xi32, #tpu.memory_space<vmem>>, vector<16xi32>,
    tpu.vector_store %arg15[%swap3A_333, %swap3A_334], %add3A_331 {strides = array<i32>} : memref<2x128xi32, #tpu.memory_space<vmem>>, vector<16xi32>,
    %broadcast_in_dim3A_336 = arith.constant 0 : i32
    %broadcast_in_dim3A_337 = vector.broadcast %broadcast_in_dim3A_336 : i32 to vector<16xi32>
    %add3A_338 = vector.broadcast %add3A_6 : i32 to vector<16xi32>
    %add3A_339 = arith.addi %broadcast_in_dim3A_337, %add3A_338 : vector<16xi32>
    %swap3A_340 = arith.constant 1 : i32
    %swap3A_341 = arith.index_cast %swap3A_340 : i32 to index
    %swap3A_342 = arith.constant 96 : index
    %swap3A_343 = tpu.vector_load %arg15[%swap3A_341, %swap3A_342] {strides = array<i32>} : memref<2x128xi32, #tpu.memory_space<vmem>>, vector<16xi32>,
    tpu.vector_store %arg15[%swap3A_341, %swap3A_342], %add3A_339 {strides = array<i32>} : memref<2x128xi32, #tpu.memory_space<vmem>>, vector<16xi32>,
    %broadcast_in_dim3A_344 = arith.constant 0 : i32
    %broadcast_in_dim3A_345 = vector.broadcast %broadcast_in_dim3A_344 : i32 to vector<16xi32>
    %add3A_346 = vector.broadcast %add3A_6 : i32 to vector<16xi32>
    %add3A_347 = arith.addi %broadcast_in_dim3A_345, %add3A_346 : vector<16xi32>
    %swap3A_348 = arith.constant 1 : i32
    %swap3A_349 = arith.index_cast %swap3A_348 : i32 to index
    %swap3A_350 = arith.constant 112 : index
    %swap3A_351 = tpu.vector_load %arg15[%swap3A_349, %swap3A_350] {strides = array<i32>} : memref<2x128xi32, #tpu.memory_space<vmem>>, vector<16xi32>,
    tpu.vector_store %arg15[%swap3A_349, %swap3A_350], %add3A_347 {strides = array<i32>} : memref<2x128xi32, #tpu.memory_space<vmem>>, vector<16xi32>,
    %add3A_352 = arith.constant 0 : i32
    %add3A_353 = arith.addi %mul3A_4, %add3A_352 : i32
    %dma_start3A = arith.constant 0 : i32
    %dma_start3A_354 = tpu.memref_slice %arg16[%add3A_353, %dma_start3A] : memref<53376x32xf32, #tpu.memory_space<vmem_shared>> -> memref<256x32xf32, #tpu.memory_space<vmem_shared>>
    %dma_start3A_355 = arith.constant 0 : i32
    %dma_start3A_356 = tpu.memref_slice %arg16[%add3A_353, %dma_start3A_355] : memref<53376x32xf32, #tpu.memory_space<vmem_shared>> -> memref<256x32xf32, #tpu.memory_space<vmem_shared>>
    tpu.enqueue_dma source(%arg11 : memref<256x32xf32, #tpu.memory_space<vmem>>) target(%dma_start3A_356 : memref<256x32xf32, #tpu.memory_space<vmem_shared>>) target_semaphore(%arg23 : memref<!tpu.dma_semaphore, #tpu.memory_space<semaphore_mem>>)
    %add3A_357 = arith.constant 256 : i32
    %add3A_358 = arith.addi %mul3A_4, %add3A_357 : i32
    %dma_start3A_359 = arith.constant 0 : i32
    %dma_start3A_360 = tpu.memref_slice %arg16[%add3A_358, %dma_start3A_359] : memref<53376x32xf32, #tpu.memory_space<vmem_shared>> -> memref<256x32xf32, #tpu.memory_space<vmem_shared>>
    %dma_start3A_361 = arith.constant 0 : i32
    %dma_start3A_362 = tpu.memref_slice %arg16[%add3A_358, %dma_start3A_361] : memref<53376x32xf32, #tpu.memory_space<vmem_shared>> -> memref<256x32xf32, #tpu.memory_space<vmem_shared>>
    tpu.enqueue_dma source(%arg11 : memref<256x32xf32, #tpu.memory_space<vmem>>) target(%dma_start3A_362 : memref<256x32xf32, #tpu.memory_space<vmem_shared>>) target_semaphore(%arg23 : memref<!tpu.dma_semaphore, #tpu.memory_space<semaphore_mem>>)
    %add3A_363 = arith.constant 512 : i32
    %add3A_364 = arith.addi %mul3A_4, %add3A_363 : i32
    %dma_start3A_365 = arith.constant 0 : i32
    %dma_start3A_366 = tpu.memref_slice %arg16[%add3A_364, %dma_start3A_365] : memref<53376x32xf32, #tpu.memory_space<vmem_shared>> -> memref<256x32xf32, #tpu.memory_space<vmem_shared>>
    %dma_start3A_367 = arith.constant 0 : i32
    %dma_start3A_368 = tpu.memref_slice %arg16[%add3A_364, %dma_start3A_367] : memref<53376x32xf32, #tpu.memory_space<vmem_shared>> -> memref<256x32xf32, #tpu.memory_space<vmem_shared>>
    tpu.enqueue_dma source(%arg11 : memref<256x32xf32, #tpu.memory_space<vmem>>) target(%dma_start3A_368 : memref<256x32xf32, #tpu.memory_space<vmem_shared>>) target_semaphore(%arg23 : memref<!tpu.dma_semaphore, #tpu.memory_space<semaphore_mem>>)
    %add3A_369 = arith.constant 768 : i32
    %add3A_370 = arith.addi %mul3A_4, %add3A_369 : i32
    %dma_start3A_371 = arith.constant 0 : i32
    %dma_start3A_372 = tpu.memref_slice %arg16[%add3A_370, %dma_start3A_371] : memref<53376x32xf32, #tpu.memory_space<vmem_shared>> -> memref<256x32xf32, #tpu.memory_space<vmem_shared>>
    %dma_start3A_373 = arith.constant 0 : i32
    %dma_start3A_374 = tpu.memref_slice %arg16[%add3A_370, %dma_start3A_373] : memref<53376x32xf32, #tpu.memory_space<vmem_shared>> -> memref<256x32xf32, #tpu.memory_space<vmem_shared>>
    tpu.enqueue_dma source(%arg11 : memref<256x32xf32, #tpu.memory_space<vmem>>) target(%dma_start3A_374 : memref<256x32xf32, #tpu.memory_space<vmem_shared>>) target_semaphore(%arg23 : memref<!tpu.dma_semaphore, #tpu.memory_space<semaphore_mem>>)
    %add3A_375 = arith.constant 1024 : i32
    %add3A_376 = arith.addi %mul3A_4, %add3A_375 : i32
    %dma_start3A_377 = arith.constant 0 : i32
    %dma_start3A_378 = tpu.memref_slice %arg16[%add3A_376, %dma_start3A_377] : memref<53376x32xf32, #tpu.memory_space<vmem_shared>> -> memref<256x32xf32, #tpu.memory_space<vmem_shared>>
    %dma_start3A_379 = arith.constant 0 : i32
    %dma_start3A_380 = tpu.memref_slice %arg16[%add3A_376, %dma_start3A_379] : memref<53376x32xf32, #tpu.memory_space<vmem_shared>> -> memref<256x32xf32, #tpu.memory_space<vmem_shared>>
    tpu.enqueue_dma source(%arg11 : memref<256x32xf32, #tpu.memory_space<vmem>>) target(%dma_start3A_380 : memref<256x32xf32, #tpu.memory_space<vmem_shared>>) target_semaphore(%arg23 : memref<!tpu.dma_semaphore, #tpu.memory_space<semaphore_mem>>)
    %add3A_381 = arith.constant 1280 : i32
    %add3A_382 = arith.addi %mul3A_4, %add3A_381 : i32
    %dma_start3A_383 = arith.constant 0 : i32
    %dma_start3A_384 = tpu.memref_slice %arg16[%add3A_382, %dma_start3A_383] : memref<53376x32xf32, #tpu.memory_space<vmem_shared>> -> memref<256x32xf32, #tpu.memory_space<vmem_shared>>
    %dma_start3A_385 = arith.constant 0 : i32
    %dma_start3A_386 = tpu.memref_slice %arg16[%add3A_382, %dma_start3A_385] : memref<53376x32xf32, #tpu.memory_space<vmem_shared>> -> memref<256x32xf32, #tpu.memory_space<vmem_shared>>
    tpu.enqueue_dma source(%arg11 : memref<256x32xf32, #tpu.memory_space<vmem>>) target(%dma_start3A_386 : memref<256x32xf32, #tpu.memory_space<vmem_shared>>) target_semaphore(%arg23 : memref<!tpu.dma_semaphore, #tpu.memory_space<semaphore_mem>>)
    %add3A_387 = arith.constant 1536 : i32
    %add3A_388 = arith.addi %mul3A_4, %add3A_387 : i32
    %dma_start3A_389 = arith.constant 0 : i32
    %dma_start3A_390 = tpu.memref_slice %arg16[%add3A_388, %dma_start3A_389] : memref<53376x32xf32, #tpu.memory_space<vmem_shared>> -> memref<256x32xf32, #tpu.memory_space<vmem_shared>>
    %dma_start3A_391 = arith.constant 0 : i32
    %dma_start3A_392 = tpu.memref_slice %arg16[%add3A_388, %dma_start3A_391] : memref<53376x32xf32, #tpu.memory_space<vmem_shared>> -> memref<256x32xf32, #tpu.memory_space<vmem_shared>>
    tpu.enqueue_dma source(%arg11 : memref<256x32xf32, #tpu.memory_space<vmem>>) target(%dma_start3A_392 : memref<256x32xf32, #tpu.memory_space<vmem_shared>>) target_semaphore(%arg23 : memref<!tpu.dma_semaphore, #tpu.memory_space<semaphore_mem>>)
    %add3A_393 = arith.constant 1792 : i32
    %add3A_394 = arith.addi %mul3A_4, %add3A_393 : i32
    %dma_start3A_395 = arith.constant 0 : i32
    %dma_start3A_396 = tpu.memref_slice %arg16[%add3A_394, %dma_start3A_395] : memref<53376x32xf32, #tpu.memory_space<vmem_shared>> -> memref<256x32xf32, #tpu.memory_space<vmem_shared>>
    %dma_start3A_397 = arith.constant 0 : i32
    %dma_start3A_398 = tpu.memref_slice %arg16[%add3A_394, %dma_start3A_397] : memref<53376x32xf32, #tpu.memory_space<vmem_shared>> -> memref<256x32xf32, #tpu.memory_space<vmem_shared>>
    tpu.enqueue_dma source(%arg11 : memref<256x32xf32, #tpu.memory_space<vmem>>) target(%dma_start3A_398 : memref<256x32xf32, #tpu.memory_space<vmem_shared>>) target_semaphore(%arg23 : memref<!tpu.dma_semaphore, #tpu.memory_space<semaphore_mem>>)
    %add3A_399 = arith.constant 2048 : i32
    %add3A_400 = arith.addi %mul3A_4, %add3A_399 : i32
    %dma_start3A_401 = arith.constant 0 : i32
    %dma_start3A_402 = tpu.memref_slice %arg16[%add3A_400, %dma_start3A_401] : memref<53376x32xf32, #tpu.memory_space<vmem_shared>> -> memref<256x32xf32, #tpu.memory_space<vmem_shared>>
    %dma_start3A_403 = arith.constant 0 : i32
    %dma_start3A_404 = tpu.memref_slice %arg16[%add3A_400, %dma_start3A_403] : memref<53376x32xf32, #tpu.memory_space<vmem_shared>> -> memref<256x32xf32, #tpu.memory_space<vmem_shared>>
    tpu.enqueue_dma source(%arg11 : memref<256x32xf32, #tpu.memory_space<vmem>>) target(%dma_start3A_404 : memref<256x32xf32, #tpu.memory_space<vmem_shared>>) target_semaphore(%arg23 : memref<!tpu.dma_semaphore, #tpu.memory_space<semaphore_mem>>)
    %add3A_405 = arith.constant 2304 : i32
    %add3A_406 = arith.addi %mul3A_4, %add3A_405 : i32
    %dma_start3A_407 = arith.constant 0 : i32
    %dma_start3A_408 = tpu.memref_slice %arg16[%add3A_406, %dma_start3A_407] : memref<53376x32xf32, #tpu.memory_space<vmem_shared>> -> memref<256x32xf32, #tpu.memory_space<vmem_shared>>
    %dma_start3A_409 = arith.constant 0 : i32
    %dma_start3A_410 = tpu.memref_slice %arg16[%add3A_406, %dma_start3A_409] : memref<53376x32xf32, #tpu.memory_space<vmem_shared>> -> memref<256x32xf32, #tpu.memory_space<vmem_shared>>
    tpu.enqueue_dma source(%arg11 : memref<256x32xf32, #tpu.memory_space<vmem>>) target(%dma_start3A_410 : memref<256x32xf32, #tpu.memory_space<vmem_shared>>) target_semaphore(%arg23 : memref<!tpu.dma_semaphore, #tpu.memory_space<semaphore_mem>>)
    %add3A_411 = arith.constant 2560 : i32
    %add3A_412 = arith.addi %mul3A_4, %add3A_411 : i32
    %dma_start3A_413 = arith.constant 0 : i32
    %dma_start3A_414 = tpu.memref_slice %arg16[%add3A_412, %dma_start3A_413] : memref<53376x32xf32, #tpu.memory_space<vmem_shared>> -> memref<256x32xf32, #tpu.memory_space<vmem_shared>>
    %dma_start3A_415 = arith.constant 0 : i32
    %dma_start3A_416 = tpu.memref_slice %arg16[%add3A_412, %dma_start3A_415] : memref<53376x32xf32, #tpu.memory_space<vmem_shared>> -> memref<256x32xf32, #tpu.memory_space<vmem_shared>>
    tpu.enqueue_dma source(%arg11 : memref<256x32xf32, #tpu.memory_space<vmem>>) target(%dma_start3A_416 : memref<256x32xf32, #tpu.memory_space<vmem_shared>>) target_semaphore(%arg23 : memref<!tpu.dma_semaphore, #tpu.memory_space<semaphore_mem>>)
    %add3A_417 = arith.constant 2816 : i32
    %add3A_418 = arith.addi %mul3A_4, %add3A_417 : i32
    %dma_start3A_419 = arith.constant 0 : i32
    %dma_start3A_420 = tpu.memref_slice %arg16[%add3A_418, %dma_start3A_419] : memref<53376x32xf32, #tpu.memory_space<vmem_shared>> -> memref<256x32xf32, #tpu.memory_space<vmem_shared>>
    %dma_start3A_421 = arith.constant 0 : i32
    %dma_start3A_422 = tpu.memref_slice %arg16[%add3A_418, %dma_start3A_421] : memref<53376x32xf32, #tpu.memory_space<vmem_shared>> -> memref<256x32xf32, #tpu.memory_space<vmem_shared>>
    tpu.enqueue_dma source(%arg11 : memref<256x32xf32, #tpu.memory_space<vmem>>) target(%dma_start3A_422 : memref<256x32xf32, #tpu.memory_space<vmem_shared>>) target_semaphore(%arg23 : memref<!tpu.dma_semaphore, #tpu.memory_space<semaphore_mem>>)
    %add3A_423 = arith.constant 3072 : i32
    %add3A_424 = arith.addi %mul3A_4, %add3A_423 : i32
    %dma_start3A_425 = arith.constant 0 : i32
    %dma_start3A_426 = tpu.memref_slice %arg16[%add3A_424, %dma_start3A_425] : memref<53376x32xf32, #tpu.memory_space<vmem_shared>> -> memref<256x32xf32, #tpu.memory_space<vmem_shared>>
    %dma_start3A_427 = arith.constant 0 : i32
    %dma_start3A_428 = tpu.memref_slice %arg16[%add3A_424, %dma_start3A_427] : memref<53376x32xf32, #tpu.memory_space<vmem_shared>> -> memref<256x32xf32, #tpu.memory_space<vmem_shared>>
    tpu.enqueue_dma source(%arg11 : memref<256x32xf32, #tpu.memory_space<vmem>>) target(%dma_start3A_428 : memref<256x32xf32, #tpu.memory_space<vmem_shared>>) target_semaphore(%arg23 : memref<!tpu.dma_semaphore, #tpu.memory_space<semaphore_mem>>)
    %add3A_429 = arith.constant 3328 : i32
    %add3A_430 = arith.addi %mul3A_4, %add3A_429 : i32
    %dma_start3A_431 = arith.constant 0 : i32
    %dma_start3A_432 = arith.constant 0 : i32
    %dma_start3A_433 = tpu.memref_slice %arg11[%dma_start3A_431, %dma_start3A_432] : memref<256x32xf32, #tpu.memory_space<vmem>> -> memref<8x32xf32, #tpu.memory_space<vmem>>
    %dma_start3A_434 = arith.constant 0 : i32
    %dma_start3A_435 = tpu.memref_slice %arg16[%add3A_430, %dma_start3A_434] : memref<53376x32xf32, #tpu.memory_space<vmem_shared>> -> memref<8x32xf32, #tpu.memory_space<vmem_shared>>
    %dma_start3A_436 = arith.constant 0 : i32
    %dma_start3A_437 = tpu.memref_slice %arg16[%add3A_430, %dma_start3A_436] : memref<53376x32xf32, #tpu.memory_space<vmem_shared>> -> memref<8x32xf32, #tpu.memory_space<vmem_shared>>
    %dma_start3A_438 = arith.constant 0 : i32
    %dma_start3A_439 = arith.constant 0 : i32
    %dma_start3A_440 = tpu.memref_slice %arg11[%dma_start3A_438, %dma_start3A_439] : memref<256x32xf32, #tpu.memory_space<vmem>> -> memref<8x32xf32, #tpu.memory_space<vmem>>
    tpu.enqueue_dma source(%dma_start3A_440 : memref<8x32xf32, #tpu.memory_space<vmem>>) target(%dma_start3A_437 : memref<8x32xf32, #tpu.memory_space<vmem_shared>>) target_semaphore(%arg23 : memref<!tpu.dma_semaphore, #tpu.memory_space<semaphore_mem>>)
    %add3A_441 = arith.constant 0 : i32
    %add3A_442 = arith.addi %mul3A_4, %add3A_441 : i32
    %dma_wait3A = arith.constant 0 : i32
    %dma_wait3A_443 = tpu.memref_slice %arg16[%add3A_442, %dma_wait3A] : memref<53376x32xf32, #tpu.memory_space<vmem_shared>> -> memref<256x32xf32, #tpu.memory_space<vmem_shared>>
    %dma_wait3A_444 = arith.constant 0 : i32
    %dma_wait3A_445 = tpu.memref_slice %arg16[%add3A_442, %dma_wait3A_444] : memref<53376x32xf32, #tpu.memory_space<vmem_shared>> -> memref<256x32xf32, #tpu.memory_space<vmem_shared>>
    tpu.wait_dma2 semaphore(%arg23 : memref<!tpu.dma_semaphore, #tpu.memory_space<semaphore_mem>>) src(%arg11 : memref<256x32xf32, #tpu.memory_space<vmem>>) dst(%dma_wait3A_445 : memref<256x32xf32, #tpu.memory_space<vmem_shared>>)
    %add3A_446 = arith.constant 256 : i32
    %add3A_447 = arith.addi %mul3A_4, %add3A_446 : i32
    %dma_wait3A_448 = arith.constant 0 : i32
    %dma_wait3A_449 = tpu.memref_slice %arg16[%add3A_447, %dma_wait3A_448] : memref<53376x32xf32, #tpu.memory_space<vmem_shared>> -> memref<256x32xf32, #tpu.memory_space<vmem_shared>>
    %dma_wait3A_450 = arith.constant 0 : i32
    %dma_wait3A_451 = tpu.memref_slice %arg16[%add3A_447, %dma_wait3A_450] : memref<53376x32xf32, #tpu.memory_space<vmem_shared>> -> memref<256x32xf32, #tpu.memory_space<vmem_shared>>
    tpu.wait_dma2 semaphore(%arg23 : memref<!tpu.dma_semaphore, #tpu.memory_space<semaphore_mem>>) src(%arg11 : memref<256x32xf32, #tpu.memory_space<vmem>>) dst(%dma_wait3A_451 : memref<256x32xf32, #tpu.memory_space<vmem_shared>>)
    %add3A_452 = arith.constant 512 : i32
    %add3A_453 = arith.addi %mul3A_4, %add3A_452 : i32
    %dma_wait3A_454 = arith.constant 0 : i32
    %dma_wait3A_455 = tpu.memref_slice %arg16[%add3A_453, %dma_wait3A_454] : memref<53376x32xf32, #tpu.memory_space<vmem_shared>> -> memref<256x32xf32, #tpu.memory_space<vmem_shared>>
    %dma_wait3A_456 = arith.constant 0 : i32
    %dma_wait3A_457 = tpu.memref_slice %arg16[%add3A_453, %dma_wait3A_456] : memref<53376x32xf32, #tpu.memory_space<vmem_shared>> -> memref<256x32xf32, #tpu.memory_space<vmem_shared>>
    tpu.wait_dma2 semaphore(%arg23 : memref<!tpu.dma_semaphore, #tpu.memory_space<semaphore_mem>>) src(%arg11 : memref<256x32xf32, #tpu.memory_space<vmem>>) dst(%dma_wait3A_457 : memref<256x32xf32, #tpu.memory_space<vmem_shared>>)
    %add3A_458 = arith.constant 768 : i32
    %add3A_459 = arith.addi %mul3A_4, %add3A_458 : i32
    %dma_wait3A_460 = arith.constant 0 : i32
    %dma_wait3A_461 = tpu.memref_slice %arg16[%add3A_459, %dma_wait3A_460] : memref<53376x32xf32, #tpu.memory_space<vmem_shared>> -> memref<256x32xf32, #tpu.memory_space<vmem_shared>>
    %dma_wait3A_462 = arith.constant 0 : i32
    %dma_wait3A_463 = tpu.memref_slice %arg16[%add3A_459, %dma_wait3A_462] : memref<53376x32xf32, #tpu.memory_space<vmem_shared>> -> memref<256x32xf32, #tpu.memory_space<vmem_shared>>
    tpu.wait_dma2 semaphore(%arg23 : memref<!tpu.dma_semaphore, #tpu.memory_space<semaphore_mem>>) src(%arg11 : memref<256x32xf32, #tpu.memory_space<vmem>>) dst(%dma_wait3A_463 : memref<256x32xf32, #tpu.memory_space<vmem_shared>>)
    %add3A_464 = arith.constant 1024 : i32
    %add3A_465 = arith.addi %mul3A_4, %add3A_464 : i32
    %dma_wait3A_466 = arith.constant 0 : i32
    %dma_wait3A_467 = tpu.memref_slice %arg16[%add3A_465, %dma_wait3A_466] : memref<53376x32xf32, #tpu.memory_space<vmem_shared>> -> memref<256x32xf32, #tpu.memory_space<vmem_shared>>
    %dma_wait3A_468 = arith.constant 0 : i32
    %dma_wait3A_469 = tpu.memref_slice %arg16[%add3A_465, %dma_wait3A_468] : memref<53376x32xf32, #tpu.memory_space<vmem_shared>> -> memref<256x32xf32, #tpu.memory_space<vmem_shared>>
    tpu.wait_dma2 semaphore(%arg23 : memref<!tpu.dma_semaphore, #tpu.memory_space<semaphore_mem>>) src(%arg11 : memref<256x32xf32, #tpu.memory_space<vmem>>) dst(%dma_wait3A_469 : memref<256x32xf32, #tpu.memory_space<vmem_shared>>)
    %add3A_470 = arith.constant 1280 : i32
    %add3A_471 = arith.addi %mul3A_4, %add3A_470 : i32
    %dma_wait3A_472 = arith.constant 0 : i32
    %dma_wait3A_473 = tpu.memref_slice %arg16[%add3A_471, %dma_wait3A_472] : memref<53376x32xf32, #tpu.memory_space<vmem_shared>> -> memref<256x32xf32, #tpu.memory_space<vmem_shared>>
    %dma_wait3A_474 = arith.constant 0 : i32
    %dma_wait3A_475 = tpu.memref_slice %arg16[%add3A_471, %dma_wait3A_474] : memref<53376x32xf32, #tpu.memory_space<vmem_shared>> -> memref<256x32xf32, #tpu.memory_space<vmem_shared>>
    tpu.wait_dma2 semaphore(%arg23 : memref<!tpu.dma_semaphore, #tpu.memory_space<semaphore_mem>>) src(%arg11 : memref<256x32xf32, #tpu.memory_space<vmem>>) dst(%dma_wait3A_475 : memref<256x32xf32, #tpu.memory_space<vmem_shared>>)
    %add3A_476 = arith.constant 1536 : i32
    %add3A_477 = arith.addi %mul3A_4, %add3A_476 : i32
    %dma_wait3A_478 = arith.constant 0 : i32
    %dma_wait3A_479 = tpu.memref_slice %arg16[%add3A_477, %dma_wait3A_478] : memref<53376x32xf32, #tpu.memory_space<vmem_shared>> -> memref<256x32xf32, #tpu.memory_space<vmem_shared>>
    %dma_wait3A_480 = arith.constant 0 : i32
    %dma_wait3A_481 = tpu.memref_slice %arg16[%add3A_477, %dma_wait3A_480] : memref<53376x32xf32, #tpu.memory_space<vmem_shared>> -> memref<256x32xf32, #tpu.memory_space<vmem_shared>>
    tpu.wait_dma2 semaphore(%arg23 : memref<!tpu.dma_semaphore, #tpu.memory_space<semaphore_mem>>) src(%arg11 : memref<256x32xf32, #tpu.memory_space<vmem>>) dst(%dma_wait3A_481 : memref<256x32xf32, #tpu.memory_space<vmem_shared>>)
    %add3A_482 = arith.constant 1792 : i32
    %add3A_483 = arith.addi %mul3A_4, %add3A_482 : i32
    %dma_wait3A_484 = arith.constant 0 : i32
    %dma_wait3A_485 = tpu.memref_slice %arg16[%add3A_483, %dma_wait3A_484] : memref<53376x32xf32, #tpu.memory_space<vmem_shared>> -> memref<256x32xf32, #tpu.memory_space<vmem_shared>>
    %dma_wait3A_486 = arith.constant 0 : i32
    %dma_wait3A_487 = tpu.memref_slice %arg16[%add3A_483, %dma_wait3A_486] : memref<53376x32xf32, #tpu.memory_space<vmem_shared>> -> memref<256x32xf32, #tpu.memory_space<vmem_shared>>
    tpu.wait_dma2 semaphore(%arg23 : memref<!tpu.dma_semaphore, #tpu.memory_space<semaphore_mem>>) src(%arg11 : memref<256x32xf32, #tpu.memory_space<vmem>>) dst(%dma_wait3A_487 : memref<256x32xf32, #tpu.memory_space<vmem_shared>>)
    %add3A_488 = arith.constant 2048 : i32
    %add3A_489 = arith.addi %mul3A_4, %add3A_488 : i32
    %dma_wait3A_490 = arith.constant 0 : i32
    %dma_wait3A_491 = tpu.memref_slice %arg16[%add3A_489, %dma_wait3A_490] : memref<53376x32xf32, #tpu.memory_space<vmem_shared>> -> memref<256x32xf32, #tpu.memory_space<vmem_shared>>
    %dma_wait3A_492 = arith.constant 0 : i32
    %dma_wait3A_493 = tpu.memref_slice %arg16[%add3A_489, %dma_wait3A_492] : memref<53376x32xf32, #tpu.memory_space<vmem_shared>> -> memref<256x32xf32, #tpu.memory_space<vmem_shared>>
    tpu.wait_dma2 semaphore(%arg23 : memref<!tpu.dma_semaphore, #tpu.memory_space<semaphore_mem>>) src(%arg11 : memref<256x32xf32, #tpu.memory_space<vmem>>) dst(%dma_wait3A_493 : memref<256x32xf32, #tpu.memory_space<vmem_shared>>)
    %add3A_494 = arith.constant 2304 : i32
    %add3A_495 = arith.addi %mul3A_4, %add3A_494 : i32
    %dma_wait3A_496 = arith.constant 0 : i32
    %dma_wait3A_497 = tpu.memref_slice %arg16[%add3A_495, %dma_wait3A_496] : memref<53376x32xf32, #tpu.memory_space<vmem_shared>> -> memref<256x32xf32, #tpu.memory_space<vmem_shared>>
    %dma_wait3A_498 = arith.constant 0 : i32
    %dma_wait3A_499 = tpu.memref_slice %arg16[%add3A_495, %dma_wait3A_498] : memref<53376x32xf32, #tpu.memory_space<vmem_shared>> -> memref<256x32xf32, #tpu.memory_space<vmem_shared>>
    tpu.wait_dma2 semaphore(%arg23 : memref<!tpu.dma_semaphore, #tpu.memory_space<semaphore_mem>>) src(%arg11 : memref<256x32xf32, #tpu.memory_space<vmem>>) dst(%dma_wait3A_499 : memref<256x32xf32, #tpu.memory_space<vmem_shared>>)
    %add3A_500 = arith.constant 2560 : i32
    %add3A_501 = arith.addi %mul3A_4, %add3A_500 : i32
    %dma_wait3A_502 = arith.constant 0 : i32
    %dma_wait3A_503 = tpu.memref_slice %arg16[%add3A_501, %dma_wait3A_502] : memref<53376x32xf32, #tpu.memory_space<vmem_shared>> -> memref<256x32xf32, #tpu.memory_space<vmem_shared>>
    %dma_wait3A_504 = arith.constant 0 : i32
    %dma_wait3A_505 = tpu.memref_slice %arg16[%add3A_501, %dma_wait3A_504] : memref<53376x32xf32, #tpu.memory_space<vmem_shared>> -> memref<256x32xf32, #tpu.memory_space<vmem_shared>>
    tpu.wait_dma2 semaphore(%arg23 : memref<!tpu.dma_semaphore, #tpu.memory_space<semaphore_mem>>) src(%arg11 : memref<256x32xf32, #tpu.memory_space<vmem>>) dst(%dma_wait3A_505 : memref<256x32xf32, #tpu.memory_space<vmem_shared>>)
    %add3A_506 = arith.constant 2816 : i32
    %add3A_507 = arith.addi %mul3A_4, %add3A_506 : i32
    %dma_wait3A_508 = arith.constant 0 : i32
    %dma_wait3A_509 = tpu.memref_slice %arg16[%add3A_507, %dma_wait3A_508] : memref<53376x32xf32, #tpu.memory_space<vmem_shared>> -> memref<256x32xf32, #tpu.memory_space<vmem_shared>>
    %dma_wait3A_510 = arith.constant 0 : i32
    %dma_wait3A_511 = tpu.memref_slice %arg16[%add3A_507, %dma_wait3A_510] : memref<53376x32xf32, #tpu.memory_space<vmem_shared>> -> memref<256x32xf32, #tpu.memory_space<vmem_shared>>
    tpu.wait_dma2 semaphore(%arg23 : memref<!tpu.dma_semaphore, #tpu.memory_space<semaphore_mem>>) src(%arg11 : memref<256x32xf32, #tpu.memory_space<vmem>>) dst(%dma_wait3A_511 : memref<256x32xf32, #tpu.memory_space<vmem_shared>>)
    %add3A_512 = arith.constant 3072 : i32
    %add3A_513 = arith.addi %mul3A_4, %add3A_512 : i32
    %dma_wait3A_514 = arith.constant 0 : i32
    %dma_wait3A_515 = tpu.memref_slice %arg16[%add3A_513, %dma_wait3A_514] : memref<53376x32xf32, #tpu.memory_space<vmem_shared>> -> memref<256x32xf32, #tpu.memory_space<vmem_shared>>
    %dma_wait3A_516 = arith.constant 0 : i32
    %dma_wait3A_517 = tpu.memref_slice %arg16[%add3A_513, %dma_wait3A_516] : memref<53376x32xf32, #tpu.memory_space<vmem_shared>> -> memref<256x32xf32, #tpu.memory_space<vmem_shared>>
    tpu.wait_dma2 semaphore(%arg23 : memref<!tpu.dma_semaphore, #tpu.memory_space<semaphore_mem>>) src(%arg11 : memref<256x32xf32, #tpu.memory_space<vmem>>) dst(%dma_wait3A_517 : memref<256x32xf32, #tpu.memory_space<vmem_shared>>)
    %add3A_518 = arith.constant 3328 : i32
    %add3A_519 = arith.addi %mul3A_4, %add3A_518 : i32
    %dma_wait3A_520 = arith.constant 0 : i32
    %dma_wait3A_521 = arith.constant 0 : i32
    %dma_wait3A_522 = tpu.memref_slice %arg11[%dma_wait3A_520, %dma_wait3A_521] : memref<256x32xf32, #tpu.memory_space<vmem>> -> memref<8x32xf32, #tpu.memory_space<vmem>>
    %dma_wait3A_523 = arith.constant 0 : i32
    %dma_wait3A_524 = tpu.memref_slice %arg16[%add3A_519, %dma_wait3A_523] : memref<53376x32xf32, #tpu.memory_space<vmem_shared>> -> memref<8x32xf32, #tpu.memory_space<vmem_shared>>
    %dma_wait3A_525 = arith.constant 0 : i32
    %dma_wait3A_526 = tpu.memref_slice %arg16[%add3A_519, %dma_wait3A_525] : memref<53376x32xf32, #tpu.memory_space<vmem_shared>> -> memref<8x32xf32, #tpu.memory_space<vmem_shared>>
    %dma_wait3A_527 = arith.constant 0 : i32
    %dma_wait3A_528 = arith.constant 0 : i32
    %dma_wait3A_529 = tpu.memref_slice %arg11[%dma_wait3A_527, %dma_wait3A_528] : memref<256x32xf32, #tpu.memory_space<vmem>> -> memref<8x32xf32, #tpu.memory_space<vmem>>
    tpu.wait_dma2 semaphore(%arg23 : memref<!tpu.dma_semaphore, #tpu.memory_space<semaphore_mem>>) src(%dma_wait3A_529 : memref<8x32xf32, #tpu.memory_space<vmem>>) dst(%dma_wait3A_526 : memref<8x32xf32, #tpu.memory_space<vmem_shared>>)
    %dma_start3A_530 = arith.constant 0 : i32
    %dma_start3A_531 = arith.constant 0 : i32
    %dma_start3A_532 = arith.constant 0 : i32
    %dma_start3A_533 = tpu.memref_slice %arg11[%dma_start3A_531, %dma_start3A_532] : memref<256x32xf32, #tpu.memory_space<vmem>> -> memref<128x32xf32, #tpu.memory_space<vmem>>
    %dma_start3A_534 = arith.constant 0 : i32
    %dma_start3A_535 = tpu.memref_slice %arg14[%dma_start3A_530, %dma_start3A_534] : memref<2x128xi32, #tpu.memory_space<vmem>> -> memref<1x128xi32, #tpu.memory_space<vmem>>
    %dma_start3A_536 = tpu.memref_squeeze %dma_start3A_535 : memref<1x128xi32, #tpu.memory_space<vmem>> -> memref<128xi32, #tpu.memory_space<vmem>>
    %dma_start3A_537 = arith.constant 0 : i32
    %dma_start3A_538 = arith.constant 0 : i32
    %dma_start3A_539 = tpu.memref_slice %arg16[%dma_start3A_537, %dma_start3A_538] : memref<53376x32xf32, #tpu.memory_space<vmem_shared>> -> memref<53376x32xf32, #tpu.memory_space<vmem_shared>>
    tpu.enqueue_indirect_dma source(%dma_start3A_533 : memref<128x32xf32, #tpu.memory_space<vmem>>) target(%dma_start3A_539 : memref<53376x32xf32, #tpu.memory_space<vmem_shared>>) offsets(%dma_start3A_536 : memref<128xi32, #tpu.memory_space<vmem>>) semaphore(%arg21 : memref<!tpu.dma_semaphore, #tpu.memory_space<semaphore_mem>>) {add = true}
    %dma_start3A_540 = arith.constant 1 : i32
    %dma_start3A_541 = arith.constant 128 : i32
    %dma_start3A_542 = arith.constant 0 : i32
    %dma_start3A_543 = tpu.memref_slice %arg11[%dma_start3A_541, %dma_start3A_542] : memref<256x32xf32, #tpu.memory_space<vmem>> -> memref<128x32xf32, #tpu.memory_space<vmem>>
    %dma_start3A_544 = arith.constant 0 : i32
    %dma_start3A_545 = tpu.memref_slice %arg14[%dma_start3A_540, %dma_start3A_544] : memref<2x128xi32, #tpu.memory_space<vmem>> -> memref<1x128xi32, #tpu.memory_space<vmem>>
    %dma_start3A_546 = tpu.memref_squeeze %dma_start3A_545 : memref<1x128xi32, #tpu.memory_space<vmem>> -> memref<128xi32, #tpu.memory_space<vmem>>
    %dma_start3A_547 = arith.constant 0 : i32
    %dma_start3A_548 = arith.constant 0 : i32
    %dma_start3A_549 = tpu.memref_slice %arg16[%dma_start3A_547, %dma_start3A_548] : memref<53376x32xf32, #tpu.memory_space<vmem_shared>> -> memref<53376x32xf32, #tpu.memory_space<vmem_shared>>
    tpu.enqueue_indirect_dma source(%dma_start3A_543 : memref<128x32xf32, #tpu.memory_space<vmem>>) target(%dma_start3A_549 : memref<53376x32xf32, #tpu.memory_space<vmem_shared>>) offsets(%dma_start3A_546 : memref<128xi32, #tpu.memory_space<vmem>>) semaphore(%arg21 : memref<!tpu.dma_semaphore, #tpu.memory_space<semaphore_mem>>) {add = true}
    %dma_start3A_550 = arith.constant 0 : i32
    %dma_start3A_551 = arith.constant 0 : i32
    %dma_start3A_552 = arith.constant 0 : i32
    %dma_start3A_553 = tpu.memref_slice %arg11[%dma_start3A_551, %dma_start3A_552] : memref<256x32xf32, #tpu.memory_space<vmem>> -> memref<128x32xf32, #tpu.memory_space<vmem>>
    %dma_start3A_554 = arith.constant 0 : i32
    %dma_start3A_555 = tpu.memref_slice %arg15[%dma_start3A_550, %dma_start3A_554] : memref<2x128xi32, #tpu.memory_space<vmem>> -> memref<1x128xi32, #tpu.memory_space<vmem>>
    %dma_start3A_556 = tpu.memref_squeeze %dma_start3A_555 : memref<1x128xi32, #tpu.memory_space<vmem>> -> memref<128xi32, #tpu.memory_space<vmem>>
    %dma_start3A_557 = arith.constant 0 : i32
    %dma_start3A_558 = arith.constant 0 : i32
    %dma_start3A_559 = tpu.memref_slice %arg16[%dma_start3A_557, %dma_start3A_558] : memref<53376x32xf32, #tpu.memory_space<vmem_shared>> -> memref<53376x32xf32, #tpu.memory_space<vmem_shared>>
    tpu.enqueue_indirect_dma source(%dma_start3A_553 : memref<128x32xf32, #tpu.memory_space<vmem>>) target(%dma_start3A_559 : memref<53376x32xf32, #tpu.memory_space<vmem_shared>>) offsets(%dma_start3A_556 : memref<128xi32, #tpu.memory_space<vmem>>) semaphore(%arg22 : memref<!tpu.dma_semaphore, #tpu.memory_space<semaphore_mem>>) {add = true}
    %dma_start3A_560 = arith.constant 1 : i32
    %dma_start3A_561 = arith.constant 128 : i32
    %dma_start3A_562 = arith.constant 0 : i32
    %dma_start3A_563 = tpu.memref_slice %arg11[%dma_start3A_561, %dma_start3A_562] : memref<256x32xf32, #tpu.memory_space<vmem>> -> memref<128x32xf32, #tpu.memory_space<vmem>>
    %dma_start3A_564 = arith.constant 0 : i32
    %dma_start3A_565 = tpu.memref_slice %arg15[%dma_start3A_560, %dma_start3A_564] : memref<2x128xi32, #tpu.memory_space<vmem>> -> memref<1x128xi32, #tpu.memory_space<vmem>>
    %dma_start3A_566 = tpu.memref_squeeze %dma_start3A_565 : memref<1x128xi32, #tpu.memory_space<vmem>> -> memref<128xi32, #tpu.memory_space<vmem>>
    %dma_start3A_567 = arith.constant 0 : i32
    %dma_start3A_568 = arith.constant 0 : i32
    %dma_start3A_569 = tpu.memref_slice %arg16[%dma_start3A_567, %dma_start3A_568] : memref<53376x32xf32, #tpu.memory_space<vmem_shared>> -> memref<53376x32xf32, #tpu.memory_space<vmem_shared>>
    tpu.enqueue_indirect_dma source(%dma_start3A_563 : memref<128x32xf32, #tpu.memory_space<vmem>>) target(%dma_start3A_569 : memref<53376x32xf32, #tpu.memory_space<vmem_shared>>) offsets(%dma_start3A_566 : memref<128xi32, #tpu.memory_space<vmem>>) semaphore(%arg22 : memref<!tpu.dma_semaphore, #tpu.memory_space<semaphore_mem>>) {add = true}
    %add3A_570 = arith.constant 0 : i32
    %add3A_571 = arith.addi %mul3A_29, %add3A_570 : i32
    %dma_start3A_572 = tpu.memref_slice %arg2[%add3A_571] : memref<426504xi32, #tpu.memory_space<hbm>> -> memref<128xi32, #tpu.memory_space<hbm>>
    %dma_start3A_573 = tpu.memref_slice %arg2[%add3A_571] : memref<426504xi32, #tpu.memory_space<hbm>> -> memref<128xi32, #tpu.memory_space<hbm>>
    tpu.enqueue_dma source(%dma_start3A_573 : memref<128xi32, #tpu.memory_space<hbm>>) target(%arg7 : memref<128xi32, #tpu.memory_space<vmem>>) target_semaphore(%arg17 : memref<!tpu.dma_semaphore, #tpu.memory_space<semaphore_mem>>)
    %add3A_574 = arith.constant 128 : i32
    %add3A_575 = arith.addi %add3A_571, %add3A_574 : i32
    %dma_start3A_576 = tpu.memref_slice %arg2[%add3A_575] : memref<426504xi32, #tpu.memory_space<hbm>> -> memref<128xi32, #tpu.memory_space<hbm>>
    %dma_start3A_577 = tpu.memref_slice %arg2[%add3A_575] : memref<426504xi32, #tpu.memory_space<hbm>> -> memref<128xi32, #tpu.memory_space<hbm>>
    tpu.enqueue_dma source(%dma_start3A_577 : memref<128xi32, #tpu.memory_space<hbm>>) target(%arg8 : memref<128xi32, #tpu.memory_space<vmem>>) target_semaphore(%arg17 : memref<!tpu.dma_semaphore, #tpu.memory_space<semaphore_mem>>)
    %dma_wait3A_578 = arith.constant 0 : i32
    %dma_wait3A_579 = arith.constant 0 : i32
    %dma_wait3A_580 = arith.constant 0 : i32
    %dma_wait3A_581 = tpu.memref_slice %arg11[%dma_wait3A_579, %dma_wait3A_580] : memref<256x32xf32, #tpu.memory_space<vmem>> -> memref<128x32xf32, #tpu.memory_space<vmem>>
    %dma_wait3A_582 = arith.constant 0 : i32
    %dma_wait3A_583 = tpu.memref_slice %arg14[%dma_wait3A_578, %dma_wait3A_582] : memref<2x128xi32, #tpu.memory_space<vmem>> -> memref<1x128xi32, #tpu.memory_space<vmem>>
    %dma_wait3A_584 = tpu.memref_squeeze %dma_wait3A_583 : memref<1x128xi32, #tpu.memory_space<vmem>> -> memref<128xi32, #tpu.memory_space<vmem>>
    %dma_wait3A_585 = arith.constant 0 : i32
    %dma_wait3A_586 = arith.constant 0 : i32
    %dma_wait3A_587 = tpu.memref_slice %arg16[%dma_wait3A_585, %dma_wait3A_586] : memref<53376x32xf32, #tpu.memory_space<vmem_shared>> -> memref<53376x32xf32, #tpu.memory_space<vmem_shared>>
    tpu.wait_indirect_dma semaphore(%arg21 : memref<!tpu.dma_semaphore, #tpu.memory_space<semaphore_mem>>) src(%dma_wait3A_581 : memref<128x32xf32, #tpu.memory_space<vmem>>) dst(%dma_wait3A_587 : memref<53376x32xf32, #tpu.memory_space<vmem_shared>>)
    %dma_wait3A_588 = arith.constant 1 : i32
    %dma_wait3A_589 = arith.constant 128 : i32
    %dma_wait3A_590 = arith.constant 0 : i32
    %dma_wait3A_591 = tpu.memref_slice %arg11[%dma_wait3A_589, %dma_wait3A_590] : memref<256x32xf32, #tpu.memory_space<vmem>> -> memref<128x32xf32, #tpu.memory_space<vmem>>
    %dma_wait3A_592 = arith.constant 0 : i32
    %dma_wait3A_593 = tpu.memref_slice %arg14[%dma_wait3A_588, %dma_wait3A_592] : memref<2x128xi32, #tpu.memory_space<vmem>> -> memref<1x128xi32, #tpu.memory_space<vmem>>
    %dma_wait3A_594 = tpu.memref_squeeze %dma_wait3A_593 : memref<1x128xi32, #tpu.memory_space<vmem>> -> memref<128xi32, #tpu.memory_space<vmem>>
    %dma_wait3A_595 = arith.constant 0 : i32
    %dma_wait3A_596 = arith.constant 0 : i32
    %dma_wait3A_597 = tpu.memref_slice %arg16[%dma_wait3A_595, %dma_wait3A_596] : memref<53376x32xf32, #tpu.memory_space<vmem_shared>> -> memref<53376x32xf32, #tpu.memory_space<vmem_shared>>
    tpu.wait_indirect_dma semaphore(%arg21 : memref<!tpu.dma_semaphore, #tpu.memory_space<semaphore_mem>>) src(%dma_wait3A_591 : memref<128x32xf32, #tpu.memory_space<vmem>>) dst(%dma_wait3A_597 : memref<53376x32xf32, #tpu.memory_space<vmem_shared>>)
    %dma_wait3A_598 = arith.constant 0 : i32
    %dma_wait3A_599 = tpu.memref_slice %arg2[%dma_wait3A_598] : memref<426504xi32, #tpu.memory_space<hbm>> -> memref<128xi32, #tpu.memory_space<hbm>>
    %dma_wait3A_600 = arith.constant 0 : i32
    %dma_wait3A_601 = tpu.memref_slice %arg2[%dma_wait3A_600] : memref<426504xi32, #tpu.memory_space<hbm>> -> memref<128xi32, #tpu.memory_space<hbm>>
    tpu.wait_dma2 semaphore(%arg17 : memref<!tpu.dma_semaphore, #tpu.memory_space<semaphore_mem>>) src(%dma_wait3A_601 : memref<128xi32, #tpu.memory_space<hbm>>) dst(%arg7 : memref<128xi32, #tpu.memory_space<vmem>>)
    %dma_wait3A_602 = arith.constant 0 : i32
    %dma_wait3A_603 = tpu.memref_slice %arg2[%dma_wait3A_602] : memref<426504xi32, #tpu.memory_space<hbm>> -> memref<128xi32, #tpu.memory_space<hbm>>
    %dma_wait3A_604 = arith.constant 0 : i32
    %dma_wait3A_605 = tpu.memref_slice %arg2[%dma_wait3A_604] : memref<426504xi32, #tpu.memory_space<hbm>> -> memref<128xi32, #tpu.memory_space<hbm>>
    tpu.wait_dma2 semaphore(%arg17 : memref<!tpu.dma_semaphore, #tpu.memory_space<semaphore_mem>>) src(%dma_wait3A_605 : memref<128xi32, #tpu.memory_space<hbm>>) dst(%arg8 : memref<128xi32, #tpu.memory_space<vmem>>)
    %dma_start3A_606 = arith.constant 0 : i32
    %dma_start3A_607 = arith.constant 0 : i32
    %dma_start3A_608 = tpu.memref_slice %arg11[%dma_start3A_606, %dma_start3A_607] : memref<256x32xf32, #tpu.memory_space<vmem>> -> memref<128x32xf32, #tpu.memory_space<vmem>>
    %dma_start3A_609 = arith.constant 0 : i32
    %dma_start3A_610 = arith.constant 0 : i32
    %dma_start3A_611 = tpu.memref_slice %arg4[%dma_start3A_609, %dma_start3A_610] : memref<1000000x32xf32, #tpu.memory_space<hbm>> -> memref<1000000x32xf32, #tpu.memory_space<hbm>>
    tpu.enqueue_indirect_dma source(%dma_start3A_611 : memref<1000000x32xf32, #tpu.memory_space<hbm>>) target(%dma_start3A_608 : memref<128x32xf32, #tpu.memory_space<vmem>>) offsets(%arg7 : memref<128xi32, #tpu.memory_space<vmem>>) semaphore(%arg19 : memref<!tpu.dma_semaphore, #tpu.memory_space<semaphore_mem>>)
    %dma_start3A_612 = arith.constant 128 : i32
    %dma_start3A_613 = arith.constant 0 : i32
    %dma_start3A_614 = tpu.memref_slice %arg11[%dma_start3A_612, %dma_start3A_613] : memref<256x32xf32, #tpu.memory_space<vmem>> -> memref<128x32xf32, #tpu.memory_space<vmem>>
    %dma_start3A_615 = arith.constant 0 : i32
    %dma_start3A_616 = arith.constant 0 : i32
    %dma_start3A_617 = tpu.memref_slice %arg4[%dma_start3A_615, %dma_start3A_616] : memref<1000000x32xf32, #tpu.memory_space<hbm>> -> memref<1000000x32xf32, #tpu.memory_space<hbm>>
    tpu.enqueue_indirect_dma source(%dma_start3A_617 : memref<1000000x32xf32, #tpu.memory_space<hbm>>) target(%dma_start3A_614 : memref<128x32xf32, #tpu.memory_space<vmem>>) offsets(%arg8 : memref<128xi32, #tpu.memory_space<vmem>>) semaphore(%arg19 : memref<!tpu.dma_semaphore, #tpu.memory_space<semaphore_mem>>)
    %add3A_618 = arith.constant 256 : i32
    %add3A_619 = arith.addi %mul3A_29, %add3A_618 : i32
    %dma_start3A_620 = tpu.memref_slice %arg2[%add3A_619] : memref<426504xi32, #tpu.memory_space<hbm>> -> memref<128xi32, #tpu.memory_space<hbm>>
    %dma_start3A_621 = tpu.memref_slice %arg2[%add3A_619] : memref<426504xi32, #tpu.memory_space<hbm>> -> memref<128xi32, #tpu.memory_space<hbm>>
    tpu.enqueue_dma source(%dma_start3A_621 : memref<128xi32, #tpu.memory_space<hbm>>) target(%arg9 : memref<128xi32, #tpu.memory_space<vmem>>) target_semaphore(%arg18 : memref<!tpu.dma_semaphore, #tpu.memory_space<semaphore_mem>>)
    %add3A_622 = arith.constant 128 : i32
    %add3A_623 = arith.addi %add3A_619, %add3A_622 : i32
    %dma_start3A_624 = tpu.memref_slice %arg2[%add3A_623] : memref<426504xi32, #tpu.memory_space<hbm>> -> memref<128xi32, #tpu.memory_space<hbm>>
    %dma_start3A_625 = tpu.memref_slice %arg2[%add3A_623] : memref<426504xi32, #tpu.memory_space<hbm>> -> memref<128xi32, #tpu.memory_space<hbm>>
    tpu.enqueue_dma source(%dma_start3A_625 : memref<128xi32, #tpu.memory_space<hbm>>) target(%arg10 : memref<128xi32, #tpu.memory_space<vmem>>) target_semaphore(%arg18 : memref<!tpu.dma_semaphore, #tpu.memory_space<semaphore_mem>>)
    %jit3A_626 = arith.constant 2 : i32
    %div3A_627 = arith.divsi %mul3A_87, %jit3A_626 : i32
    %sign3A_628 = arith.constant 0 : i32
    %sign3A_629 = arith.cmpi sgt, %mul3A_87, %sign3A_628 : i32
    %sign3A_630 = arith.extui %sign3A_629 : i1 to i32
    %sign3A_631 = arith.constant 0 : i32
    %sign3A_632 = arith.cmpi slt, %mul3A_87, %sign3A_631 : i32
    %sign3A_633 = arith.extui %sign3A_632 : i1 to i32
    %sign3A_634 = arith.subi %sign3A_630, %sign3A_633 : i32
    %sign3A_635 = arith.constant 0 : i32
    %sign3A_636 = arith.cmpi sgt, %jit3A_626, %sign3A_635 : i32
    %sign3A_637 = arith.extui %sign3A_636 : i1 to i32
    %sign3A_638 = arith.constant 0 : i32
    %sign3A_639 = arith.cmpi slt, %jit3A_626, %sign3A_638 : i32
    %sign3A_640 = arith.extui %sign3A_639 : i1 to i32
    %sign3A_641 = arith.subi %sign3A_637, %sign3A_640 : i32
    %ne3A_642 = arith.cmpi ne, %sign3A_634, %sign3A_641 : i32
    %rem3A_643 = arith.remsi %mul3A_87, %jit3A_626 : i32
    %ne3A_644 = arith.constant 0 : i32
    %ne3A_645 = arith.cmpi ne, %rem3A_643, %ne3A_644 : i32
    %and3A_646 = arith.andi %ne3A_642, %ne3A_645 : i1
    %sub3A_647 = arith.constant 1 : i32
    %sub3A_648 = arith.subi %div3A_627, %sub3A_647 : i32
    %select_n3A_649 = arith.select %and3A_646, %sub3A_648, %div3A_627 : i32
    %while3A = arith.constant 0 : i32
    %while3A_650 = arith.constant 0 : i32
    %while3A_651 = arith.subi %select_n3A_649, %while3A : i32
    %while3A_652 = arith.addi %while3A, %while3A_651 : i32
    %while3A_653 = arith.constant 1 : i32
    %while3A_654 = arith.divsi %while3A_651, %while3A_653 : i32
    %while3A_655 = arith.muli %while3A_654, %while3A_653 : i32
    %while3A_656 = arith.addi %while3A, %while3A_655 : i32
    %while3A_657 = arith.constant 1 : i32
    %while3A_658 = scf.for %while3A_701 = %while3A to %while3A_656 step %while3A_657 iter_args(%while3A_702 = %while3A_650) -> (i32)  : i32 {
      %mul3A_703 = arith.constant 2 : i32
      %mul3A_704 = arith.muli %while3A_701, %mul3A_703 : i32
      %add3A_705 = arith.constant 1 : i32
      %add3A_706 = arith.addi %mul3A_704, %add3A_705 : i32
      %dma_wait3A_707 = arith.constant 0 : i32
      %dma_wait3A_708 = arith.constant 0 : i32
      %dma_wait3A_709 = arith.constant 0 : i32
      %dma_wait3A_710 = tpu.memref_slice %arg12[%dma_wait3A_708, %dma_wait3A_709] : memref<256x32xf32, #tpu.memory_space<vmem>> -> memref<128x32xf32, #tpu.memory_space<vmem>>
      %dma_wait3A_711 = arith.constant 0 : i32
      %dma_wait3A_712 = tpu.memref_slice %arg15[%dma_wait3A_707, %dma_wait3A_711] : memref<2x128xi32, #tpu.memory_space<vmem>> -> memref<1x128xi32, #tpu.memory_space<vmem>>
      %dma_wait3A_713 = tpu.memref_squeeze %dma_wait3A_712 : memref<1x128xi32, #tpu.memory_space<vmem>> -> memref<128xi32, #tpu.memory_space<vmem>>
      %dma_wait3A_714 = arith.constant 0 : i32
      %dma_wait3A_715 = arith.constant 0 : i32
      %dma_wait3A_716 = tpu.memref_slice %arg16[%dma_wait3A_714, %dma_wait3A_715] : memref<53376x32xf32, #tpu.memory_space<vmem_shared>> -> memref<53376x32xf32, #tpu.memory_space<vmem_shared>>
      tpu.wait_indirect_dma semaphore(%arg22 : memref<!tpu.dma_semaphore, #tpu.memory_space<semaphore_mem>>) src(%dma_wait3A_710 : memref<128x32xf32, #tpu.memory_space<vmem>>) dst(%dma_wait3A_716 : memref<53376x32xf32, #tpu.memory_space<vmem_shared>>)
      %dma_wait3A_717 = arith.constant 1 : i32
      %dma_wait3A_718 = arith.constant 128 : i32
      %dma_wait3A_719 = arith.constant 0 : i32
      %dma_wait3A_720 = tpu.memref_slice %arg12[%dma_wait3A_718, %dma_wait3A_719] : memref<256x32xf32, #tpu.memory_space<vmem>> -> memref<128x32xf32, #tpu.memory_space<vmem>>
      %dma_wait3A_721 = arith.constant 0 : i32
      %dma_wait3A_722 = tpu.memref_slice %arg15[%dma_wait3A_717, %dma_wait3A_721] : memref<2x128xi32, #tpu.memory_space<vmem>> -> memref<1x128xi32, #tpu.memory_space<vmem>>
      %dma_wait3A_723 = tpu.memref_squeeze %dma_wait3A_722 : memref<1x128xi32, #tpu.memory_space<vmem>> -> memref<128xi32, #tpu.memory_space<vmem>>
      %dma_wait3A_724 = arith.constant 0 : i32
      %dma_wait3A_725 = arith.constant 0 : i32
      %dma_wait3A_726 = tpu.memref_slice %arg16[%dma_wait3A_724, %dma_wait3A_725] : memref<53376x32xf32, #tpu.memory_space<vmem_shared>> -> memref<53376x32xf32, #tpu.memory_space<vmem_shared>>
      tpu.wait_indirect_dma semaphore(%arg22 : memref<!tpu.dma_semaphore, #tpu.memory_space<semaphore_mem>>) src(%dma_wait3A_720 : memref<128x32xf32, #tpu.memory_space<vmem>>) dst(%dma_wait3A_726 : memref<53376x32xf32, #tpu.memory_space<vmem_shared>>)
      %dma_wait3A_727 = arith.constant 0 : i32
      %dma_wait3A_728 = tpu.memref_slice %arg2[%dma_wait3A_727] : memref<426504xi32, #tpu.memory_space<hbm>> -> memref<128xi32, #tpu.memory_space<hbm>>
      %dma_wait3A_729 = arith.constant 0 : i32
      %dma_wait3A_730 = tpu.memref_slice %arg2[%dma_wait3A_729] : memref<426504xi32, #tpu.memory_space<hbm>> -> memref<128xi32, #tpu.memory_space<hbm>>
      tpu.wait_dma2 semaphore(%arg18 : memref<!tpu.dma_semaphore, #tpu.memory_space<semaphore_mem>>) src(%dma_wait3A_730 : memref<128xi32, #tpu.memory_space<hbm>>) dst(%arg9 : memref<128xi32, #tpu.memory_space<vmem>>)
      %dma_wait3A_731 = arith.constant 0 : i32
      %dma_wait3A_732 = tpu.memref_slice %arg2[%dma_wait3A_731] : memref<426504xi32, #tpu.memory_space<hbm>> -> memref<128xi32, #tpu.memory_space<hbm>>
      %dma_wait3A_733 = arith.constant 0 : i32
      %dma_wait3A_734 = tpu.memref_slice %arg2[%dma_wait3A_733] : memref<426504xi32, #tpu.memory_space<hbm>> -> memref<128xi32, #tpu.memory_space<hbm>>
      tpu.wait_dma2 semaphore(%arg18 : memref<!tpu.dma_semaphore, #tpu.memory_space<semaphore_mem>>) src(%dma_wait3A_734 : memref<128xi32, #tpu.memory_space<hbm>>) dst(%arg10 : memref<128xi32, #tpu.memory_space<vmem>>)
      %dma_start3A_735 = arith.constant 0 : i32
      %dma_start3A_736 = arith.constant 0 : i32
      %dma_start3A_737 = tpu.memref_slice %arg12[%dma_start3A_735, %dma_start3A_736] : memref<256x32xf32, #tpu.memory_space<vmem>> -> memref<128x32xf32, #tpu.memory_space<vmem>>
      %dma_start3A_738 = arith.constant 0 : i32
      %dma_start3A_739 = arith.constant 0 : i32
      %dma_start3A_740 = tpu.memref_slice %arg4[%dma_start3A_738, %dma_start3A_739] : memref<1000000x32xf32, #tpu.memory_space<hbm>> -> memref<1000000x32xf32, #tpu.memory_space<hbm>>
      tpu.enqueue_indirect_dma source(%dma_start3A_740 : memref<1000000x32xf32, #tpu.memory_space<hbm>>) target(%dma_start3A_737 : memref<128x32xf32, #tpu.memory_space<vmem>>) offsets(%arg9 : memref<128xi32, #tpu.memory_space<vmem>>) semaphore(%arg20 : memref<!tpu.dma_semaphore, #tpu.memory_space<semaphore_mem>>)
      %dma_start3A_741 = arith.constant 128 : i32
      %dma_start3A_742 = arith.constant 0 : i32
      %dma_start3A_743 = tpu.memref_slice %arg12[%dma_start3A_741, %dma_start3A_742] : memref<256x32xf32, #tpu.memory_space<vmem>> -> memref<128x32xf32, #tpu.memory_space<vmem>>
      %dma_start3A_744 = arith.constant 0 : i32
      %dma_start3A_745 = arith.constant 0 : i32
      %dma_start3A_746 = tpu.memref_slice %arg4[%dma_start3A_744, %dma_start3A_745] : memref<1000000x32xf32, #tpu.memory_space<hbm>> -> memref<1000000x32xf32, #tpu.memory_space<hbm>>
      tpu.enqueue_indirect_dma source(%dma_start3A_746 : memref<1000000x32xf32, #tpu.memory_space<hbm>>) target(%dma_start3A_743 : memref<128x32xf32, #tpu.memory_space<vmem>>) offsets(%arg10 : memref<128xi32, #tpu.memory_space<vmem>>) semaphore(%arg20 : memref<!tpu.dma_semaphore, #tpu.memory_space<semaphore_mem>>)
      %add3A_747 = arith.constant 2 : i32
      %add3A_748 = arith.addi %mul3A_704, %add3A_747 : i32
      %lt3A = arith.cmpi slt, %add3A_748, %mul3A_87 : i32
      %convert_element_type3A = arith.extui %lt3A : i1 to i32
      %cond3A = arith.constant 0 : i32
      %cond3A_749 = arith.cmpi ne, %convert_element_type3A, %cond3A : i32
      scf.if %cond3A_749 {
        %add3A_1960 = arith.constant 2 : i32
        %add3A_1961 = arith.addi %mul3A_704, %add3A_1960 : i32
        %mul3A_1962 = arith.constant 256 : i32
        %mul3A_1963 = arith.muli %add3A_1961, %mul3A_1962 : i32
        %add3A_1964 = arith.addi %mul3A_29, %mul3A_1963 : i32
        %dma_start3A_1965 = tpu.memref_slice %arg2[%add3A_1964] : memref<426504xi32, #tpu.memory_space<hbm>> -> memref<128xi32, #tpu.memory_space<hbm>>
        %dma_start3A_1966 = tpu.memref_slice %arg2[%add3A_1964] : memref<426504xi32, #tpu.memory_space<hbm>> -> memref<128xi32, #tpu.memory_space<hbm>>
        tpu.enqueue_dma source(%dma_start3A_1966 : memref<128xi32, #tpu.memory_space<hbm>>) target(%arg7 : memref<128xi32, #tpu.memory_space<vmem>>) target_semaphore(%arg17 : memref<!tpu.dma_semaphore, #tpu.memory_space<semaphore_mem>>)
        %add3A_1967 = arith.constant 128 : i32
        %add3A_1968 = arith.addi %add3A_1964, %add3A_1967 : i32
        %dma_start3A_1969 = tpu.memref_slice %arg2[%add3A_1968] : memref<426504xi32, #tpu.memory_space<hbm>> -> memref<128xi32, #tpu.memory_space<hbm>>
        %dma_start3A_1970 = tpu.memref_slice %arg2[%add3A_1968] : memref<426504xi32, #tpu.memory_space<hbm>> -> memref<128xi32, #tpu.memory_space<hbm>>
        tpu.enqueue_dma source(%dma_start3A_1970 : memref<128xi32, #tpu.memory_space<hbm>>) target(%arg8 : memref<128xi32, #tpu.memory_space<vmem>>) target_semaphore(%arg17 : memref<!tpu.dma_semaphore, #tpu.memory_space<semaphore_mem>>)
      } else {
      }
      %mul3A_750 = arith.constant 256 : i32
      %mul3A_751 = arith.muli %mul3A_704, %mul3A_750 : i32
      %add3A_752 = arith.addi %mul3A_29, %mul3A_751 : i32
      %dma_wait3A_753 = arith.constant 0 : i32
      %dma_wait3A_754 = arith.constant 0 : i32
      %dma_wait3A_755 = tpu.memref_slice %arg11[%dma_wait3A_753, %dma_wait3A_754] : memref<256x32xf32, #tpu.memory_space<vmem>> -> memref<128x32xf32, #tpu.memory_space<vmem>>
      %dma_wait3A_756 = arith.constant 0 : i32
      %dma_wait3A_757 = arith.constant 0 : i32
      %dma_wait3A_758 = tpu.memref_slice %arg4[%dma_wait3A_756, %dma_wait3A_757] : memref<1000000x32xf32, #tpu.memory_space<hbm>> -> memref<1000000x32xf32, #tpu.memory_space<hbm>>
      tpu.wait_indirect_dma semaphore(%arg19 : memref<!tpu.dma_semaphore, #tpu.memory_space<semaphore_mem>>) src(%dma_wait3A_758 : memref<1000000x32xf32, #tpu.memory_space<hbm>>) dst(%dma_wait3A_755 : memref<128x32xf32, #tpu.memory_space<vmem>>)
      %dma_wait3A_759 = arith.constant 128 : i32
      %dma_wait3A_760 = arith.constant 0 : i32
      %dma_wait3A_761 = tpu.memref_slice %arg11[%dma_wait3A_759, %dma_wait3A_760] : memref<256x32xf32, #tpu.memory_space<vmem>> -> memref<128x32xf32, #tpu.memory_space<vmem>>
      %dma_wait3A_762 = arith.constant 0 : i32
      %dma_wait3A_763 = arith.constant 0 : i32
      %dma_wait3A_764 = tpu.memref_slice %arg4[%dma_wait3A_762, %dma_wait3A_763] : memref<1000000x32xf32, #tpu.memory_space<hbm>> -> memref<1000000x32xf32, #tpu.memory_space<hbm>>
      tpu.wait_indirect_dma semaphore(%arg19 : memref<!tpu.dma_semaphore, #tpu.memory_space<semaphore_mem>>) src(%dma_wait3A_764 : memref<1000000x32xf32, #tpu.memory_space<hbm>>) dst(%dma_wait3A_761 : memref<128x32xf32, #tpu.memory_space<vmem>>)
      %add3A_765 = arith.constant 256 : i32
      %add3A_766 = arith.addi %add3A_752, %add3A_765 : i32
      %sub3A_767 = arith.constant 1 : i32
      %sub3A_768 = arith.subi %add3A_766, %sub3A_767 : i32
      %scan3A_769 = arith.constant 3328 : i32
      %scan3A_770 = arith.constant 0 : i32
      %scan3A_771 = arith.constant 12 : i32
      %scan3A_772 = arith.addi %scan3A_770, %scan3A_771 : i32
      %scan3A_773 = arith.constant 1 : i32
      %scan3A_774:2 = scf.for %scan3A_1960 = %scan3A_770 to %scan3A_772 step %scan3A_773 iter_args(%scan3A_1961 = %while3A_702, %scan3A_1962 = %scan3A_769) -> (i32, i32)  : i32 {
        %add3A_1963 = arith.addi %scan3A_1961, %scan3A_1962 : i32
        %jit3A_1964 = arith.constant 2 : i32
        %div3A_1965 = arith.divsi %add3A_1963, %jit3A_1964 : i32
        %sign3A_1966 = arith.constant 0 : i32
        %sign3A_1967 = arith.cmpi sgt, %add3A_1963, %sign3A_1966 : i32
        %sign3A_1968 = arith.extui %sign3A_1967 : i1 to i32
        %sign3A_1969 = arith.constant 0 : i32
        %sign3A_1970 = arith.cmpi slt, %add3A_1963, %sign3A_1969 : i32
        %sign3A_1971 = arith.extui %sign3A_1970 : i1 to i32
        %sign3A_1972 = arith.subi %sign3A_1968, %sign3A_1971 : i32
        %sign3A_1973 = arith.constant 0 : i32
        %sign3A_1974 = arith.cmpi sgt, %jit3A_1964, %sign3A_1973 : i32
        %sign3A_1975 = arith.extui %sign3A_1974 : i1 to i32
        %sign3A_1976 = arith.constant 0 : i32
        %sign3A_1977 = arith.cmpi slt, %jit3A_1964, %sign3A_1976 : i32
        %sign3A_1978 = arith.extui %sign3A_1977 : i1 to i32
        %sign3A_1979 = arith.subi %sign3A_1975, %sign3A_1978 : i32
        %ne3A_1980 = arith.cmpi ne, %sign3A_1972, %sign3A_1979 : i32
        %rem3A_1981 = arith.remsi %add3A_1963, %jit3A_1964 : i32
        %ne3A_1982 = arith.constant 0 : i32
        %ne3A_1983 = arith.cmpi ne, %rem3A_1981, %ne3A_1982 : i32
        %and3A_1984 = arith.andi %ne3A_1980, %ne3A_1983 : i1
        %sub3A_1985 = arith.constant 1 : i32
        %sub3A_1986 = arith.subi %div3A_1965, %sub3A_1985 : i32
        %select_n3A_1987 = arith.select %and3A_1984, %sub3A_1986, %div3A_1965 : i32
        %lt3A_1988 = arith.cmpi slt, %scan3A_1961, %scan3A_1962 : i32
        %add3A_1989 = arith.constant 1 : i32
        %add3A_1990 = arith.addi %select_n3A_1987, %add3A_1989 : i32
        %get3A_1991 = arith.index_cast %add3A_1990 : i32 to index
        %get3A_1992 = tpu.vector_load %arg6[%get3A_1991] {strides = array<i32>} : memref<3352xi32, #tpu.memory_space<vmem>>, vector<16xi32>,
        %slice3A_1993 = vector.extract_strided_slice %get3A_1992 {offsets = [0], sizes = [1], strides = [1]} : vector<16xi32> to vector<1xi32>
        %squeeze3A_1994 = vector.extract %slice3A_1993[0] : i32 from vector<1xi32>
        %le3A = arith.cmpi sle, %squeeze3A_1994, %sub3A_768 : i32
        %and3A_1995 = arith.andi %lt3A_1988, %le3A : i1
        %add3A_1996 = arith.constant 1 : i32
        %add3A_1997 = arith.addi %select_n3A_1987, %add3A_1996 : i32
        %select_n3A_1998 = arith.select %and3A_1995, %add3A_1997, %scan3A_1961 : i32
        %select_n3A_1999 = arith.select %and3A_1995, %scan3A_1962, %select_n3A_1987 : i32
        scf.yield %select_n3A_1998, %select_n3A_1999 : i32, i32
      }
      %scan3A_775 = arith.constant 12 : i32
      %swap3A_776 = arith.constant 0 : index
      %swap3A_777 = tpu.vector_load %arg13[%swap3A_776] {strides = array<i32>} : memref<256xi32, #tpu.memory_space<vmem>>, vector<16xi32>,
      tpu.vector_store %arg13[%swap3A_776], %broadcast_in_dim3A_90 {strides = array<i32>} : memref<256xi32, #tpu.memory_space<vmem>>, vector<16xi32>,
      %swap3A_778 = arith.constant 16 : index
      %swap3A_779 = tpu.vector_load %arg13[%swap3A_778] {strides = array<i32>} : memref<256xi32, #tpu.memory_space<vmem>>, vector<16xi32>,
      tpu.vector_store %arg13[%swap3A_778], %broadcast_in_dim3A_90 {strides = array<i32>} : memref<256xi32, #tpu.memory_space<vmem>>, vector<16xi32>,
      %swap3A_780 = arith.constant 32 : index
      %swap3A_781 = tpu.vector_load %arg13[%swap3A_780] {strides = array<i32>} : memref<256xi32, #tpu.memory_space<vmem>>, vector<16xi32>,
      tpu.vector_store %arg13[%swap3A_780], %broadcast_in_dim3A_90 {strides = array<i32>} : memref<256xi32, #tpu.memory_space<vmem>>, vector<16xi32>,
      %swap3A_782 = arith.constant 48 : index
      %swap3A_783 = tpu.vector_load %arg13[%swap3A_782] {strides = array<i32>} : memref<256xi32, #tpu.memory_space<vmem>>, vector<16xi32>,
      tpu.vector_store %arg13[%swap3A_782], %broadcast_in_dim3A_90 {strides = array<i32>} : memref<256xi32, #tpu.memory_space<vmem>>, vector<16xi32>,
      %swap3A_784 = arith.constant 64 : index
      %swap3A_785 = tpu.vector_load %arg13[%swap3A_784] {strides = array<i32>} : memref<256xi32, #tpu.memory_space<vmem>>, vector<16xi32>,
      tpu.vector_store %arg13[%swap3A_784], %broadcast_in_dim3A_90 {strides = array<i32>} : memref<256xi32, #tpu.memory_space<vmem>>, vector<16xi32>,
      %swap3A_786 = arith.constant 80 : index
      %swap3A_787 = tpu.vector_load %arg13[%swap3A_786] {strides = array<i32>} : memref<256xi32, #tpu.memory_space<vmem>>, vector<16xi32>,
      tpu.vector_store %arg13[%swap3A_786], %broadcast_in_dim3A_90 {strides = array<i32>} : memref<256xi32, #tpu.memory_space<vmem>>, vector<16xi32>,
      %swap3A_788 = arith.constant 96 : index
      %swap3A_789 = tpu.vector_load %arg13[%swap3A_788] {strides = array<i32>} : memref<256xi32, #tpu.memory_space<vmem>>, vector<16xi32>,
      tpu.vector_store %arg13[%swap3A_788], %broadcast_in_dim3A_90 {strides = array<i32>} : memref<256xi32, #tpu.memory_space<vmem>>, vector<16xi32>,
      %swap3A_790 = arith.constant 112 : index
      %swap3A_791 = tpu.vector_load %arg13[%swap3A_790] {strides = array<i32>} : memref<256xi32, #tpu.memory_space<vmem>>, vector<16xi32>,
      tpu.vector_store %arg13[%swap3A_790], %broadcast_in_dim3A_90 {strides = array<i32>} : memref<256xi32, #tpu.memory_space<vmem>>, vector<16xi32>,
      %swap3A_792 = arith.constant 128 : index
      %swap3A_793 = tpu.vector_load %arg13[%swap3A_792] {strides = array<i32>} : memref<256xi32, #tpu.memory_space<vmem>>, vector<16xi32>,
      tpu.vector_store %arg13[%swap3A_792], %broadcast_in_dim3A_90 {strides = array<i32>} : memref<256xi32, #tpu.memory_space<vmem>>, vector<16xi32>,
      %swap3A_794 = arith.constant 144 : index
      %swap3A_795 = tpu.vector_load %arg13[%swap3A_794] {strides = array<i32>} : memref<256xi32, #tpu.memory_space<vmem>>, vector<16xi32>,
      tpu.vector_store %arg13[%swap3A_794], %broadcast_in_dim3A_90 {strides = array<i32>} : memref<256xi32, #tpu.memory_space<vmem>>, vector<16xi32>,
      %swap3A_796 = arith.constant 160 : index
      %swap3A_797 = tpu.vector_load %arg13[%swap3A_796] {strides = array<i32>} : memref<256xi32, #tpu.memory_space<vmem>>, vector<16xi32>,
      tpu.vector_store %arg13[%swap3A_796], %broadcast_in_dim3A_90 {strides = array<i32>} : memref<256xi32, #tpu.memory_space<vmem>>, vector<16xi32>,
      %swap3A_798 = arith.constant 176 : index
      %swap3A_799 = tpu.vector_load %arg13[%swap3A_798] {strides = array<i32>} : memref<256xi32, #tpu.memory_space<vmem>>, vector<16xi32>,
      tpu.vector_store %arg13[%swap3A_798], %broadcast_in_dim3A_90 {strides = array<i32>} : memref<256xi32, #tpu.memory_space<vmem>>, vector<16xi32>,
      %swap3A_800 = arith.constant 192 : index
      %swap3A_801 = tpu.vector_load %arg13[%swap3A_800] {strides = array<i32>} : memref<256xi32, #tpu.memory_space<vmem>>, vector<16xi32>,
      tpu.vector_store %arg13[%swap3A_800], %broadcast_in_dim3A_90 {strides = array<i32>} : memref<256xi32, #tpu.memory_space<vmem>>, vector<16xi32>,
      %swap3A_802 = arith.constant 208 : index
      %swap3A_803 = tpu.vector_load %arg13[%swap3A_802] {strides = array<i32>} : memref<256xi32, #tpu.memory_space<vmem>>, vector<16xi32>,
      tpu.vector_store %arg13[%swap3A_802], %broadcast_in_dim3A_90 {strides = array<i32>} : memref<256xi32, #tpu.memory_space<vmem>>, vector<16xi32>,
      %swap3A_804 = arith.constant 224 : index
      %swap3A_805 = tpu.vector_load %arg13[%swap3A_804] {strides = array<i32>} : memref<256xi32, #tpu.memory_space<vmem>>, vector<16xi32>,
      tpu.vector_store %arg13[%swap3A_804], %broadcast_in_dim3A_90 {strides = array<i32>} : memref<256xi32, #tpu.memory_space<vmem>>, vector<16xi32>,
      %swap3A_806 = arith.constant 240 : index
      %swap3A_807 = tpu.vector_load %arg13[%swap3A_806] {strides = array<i32>} : memref<256xi32, #tpu.memory_space<vmem>>, vector<16xi32>,
      tpu.vector_store %arg13[%swap3A_806], %broadcast_in_dim3A_90 {strides = array<i32>} : memref<256xi32, #tpu.memory_space<vmem>>, vector<16xi32>,
      %sub3A_808 = arith.subi %scan3A_774#0, %while3A_702 : i32
      %add3A_809 = arith.constant 16 : i32
      %add3A_810 = arith.addi %sub3A_808, %add3A_809 : i32
      %sub3A_811 = arith.constant 1 : i32
      %sub3A_812 = arith.subi %add3A_810, %sub3A_811 : i32
      %jit3A_813 = arith.constant 16 : i32
      %div3A_814 = arith.divsi %sub3A_812, %jit3A_813 : i32
      %sign3A_815 = arith.constant 0 : i32
      %sign3A_816 = arith.cmpi sgt, %sub3A_812, %sign3A_815 : i32
      %sign3A_817 = arith.extui %sign3A_816 : i1 to i32
      %sign3A_818 = arith.constant 0 : i32
      %sign3A_819 = arith.cmpi slt, %sub3A_812, %sign3A_818 : i32
      %sign3A_820 = arith.extui %sign3A_819 : i1 to i32
      %sign3A_821 = arith.subi %sign3A_817, %sign3A_820 : i32
      %sign3A_822 = arith.constant 0 : i32
      %sign3A_823 = arith.cmpi sgt, %jit3A_813, %sign3A_822 : i32
      %sign3A_824 = arith.extui %sign3A_823 : i1 to i32
      %sign3A_825 = arith.constant 0 : i32
      %sign3A_826 = arith.cmpi slt, %jit3A_813, %sign3A_825 : i32
      %sign3A_827 = arith.extui %sign3A_826 : i1 to i32
      %sign3A_828 = arith.subi %sign3A_824, %sign3A_827 : i32
      %ne3A_829 = arith.cmpi ne, %sign3A_821, %sign3A_828 : i32
      %rem3A_830 = arith.remsi %sub3A_812, %jit3A_813 : i32
      %ne3A_831 = arith.constant 0 : i32
      %ne3A_832 = arith.cmpi ne, %rem3A_830, %ne3A_831 : i32
      %and3A_833 = arith.andi %ne3A_829, %ne3A_832 : i1
      %sub3A_834 = arith.constant 1 : i32
      %sub3A_835 = arith.subi %div3A_814, %sub3A_834 : i32
      %select_n3A_836 = arith.select %and3A_833, %sub3A_835, %div3A_814 : i32
      %while3A_837 = arith.constant 0 : i32
      %while3A_838 = arith.constant 0 : i32
      %while3A_839 = arith.subi %select_n3A_836, %while3A_837 : i32
      %while3A_840 = arith.addi %while3A_837, %while3A_839 : i32
      %while3A_841 = arith.constant 1 : i32
      %while3A_842 = arith.divsi %while3A_839, %while3A_841 : i32
      %while3A_843 = arith.muli %while3A_842, %while3A_841 : i32
      %while3A_844 = arith.addi %while3A_837, %while3A_843 : i32
      %while3A_845 = arith.constant 1 : i32
      %while3A_846 = scf.for %while3A_1960 = %while3A_837 to %while3A_844 step %while3A_845 iter_args(%while3A_1961 = %while3A_838) -> (i32)  : i32 {
        %mul3A_1962 = arith.constant 16 : i32
        %mul3A_1963 = arith.muli %while3A_1960, %mul3A_1962 : i32
        %add3A_1964 = arith.addi %while3A_702, %mul3A_1963 : i32
        %add3A_1965 = arith.constant 1 : i32
        %add3A_1966 = arith.addi %add3A_1964, %add3A_1965 : i32
        %get3A_1967 = arith.index_cast %add3A_1966 : i32 to index
        %get3A_1968 = tpu.vector_load %arg6[%get3A_1967] {strides = array<i32>} : memref<3352xi32, #tpu.memory_space<vmem>>, vector<16xi32>,
        %add3A_1969 = arith.constant 2 : i32
        %add3A_1970 = arith.addi %add3A_1964, %add3A_1969 : i32
        %get3A_1971 = arith.index_cast %add3A_1970 : i32 to index
        %get3A_1972 = tpu.vector_load %arg6[%get3A_1971] {strides = array<i32>} : memref<3352xi32, #tpu.memory_space<vmem>>, vector<16xi32>,
        %add3A_1973 = vector.broadcast %add3A_1964 : i32 to vector<16xi32>
        %add3A_1974 = arith.addi %iota3A, %add3A_1973 : vector<16xi32>
        %lt3A_1975 = vector.broadcast %scan3A_774#0 : i32 to vector<16xi32>
        %lt3A_1976 = arith.cmpi slt, %add3A_1974, %lt3A_1975 : vector<16xi32>
        %lt3A_1977 = arith.cmpi slt, %get3A_1968, %get3A_1972 : vector<16xi32>
        %and3A_1978 = arith.andi %lt3A_1976, %lt3A_1977 : vector<16xi1>
        %sub3A_1979 = vector.broadcast %add3A_752 : i32 to vector<16xi32>
        %sub3A_1980 = arith.subi %get3A_1968, %sub3A_1979 : vector<16xi32>
        %jit3A_1981 = arith.constant 0 : i32
        %jit3A_1982 = arith.constant 255 : i32
        %max3A_1983 = vector.broadcast %jit3A_1981 : i32 to vector<16xi32>
        %max3A_1984 = arith.maxsi %max3A_1983, %sub3A_1980 : vector<16xi32>
        %min3A = vector.broadcast %jit3A_1982 : i32 to vector<16xi32>
        %min3A_1985 = arith.minsi %min3A, %max3A_1984 : vector<16xi32>
        %add3A_1986 = arith.constant 1 : i32
        %add3A_1987 = arith.addi %add3A_1964, %add3A_1986 : i32
        %add3A_1988 = vector.broadcast %add3A_1987 : i32 to vector<16xi32>
        %add3A_1989 = arith.addi %iota3A, %add3A_1988 : vector<16xi32>
        tpu.vector_store_idx %arg13[%min3A_1985], %add3A_1989 masked %and3A_1978 : memref<256xi32, #tpu.memory_space<vmem>>[vector<16xi32>], vector<16xi32>, vector<16xi1>
        %while3A_1990 = arith.constant 0 : i32
        scf.yield %while3A_1990 : i32
      }
      %while3A_847 = arith.constant 1 : i32
      %while3A_848 = scf.for %while3A_1960 = %while3A_844 to %while3A_840 step %while3A_847 iter_args(%while3A_1961 = %while3A_846) -> (i32)  : i32 {
        %mul3A_1962 = arith.constant 16 : i32
        %mul3A_1963 = arith.muli %while3A_1960, %mul3A_1962 : i32
        %add3A_1964 = arith.addi %while3A_702, %mul3A_1963 : i32
        %add3A_1965 = arith.constant 1 : i32
        %add3A_1966 = arith.addi %add3A_1964, %add3A_1965 : i32
        %get3A_1967 = arith.index_cast %add3A_1966 : i32 to index
        %get3A_1968 = tpu.vector_load %arg6[%get3A_1967] {strides = array<i32>} : memref<3352xi32, #tpu.memory_space<vmem>>, vector<16xi32>,
        %add3A_1969 = arith.constant 2 : i32
        %add3A_1970 = arith.addi %add3A_1964, %add3A_1969 : i32
        %get3A_1971 = arith.index_cast %add3A_1970 : i32 to index
        %get3A_1972 = tpu.vector_load %arg6[%get3A_1971] {strides = array<i32>} : memref<3352xi32, #tpu.memory_space<vmem>>, vector<16xi32>,
        %add3A_1973 = vector.broadcast %add3A_1964 : i32 to vector<16xi32>
        %add3A_1974 = arith.addi %iota3A, %add3A_1973 : vector<16xi32>
        %lt3A_1975 = vector.broadcast %scan3A_774#0 : i32 to vector<16xi32>
        %lt3A_1976 = arith.cmpi slt, %add3A_1974, %lt3A_1975 : vector<16xi32>
        %lt3A_1977 = arith.cmpi slt, %get3A_1968, %get3A_1972 : vector<16xi32>
        %and3A_1978 = arith.andi %lt3A_1976, %lt3A_1977 : vector<16xi1>
        %sub3A_1979 = vector.broadcast %add3A_752 : i32 to vector<16xi32>
        %sub3A_1980 = arith.subi %get3A_1968, %sub3A_1979 : vector<16xi32>
        %jit3A_1981 = arith.constant 0 : i32
        %jit3A_1982 = arith.constant 255 : i32
        %max3A_1983 = vector.broadcast %jit3A_1981 : i32 to vector<16xi32>
        %max3A_1984 = arith.maxsi %max3A_1983, %sub3A_1980 : vector<16xi32>
        %min3A = vector.broadcast %jit3A_1982 : i32 to vector<16xi32>
        %min3A_1985 = arith.minsi %min3A, %max3A_1984 : vector<16xi32>
        %add3A_1986 = arith.constant 1 : i32
        %add3A_1987 = arith.addi %add3A_1964, %add3A_1986 : i32
        %add3A_1988 = vector.broadcast %add3A_1987 : i32 to vector<16xi32>
        %add3A_1989 = arith.addi %iota3A, %add3A_1988 : vector<16xi32>
        tpu.vector_store_idx %arg13[%min3A_1985], %add3A_1989 masked %and3A_1978 : memref<256xi32, #tpu.memory_space<vmem>>[vector<16xi32>], vector<16xi32>, vector<16xi1>
        %while3A_1990 = arith.constant 0 : i32
        scf.yield %while3A_1990 : i32
      }
      %get3A_849 = arith.constant 0 : index
      %get3A_850 = tpu.vector_load %arg13[%get3A_849] {strides = array<i32>} : memref<256xi32, #tpu.memory_space<vmem>>, vector<16xi32>,
      %broadcast_in_dim3A_851 = arith.constant true
      %broadcast_in_dim3A_852 = vector.broadcast %broadcast_in_dim3A_851 : i1 to vector<16xi1>
      %masked_cummax3A = arith.constant -2147483648 : i32
      %masked_cummax3A_853 = vector.broadcast %masked_cummax3A : i32 to vector<16xi32>
      %masked_cummax3A_854 = arith.xori %get3A_850, %masked_cummax3A_853 : vector<16xi32>
      %masked_cummax3A_855 = tpu.scan <max>, %masked_cummax3A_854 masked %broadcast_in_dim3A_852 : vector<16xi32>, vector<16xi1> -> vector<16xi32>
      %masked_cummax3A_856 = arith.xori %masked_cummax3A_855, %masked_cummax3A_853 : vector<16xi32>
      %max3A_857 = vector.broadcast %while3A_702 : i32 to vector<16xi32>
      %max3A_858 = arith.maxsi %masked_cummax3A_856, %max3A_857 : vector<16xi32>
      %slice3A_859 = vector.extract_strided_slice %max3A_858 {offsets = [15], sizes = [1], strides = [1]} : vector<16xi32> to vector<1xi32>
      %squeeze3A_860 = vector.extract %slice3A_859[0] : i32 from vector<1xi32>
      %add3A_861 = arith.constant 0 : i32
      %add3A_862 = arith.addi %add3A_752, %add3A_861 : i32
      %add3A_863 = vector.broadcast %add3A_862 : i32 to vector<16xi32>
      %add3A_864 = arith.addi %add3A_863, %iota3A : vector<16xi32>
      %ge3A = vector.broadcast %squeeze3A : i32 to vector<16xi32>
      %ge3A_865 = arith.cmpi sge, %add3A_864, %ge3A : vector<16xi32>
      %lt3A_866 = vector.broadcast %squeeze3A_11 : i32 to vector<16xi32>
      %lt3A_867 = arith.cmpi slt, %add3A_864, %lt3A_866 : vector<16xi32>
      %and3A_868 = arith.andi %ge3A_865, %lt3A_867 : vector<16xi1>
      %add3A_869 = vector.broadcast %mul3A_4 : i32 to vector<16xi32>
      %add3A_870 = arith.addi %max3A_858, %add3A_869 : vector<16xi32>
      %broadcast_in_dim3A_871 = vector.broadcast %add3A_6 : i32 to vector<16xi32>
      %select_n3A_872 = arith.select %and3A_868, %add3A_870, %broadcast_in_dim3A_871 : vector<16xi1>, vector<16xi32>
      %swap3A_873 = arith.constant 0 : i32
      %swap3A_874 = arith.index_cast %swap3A_873 : i32 to index
      %swap3A_875 = arith.constant 0 : index
      %swap3A_876 = tpu.vector_load %arg14[%swap3A_874, %swap3A_875] {strides = array<i32>} : memref<2x128xi32, #tpu.memory_space<vmem>>, vector<16xi32>,
      tpu.vector_store %arg14[%swap3A_874, %swap3A_875], %select_n3A_872 {strides = array<i32>} : memref<2x128xi32, #tpu.memory_space<vmem>>, vector<16xi32>,
      %get3A_877 = arith.constant 16 : index
      %get3A_878 = tpu.vector_load %arg13[%get3A_877] {strides = array<i32>} : memref<256xi32, #tpu.memory_space<vmem>>, vector<16xi32>,
      %broadcast_in_dim3A_879 = arith.constant true
      %broadcast_in_dim3A_880 = vector.broadcast %broadcast_in_dim3A_879 : i1 to vector<16xi1>
      %masked_cummax3A_881 = arith.constant -2147483648 : i32
      %masked_cummax3A_882 = vector.broadcast %masked_cummax3A_881 : i32 to vector<16xi32>
      %masked_cummax3A_883 = arith.xori %get3A_878, %masked_cummax3A_882 : vector<16xi32>
      %masked_cummax3A_884 = tpu.scan <max>, %masked_cummax3A_883 masked %broadcast_in_dim3A_880 : vector<16xi32>, vector<16xi1> -> vector<16xi32>
      %masked_cummax3A_885 = arith.xori %masked_cummax3A_884, %masked_cummax3A_882 : vector<16xi32>
      %max3A_886 = vector.broadcast %squeeze3A_860 : i32 to vector<16xi32>
      %max3A_887 = arith.maxsi %masked_cummax3A_885, %max3A_886 : vector<16xi32>
      %slice3A_888 = vector.extract_strided_slice %max3A_887 {offsets = [15], sizes = [1], strides = [1]} : vector<16xi32> to vector<1xi32>
      %squeeze3A_889 = vector.extract %slice3A_888[0] : i32 from vector<1xi32>
      %add3A_890 = arith.constant 16 : i32
      %add3A_891 = arith.addi %add3A_752, %add3A_890 : i32
      %add3A_892 = vector.broadcast %add3A_891 : i32 to vector<16xi32>
      %add3A_893 = arith.addi %add3A_892, %iota3A : vector<16xi32>
      %ge3A_894 = vector.broadcast %squeeze3A : i32 to vector<16xi32>
      %ge3A_895 = arith.cmpi sge, %add3A_893, %ge3A_894 : vector<16xi32>
      %lt3A_896 = vector.broadcast %squeeze3A_11 : i32 to vector<16xi32>
      %lt3A_897 = arith.cmpi slt, %add3A_893, %lt3A_896 : vector<16xi32>
      %and3A_898 = arith.andi %ge3A_895, %lt3A_897 : vector<16xi1>
      %add3A_899 = vector.broadcast %mul3A_4 : i32 to vector<16xi32>
      %add3A_900 = arith.addi %max3A_887, %add3A_899 : vector<16xi32>
      %broadcast_in_dim3A_901 = vector.broadcast %add3A_6 : i32 to vector<16xi32>
      %select_n3A_902 = arith.select %and3A_898, %add3A_900, %broadcast_in_dim3A_901 : vector<16xi1>, vector<16xi32>
      %swap3A_903 = arith.constant 0 : i32
      %swap3A_904 = arith.index_cast %swap3A_903 : i32 to index
      %swap3A_905 = arith.constant 16 : index
      %swap3A_906 = tpu.vector_load %arg14[%swap3A_904, %swap3A_905] {strides = array<i32>} : memref<2x128xi32, #tpu.memory_space<vmem>>, vector<16xi32>,
      tpu.vector_store %arg14[%swap3A_904, %swap3A_905], %select_n3A_902 {strides = array<i32>} : memref<2x128xi32, #tpu.memory_space<vmem>>, vector<16xi32>,
      %get3A_907 = arith.constant 32 : index
      %get3A_908 = tpu.vector_load %arg13[%get3A_907] {strides = array<i32>} : memref<256xi32, #tpu.memory_space<vmem>>, vector<16xi32>,
      %broadcast_in_dim3A_909 = arith.constant true
      %broadcast_in_dim3A_910 = vector.broadcast %broadcast_in_dim3A_909 : i1 to vector<16xi1>
      %masked_cummax3A_911 = arith.constant -2147483648 : i32
      %masked_cummax3A_912 = vector.broadcast %masked_cummax3A_911 : i32 to vector<16xi32>
      %masked_cummax3A_913 = arith.xori %get3A_908, %masked_cummax3A_912 : vector<16xi32>
      %masked_cummax3A_914 = tpu.scan <max>, %masked_cummax3A_913 masked %broadcast_in_dim3A_910 : vector<16xi32>, vector<16xi1> -> vector<16xi32>
      %masked_cummax3A_915 = arith.xori %masked_cummax3A_914, %masked_cummax3A_912 : vector<16xi32>
      %max3A_916 = vector.broadcast %squeeze3A_889 : i32 to vector<16xi32>
      %max3A_917 = arith.maxsi %masked_cummax3A_915, %max3A_916 : vector<16xi32>
      %slice3A_918 = vector.extract_strided_slice %max3A_917 {offsets = [15], sizes = [1], strides = [1]} : vector<16xi32> to vector<1xi32>
      %squeeze3A_919 = vector.extract %slice3A_918[0] : i32 from vector<1xi32>
      %add3A_920 = arith.constant 32 : i32
      %add3A_921 = arith.addi %add3A_752, %add3A_920 : i32
      %add3A_922 = vector.broadcast %add3A_921 : i32 to vector<16xi32>
      %add3A_923 = arith.addi %add3A_922, %iota3A : vector<16xi32>
      %ge3A_924 = vector.broadcast %squeeze3A : i32 to vector<16xi32>
      %ge3A_925 = arith.cmpi sge, %add3A_923, %ge3A_924 : vector<16xi32>
      %lt3A_926 = vector.broadcast %squeeze3A_11 : i32 to vector<16xi32>
      %lt3A_927 = arith.cmpi slt, %add3A_923, %lt3A_926 : vector<16xi32>
      %and3A_928 = arith.andi %ge3A_925, %lt3A_927 : vector<16xi1>
      %add3A_929 = vector.broadcast %mul3A_4 : i32 to vector<16xi32>
      %add3A_930 = arith.addi %max3A_917, %add3A_929 : vector<16xi32>
      %broadcast_in_dim3A_931 = vector.broadcast %add3A_6 : i32 to vector<16xi32>
      %select_n3A_932 = arith.select %and3A_928, %add3A_930, %broadcast_in_dim3A_931 : vector<16xi1>, vector<16xi32>
      %swap3A_933 = arith.constant 0 : i32
      %swap3A_934 = arith.index_cast %swap3A_933 : i32 to index
      %swap3A_935 = arith.constant 32 : index
      %swap3A_936 = tpu.vector_load %arg14[%swap3A_934, %swap3A_935] {strides = array<i32>} : memref<2x128xi32, #tpu.memory_space<vmem>>, vector<16xi32>,
      tpu.vector_store %arg14[%swap3A_934, %swap3A_935], %select_n3A_932 {strides = array<i32>} : memref<2x128xi32, #tpu.memory_space<vmem>>, vector<16xi32>,
      %get3A_937 = arith.constant 48 : index
      %get3A_938 = tpu.vector_load %arg13[%get3A_937] {strides = array<i32>} : memref<256xi32, #tpu.memory_space<vmem>>, vector<16xi32>,
      %broadcast_in_dim3A_939 = arith.constant true
      %broadcast_in_dim3A_940 = vector.broadcast %broadcast_in_dim3A_939 : i1 to vector<16xi1>
      %masked_cummax3A_941 = arith.constant -2147483648 : i32
      %masked_cummax3A_942 = vector.broadcast %masked_cummax3A_941 : i32 to vector<16xi32>
      %masked_cummax3A_943 = arith.xori %get3A_938, %masked_cummax3A_942 : vector<16xi32>
      %masked_cummax3A_944 = tpu.scan <max>, %masked_cummax3A_943 masked %broadcast_in_dim3A_940 : vector<16xi32>, vector<16xi1> -> vector<16xi32>
      %masked_cummax3A_945 = arith.xori %masked_cummax3A_944, %masked_cummax3A_942 : vector<16xi32>
      %max3A_946 = vector.broadcast %squeeze3A_919 : i32 to vector<16xi32>
      %max3A_947 = arith.maxsi %masked_cummax3A_945, %max3A_946 : vector<16xi32>
      %slice3A_948 = vector.extract_strided_slice %max3A_947 {offsets = [15], sizes = [1], strides = [1]} : vector<16xi32> to vector<1xi32>
      %squeeze3A_949 = vector.extract %slice3A_948[0] : i32 from vector<1xi32>
      %add3A_950 = arith.constant 48 : i32
      %add3A_951 = arith.addi %add3A_752, %add3A_950 : i32
      %add3A_952 = vector.broadcast %add3A_951 : i32 to vector<16xi32>
      %add3A_953 = arith.addi %add3A_952, %iota3A : vector<16xi32>
      %ge3A_954 = vector.broadcast %squeeze3A : i32 to vector<16xi32>
      %ge3A_955 = arith.cmpi sge, %add3A_953, %ge3A_954 : vector<16xi32>
      %lt3A_956 = vector.broadcast %squeeze3A_11 : i32 to vector<16xi32>
      %lt3A_957 = arith.cmpi slt, %add3A_953, %lt3A_956 : vector<16xi32>
      %and3A_958 = arith.andi %ge3A_955, %lt3A_957 : vector<16xi1>
      %add3A_959 = vector.broadcast %mul3A_4 : i32 to vector<16xi32>
      %add3A_960 = arith.addi %max3A_947, %add3A_959 : vector<16xi32>
      %broadcast_in_dim3A_961 = vector.broadcast %add3A_6 : i32 to vector<16xi32>
      %select_n3A_962 = arith.select %and3A_958, %add3A_960, %broadcast_in_dim3A_961 : vector<16xi1>, vector<16xi32>
      %swap3A_963 = arith.constant 0 : i32
      %swap3A_964 = arith.index_cast %swap3A_963 : i32 to index
      %swap3A_965 = arith.constant 48 : index
      %swap3A_966 = tpu.vector_load %arg14[%swap3A_964, %swap3A_965] {strides = array<i32>} : memref<2x128xi32, #tpu.memory_space<vmem>>, vector<16xi32>,
      tpu.vector_store %arg14[%swap3A_964, %swap3A_965], %select_n3A_962 {strides = array<i32>} : memref<2x128xi32, #tpu.memory_space<vmem>>, vector<16xi32>,
      %get3A_967 = arith.constant 64 : index
      %get3A_968 = tpu.vector_load %arg13[%get3A_967] {strides = array<i32>} : memref<256xi32, #tpu.memory_space<vmem>>, vector<16xi32>,
      %broadcast_in_dim3A_969 = arith.constant true
      %broadcast_in_dim3A_970 = vector.broadcast %broadcast_in_dim3A_969 : i1 to vector<16xi1>
      %masked_cummax3A_971 = arith.constant -2147483648 : i32
      %masked_cummax3A_972 = vector.broadcast %masked_cummax3A_971 : i32 to vector<16xi32>
      %masked_cummax3A_973 = arith.xori %get3A_968, %masked_cummax3A_972 : vector<16xi32>
      %masked_cummax3A_974 = tpu.scan <max>, %masked_cummax3A_973 masked %broadcast_in_dim3A_970 : vector<16xi32>, vector<16xi1> -> vector<16xi32>
      %masked_cummax3A_975 = arith.xori %masked_cummax3A_974, %masked_cummax3A_972 : vector<16xi32>
      %max3A_976 = vector.broadcast %squeeze3A_949 : i32 to vector<16xi32>
      %max3A_977 = arith.maxsi %masked_cummax3A_975, %max3A_976 : vector<16xi32>
      %slice3A_978 = vector.extract_strided_slice %max3A_977 {offsets = [15], sizes = [1], strides = [1]} : vector<16xi32> to vector<1xi32>
      %squeeze3A_979 = vector.extract %slice3A_978[0] : i32 from vector<1xi32>
      %add3A_980 = arith.constant 64 : i32
      %add3A_981 = arith.addi %add3A_752, %add3A_980 : i32
      %add3A_982 = vector.broadcast %add3A_981 : i32 to vector<16xi32>
      %add3A_983 = arith.addi %add3A_982, %iota3A : vector<16xi32>
      %ge3A_984 = vector.broadcast %squeeze3A : i32 to vector<16xi32>
      %ge3A_985 = arith.cmpi sge, %add3A_983, %ge3A_984 : vector<16xi32>
      %lt3A_986 = vector.broadcast %squeeze3A_11 : i32 to vector<16xi32>
      %lt3A_987 = arith.cmpi slt, %add3A_983, %lt3A_986 : vector<16xi32>
      %and3A_988 = arith.andi %ge3A_985, %lt3A_987 : vector<16xi1>
      %add3A_989 = vector.broadcast %mul3A_4 : i32 to vector<16xi32>
      %add3A_990 = arith.addi %max3A_977, %add3A_989 : vector<16xi32>
      %broadcast_in_dim3A_991 = vector.broadcast %add3A_6 : i32 to vector<16xi32>
      %select_n3A_992 = arith.select %and3A_988, %add3A_990, %broadcast_in_dim3A_991 : vector<16xi1>, vector<16xi32>
      %swap3A_993 = arith.constant 0 : i32
      %swap3A_994 = arith.index_cast %swap3A_993 : i32 to index
      %swap3A_995 = arith.constant 64 : index
      %swap3A_996 = tpu.vector_load %arg14[%swap3A_994, %swap3A_995] {strides = array<i32>} : memref<2x128xi32, #tpu.memory_space<vmem>>, vector<16xi32>,
      tpu.vector_store %arg14[%swap3A_994, %swap3A_995], %select_n3A_992 {strides = array<i32>} : memref<2x128xi32, #tpu.memory_space<vmem>>, vector<16xi32>,
      %get3A_997 = arith.constant 80 : index
      %get3A_998 = tpu.vector_load %arg13[%get3A_997] {strides = array<i32>} : memref<256xi32, #tpu.memory_space<vmem>>, vector<16xi32>,
      %broadcast_in_dim3A_999 = arith.constant true
      %broadcast_in_dim3A_1000 = vector.broadcast %broadcast_in_dim3A_999 : i1 to vector<16xi1>
      %masked_cummax3A_1001 = arith.constant -2147483648 : i32
      %masked_cummax3A_1002 = vector.broadcast %masked_cummax3A_1001 : i32 to vector<16xi32>
      %masked_cummax3A_1003 = arith.xori %get3A_998, %masked_cummax3A_1002 : vector<16xi32>
      %masked_cummax3A_1004 = tpu.scan <max>, %masked_cummax3A_1003 masked %broadcast_in_dim3A_1000 : vector<16xi32>, vector<16xi1> -> vector<16xi32>
      %masked_cummax3A_1005 = arith.xori %masked_cummax3A_1004, %masked_cummax3A_1002 : vector<16xi32>
      %max3A_1006 = vector.broadcast %squeeze3A_979 : i32 to vector<16xi32>
      %max3A_1007 = arith.maxsi %masked_cummax3A_1005, %max3A_1006 : vector<16xi32>
      %slice3A_1008 = vector.extract_strided_slice %max3A_1007 {offsets = [15], sizes = [1], strides = [1]} : vector<16xi32> to vector<1xi32>
      %squeeze3A_1009 = vector.extract %slice3A_1008[0] : i32 from vector<1xi32>
      %add3A_1010 = arith.constant 80 : i32
      %add3A_1011 = arith.addi %add3A_752, %add3A_1010 : i32
      %add3A_1012 = vector.broadcast %add3A_1011 : i32 to vector<16xi32>
      %add3A_1013 = arith.addi %add3A_1012, %iota3A : vector<16xi32>
      %ge3A_1014 = vector.broadcast %squeeze3A : i32 to vector<16xi32>
      %ge3A_1015 = arith.cmpi sge, %add3A_1013, %ge3A_1014 : vector<16xi32>
      %lt3A_1016 = vector.broadcast %squeeze3A_11 : i32 to vector<16xi32>
      %lt3A_1017 = arith.cmpi slt, %add3A_1013, %lt3A_1016 : vector<16xi32>
      %and3A_1018 = arith.andi %ge3A_1015, %lt3A_1017 : vector<16xi1>
      %add3A_1019 = vector.broadcast %mul3A_4 : i32 to vector<16xi32>
      %add3A_1020 = arith.addi %max3A_1007, %add3A_1019 : vector<16xi32>
      %broadcast_in_dim3A_1021 = vector.broadcast %add3A_6 : i32 to vector<16xi32>
      %select_n3A_1022 = arith.select %and3A_1018, %add3A_1020, %broadcast_in_dim3A_1021 : vector<16xi1>, vector<16xi32>
      %swap3A_1023 = arith.constant 0 : i32
      %swap3A_1024 = arith.index_cast %swap3A_1023 : i32 to index
      %swap3A_1025 = arith.constant 80 : index
      %swap3A_1026 = tpu.vector_load %arg14[%swap3A_1024, %swap3A_1025] {strides = array<i32>} : memref<2x128xi32, #tpu.memory_space<vmem>>, vector<16xi32>,
      tpu.vector_store %arg14[%swap3A_1024, %swap3A_1025], %select_n3A_1022 {strides = array<i32>} : memref<2x128xi32, #tpu.memory_space<vmem>>, vector<16xi32>,
      %get3A_1027 = arith.constant 96 : index
      %get3A_1028 = tpu.vector_load %arg13[%get3A_1027] {strides = array<i32>} : memref<256xi32, #tpu.memory_space<vmem>>, vector<16xi32>,
      %broadcast_in_dim3A_1029 = arith.constant true
      %broadcast_in_dim3A_1030 = vector.broadcast %broadcast_in_dim3A_1029 : i1 to vector<16xi1>
      %masked_cummax3A_1031 = arith.constant -2147483648 : i32
      %masked_cummax3A_1032 = vector.broadcast %masked_cummax3A_1031 : i32 to vector<16xi32>
      %masked_cummax3A_1033 = arith.xori %get3A_1028, %masked_cummax3A_1032 : vector<16xi32>
      %masked_cummax3A_1034 = tpu.scan <max>, %masked_cummax3A_1033 masked %broadcast_in_dim3A_1030 : vector<16xi32>, vector<16xi1> -> vector<16xi32>
      %masked_cummax3A_1035 = arith.xori %masked_cummax3A_1034, %masked_cummax3A_1032 : vector<16xi32>
      %max3A_1036 = vector.broadcast %squeeze3A_1009 : i32 to vector<16xi32>
      %max3A_1037 = arith.maxsi %masked_cummax3A_1035, %max3A_1036 : vector<16xi32>
      %slice3A_1038 = vector.extract_strided_slice %max3A_1037 {offsets = [15], sizes = [1], strides = [1]} : vector<16xi32> to vector<1xi32>
      %squeeze3A_1039 = vector.extract %slice3A_1038[0] : i32 from vector<1xi32>
      %add3A_1040 = arith.constant 96 : i32
      %add3A_1041 = arith.addi %add3A_752, %add3A_1040 : i32
      %add3A_1042 = vector.broadcast %add3A_1041 : i32 to vector<16xi32>
      %add3A_1043 = arith.addi %add3A_1042, %iota3A : vector<16xi32>
      %ge3A_1044 = vector.broadcast %squeeze3A : i32 to vector<16xi32>
      %ge3A_1045 = arith.cmpi sge, %add3A_1043, %ge3A_1044 : vector<16xi32>
      %lt3A_1046 = vector.broadcast %squeeze3A_11 : i32 to vector<16xi32>
      %lt3A_1047 = arith.cmpi slt, %add3A_1043, %lt3A_1046 : vector<16xi32>
      %and3A_1048 = arith.andi %ge3A_1045, %lt3A_1047 : vector<16xi1>
      %add3A_1049 = vector.broadcast %mul3A_4 : i32 to vector<16xi32>
      %add3A_1050 = arith.addi %max3A_1037, %add3A_1049 : vector<16xi32>
      %broadcast_in_dim3A_1051 = vector.broadcast %add3A_6 : i32 to vector<16xi32>
      %select_n3A_1052 = arith.select %and3A_1048, %add3A_1050, %broadcast_in_dim3A_1051 : vector<16xi1>, vector<16xi32>
      %swap3A_1053 = arith.constant 0 : i32
      %swap3A_1054 = arith.index_cast %swap3A_1053 : i32 to index
      %swap3A_1055 = arith.constant 96 : index
      %swap3A_1056 = tpu.vector_load %arg14[%swap3A_1054, %swap3A_1055] {strides = array<i32>} : memref<2x128xi32, #tpu.memory_space<vmem>>, vector<16xi32>,
      tpu.vector_store %arg14[%swap3A_1054, %swap3A_1055], %select_n3A_1052 {strides = array<i32>} : memref<2x128xi32, #tpu.memory_space<vmem>>, vector<16xi32>,
      %get3A_1057 = arith.constant 112 : index
      %get3A_1058 = tpu.vector_load %arg13[%get3A_1057] {strides = array<i32>} : memref<256xi32, #tpu.memory_space<vmem>>, vector<16xi32>,
      %broadcast_in_dim3A_1059 = arith.constant true
      %broadcast_in_dim3A_1060 = vector.broadcast %broadcast_in_dim3A_1059 : i1 to vector<16xi1>
      %masked_cummax3A_1061 = arith.constant -2147483648 : i32
      %masked_cummax3A_1062 = vector.broadcast %masked_cummax3A_1061 : i32 to vector<16xi32>
      %masked_cummax3A_1063 = arith.xori %get3A_1058, %masked_cummax3A_1062 : vector<16xi32>
      %masked_cummax3A_1064 = tpu.scan <max>, %masked_cummax3A_1063 masked %broadcast_in_dim3A_1060 : vector<16xi32>, vector<16xi1> -> vector<16xi32>
      %masked_cummax3A_1065 = arith.xori %masked_cummax3A_1064, %masked_cummax3A_1062 : vector<16xi32>
      %max3A_1066 = vector.broadcast %squeeze3A_1039 : i32 to vector<16xi32>
      %max3A_1067 = arith.maxsi %masked_cummax3A_1065, %max3A_1066 : vector<16xi32>
      %slice3A_1068 = vector.extract_strided_slice %max3A_1067 {offsets = [15], sizes = [1], strides = [1]} : vector<16xi32> to vector<1xi32>
      %squeeze3A_1069 = vector.extract %slice3A_1068[0] : i32 from vector<1xi32>
      %add3A_1070 = arith.constant 112 : i32
      %add3A_1071 = arith.addi %add3A_752, %add3A_1070 : i32
      %add3A_1072 = vector.broadcast %add3A_1071 : i32 to vector<16xi32>
      %add3A_1073 = arith.addi %add3A_1072, %iota3A : vector<16xi32>
      %ge3A_1074 = vector.broadcast %squeeze3A : i32 to vector<16xi32>
      %ge3A_1075 = arith.cmpi sge, %add3A_1073, %ge3A_1074 : vector<16xi32>
      %lt3A_1076 = vector.broadcast %squeeze3A_11 : i32 to vector<16xi32>
      %lt3A_1077 = arith.cmpi slt, %add3A_1073, %lt3A_1076 : vector<16xi32>
      %and3A_1078 = arith.andi %ge3A_1075, %lt3A_1077 : vector<16xi1>
      %add3A_1079 = vector.broadcast %mul3A_4 : i32 to vector<16xi32>
      %add3A_1080 = arith.addi %max3A_1067, %add3A_1079 : vector<16xi32>
      %broadcast_in_dim3A_1081 = vector.broadcast %add3A_6 : i32 to vector<16xi32>
      %select_n3A_1082 = arith.select %and3A_1078, %add3A_1080, %broadcast_in_dim3A_1081 : vector<16xi1>, vector<16xi32>
      %swap3A_1083 = arith.constant 0 : i32
      %swap3A_1084 = arith.index_cast %swap3A_1083 : i32 to index
      %swap3A_1085 = arith.constant 112 : index
      %swap3A_1086 = tpu.vector_load %arg14[%swap3A_1084, %swap3A_1085] {strides = array<i32>} : memref<2x128xi32, #tpu.memory_space<vmem>>, vector<16xi32>,
      tpu.vector_store %arg14[%swap3A_1084, %swap3A_1085], %select_n3A_1082 {strides = array<i32>} : memref<2x128xi32, #tpu.memory_space<vmem>>, vector<16xi32>,
      %get3A_1087 = arith.constant 128 : index
      %get3A_1088 = tpu.vector_load %arg13[%get3A_1087] {strides = array<i32>} : memref<256xi32, #tpu.memory_space<vmem>>, vector<16xi32>,
      %broadcast_in_dim3A_1089 = arith.constant true
      %broadcast_in_dim3A_1090 = vector.broadcast %broadcast_in_dim3A_1089 : i1 to vector<16xi1>
      %masked_cummax3A_1091 = arith.constant -2147483648 : i32
      %masked_cummax3A_1092 = vector.broadcast %masked_cummax3A_1091 : i32 to vector<16xi32>
      %masked_cummax3A_1093 = arith.xori %get3A_1088, %masked_cummax3A_1092 : vector<16xi32>
      %masked_cummax3A_1094 = tpu.scan <max>, %masked_cummax3A_1093 masked %broadcast_in_dim3A_1090 : vector<16xi32>, vector<16xi1> -> vector<16xi32>
      %masked_cummax3A_1095 = arith.xori %masked_cummax3A_1094, %masked_cummax3A_1092 : vector<16xi32>
      %max3A_1096 = vector.broadcast %squeeze3A_1069 : i32 to vector<16xi32>
      %max3A_1097 = arith.maxsi %masked_cummax3A_1095, %max3A_1096 : vector<16xi32>
      %slice3A_1098 = vector.extract_strided_slice %max3A_1097 {offsets = [15], sizes = [1], strides = [1]} : vector<16xi32> to vector<1xi32>
      %squeeze3A_1099 = vector.extract %slice3A_1098[0] : i32 from vector<1xi32>
      %add3A_1100 = arith.constant 128 : i32
      %add3A_1101 = arith.addi %add3A_752, %add3A_1100 : i32
      %add3A_1102 = vector.broadcast %add3A_1101 : i32 to vector<16xi32>
      %add3A_1103 = arith.addi %add3A_1102, %iota3A : vector<16xi32>
      %ge3A_1104 = vector.broadcast %squeeze3A : i32 to vector<16xi32>
      %ge3A_1105 = arith.cmpi sge, %add3A_1103, %ge3A_1104 : vector<16xi32>
      %lt3A_1106 = vector.broadcast %squeeze3A_11 : i32 to vector<16xi32>
      %lt3A_1107 = arith.cmpi slt, %add3A_1103, %lt3A_1106 : vector<16xi32>
      %and3A_1108 = arith.andi %ge3A_1105, %lt3A_1107 : vector<16xi1>
      %add3A_1109 = vector.broadcast %mul3A_4 : i32 to vector<16xi32>
      %add3A_1110 = arith.addi %max3A_1097, %add3A_1109 : vector<16xi32>
      %broadcast_in_dim3A_1111 = vector.broadcast %add3A_6 : i32 to vector<16xi32>
      %select_n3A_1112 = arith.select %and3A_1108, %add3A_1110, %broadcast_in_dim3A_1111 : vector<16xi1>, vector<16xi32>
      %swap3A_1113 = arith.constant 1 : i32
      %swap3A_1114 = arith.index_cast %swap3A_1113 : i32 to index
      %swap3A_1115 = arith.constant 0 : index
      %swap3A_1116 = tpu.vector_load %arg14[%swap3A_1114, %swap3A_1115] {strides = array<i32>} : memref<2x128xi32, #tpu.memory_space<vmem>>, vector<16xi32>,
      tpu.vector_store %arg14[%swap3A_1114, %swap3A_1115], %select_n3A_1112 {strides = array<i32>} : memref<2x128xi32, #tpu.memory_space<vmem>>, vector<16xi32>,
      %get3A_1117 = arith.constant 144 : index
      %get3A_1118 = tpu.vector_load %arg13[%get3A_1117] {strides = array<i32>} : memref<256xi32, #tpu.memory_space<vmem>>, vector<16xi32>,
      %broadcast_in_dim3A_1119 = arith.constant true
      %broadcast_in_dim3A_1120 = vector.broadcast %broadcast_in_dim3A_1119 : i1 to vector<16xi1>
      %masked_cummax3A_1121 = arith.constant -2147483648 : i32
      %masked_cummax3A_1122 = vector.broadcast %masked_cummax3A_1121 : i32 to vector<16xi32>
      %masked_cummax3A_1123 = arith.xori %get3A_1118, %masked_cummax3A_1122 : vector<16xi32>
      %masked_cummax3A_1124 = tpu.scan <max>, %masked_cummax3A_1123 masked %broadcast_in_dim3A_1120 : vector<16xi32>, vector<16xi1> -> vector<16xi32>
      %masked_cummax3A_1125 = arith.xori %masked_cummax3A_1124, %masked_cummax3A_1122 : vector<16xi32>
      %max3A_1126 = vector.broadcast %squeeze3A_1099 : i32 to vector<16xi32>
      %max3A_1127 = arith.maxsi %masked_cummax3A_1125, %max3A_1126 : vector<16xi32>
      %slice3A_1128 = vector.extract_strided_slice %max3A_1127 {offsets = [15], sizes = [1], strides = [1]} : vector<16xi32> to vector<1xi32>
      %squeeze3A_1129 = vector.extract %slice3A_1128[0] : i32 from vector<1xi32>
      %add3A_1130 = arith.constant 144 : i32
      %add3A_1131 = arith.addi %add3A_752, %add3A_1130 : i32
      %add3A_1132 = vector.broadcast %add3A_1131 : i32 to vector<16xi32>
      %add3A_1133 = arith.addi %add3A_1132, %iota3A : vector<16xi32>
      %ge3A_1134 = vector.broadcast %squeeze3A : i32 to vector<16xi32>
      %ge3A_1135 = arith.cmpi sge, %add3A_1133, %ge3A_1134 : vector<16xi32>
      %lt3A_1136 = vector.broadcast %squeeze3A_11 : i32 to vector<16xi32>
      %lt3A_1137 = arith.cmpi slt, %add3A_1133, %lt3A_1136 : vector<16xi32>
      %and3A_1138 = arith.andi %ge3A_1135, %lt3A_1137 : vector<16xi1>
      %add3A_1139 = vector.broadcast %mul3A_4 : i32 to vector<16xi32>
      %add3A_1140 = arith.addi %max3A_1127, %add3A_1139 : vector<16xi32>
      %broadcast_in_dim3A_1141 = vector.broadcast %add3A_6 : i32 to vector<16xi32>
      %select_n3A_1142 = arith.select %and3A_1138, %add3A_1140, %broadcast_in_dim3A_1141 : vector<16xi1>, vector<16xi32>
      %swap3A_1143 = arith.constant 1 : i32
      %swap3A_1144 = arith.index_cast %swap3A_1143 : i32 to index
      %swap3A_1145 = arith.constant 16 : index
      %swap3A_1146 = tpu.vector_load %arg14[%swap3A_1144, %swap3A_1145] {strides = array<i32>} : memref<2x128xi32, #tpu.memory_space<vmem>>, vector<16xi32>,
      tpu.vector_store %arg14[%swap3A_1144, %swap3A_1145], %select_n3A_1142 {strides = array<i32>} : memref<2x128xi32, #tpu.memory_space<vmem>>, vector<16xi32>,
      %get3A_1147 = arith.constant 160 : index
      %get3A_1148 = tpu.vector_load %arg13[%get3A_1147] {strides = array<i32>} : memref<256xi32, #tpu.memory_space<vmem>>, vector<16xi32>,
      %broadcast_in_dim3A_1149 = arith.constant true
      %broadcast_in_dim3A_1150 = vector.broadcast %broadcast_in_dim3A_1149 : i1 to vector<16xi1>
      %masked_cummax3A_1151 = arith.constant -2147483648 : i32
      %masked_cummax3A_1152 = vector.broadcast %masked_cummax3A_1151 : i32 to vector<16xi32>
      %masked_cummax3A_1153 = arith.xori %get3A_1148, %masked_cummax3A_1152 : vector<16xi32>
      %masked_cummax3A_1154 = tpu.scan <max>, %masked_cummax3A_1153 masked %broadcast_in_dim3A_1150 : vector<16xi32>, vector<16xi1> -> vector<16xi32>
      %masked_cummax3A_1155 = arith.xori %masked_cummax3A_1154, %masked_cummax3A_1152 : vector<16xi32>
      %max3A_1156 = vector.broadcast %squeeze3A_1129 : i32 to vector<16xi32>
      %max3A_1157 = arith.maxsi %masked_cummax3A_1155, %max3A_1156 : vector<16xi32>
      %slice3A_1158 = vector.extract_strided_slice %max3A_1157 {offsets = [15], sizes = [1], strides = [1]} : vector<16xi32> to vector<1xi32>
      %squeeze3A_1159 = vector.extract %slice3A_1158[0] : i32 from vector<1xi32>
      %add3A_1160 = arith.constant 160 : i32
      %add3A_1161 = arith.addi %add3A_752, %add3A_1160 : i32
      %add3A_1162 = vector.broadcast %add3A_1161 : i32 to vector<16xi32>
      %add3A_1163 = arith.addi %add3A_1162, %iota3A : vector<16xi32>
      %ge3A_1164 = vector.broadcast %squeeze3A : i32 to vector<16xi32>
      %ge3A_1165 = arith.cmpi sge, %add3A_1163, %ge3A_1164 : vector<16xi32>
      %lt3A_1166 = vector.broadcast %squeeze3A_11 : i32 to vector<16xi32>
      %lt3A_1167 = arith.cmpi slt, %add3A_1163, %lt3A_1166 : vector<16xi32>
      %and3A_1168 = arith.andi %ge3A_1165, %lt3A_1167 : vector<16xi1>
      %add3A_1169 = vector.broadcast %mul3A_4 : i32 to vector<16xi32>
      %add3A_1170 = arith.addi %max3A_1157, %add3A_1169 : vector<16xi32>
      %broadcast_in_dim3A_1171 = vector.broadcast %add3A_6 : i32 to vector<16xi32>
      %select_n3A_1172 = arith.select %and3A_1168, %add3A_1170, %broadcast_in_dim3A_1171 : vector<16xi1>, vector<16xi32>
      %swap3A_1173 = arith.constant 1 : i32
      %swap3A_1174 = arith.index_cast %swap3A_1173 : i32 to index
      %swap3A_1175 = arith.constant 32 : index
      %swap3A_1176 = tpu.vector_load %arg14[%swap3A_1174, %swap3A_1175] {strides = array<i32>} : memref<2x128xi32, #tpu.memory_space<vmem>>, vector<16xi32>,
      tpu.vector_store %arg14[%swap3A_1174, %swap3A_1175], %select_n3A_1172 {strides = array<i32>} : memref<2x128xi32, #tpu.memory_space<vmem>>, vector<16xi32>,
      %get3A_1177 = arith.constant 176 : index
      %get3A_1178 = tpu.vector_load %arg13[%get3A_1177] {strides = array<i32>} : memref<256xi32, #tpu.memory_space<vmem>>, vector<16xi32>,
      %broadcast_in_dim3A_1179 = arith.constant true
      %broadcast_in_dim3A_1180 = vector.broadcast %broadcast_in_dim3A_1179 : i1 to vector<16xi1>
      %masked_cummax3A_1181 = arith.constant -2147483648 : i32
      %masked_cummax3A_1182 = vector.broadcast %masked_cummax3A_1181 : i32 to vector<16xi32>
      %masked_cummax3A_1183 = arith.xori %get3A_1178, %masked_cummax3A_1182 : vector<16xi32>
      %masked_cummax3A_1184 = tpu.scan <max>, %masked_cummax3A_1183 masked %broadcast_in_dim3A_1180 : vector<16xi32>, vector<16xi1> -> vector<16xi32>
      %masked_cummax3A_1185 = arith.xori %masked_cummax3A_1184, %masked_cummax3A_1182 : vector<16xi32>
      %max3A_1186 = vector.broadcast %squeeze3A_1159 : i32 to vector<16xi32>
      %max3A_1187 = arith.maxsi %masked_cummax3A_1185, %max3A_1186 : vector<16xi32>
      %slice3A_1188 = vector.extract_strided_slice %max3A_1187 {offsets = [15], sizes = [1], strides = [1]} : vector<16xi32> to vector<1xi32>
      %squeeze3A_1189 = vector.extract %slice3A_1188[0] : i32 from vector<1xi32>
      %add3A_1190 = arith.constant 176 : i32
      %add3A_1191 = arith.addi %add3A_752, %add3A_1190 : i32
      %add3A_1192 = vector.broadcast %add3A_1191 : i32 to vector<16xi32>
      %add3A_1193 = arith.addi %add3A_1192, %iota3A : vector<16xi32>
      %ge3A_1194 = vector.broadcast %squeeze3A : i32 to vector<16xi32>
      %ge3A_1195 = arith.cmpi sge, %add3A_1193, %ge3A_1194 : vector<16xi32>
      %lt3A_1196 = vector.broadcast %squeeze3A_11 : i32 to vector<16xi32>
      %lt3A_1197 = arith.cmpi slt, %add3A_1193, %lt3A_1196 : vector<16xi32>
      %and3A_1198 = arith.andi %ge3A_1195, %lt3A_1197 : vector<16xi1>
      %add3A_1199 = vector.broadcast %mul3A_4 : i32 to vector<16xi32>
      %add3A_1200 = arith.addi %max3A_1187, %add3A_1199 : vector<16xi32>
      %broadcast_in_dim3A_1201 = vector.broadcast %add3A_6 : i32 to vector<16xi32>
      %select_n3A_1202 = arith.select %and3A_1198, %add3A_1200, %broadcast_in_dim3A_1201 : vector<16xi1>, vector<16xi32>
      %swap3A_1203 = arith.constant 1 : i32
      %swap3A_1204 = arith.index_cast %swap3A_1203 : i32 to index
      %swap3A_1205 = arith.constant 48 : index
      %swap3A_1206 = tpu.vector_load %arg14[%swap3A_1204, %swap3A_1205] {strides = array<i32>} : memref<2x128xi32, #tpu.memory_space<vmem>>, vector<16xi32>,
      tpu.vector_store %arg14[%swap3A_1204, %swap3A_1205], %select_n3A_1202 {strides = array<i32>} : memref<2x128xi32, #tpu.memory_space<vmem>>, vector<16xi32>,
      %get3A_1207 = arith.constant 192 : index
      %get3A_1208 = tpu.vector_load %arg13[%get3A_1207] {strides = array<i32>} : memref<256xi32, #tpu.memory_space<vmem>>, vector<16xi32>,
      %broadcast_in_dim3A_1209 = arith.constant true
      %broadcast_in_dim3A_1210 = vector.broadcast %broadcast_in_dim3A_1209 : i1 to vector<16xi1>
      %masked_cummax3A_1211 = arith.constant -2147483648 : i32
      %masked_cummax3A_1212 = vector.broadcast %masked_cummax3A_1211 : i32 to vector<16xi32>
      %masked_cummax3A_1213 = arith.xori %get3A_1208, %masked_cummax3A_1212 : vector<16xi32>
      %masked_cummax3A_1214 = tpu.scan <max>, %masked_cummax3A_1213 masked %broadcast_in_dim3A_1210 : vector<16xi32>, vector<16xi1> -> vector<16xi32>
      %masked_cummax3A_1215 = arith.xori %masked_cummax3A_1214, %masked_cummax3A_1212 : vector<16xi32>
      %max3A_1216 = vector.broadcast %squeeze3A_1189 : i32 to vector<16xi32>
      %max3A_1217 = arith.maxsi %masked_cummax3A_1215, %max3A_1216 : vector<16xi32>
      %slice3A_1218 = vector.extract_strided_slice %max3A_1217 {offsets = [15], sizes = [1], strides = [1]} : vector<16xi32> to vector<1xi32>
      %squeeze3A_1219 = vector.extract %slice3A_1218[0] : i32 from vector<1xi32>
      %add3A_1220 = arith.constant 192 : i32
      %add3A_1221 = arith.addi %add3A_752, %add3A_1220 : i32
      %add3A_1222 = vector.broadcast %add3A_1221 : i32 to vector<16xi32>
      %add3A_1223 = arith.addi %add3A_1222, %iota3A : vector<16xi32>
      %ge3A_1224 = vector.broadcast %squeeze3A : i32 to vector<16xi32>
      %ge3A_1225 = arith.cmpi sge, %add3A_1223, %ge3A_1224 : vector<16xi32>
      %lt3A_1226 = vector.broadcast %squeeze3A_11 : i32 to vector<16xi32>
      %lt3A_1227 = arith.cmpi slt, %add3A_1223, %lt3A_1226 : vector<16xi32>
      %and3A_1228 = arith.andi %ge3A_1225, %lt3A_1227 : vector<16xi1>
      %add3A_1229 = vector.broadcast %mul3A_4 : i32 to vector<16xi32>
      %add3A_1230 = arith.addi %max3A_1217, %add3A_1229 : vector<16xi32>
      %broadcast_in_dim3A_1231 = vector.broadcast %add3A_6 : i32 to vector<16xi32>
      %select_n3A_1232 = arith.select %and3A_1228, %add3A_1230, %broadcast_in_dim3A_1231 : vector<16xi1>, vector<16xi32>
      %swap3A_1233 = arith.constant 1 : i32
      %swap3A_1234 = arith.index_cast %swap3A_1233 : i32 to index
      %swap3A_1235 = arith.constant 64 : index
      %swap3A_1236 = tpu.vector_load %arg14[%swap3A_1234, %swap3A_1235] {strides = array<i32>} : memref<2x128xi32, #tpu.memory_space<vmem>>, vector<16xi32>,
      tpu.vector_store %arg14[%swap3A_1234, %swap3A_1235], %select_n3A_1232 {strides = array<i32>} : memref<2x128xi32, #tpu.memory_space<vmem>>, vector<16xi32>,
      %get3A_1237 = arith.constant 208 : index
      %get3A_1238 = tpu.vector_load %arg13[%get3A_1237] {strides = array<i32>} : memref<256xi32, #tpu.memory_space<vmem>>, vector<16xi32>,
      %broadcast_in_dim3A_1239 = arith.constant true
      %broadcast_in_dim3A_1240 = vector.broadcast %broadcast_in_dim3A_1239 : i1 to vector<16xi1>
      %masked_cummax3A_1241 = arith.constant -2147483648 : i32
      %masked_cummax3A_1242 = vector.broadcast %masked_cummax3A_1241 : i32 to vector<16xi32>
      %masked_cummax3A_1243 = arith.xori %get3A_1238, %masked_cummax3A_1242 : vector<16xi32>
      %masked_cummax3A_1244 = tpu.scan <max>, %masked_cummax3A_1243 masked %broadcast_in_dim3A_1240 : vector<16xi32>, vector<16xi1> -> vector<16xi32>
      %masked_cummax3A_1245 = arith.xori %masked_cummax3A_1244, %masked_cummax3A_1242 : vector<16xi32>
      %max3A_1246 = vector.broadcast %squeeze3A_1219 : i32 to vector<16xi32>
      %max3A_1247 = arith.maxsi %masked_cummax3A_1245, %max3A_1246 : vector<16xi32>
      %slice3A_1248 = vector.extract_strided_slice %max3A_1247 {offsets = [15], sizes = [1], strides = [1]} : vector<16xi32> to vector<1xi32>
      %squeeze3A_1249 = vector.extract %slice3A_1248[0] : i32 from vector<1xi32>
      %add3A_1250 = arith.constant 208 : i32
      %add3A_1251 = arith.addi %add3A_752, %add3A_1250 : i32
      %add3A_1252 = vector.broadcast %add3A_1251 : i32 to vector<16xi32>
      %add3A_1253 = arith.addi %add3A_1252, %iota3A : vector<16xi32>
      %ge3A_1254 = vector.broadcast %squeeze3A : i32 to vector<16xi32>
      %ge3A_1255 = arith.cmpi sge, %add3A_1253, %ge3A_1254 : vector<16xi32>
      %lt3A_1256 = vector.broadcast %squeeze3A_11 : i32 to vector<16xi32>
      %lt3A_1257 = arith.cmpi slt, %add3A_1253, %lt3A_1256 : vector<16xi32>
      %and3A_1258 = arith.andi %ge3A_1255, %lt3A_1257 : vector<16xi1>
      %add3A_1259 = vector.broadcast %mul3A_4 : i32 to vector<16xi32>
      %add3A_1260 = arith.addi %max3A_1247, %add3A_1259 : vector<16xi32>
      %broadcast_in_dim3A_1261 = vector.broadcast %add3A_6 : i32 to vector<16xi32>
      %select_n3A_1262 = arith.select %and3A_1258, %add3A_1260, %broadcast_in_dim3A_1261 : vector<16xi1>, vector<16xi32>
      %swap3A_1263 = arith.constant 1 : i32
      %swap3A_1264 = arith.index_cast %swap3A_1263 : i32 to index
      %swap3A_1265 = arith.constant 80 : index
      %swap3A_1266 = tpu.vector_load %arg14[%swap3A_1264, %swap3A_1265] {strides = array<i32>} : memref<2x128xi32, #tpu.memory_space<vmem>>, vector<16xi32>,
      tpu.vector_store %arg14[%swap3A_1264, %swap3A_1265], %select_n3A_1262 {strides = array<i32>} : memref<2x128xi32, #tpu.memory_space<vmem>>, vector<16xi32>,
      %get3A_1267 = arith.constant 224 : index
      %get3A_1268 = tpu.vector_load %arg13[%get3A_1267] {strides = array<i32>} : memref<256xi32, #tpu.memory_space<vmem>>, vector<16xi32>,
      %broadcast_in_dim3A_1269 = arith.constant true
      %broadcast_in_dim3A_1270 = vector.broadcast %broadcast_in_dim3A_1269 : i1 to vector<16xi1>
      %masked_cummax3A_1271 = arith.constant -2147483648 : i32
      %masked_cummax3A_1272 = vector.broadcast %masked_cummax3A_1271 : i32 to vector<16xi32>
      %masked_cummax3A_1273 = arith.xori %get3A_1268, %masked_cummax3A_1272 : vector<16xi32>
      %masked_cummax3A_1274 = tpu.scan <max>, %masked_cummax3A_1273 masked %broadcast_in_dim3A_1270 : vector<16xi32>, vector<16xi1> -> vector<16xi32>
      %masked_cummax3A_1275 = arith.xori %masked_cummax3A_1274, %masked_cummax3A_1272 : vector<16xi32>
      %max3A_1276 = vector.broadcast %squeeze3A_1249 : i32 to vector<16xi32>
      %max3A_1277 = arith.maxsi %masked_cummax3A_1275, %max3A_1276 : vector<16xi32>
      %slice3A_1278 = vector.extract_strided_slice %max3A_1277 {offsets = [15], sizes = [1], strides = [1]} : vector<16xi32> to vector<1xi32>
      %squeeze3A_1279 = vector.extract %slice3A_1278[0] : i32 from vector<1xi32>
      %add3A_1280 = arith.constant 224 : i32
      %add3A_1281 = arith.addi %add3A_752, %add3A_1280 : i32
      %add3A_1282 = vector.broadcast %add3A_1281 : i32 to vector<16xi32>
      %add3A_1283 = arith.addi %add3A_1282, %iota3A : vector<16xi32>
      %ge3A_1284 = vector.broadcast %squeeze3A : i32 to vector<16xi32>
      %ge3A_1285 = arith.cmpi sge, %add3A_1283, %ge3A_1284 : vector<16xi32>
      %lt3A_1286 = vector.broadcast %squeeze3A_11 : i32 to vector<16xi32>
      %lt3A_1287 = arith.cmpi slt, %add3A_1283, %lt3A_1286 : vector<16xi32>
      %and3A_1288 = arith.andi %ge3A_1285, %lt3A_1287 : vector<16xi1>
      %add3A_1289 = vector.broadcast %mul3A_4 : i32 to vector<16xi32>
      %add3A_1290 = arith.addi %max3A_1277, %add3A_1289 : vector<16xi32>
      %broadcast_in_dim3A_1291 = vector.broadcast %add3A_6 : i32 to vector<16xi32>
      %select_n3A_1292 = arith.select %and3A_1288, %add3A_1290, %broadcast_in_dim3A_1291 : vector<16xi1>, vector<16xi32>
      %swap3A_1293 = arith.constant 1 : i32
      %swap3A_1294 = arith.index_cast %swap3A_1293 : i32 to index
      %swap3A_1295 = arith.constant 96 : index
      %swap3A_1296 = tpu.vector_load %arg14[%swap3A_1294, %swap3A_1295] {strides = array<i32>} : memref<2x128xi32, #tpu.memory_space<vmem>>, vector<16xi32>,
      tpu.vector_store %arg14[%swap3A_1294, %swap3A_1295], %select_n3A_1292 {strides = array<i32>} : memref<2x128xi32, #tpu.memory_space<vmem>>, vector<16xi32>,
      %get3A_1297 = arith.constant 240 : index
      %get3A_1298 = tpu.vector_load %arg13[%get3A_1297] {strides = array<i32>} : memref<256xi32, #tpu.memory_space<vmem>>, vector<16xi32>,
      %broadcast_in_dim3A_1299 = arith.constant true
      %broadcast_in_dim3A_1300 = vector.broadcast %broadcast_in_dim3A_1299 : i1 to vector<16xi1>
      %masked_cummax3A_1301 = arith.constant -2147483648 : i32
      %masked_cummax3A_1302 = vector.broadcast %masked_cummax3A_1301 : i32 to vector<16xi32>
      %masked_cummax3A_1303 = arith.xori %get3A_1298, %masked_cummax3A_1302 : vector<16xi32>
      %masked_cummax3A_1304 = tpu.scan <max>, %masked_cummax3A_1303 masked %broadcast_in_dim3A_1300 : vector<16xi32>, vector<16xi1> -> vector<16xi32>
      %masked_cummax3A_1305 = arith.xori %masked_cummax3A_1304, %masked_cummax3A_1302 : vector<16xi32>
      %max3A_1306 = vector.broadcast %squeeze3A_1279 : i32 to vector<16xi32>
      %max3A_1307 = arith.maxsi %masked_cummax3A_1305, %max3A_1306 : vector<16xi32>
      %slice3A_1308 = vector.extract_strided_slice %max3A_1307 {offsets = [15], sizes = [1], strides = [1]} : vector<16xi32> to vector<1xi32>
      %squeeze3A_1309 = vector.extract %slice3A_1308[0] : i32 from vector<1xi32>
      %add3A_1310 = arith.constant 240 : i32
      %add3A_1311 = arith.addi %add3A_752, %add3A_1310 : i32
      %add3A_1312 = vector.broadcast %add3A_1311 : i32 to vector<16xi32>
      %add3A_1313 = arith.addi %add3A_1312, %iota3A : vector<16xi32>
      %ge3A_1314 = vector.broadcast %squeeze3A : i32 to vector<16xi32>
      %ge3A_1315 = arith.cmpi sge, %add3A_1313, %ge3A_1314 : vector<16xi32>
      %lt3A_1316 = vector.broadcast %squeeze3A_11 : i32 to vector<16xi32>
      %lt3A_1317 = arith.cmpi slt, %add3A_1313, %lt3A_1316 : vector<16xi32>
      %and3A_1318 = arith.andi %ge3A_1315, %lt3A_1317 : vector<16xi1>
      %add3A_1319 = vector.broadcast %mul3A_4 : i32 to vector<16xi32>
      %add3A_1320 = arith.addi %max3A_1307, %add3A_1319 : vector<16xi32>
      %broadcast_in_dim3A_1321 = vector.broadcast %add3A_6 : i32 to vector<16xi32>
      %select_n3A_1322 = arith.select %and3A_1318, %add3A_1320, %broadcast_in_dim3A_1321 : vector<16xi1>, vector<16xi32>
      %swap3A_1323 = arith.constant 1 : i32
      %swap3A_1324 = arith.index_cast %swap3A_1323 : i32 to index
      %swap3A_1325 = arith.constant 112 : index
      %swap3A_1326 = tpu.vector_load %arg14[%swap3A_1324, %swap3A_1325] {strides = array<i32>} : memref<2x128xi32, #tpu.memory_space<vmem>>, vector<16xi32>,
      tpu.vector_store %arg14[%swap3A_1324, %swap3A_1325], %select_n3A_1322 {strides = array<i32>} : memref<2x128xi32, #tpu.memory_space<vmem>>, vector<16xi32>,
      %dma_start3A_1327 = arith.constant 0 : i32
      %dma_start3A_1328 = arith.constant 0 : i32
      %dma_start3A_1329 = arith.constant 0 : i32
      %dma_start3A_1330 = tpu.memref_slice %arg11[%dma_start3A_1328, %dma_start3A_1329] : memref<256x32xf32, #tpu.memory_space<vmem>> -> memref<128x32xf32, #tpu.memory_space<vmem>>
      %dma_start3A_1331 = arith.constant 0 : i32
      %dma_start3A_1332 = tpu.memref_slice %arg14[%dma_start3A_1327, %dma_start3A_1331] : memref<2x128xi32, #tpu.memory_space<vmem>> -> memref<1x128xi32, #tpu.memory_space<vmem>>
      %dma_start3A_1333 = tpu.memref_squeeze %dma_start3A_1332 : memref<1x128xi32, #tpu.memory_space<vmem>> -> memref<128xi32, #tpu.memory_space<vmem>>
      %dma_start3A_1334 = arith.constant 0 : i32
      %dma_start3A_1335 = arith.constant 0 : i32
      %dma_start3A_1336 = tpu.memref_slice %arg16[%dma_start3A_1334, %dma_start3A_1335] : memref<53376x32xf32, #tpu.memory_space<vmem_shared>> -> memref<53376x32xf32, #tpu.memory_space<vmem_shared>>
      tpu.enqueue_indirect_dma source(%dma_start3A_1330 : memref<128x32xf32, #tpu.memory_space<vmem>>) target(%dma_start3A_1336 : memref<53376x32xf32, #tpu.memory_space<vmem_shared>>) offsets(%dma_start3A_1333 : memref<128xi32, #tpu.memory_space<vmem>>) semaphore(%arg21 : memref<!tpu.dma_semaphore, #tpu.memory_space<semaphore_mem>>) {add = true}
      %dma_start3A_1337 = arith.constant 1 : i32
      %dma_start3A_1338 = arith.constant 128 : i32
      %dma_start3A_1339 = arith.constant 0 : i32
      %dma_start3A_1340 = tpu.memref_slice %arg11[%dma_start3A_1338, %dma_start3A_1339] : memref<256x32xf32, #tpu.memory_space<vmem>> -> memref<128x32xf32, #tpu.memory_space<vmem>>
      %dma_start3A_1341 = arith.constant 0 : i32
      %dma_start3A_1342 = tpu.memref_slice %arg14[%dma_start3A_1337, %dma_start3A_1341] : memref<2x128xi32, #tpu.memory_space<vmem>> -> memref<1x128xi32, #tpu.memory_space<vmem>>
      %dma_start3A_1343 = tpu.memref_squeeze %dma_start3A_1342 : memref<1x128xi32, #tpu.memory_space<vmem>> -> memref<128xi32, #tpu.memory_space<vmem>>
      %dma_start3A_1344 = arith.constant 0 : i32
      %dma_start3A_1345 = arith.constant 0 : i32
      %dma_start3A_1346 = tpu.memref_slice %arg16[%dma_start3A_1344, %dma_start3A_1345] : memref<53376x32xf32, #tpu.memory_space<vmem_shared>> -> memref<53376x32xf32, #tpu.memory_space<vmem_shared>>
      tpu.enqueue_indirect_dma source(%dma_start3A_1340 : memref<128x32xf32, #tpu.memory_space<vmem>>) target(%dma_start3A_1346 : memref<53376x32xf32, #tpu.memory_space<vmem_shared>>) offsets(%dma_start3A_1343 : memref<128xi32, #tpu.memory_space<vmem>>) semaphore(%arg21 : memref<!tpu.dma_semaphore, #tpu.memory_space<semaphore_mem>>) {add = true}
      %add3A_1347 = arith.constant 3 : i32
      %add3A_1348 = arith.addi %mul3A_704, %add3A_1347 : i32
      %lt3A_1349 = arith.cmpi slt, %add3A_1348, %mul3A_87 : i32
      %convert_element_type3A_1350 = arith.extui %lt3A_1349 : i1 to i32
      %cond3A_1351 = arith.constant 0 : i32
      %cond3A_1352 = arith.cmpi ne, %convert_element_type3A_1350, %cond3A_1351 : i32
      scf.if %cond3A_1352 {
        %add3A_1960 = arith.constant 3 : i32
        %add3A_1961 = arith.addi %mul3A_704, %add3A_1960 : i32
        %mul3A_1962 = arith.constant 256 : i32
        %mul3A_1963 = arith.muli %add3A_1961, %mul3A_1962 : i32
        %add3A_1964 = arith.addi %mul3A_29, %mul3A_1963 : i32
        %dma_start3A_1965 = tpu.memref_slice %arg2[%add3A_1964] : memref<426504xi32, #tpu.memory_space<hbm>> -> memref<128xi32, #tpu.memory_space<hbm>>
        %dma_start3A_1966 = tpu.memref_slice %arg2[%add3A_1964] : memref<426504xi32, #tpu.memory_space<hbm>> -> memref<128xi32, #tpu.memory_space<hbm>>
        tpu.enqueue_dma source(%dma_start3A_1966 : memref<128xi32, #tpu.memory_space<hbm>>) target(%arg9 : memref<128xi32, #tpu.memory_space<vmem>>) target_semaphore(%arg18 : memref<!tpu.dma_semaphore, #tpu.memory_space<semaphore_mem>>)
        %add3A_1967 = arith.constant 128 : i32
        %add3A_1968 = arith.addi %add3A_1964, %add3A_1967 : i32
        %dma_start3A_1969 = tpu.memref_slice %arg2[%add3A_1968] : memref<426504xi32, #tpu.memory_space<hbm>> -> memref<128xi32, #tpu.memory_space<hbm>>
        %dma_start3A_1970 = tpu.memref_slice %arg2[%add3A_1968] : memref<426504xi32, #tpu.memory_space<hbm>> -> memref<128xi32, #tpu.memory_space<hbm>>
        tpu.enqueue_dma source(%dma_start3A_1970 : memref<128xi32, #tpu.memory_space<hbm>>) target(%arg10 : memref<128xi32, #tpu.memory_space<vmem>>) target_semaphore(%arg18 : memref<!tpu.dma_semaphore, #tpu.memory_space<semaphore_mem>>)
      } else {
      }
      %add3A_1353 = arith.constant 2 : i32
      %add3A_1354 = arith.addi %mul3A_704, %add3A_1353 : i32
      %lt3A_1355 = arith.cmpi slt, %add3A_1354, %mul3A_87 : i32
      %convert_element_type3A_1356 = arith.extui %lt3A_1355 : i1 to i32
      %cond3A_1357 = arith.constant 0 : i32
      %cond3A_1358 = arith.cmpi ne, %convert_element_type3A_1356, %cond3A_1357 : i32
      scf.if %cond3A_1358 {
        %add3A_1960 = arith.constant 2 : i32
        %add3A_1961 = arith.addi %mul3A_704, %add3A_1960 : i32
        %dma_wait3A_1962 = arith.constant 0 : i32
        %dma_wait3A_1963 = arith.constant 0 : i32
        %dma_wait3A_1964 = arith.constant 0 : i32
        %dma_wait3A_1965 = tpu.memref_slice %arg11[%dma_wait3A_1963, %dma_wait3A_1964] : memref<256x32xf32, #tpu.memory_space<vmem>> -> memref<128x32xf32, #tpu.memory_space<vmem>>
        %dma_wait3A_1966 = arith.constant 0 : i32
        %dma_wait3A_1967 = tpu.memref_slice %arg14[%dma_wait3A_1962, %dma_wait3A_1966] : memref<2x128xi32, #tpu.memory_space<vmem>> -> memref<1x128xi32, #tpu.memory_space<vmem>>
        %dma_wait3A_1968 = tpu.memref_squeeze %dma_wait3A_1967 : memref<1x128xi32, #tpu.memory_space<vmem>> -> memref<128xi32, #tpu.memory_space<vmem>>
        %dma_wait3A_1969 = arith.constant 0 : i32
        %dma_wait3A_1970 = arith.constant 0 : i32
        %dma_wait3A_1971 = tpu.memref_slice %arg16[%dma_wait3A_1969, %dma_wait3A_1970] : memref<53376x32xf32, #tpu.memory_space<vmem_shared>> -> memref<53376x32xf32, #tpu.memory_space<vmem_shared>>
        tpu.wait_indirect_dma semaphore(%arg21 : memref<!tpu.dma_semaphore, #tpu.memory_space<semaphore_mem>>) src(%dma_wait3A_1965 : memref<128x32xf32, #tpu.memory_space<vmem>>) dst(%dma_wait3A_1971 : memref<53376x32xf32, #tpu.memory_space<vmem_shared>>)
        %dma_wait3A_1972 = arith.constant 1 : i32
        %dma_wait3A_1973 = arith.constant 128 : i32
        %dma_wait3A_1974 = arith.constant 0 : i32
        %dma_wait3A_1975 = tpu.memref_slice %arg11[%dma_wait3A_1973, %dma_wait3A_1974] : memref<256x32xf32, #tpu.memory_space<vmem>> -> memref<128x32xf32, #tpu.memory_space<vmem>>
        %dma_wait3A_1976 = arith.constant 0 : i32
        %dma_wait3A_1977 = tpu.memref_slice %arg14[%dma_wait3A_1972, %dma_wait3A_1976] : memref<2x128xi32, #tpu.memory_space<vmem>> -> memref<1x128xi32, #tpu.memory_space<vmem>>
        %dma_wait3A_1978 = tpu.memref_squeeze %dma_wait3A_1977 : memref<1x128xi32, #tpu.memory_space<vmem>> -> memref<128xi32, #tpu.memory_space<vmem>>
        %dma_wait3A_1979 = arith.constant 0 : i32
        %dma_wait3A_1980 = arith.constant 0 : i32
        %dma_wait3A_1981 = tpu.memref_slice %arg16[%dma_wait3A_1979, %dma_wait3A_1980] : memref<53376x32xf32, #tpu.memory_space<vmem_shared>> -> memref<53376x32xf32, #tpu.memory_space<vmem_shared>>
        tpu.wait_indirect_dma semaphore(%arg21 : memref<!tpu.dma_semaphore, #tpu.memory_space<semaphore_mem>>) src(%dma_wait3A_1975 : memref<128x32xf32, #tpu.memory_space<vmem>>) dst(%dma_wait3A_1981 : memref<53376x32xf32, #tpu.memory_space<vmem_shared>>)
        %dma_wait3A_1982 = arith.constant 0 : i32
        %dma_wait3A_1983 = tpu.memref_slice %arg2[%dma_wait3A_1982] : memref<426504xi32, #tpu.memory_space<hbm>> -> memref<128xi32, #tpu.memory_space<hbm>>
        %dma_wait3A_1984 = arith.constant 0 : i32
        %dma_wait3A_1985 = tpu.memref_slice %arg2[%dma_wait3A_1984] : memref<426504xi32, #tpu.memory_space<hbm>> -> memref<128xi32, #tpu.memory_space<hbm>>
        tpu.wait_dma2 semaphore(%arg17 : memref<!tpu.dma_semaphore, #tpu.memory_space<semaphore_mem>>) src(%dma_wait3A_1985 : memref<128xi32, #tpu.memory_space<hbm>>) dst(%arg7 : memref<128xi32, #tpu.memory_space<vmem>>)
        %dma_wait3A_1986 = arith.constant 0 : i32
        %dma_wait3A_1987 = tpu.memref_slice %arg2[%dma_wait3A_1986] : memref<426504xi32, #tpu.memory_space<hbm>> -> memref<128xi32, #tpu.memory_space<hbm>>
        %dma_wait3A_1988 = arith.constant 0 : i32
        %dma_wait3A_1989 = tpu.memref_slice %arg2[%dma_wait3A_1988] : memref<426504xi32, #tpu.memory_space<hbm>> -> memref<128xi32, #tpu.memory_space<hbm>>
        tpu.wait_dma2 semaphore(%arg17 : memref<!tpu.dma_semaphore, #tpu.memory_space<semaphore_mem>>) src(%dma_wait3A_1989 : memref<128xi32, #tpu.memory_space<hbm>>) dst(%arg8 : memref<128xi32, #tpu.memory_space<vmem>>)
        %dma_start3A_1990 = arith.constant 0 : i32
        %dma_start3A_1991 = arith.constant 0 : i32
        %dma_start3A_1992 = tpu.memref_slice %arg11[%dma_start3A_1990, %dma_start3A_1991] : memref<256x32xf32, #tpu.memory_space<vmem>> -> memref<128x32xf32, #tpu.memory_space<vmem>>
        %dma_start3A_1993 = arith.constant 0 : i32
        %dma_start3A_1994 = arith.constant 0 : i32
        %dma_start3A_1995 = tpu.memref_slice %arg4[%dma_start3A_1993, %dma_start3A_1994] : memref<1000000x32xf32, #tpu.memory_space<hbm>> -> memref<1000000x32xf32, #tpu.memory_space<hbm>>
        tpu.enqueue_indirect_dma source(%dma_start3A_1995 : memref<1000000x32xf32, #tpu.memory_space<hbm>>) target(%dma_start3A_1992 : memref<128x32xf32, #tpu.memory_space<vmem>>) offsets(%arg7 : memref<128xi32, #tpu.memory_space<vmem>>) semaphore(%arg19 : memref<!tpu.dma_semaphore, #tpu.memory_space<semaphore_mem>>)
        %dma_start3A_1996 = arith.constant 128 : i32
        %dma_start3A_1997 = arith.constant 0 : i32
        %dma_start3A_1998 = tpu.memref_slice %arg11[%dma_start3A_1996, %dma_start3A_1997] : memref<256x32xf32, #tpu.memory_space<vmem>> -> memref<128x32xf32, #tpu.memory_space<vmem>>
        %dma_start3A_1999 = arith.constant 0 : i32
        %dma_start3A_2000 = arith.constant 0 : i32
        %dma_start3A_2001 = tpu.memref_slice %arg4[%dma_start3A_1999, %dma_start3A_2000] : memref<1000000x32xf32, #tpu.memory_space<hbm>> -> memref<1000000x32xf32, #tpu.memory_space<hbm>>
        tpu.enqueue_indirect_dma source(%dma_start3A_2001 : memref<1000000x32xf32, #tpu.memory_space<hbm>>) target(%dma_start3A_1998 : memref<128x32xf32, #tpu.memory_space<vmem>>) offsets(%arg8 : memref<128xi32, #tpu.memory_space<vmem>>) semaphore(%arg19 : memref<!tpu.dma_semaphore, #tpu.memory_space<semaphore_mem>>)
      } else {
      }
      %add3A_1359 = arith.constant 1 : i32
      %add3A_1360 = arith.addi %mul3A_704, %add3A_1359 : i32
      %mul3A_1361 = arith.constant 256 : i32
      %mul3A_1362 = arith.muli %add3A_1360, %mul3A_1361 : i32
      %add3A_1363 = arith.addi %mul3A_29, %mul3A_1362 : i32
      %dma_wait3A_1364 = arith.constant 0 : i32
      %dma_wait3A_1365 = arith.constant 0 : i32
      %dma_wait3A_1366 = tpu.memref_slice %arg12[%dma_wait3A_1364, %dma_wait3A_1365] : memref<256x32xf32, #tpu.memory_space<vmem>> -> memref<128x32xf32, #tpu.memory_space<vmem>>
      %dma_wait3A_1367 = arith.constant 0 : i32
      %dma_wait3A_1368 = arith.constant 0 : i32
      %dma_wait3A_1369 = tpu.memref_slice %arg4[%dma_wait3A_1367, %dma_wait3A_1368] : memref<1000000x32xf32, #tpu.memory_space<hbm>> -> memref<1000000x32xf32, #tpu.memory_space<hbm>>
      tpu.wait_indirect_dma semaphore(%arg20 : memref<!tpu.dma_semaphore, #tpu.memory_space<semaphore_mem>>) src(%dma_wait3A_1369 : memref<1000000x32xf32, #tpu.memory_space<hbm>>) dst(%dma_wait3A_1366 : memref<128x32xf32, #tpu.memory_space<vmem>>)
      %dma_wait3A_1370 = arith.constant 128 : i32
      %dma_wait3A_1371 = arith.constant 0 : i32
      %dma_wait3A_1372 = tpu.memref_slice %arg12[%dma_wait3A_1370, %dma_wait3A_1371] : memref<256x32xf32, #tpu.memory_space<vmem>> -> memref<128x32xf32, #tpu.memory_space<vmem>>
      %dma_wait3A_1373 = arith.constant 0 : i32
      %dma_wait3A_1374 = arith.constant 0 : i32
      %dma_wait3A_1375 = tpu.memref_slice %arg4[%dma_wait3A_1373, %dma_wait3A_1374] : memref<1000000x32xf32, #tpu.memory_space<hbm>> -> memref<1000000x32xf32, #tpu.memory_space<hbm>>
      tpu.wait_indirect_dma semaphore(%arg20 : memref<!tpu.dma_semaphore, #tpu.memory_space<semaphore_mem>>) src(%dma_wait3A_1375 : memref<1000000x32xf32, #tpu.memory_space<hbm>>) dst(%dma_wait3A_1372 : memref<128x32xf32, #tpu.memory_space<vmem>>)
      %add3A_1376 = arith.constant 256 : i32
      %add3A_1377 = arith.addi %add3A_1363, %add3A_1376 : i32
      %sub3A_1378 = arith.constant 1 : i32
      %sub3A_1379 = arith.subi %add3A_1377, %sub3A_1378 : i32
      %scan3A_1380 = arith.constant 3328 : i32
      %scan3A_1381 = arith.constant 0 : i32
      %scan3A_1382 = arith.constant 12 : i32
      %scan3A_1383 = arith.addi %scan3A_1381, %scan3A_1382 : i32
      %scan3A_1384 = arith.constant 1 : i32
      %scan3A_1385:2 = scf.for %scan3A_1960 = %scan3A_1381 to %scan3A_1383 step %scan3A_1384 iter_args(%scan3A_1961 = %scan3A_774#0, %scan3A_1962 = %scan3A_1380) -> (i32, i32)  : i32 {
        %add3A_1963 = arith.addi %scan3A_1961, %scan3A_1962 : i32
        %jit3A_1964 = arith.constant 2 : i32
        %div3A_1965 = arith.divsi %add3A_1963, %jit3A_1964 : i32
        %sign3A_1966 = arith.constant 0 : i32
        %sign3A_1967 = arith.cmpi sgt, %add3A_1963, %sign3A_1966 : i32
        %sign3A_1968 = arith.extui %sign3A_1967 : i1 to i32
        %sign3A_1969 = arith.constant 0 : i32
        %sign3A_1970 = arith.cmpi slt, %add3A_1963, %sign3A_1969 : i32
        %sign3A_1971 = arith.extui %sign3A_1970 : i1 to i32
        %sign3A_1972 = arith.subi %sign3A_1968, %sign3A_1971 : i32
        %sign3A_1973 = arith.constant 0 : i32
        %sign3A_1974 = arith.cmpi sgt, %jit3A_1964, %sign3A_1973 : i32
        %sign3A_1975 = arith.extui %sign3A_1974 : i1 to i32
        %sign3A_1976 = arith.constant 0 : i32
        %sign3A_1977 = arith.cmpi slt, %jit3A_1964, %sign3A_1976 : i32
        %sign3A_1978 = arith.extui %sign3A_1977 : i1 to i32
        %sign3A_1979 = arith.subi %sign3A_1975, %sign3A_1978 : i32
        %ne3A_1980 = arith.cmpi ne, %sign3A_1972, %sign3A_1979 : i32
        %rem3A_1981 = arith.remsi %add3A_1963, %jit3A_1964 : i32
        %ne3A_1982 = arith.constant 0 : i32
        %ne3A_1983 = arith.cmpi ne, %rem3A_1981, %ne3A_1982 : i32
        %and3A_1984 = arith.andi %ne3A_1980, %ne3A_1983 : i1
        %sub3A_1985 = arith.constant 1 : i32
        %sub3A_1986 = arith.subi %div3A_1965, %sub3A_1985 : i32
        %select_n3A_1987 = arith.select %and3A_1984, %sub3A_1986, %div3A_1965 : i32
        %lt3A_1988 = arith.cmpi slt, %scan3A_1961, %scan3A_1962 : i32
        %add3A_1989 = arith.constant 1 : i32
        %add3A_1990 = arith.addi %select_n3A_1987, %add3A_1989 : i32
        %get3A_1991 = arith.index_cast %add3A_1990 : i32 to index
        %get3A_1992 = tpu.vector_load %arg6[%get3A_1991] {strides = array<i32>} : memref<3352xi32, #tpu.memory_space<vmem>>, vector<16xi32>,
        %slice3A_1993 = vector.extract_strided_slice %get3A_1992 {offsets = [0], sizes = [1], strides = [1]} : vector<16xi32> to vector<1xi32>
        %squeeze3A_1994 = vector.extract %slice3A_1993[0] : i32 from vector<1xi32>
        %le3A = arith.cmpi sle, %squeeze3A_1994, %sub3A_1379 : i32
        %and3A_1995 = arith.andi %lt3A_1988, %le3A : i1
        %add3A_1996 = arith.constant 1 : i32
        %add3A_1997 = arith.addi %select_n3A_1987, %add3A_1996 : i32
        %select_n3A_1998 = arith.select %and3A_1995, %add3A_1997, %scan3A_1961 : i32
        %select_n3A_1999 = arith.select %and3A_1995, %scan3A_1962, %select_n3A_1987 : i32
        scf.yield %select_n3A_1998, %select_n3A_1999 : i32, i32
      }
      %scan3A_1386 = arith.constant 12 : i32
      %swap3A_1387 = arith.constant 0 : index
      %swap3A_1388 = tpu.vector_load %arg13[%swap3A_1387] {strides = array<i32>} : memref<256xi32, #tpu.memory_space<vmem>>, vector<16xi32>,
      tpu.vector_store %arg13[%swap3A_1387], %broadcast_in_dim3A_90 {strides = array<i32>} : memref<256xi32, #tpu.memory_space<vmem>>, vector<16xi32>,
      %swap3A_1389 = arith.constant 16 : index
      %swap3A_1390 = tpu.vector_load %arg13[%swap3A_1389] {strides = array<i32>} : memref<256xi32, #tpu.memory_space<vmem>>, vector<16xi32>,
      tpu.vector_store %arg13[%swap3A_1389], %broadcast_in_dim3A_90 {strides = array<i32>} : memref<256xi32, #tpu.memory_space<vmem>>, vector<16xi32>,
      %swap3A_1391 = arith.constant 32 : index
      %swap3A_1392 = tpu.vector_load %arg13[%swap3A_1391] {strides = array<i32>} : memref<256xi32, #tpu.memory_space<vmem>>, vector<16xi32>,
      tpu.vector_store %arg13[%swap3A_1391], %broadcast_in_dim3A_90 {strides = array<i32>} : memref<256xi32, #tpu.memory_space<vmem>>, vector<16xi32>,
      %swap3A_1393 = arith.constant 48 : index
      %swap3A_1394 = tpu.vector_load %arg13[%swap3A_1393] {strides = array<i32>} : memref<256xi32, #tpu.memory_space<vmem>>, vector<16xi32>,
      tpu.vector_store %arg13[%swap3A_1393], %broadcast_in_dim3A_90 {strides = array<i32>} : memref<256xi32, #tpu.memory_space<vmem>>, vector<16xi32>,
      %swap3A_1395 = arith.constant 64 : index
      %swap3A_1396 = tpu.vector_load %arg13[%swap3A_1395] {strides = array<i32>} : memref<256xi32, #tpu.memory_space<vmem>>, vector<16xi32>,
      tpu.vector_store %arg13[%swap3A_1395], %broadcast_in_dim3A_90 {strides = array<i32>} : memref<256xi32, #tpu.memory_space<vmem>>, vector<16xi32>,
      %swap3A_1397 = arith.constant 80 : index
      %swap3A_1398 = tpu.vector_load %arg13[%swap3A_1397] {strides = array<i32>} : memref<256xi32, #tpu.memory_space<vmem>>, vector<16xi32>,
      tpu.vector_store %arg13[%swap3A_1397], %broadcast_in_dim3A_90 {strides = array<i32>} : memref<256xi32, #tpu.memory_space<vmem>>, vector<16xi32>,
      %swap3A_1399 = arith.constant 96 : index
      %swap3A_1400 = tpu.vector_load %arg13[%swap3A_1399] {strides = array<i32>} : memref<256xi32, #tpu.memory_space<vmem>>, vector<16xi32>,
      tpu.vector_store %arg13[%swap3A_1399], %broadcast_in_dim3A_90 {strides = array<i32>} : memref<256xi32, #tpu.memory_space<vmem>>, vector<16xi32>,
      %swap3A_1401 = arith.constant 112 : index
      %swap3A_1402 = tpu.vector_load %arg13[%swap3A_1401] {strides = array<i32>} : memref<256xi32, #tpu.memory_space<vmem>>, vector<16xi32>,
      tpu.vector_store %arg13[%swap3A_1401], %broadcast_in_dim3A_90 {strides = array<i32>} : memref<256xi32, #tpu.memory_space<vmem>>, vector<16xi32>,
      %swap3A_1403 = arith.constant 128 : index
      %swap3A_1404 = tpu.vector_load %arg13[%swap3A_1403] {strides = array<i32>} : memref<256xi32, #tpu.memory_space<vmem>>, vector<16xi32>,
      tpu.vector_store %arg13[%swap3A_1403], %broadcast_in_dim3A_90 {strides = array<i32>} : memref<256xi32, #tpu.memory_space<vmem>>, vector<16xi32>,
      %swap3A_1405 = arith.constant 144 : index
      %swap3A_1406 = tpu.vector_load %arg13[%swap3A_1405] {strides = array<i32>} : memref<256xi32, #tpu.memory_space<vmem>>, vector<16xi32>,
      tpu.vector_store %arg13[%swap3A_1405], %broadcast_in_dim3A_90 {strides = array<i32>} : memref<256xi32, #tpu.memory_space<vmem>>, vector<16xi32>,
      %swap3A_1407 = arith.constant 160 : index
      %swap3A_1408 = tpu.vector_load %arg13[%swap3A_1407] {strides = array<i32>} : memref<256xi32, #tpu.memory_space<vmem>>, vector<16xi32>,
      tpu.vector_store %arg13[%swap3A_1407], %broadcast_in_dim3A_90 {strides = array<i32>} : memref<256xi32, #tpu.memory_space<vmem>>, vector<16xi32>,
      %swap3A_1409 = arith.constant 176 : index
      %swap3A_1410 = tpu.vector_load %arg13[%swap3A_1409] {strides = array<i32>} : memref<256xi32, #tpu.memory_space<vmem>>, vector<16xi32>,
      tpu.vector_store %arg13[%swap3A_1409], %broadcast_in_dim3A_90 {strides = array<i32>} : memref<256xi32, #tpu.memory_space<vmem>>, vector<16xi32>,
      %swap3A_1411 = arith.constant 192 : index
      %swap3A_1412 = tpu.vector_load %arg13[%swap3A_1411] {strides = array<i32>} : memref<256xi32, #tpu.memory_space<vmem>>, vector<16xi32>,
      tpu.vector_store %arg13[%swap3A_1411], %broadcast_in_dim3A_90 {strides = array<i32>} : memref<256xi32, #tpu.memory_space<vmem>>, vector<16xi32>,
      %swap3A_1413 = arith.constant 208 : index
      %swap3A_1414 = tpu.vector_load %arg13[%swap3A_1413] {strides = array<i32>} : memref<256xi32, #tpu.memory_space<vmem>>, vector<16xi32>,
      tpu.vector_store %arg13[%swap3A_1413], %broadcast_in_dim3A_90 {strides = array<i32>} : memref<256xi32, #tpu.memory_space<vmem>>, vector<16xi32>,
      %swap3A_1415 = arith.constant 224 : index
      %swap3A_1416 = tpu.vector_load %arg13[%swap3A_1415] {strides = array<i32>} : memref<256xi32, #tpu.memory_space<vmem>>, vector<16xi32>,
      tpu.vector_store %arg13[%swap3A_1415], %broadcast_in_dim3A_90 {strides = array<i32>} : memref<256xi32, #tpu.memory_space<vmem>>, vector<16xi32>,
      %swap3A_1417 = arith.constant 240 : index
      %swap3A_1418 = tpu.vector_load %arg13[%swap3A_1417] {strides = array<i32>} : memref<256xi32, #tpu.memory_space<vmem>>, vector<16xi32>,
      tpu.vector_store %arg13[%swap3A_1417], %broadcast_in_dim3A_90 {strides = array<i32>} : memref<256xi32, #tpu.memory_space<vmem>>, vector<16xi32>,
      %sub3A_1419 = arith.subi %scan3A_1385#0, %scan3A_774#0 : i32
      %add3A_1420 = arith.constant 16 : i32
      %add3A_1421 = arith.addi %sub3A_1419, %add3A_1420 : i32
      %sub3A_1422 = arith.constant 1 : i32
      %sub3A_1423 = arith.subi %add3A_1421, %sub3A_1422 : i32
      %jit3A_1424 = arith.constant 16 : i32
      %div3A_1425 = arith.divsi %sub3A_1423, %jit3A_1424 : i32
      %sign3A_1426 = arith.constant 0 : i32
      %sign3A_1427 = arith.cmpi sgt, %sub3A_1423, %sign3A_1426 : i32
      %sign3A_1428 = arith.extui %sign3A_1427 : i1 to i32
      %sign3A_1429 = arith.constant 0 : i32
      %sign3A_1430 = arith.cmpi slt, %sub3A_1423, %sign3A_1429 : i32
      %sign3A_1431 = arith.extui %sign3A_1430 : i1 to i32
      %sign3A_1432 = arith.subi %sign3A_1428, %sign3A_1431 : i32
      %sign3A_1433 = arith.constant 0 : i32
      %sign3A_1434 = arith.cmpi sgt, %jit3A_1424, %sign3A_1433 : i32
      %sign3A_1435 = arith.extui %sign3A_1434 : i1 to i32
      %sign3A_1436 = arith.constant 0 : i32
      %sign3A_1437 = arith.cmpi slt, %jit3A_1424, %sign3A_1436 : i32
      %sign3A_1438 = arith.extui %sign3A_1437 : i1 to i32
      %sign3A_1439 = arith.subi %sign3A_1435, %sign3A_1438 : i32
      %ne3A_1440 = arith.cmpi ne, %sign3A_1432, %sign3A_1439 : i32
      %rem3A_1441 = arith.remsi %sub3A_1423, %jit3A_1424 : i32
      %ne3A_1442 = arith.constant 0 : i32
      %ne3A_1443 = arith.cmpi ne, %rem3A_1441, %ne3A_1442 : i32
      %and3A_1444 = arith.andi %ne3A_1440, %ne3A_1443 : i1
      %sub3A_1445 = arith.constant 1 : i32
      %sub3A_1446 = arith.subi %div3A_1425, %sub3A_1445 : i32
      %select_n3A_1447 = arith.select %and3A_1444, %sub3A_1446, %div3A_1425 : i32
      %while3A_1448 = arith.constant 0 : i32
      %while3A_1449 = arith.constant 0 : i32
      %while3A_1450 = arith.subi %select_n3A_1447, %while3A_1448 : i32
      %while3A_1451 = arith.addi %while3A_1448, %while3A_1450 : i32
      %while3A_1452 = arith.constant 1 : i32
      %while3A_1453 = arith.divsi %while3A_1450, %while3A_1452 : i32
      %while3A_1454 = arith.muli %while3A_1453, %while3A_1452 : i32
      %while3A_1455 = arith.addi %while3A_1448, %while3A_1454 : i32
      %while3A_1456 = arith.constant 1 : i32
      %while3A_1457 = scf.for %while3A_1960 = %while3A_1448 to %while3A_1455 step %while3A_1456 iter_args(%while3A_1961 = %while3A_1449) -> (i32)  : i32 {
        %mul3A_1962 = arith.constant 16 : i32
        %mul3A_1963 = arith.muli %while3A_1960, %mul3A_1962 : i32
        %add3A_1964 = arith.addi %scan3A_774#0, %mul3A_1963 : i32
        %add3A_1965 = arith.constant 1 : i32
        %add3A_1966 = arith.addi %add3A_1964, %add3A_1965 : i32
        %get3A_1967 = arith.index_cast %add3A_1966 : i32 to index
        %get3A_1968 = tpu.vector_load %arg6[%get3A_1967] {strides = array<i32>} : memref<3352xi32, #tpu.memory_space<vmem>>, vector<16xi32>,
        %add3A_1969 = arith.constant 2 : i32
        %add3A_1970 = arith.addi %add3A_1964, %add3A_1969 : i32
        %get3A_1971 = arith.index_cast %add3A_1970 : i32 to index
        %get3A_1972 = tpu.vector_load %arg6[%get3A_1971] {strides = array<i32>} : memref<3352xi32, #tpu.memory_space<vmem>>, vector<16xi32>,
        %add3A_1973 = vector.broadcast %add3A_1964 : i32 to vector<16xi32>
        %add3A_1974 = arith.addi %iota3A, %add3A_1973 : vector<16xi32>
        %lt3A_1975 = vector.broadcast %scan3A_1385#0 : i32 to vector<16xi32>
        %lt3A_1976 = arith.cmpi slt, %add3A_1974, %lt3A_1975 : vector<16xi32>
        %lt3A_1977 = arith.cmpi slt, %get3A_1968, %get3A_1972 : vector<16xi32>
        %and3A_1978 = arith.andi %lt3A_1976, %lt3A_1977 : vector<16xi1>
        %sub3A_1979 = vector.broadcast %add3A_1363 : i32 to vector<16xi32>
        %sub3A_1980 = arith.subi %get3A_1968, %sub3A_1979 : vector<16xi32>
        %jit3A_1981 = arith.constant 0 : i32
        %jit3A_1982 = arith.constant 255 : i32
        %max3A_1983 = vector.broadcast %jit3A_1981 : i32 to vector<16xi32>
        %max3A_1984 = arith.maxsi %max3A_1983, %sub3A_1980 : vector<16xi32>
        %min3A = vector.broadcast %jit3A_1982 : i32 to vector<16xi32>
        %min3A_1985 = arith.minsi %min3A, %max3A_1984 : vector<16xi32>
        %add3A_1986 = arith.constant 1 : i32
        %add3A_1987 = arith.addi %add3A_1964, %add3A_1986 : i32
        %add3A_1988 = vector.broadcast %add3A_1987 : i32 to vector<16xi32>
        %add3A_1989 = arith.addi %iota3A, %add3A_1988 : vector<16xi32>
        tpu.vector_store_idx %arg13[%min3A_1985], %add3A_1989 masked %and3A_1978 : memref<256xi32, #tpu.memory_space<vmem>>[vector<16xi32>], vector<16xi32>, vector<16xi1>
        %while3A_1990 = arith.constant 0 : i32
        scf.yield %while3A_1990 : i32
      }
      %while3A_1458 = arith.constant 1 : i32
      %while3A_1459 = scf.for %while3A_1960 = %while3A_1455 to %while3A_1451 step %while3A_1458 iter_args(%while3A_1961 = %while3A_1457) -> (i32)  : i32 {
        %mul3A_1962 = arith.constant 16 : i32
        %mul3A_1963 = arith.muli %while3A_1960, %mul3A_1962 : i32
        %add3A_1964 = arith.addi %scan3A_774#0, %mul3A_1963 : i32
        %add3A_1965 = arith.constant 1 : i32
        %add3A_1966 = arith.addi %add3A_1964, %add3A_1965 : i32
        %get3A_1967 = arith.index_cast %add3A_1966 : i32 to index
        %get3A_1968 = tpu.vector_load %arg6[%get3A_1967] {strides = array<i32>} : memref<3352xi32, #tpu.memory_space<vmem>>, vector<16xi32>,
        %add3A_1969 = arith.constant 2 : i32
        %add3A_1970 = arith.addi %add3A_1964, %add3A_1969 : i32
        %get3A_1971 = arith.index_cast %add3A_1970 : i32 to index
        %get3A_1972 = tpu.vector_load %arg6[%get3A_1971] {strides = array<i32>} : memref<3352xi32, #tpu.memory_space<vmem>>, vector<16xi32>,
        %add3A_1973 = vector.broadcast %add3A_1964 : i32 to vector<16xi32>
        %add3A_1974 = arith.addi %iota3A, %add3A_1973 : vector<16xi32>
        %lt3A_1975 = vector.broadcast %scan3A_1385#0 : i32 to vector<16xi32>
        %lt3A_1976 = arith.cmpi slt, %add3A_1974, %lt3A_1975 : vector<16xi32>
        %lt3A_1977 = arith.cmpi slt, %get3A_1968, %get3A_1972 : vector<16xi32>
        %and3A_1978 = arith.andi %lt3A_1976, %lt3A_1977 : vector<16xi1>
        %sub3A_1979 = vector.broadcast %add3A_1363 : i32 to vector<16xi32>
        %sub3A_1980 = arith.subi %get3A_1968, %sub3A_1979 : vector<16xi32>
        %jit3A_1981 = arith.constant 0 : i32
        %jit3A_1982 = arith.constant 255 : i32
        %max3A_1983 = vector.broadcast %jit3A_1981 : i32 to vector<16xi32>
        %max3A_1984 = arith.maxsi %max3A_1983, %sub3A_1980 : vector<16xi32>
        %min3A = vector.broadcast %jit3A_1982 : i32 to vector<16xi32>
        %min3A_1985 = arith.minsi %min3A, %max3A_1984 : vector<16xi32>
        %add3A_1986 = arith.constant 1 : i32
        %add3A_1987 = arith.addi %add3A_1964, %add3A_1986 : i32
        %add3A_1988 = vector.broadcast %add3A_1987 : i32 to vector<16xi32>
        %add3A_1989 = arith.addi %iota3A, %add3A_1988 : vector<16xi32>
        tpu.vector_store_idx %arg13[%min3A_1985], %add3A_1989 masked %and3A_1978 : memref<256xi32, #tpu.memory_space<vmem>>[vector<16xi32>], vector<16xi32>, vector<16xi1>
        %while3A_1990 = arith.constant 0 : i32
        scf.yield %while3A_1990 : i32
      }
      %get3A_1460 = arith.constant 0 : index
      %get3A_1461 = tpu.vector_load %arg13[%get3A_1460] {strides = array<i32>} : memref<256xi32, #tpu.memory_space<vmem>>, vector<16xi32>,
      %broadcast_in_dim3A_1462 = arith.constant true
      %broadcast_in_dim3A_1463 = vector.broadcast %broadcast_in_dim3A_1462 : i1 to vector<16xi1>
      %masked_cummax3A_1464 = arith.constant -2147483648 : i32
      %masked_cummax3A_1465 = vector.broadcast %masked_cummax3A_1464 : i32 to vector<16xi32>
      %masked_cummax3A_1466 = arith.xori %get3A_1461, %masked_cummax3A_1465 : vector<16xi32>
      %masked_cummax3A_1467 = tpu.scan <max>, %masked_cummax3A_1466 masked %broadcast_in_dim3A_1463 : vector<16xi32>, vector<16xi1> -> vector<16xi32>
      %masked_cummax3A_1468 = arith.xori %masked_cummax3A_1467, %masked_cummax3A_1465 : vector<16xi32>
      %max3A_1469 = vector.broadcast %scan3A_774#0 : i32 to vector<16xi32>
      %max3A_1470 = arith.maxsi %masked_cummax3A_1468, %max3A_1469 : vector<16xi32>
      %slice3A_1471 = vector.extract_strided_slice %max3A_1470 {offsets = [15], sizes = [1], strides = [1]} : vector<16xi32> to vector<1xi32>
      %squeeze3A_1472 = vector.extract %slice3A_1471[0] : i32 from vector<1xi32>
      %add3A_1473 = arith.constant 0 : i32
      %add3A_1474 = arith.addi %add3A_1363, %add3A_1473 : i32
      %add3A_1475 = vector.broadcast %add3A_1474 : i32 to vector<16xi32>
      %add3A_1476 = arith.addi %add3A_1475, %iota3A : vector<16xi32>
      %ge3A_1477 = vector.broadcast %squeeze3A : i32 to vector<16xi32>
      %ge3A_1478 = arith.cmpi sge, %add3A_1476, %ge3A_1477 : vector<16xi32>
      %lt3A_1479 = vector.broadcast %squeeze3A_11 : i32 to vector<16xi32>
      %lt3A_1480 = arith.cmpi slt, %add3A_1476, %lt3A_1479 : vector<16xi32>
      %and3A_1481 = arith.andi %ge3A_1478, %lt3A_1480 : vector<16xi1>
      %add3A_1482 = vector.broadcast %mul3A_4 : i32 to vector<16xi32>
      %add3A_1483 = arith.addi %max3A_1470, %add3A_1482 : vector<16xi32>
      %broadcast_in_dim3A_1484 = vector.broadcast %add3A_6 : i32 to vector<16xi32>
      %select_n3A_1485 = arith.select %and3A_1481, %add3A_1483, %broadcast_in_dim3A_1484 : vector<16xi1>, vector<16xi32>
      %swap3A_1486 = arith.constant 0 : i32
      %swap3A_1487 = arith.index_cast %swap3A_1486 : i32 to index
      %swap3A_1488 = arith.constant 0 : index
      %swap3A_1489 = tpu.vector_load %arg15[%swap3A_1487, %swap3A_1488] {strides = array<i32>} : memref<2x128xi32, #tpu.memory_space<vmem>>, vector<16xi32>,
      tpu.vector_store %arg15[%swap3A_1487, %swap3A_1488], %select_n3A_1485 {strides = array<i32>} : memref<2x128xi32, #tpu.memory_space<vmem>>, vector<16xi32>,
      %get3A_1490 = arith.constant 16 : index
      %get3A_1491 = tpu.vector_load %arg13[%get3A_1490] {strides = array<i32>} : memref<256xi32, #tpu.memory_space<vmem>>, vector<16xi32>,
      %broadcast_in_dim3A_1492 = arith.constant true
      %broadcast_in_dim3A_1493 = vector.broadcast %broadcast_in_dim3A_1492 : i1 to vector<16xi1>
      %masked_cummax3A_1494 = arith.constant -2147483648 : i32
      %masked_cummax3A_1495 = vector.broadcast %masked_cummax3A_1494 : i32 to vector<16xi32>
      %masked_cummax3A_1496 = arith.xori %get3A_1491, %masked_cummax3A_1495 : vector<16xi32>
      %masked_cummax3A_1497 = tpu.scan <max>, %masked_cummax3A_1496 masked %broadcast_in_dim3A_1493 : vector<16xi32>, vector<16xi1> -> vector<16xi32>
      %masked_cummax3A_1498 = arith.xori %masked_cummax3A_1497, %masked_cummax3A_1495 : vector<16xi32>
      %max3A_1499 = vector.broadcast %squeeze3A_1472 : i32 to vector<16xi32>
      %max3A_1500 = arith.maxsi %masked_cummax3A_1498, %max3A_1499 : vector<16xi32>
      %slice3A_1501 = vector.extract_strided_slice %max3A_1500 {offsets = [15], sizes = [1], strides = [1]} : vector<16xi32> to vector<1xi32>
      %squeeze3A_1502 = vector.extract %slice3A_1501[0] : i32 from vector<1xi32>
      %add3A_1503 = arith.constant 16 : i32
      %add3A_1504 = arith.addi %add3A_1363, %add3A_1503 : i32
      %add3A_1505 = vector.broadcast %add3A_1504 : i32 to vector<16xi32>
      %add3A_1506 = arith.addi %add3A_1505, %iota3A : vector<16xi32>
      %ge3A_1507 = vector.broadcast %squeeze3A : i32 to vector<16xi32>
      %ge3A_1508 = arith.cmpi sge, %add3A_1506, %ge3A_1507 : vector<16xi32>
      %lt3A_1509 = vector.broadcast %squeeze3A_11 : i32 to vector<16xi32>
      %lt3A_1510 = arith.cmpi slt, %add3A_1506, %lt3A_1509 : vector<16xi32>
      %and3A_1511 = arith.andi %ge3A_1508, %lt3A_1510 : vector<16xi1>
      %add3A_1512 = vector.broadcast %mul3A_4 : i32 to vector<16xi32>
      %add3A_1513 = arith.addi %max3A_1500, %add3A_1512 : vector<16xi32>
      %broadcast_in_dim3A_1514 = vector.broadcast %add3A_6 : i32 to vector<16xi32>
      %select_n3A_1515 = arith.select %and3A_1511, %add3A_1513, %broadcast_in_dim3A_1514 : vector<16xi1>, vector<16xi32>
      %swap3A_1516 = arith.constant 0 : i32
      %swap3A_1517 = arith.index_cast %swap3A_1516 : i32 to index
      %swap3A_1518 = arith.constant 16 : index
      %swap3A_1519 = tpu.vector_load %arg15[%swap3A_1517, %swap3A_1518] {strides = array<i32>} : memref<2x128xi32, #tpu.memory_space<vmem>>, vector<16xi32>,
      tpu.vector_store %arg15[%swap3A_1517, %swap3A_1518], %select_n3A_1515 {strides = array<i32>} : memref<2x128xi32, #tpu.memory_space<vmem>>, vector<16xi32>,
      %get3A_1520 = arith.constant 32 : index
      %get3A_1521 = tpu.vector_load %arg13[%get3A_1520] {strides = array<i32>} : memref<256xi32, #tpu.memory_space<vmem>>, vector<16xi32>,
      %broadcast_in_dim3A_1522 = arith.constant true
      %broadcast_in_dim3A_1523 = vector.broadcast %broadcast_in_dim3A_1522 : i1 to vector<16xi1>
      %masked_cummax3A_1524 = arith.constant -2147483648 : i32
      %masked_cummax3A_1525 = vector.broadcast %masked_cummax3A_1524 : i32 to vector<16xi32>
      %masked_cummax3A_1526 = arith.xori %get3A_1521, %masked_cummax3A_1525 : vector<16xi32>
      %masked_cummax3A_1527 = tpu.scan <max>, %masked_cummax3A_1526 masked %broadcast_in_dim3A_1523 : vector<16xi32>, vector<16xi1> -> vector<16xi32>
      %masked_cummax3A_1528 = arith.xori %masked_cummax3A_1527, %masked_cummax3A_1525 : vector<16xi32>
      %max3A_1529 = vector.broadcast %squeeze3A_1502 : i32 to vector<16xi32>
      %max3A_1530 = arith.maxsi %masked_cummax3A_1528, %max3A_1529 : vector<16xi32>
      %slice3A_1531 = vector.extract_strided_slice %max3A_1530 {offsets = [15], sizes = [1], strides = [1]} : vector<16xi32> to vector<1xi32>
      %squeeze3A_1532 = vector.extract %slice3A_1531[0] : i32 from vector<1xi32>
      %add3A_1533 = arith.constant 32 : i32
      %add3A_1534 = arith.addi %add3A_1363, %add3A_1533 : i32
      %add3A_1535 = vector.broadcast %add3A_1534 : i32 to vector<16xi32>
      %add3A_1536 = arith.addi %add3A_1535, %iota3A : vector<16xi32>
      %ge3A_1537 = vector.broadcast %squeeze3A : i32 to vector<16xi32>
      %ge3A_1538 = arith.cmpi sge, %add3A_1536, %ge3A_1537 : vector<16xi32>
      %lt3A_1539 = vector.broadcast %squeeze3A_11 : i32 to vector<16xi32>
      %lt3A_1540 = arith.cmpi slt, %add3A_1536, %lt3A_1539 : vector<16xi32>
      %and3A_1541 = arith.andi %ge3A_1538, %lt3A_1540 : vector<16xi1>
      %add3A_1542 = vector.broadcast %mul3A_4 : i32 to vector<16xi32>
      %add3A_1543 = arith.addi %max3A_1530, %add3A_1542 : vector<16xi32>
      %broadcast_in_dim3A_1544 = vector.broadcast %add3A_6 : i32 to vector<16xi32>
      %select_n3A_1545 = arith.select %and3A_1541, %add3A_1543, %broadcast_in_dim3A_1544 : vector<16xi1>, vector<16xi32>
      %swap3A_1546 = arith.constant 0 : i32
      %swap3A_1547 = arith.index_cast %swap3A_1546 : i32 to index
      %swap3A_1548 = arith.constant 32 : index
      %swap3A_1549 = tpu.vector_load %arg15[%swap3A_1547, %swap3A_1548] {strides = array<i32>} : memref<2x128xi32, #tpu.memory_space<vmem>>, vector<16xi32>,
      tpu.vector_store %arg15[%swap3A_1547, %swap3A_1548], %select_n3A_1545 {strides = array<i32>} : memref<2x128xi32, #tpu.memory_space<vmem>>, vector<16xi32>,
      %get3A_1550 = arith.constant 48 : index
      %get3A_1551 = tpu.vector_load %arg13[%get3A_1550] {strides = array<i32>} : memref<256xi32, #tpu.memory_space<vmem>>, vector<16xi32>,
      %broadcast_in_dim3A_1552 = arith.constant true
      %broadcast_in_dim3A_1553 = vector.broadcast %broadcast_in_dim3A_1552 : i1 to vector<16xi1>
      %masked_cummax3A_1554 = arith.constant -2147483648 : i32
      %masked_cummax3A_1555 = vector.broadcast %masked_cummax3A_1554 : i32 to vector<16xi32>
      %masked_cummax3A_1556 = arith.xori %get3A_1551, %masked_cummax3A_1555 : vector<16xi32>
      %masked_cummax3A_1557 = tpu.scan <max>, %masked_cummax3A_1556 masked %broadcast_in_dim3A_1553 : vector<16xi32>, vector<16xi1> -> vector<16xi32>
      %masked_cummax3A_1558 = arith.xori %masked_cummax3A_1557, %masked_cummax3A_1555 : vector<16xi32>
      %max3A_1559 = vector.broadcast %squeeze3A_1532 : i32 to vector<16xi32>
      %max3A_1560 = arith.maxsi %masked_cummax3A_1558, %max3A_1559 : vector<16xi32>
      %slice3A_1561 = vector.extract_strided_slice %max3A_1560 {offsets = [15], sizes = [1], strides = [1]} : vector<16xi32> to vector<1xi32>
      %squeeze3A_1562 = vector.extract %slice3A_1561[0] : i32 from vector<1xi32>
      %add3A_1563 = arith.constant 48 : i32
      %add3A_1564 = arith.addi %add3A_1363, %add3A_1563 : i32
      %add3A_1565 = vector.broadcast %add3A_1564 : i32 to vector<16xi32>
      %add3A_1566 = arith.addi %add3A_1565, %iota3A : vector<16xi32>
      %ge3A_1567 = vector.broadcast %squeeze3A : i32 to vector<16xi32>
      %ge3A_1568 = arith.cmpi sge, %add3A_1566, %ge3A_1567 : vector<16xi32>
      %lt3A_1569 = vector.broadcast %squeeze3A_11 : i32 to vector<16xi32>
      %lt3A_1570 = arith.cmpi slt, %add3A_1566, %lt3A_1569 : vector<16xi32>
      %and3A_1571 = arith.andi %ge3A_1568, %lt3A_1570 : vector<16xi1>
      %add3A_1572 = vector.broadcast %mul3A_4 : i32 to vector<16xi32>
      %add3A_1573 = arith.addi %max3A_1560, %add3A_1572 : vector<16xi32>
      %broadcast_in_dim3A_1574 = vector.broadcast %add3A_6 : i32 to vector<16xi32>
      %select_n3A_1575 = arith.select %and3A_1571, %add3A_1573, %broadcast_in_dim3A_1574 : vector<16xi1>, vector<16xi32>
      %swap3A_1576 = arith.constant 0 : i32
      %swap3A_1577 = arith.index_cast %swap3A_1576 : i32 to index
      %swap3A_1578 = arith.constant 48 : index
      %swap3A_1579 = tpu.vector_load %arg15[%swap3A_1577, %swap3A_1578] {strides = array<i32>} : memref<2x128xi32, #tpu.memory_space<vmem>>, vector<16xi32>,
      tpu.vector_store %arg15[%swap3A_1577, %swap3A_1578], %select_n3A_1575 {strides = array<i32>} : memref<2x128xi32, #tpu.memory_space<vmem>>, vector<16xi32>,
      %get3A_1580 = arith.constant 64 : index
      %get3A_1581 = tpu.vector_load %arg13[%get3A_1580] {strides = array<i32>} : memref<256xi32, #tpu.memory_space<vmem>>, vector<16xi32>,
      %broadcast_in_dim3A_1582 = arith.constant true
      %broadcast_in_dim3A_1583 = vector.broadcast %broadcast_in_dim3A_1582 : i1 to vector<16xi1>
      %masked_cummax3A_1584 = arith.constant -2147483648 : i32
      %masked_cummax3A_1585 = vector.broadcast %masked_cummax3A_1584 : i32 to vector<16xi32>
      %masked_cummax3A_1586 = arith.xori %get3A_1581, %masked_cummax3A_1585 : vector<16xi32>
      %masked_cummax3A_1587 = tpu.scan <max>, %masked_cummax3A_1586 masked %broadcast_in_dim3A_1583 : vector<16xi32>, vector<16xi1> -> vector<16xi32>
      %masked_cummax3A_1588 = arith.xori %masked_cummax3A_1587, %masked_cummax3A_1585 : vector<16xi32>
      %max3A_1589 = vector.broadcast %squeeze3A_1562 : i32 to vector<16xi32>
      %max3A_1590 = arith.maxsi %masked_cummax3A_1588, %max3A_1589 : vector<16xi32>
      %slice3A_1591 = vector.extract_strided_slice %max3A_1590 {offsets = [15], sizes = [1], strides = [1]} : vector<16xi32> to vector<1xi32>
      %squeeze3A_1592 = vector.extract %slice3A_1591[0] : i32 from vector<1xi32>
      %add3A_1593 = arith.constant 64 : i32
      %add3A_1594 = arith.addi %add3A_1363, %add3A_1593 : i32
      %add3A_1595 = vector.broadcast %add3A_1594 : i32 to vector<16xi32>
      %add3A_1596 = arith.addi %add3A_1595, %iota3A : vector<16xi32>
      %ge3A_1597 = vector.broadcast %squeeze3A : i32 to vector<16xi32>
      %ge3A_1598 = arith.cmpi sge, %add3A_1596, %ge3A_1597 : vector<16xi32>
      %lt3A_1599 = vector.broadcast %squeeze3A_11 : i32 to vector<16xi32>
      %lt3A_1600 = arith.cmpi slt, %add3A_1596, %lt3A_1599 : vector<16xi32>
      %and3A_1601 = arith.andi %ge3A_1598, %lt3A_1600 : vector<16xi1>
      %add3A_1602 = vector.broadcast %mul3A_4 : i32 to vector<16xi32>
      %add3A_1603 = arith.addi %max3A_1590, %add3A_1602 : vector<16xi32>
      %broadcast_in_dim3A_1604 = vector.broadcast %add3A_6 : i32 to vector<16xi32>
      %select_n3A_1605 = arith.select %and3A_1601, %add3A_1603, %broadcast_in_dim3A_1604 : vector<16xi1>, vector<16xi32>
      %swap3A_1606 = arith.constant 0 : i32
      %swap3A_1607 = arith.index_cast %swap3A_1606 : i32 to index
      %swap3A_1608 = arith.constant 64 : index
      %swap3A_1609 = tpu.vector_load %arg15[%swap3A_1607, %swap3A_1608] {strides = array<i32>} : memref<2x128xi32, #tpu.memory_space<vmem>>, vector<16xi32>,
      tpu.vector_store %arg15[%swap3A_1607, %swap3A_1608], %select_n3A_1605 {strides = array<i32>} : memref<2x128xi32, #tpu.memory_space<vmem>>, vector<16xi32>,
      %get3A_1610 = arith.constant 80 : index
      %get3A_1611 = tpu.vector_load %arg13[%get3A_1610] {strides = array<i32>} : memref<256xi32, #tpu.memory_space<vmem>>, vector<16xi32>,
      %broadcast_in_dim3A_1612 = arith.constant true
      %broadcast_in_dim3A_1613 = vector.broadcast %broadcast_in_dim3A_1612 : i1 to vector<16xi1>
      %masked_cummax3A_1614 = arith.constant -2147483648 : i32
      %masked_cummax3A_1615 = vector.broadcast %masked_cummax3A_1614 : i32 to vector<16xi32>
      %masked_cummax3A_1616 = arith.xori %get3A_1611, %masked_cummax3A_1615 : vector<16xi32>
      %masked_cummax3A_1617 = tpu.scan <max>, %masked_cummax3A_1616 masked %broadcast_in_dim3A_1613 : vector<16xi32>, vector<16xi1> -> vector<16xi32>
      %masked_cummax3A_1618 = arith.xori %masked_cummax3A_1617, %masked_cummax3A_1615 : vector<16xi32>
      %max3A_1619 = vector.broadcast %squeeze3A_1592 : i32 to vector<16xi32>
      %max3A_1620 = arith.maxsi %masked_cummax3A_1618, %max3A_1619 : vector<16xi32>
      %slice3A_1621 = vector.extract_strided_slice %max3A_1620 {offsets = [15], sizes = [1], strides = [1]} : vector<16xi32> to vector<1xi32>
      %squeeze3A_1622 = vector.extract %slice3A_1621[0] : i32 from vector<1xi32>
      %add3A_1623 = arith.constant 80 : i32
      %add3A_1624 = arith.addi %add3A_1363, %add3A_1623 : i32
      %add3A_1625 = vector.broadcast %add3A_1624 : i32 to vector<16xi32>
      %add3A_1626 = arith.addi %add3A_1625, %iota3A : vector<16xi32>
      %ge3A_1627 = vector.broadcast %squeeze3A : i32 to vector<16xi32>
      %ge3A_1628 = arith.cmpi sge, %add3A_1626, %ge3A_1627 : vector<16xi32>
      %lt3A_1629 = vector.broadcast %squeeze3A_11 : i32 to vector<16xi32>
      %lt3A_1630 = arith.cmpi slt, %add3A_1626, %lt3A_1629 : vector<16xi32>
      %and3A_1631 = arith.andi %ge3A_1628, %lt3A_1630 : vector<16xi1>
      %add3A_1632 = vector.broadcast %mul3A_4 : i32 to vector<16xi32>
      %add3A_1633 = arith.addi %max3A_1620, %add3A_1632 : vector<16xi32>
      %broadcast_in_dim3A_1634 = vector.broadcast %add3A_6 : i32 to vector<16xi32>
      %select_n3A_1635 = arith.select %and3A_1631, %add3A_1633, %broadcast_in_dim3A_1634 : vector<16xi1>, vector<16xi32>
      %swap3A_1636 = arith.constant 0 : i32
      %swap3A_1637 = arith.index_cast %swap3A_1636 : i32 to index
      %swap3A_1638 = arith.constant 80 : index
      %swap3A_1639 = tpu.vector_load %arg15[%swap3A_1637, %swap3A_1638] {strides = array<i32>} : memref<2x128xi32, #tpu.memory_space<vmem>>, vector<16xi32>,
      tpu.vector_store %arg15[%swap3A_1637, %swap3A_1638], %select_n3A_1635 {strides = array<i32>} : memref<2x128xi32, #tpu.memory_space<vmem>>, vector<16xi32>,
      %get3A_1640 = arith.constant 96 : index
      %get3A_1641 = tpu.vector_load %arg13[%get3A_1640] {strides = array<i32>} : memref<256xi32, #tpu.memory_space<vmem>>, vector<16xi32>,
      %broadcast_in_dim3A_1642 = arith.constant true
      %broadcast_in_dim3A_1643 = vector.broadcast %broadcast_in_dim3A_1642 : i1 to vector<16xi1>
      %masked_cummax3A_1644 = arith.constant -2147483648 : i32
      %masked_cummax3A_1645 = vector.broadcast %masked_cummax3A_1644 : i32 to vector<16xi32>
      %masked_cummax3A_1646 = arith.xori %get3A_1641, %masked_cummax3A_1645 : vector<16xi32>
      %masked_cummax3A_1647 = tpu.scan <max>, %masked_cummax3A_1646 masked %broadcast_in_dim3A_1643 : vector<16xi32>, vector<16xi1> -> vector<16xi32>
      %masked_cummax3A_1648 = arith.xori %masked_cummax3A_1647, %masked_cummax3A_1645 : vector<16xi32>
      %max3A_1649 = vector.broadcast %squeeze3A_1622 : i32 to vector<16xi32>
      %max3A_1650 = arith.maxsi %masked_cummax3A_1648, %max3A_1649 : vector<16xi32>
      %slice3A_1651 = vector.extract_strided_slice %max3A_1650 {offsets = [15], sizes = [1], strides = [1]} : vector<16xi32> to vector<1xi32>
      %squeeze3A_1652 = vector.extract %slice3A_1651[0] : i32 from vector<1xi32>
      %add3A_1653 = arith.constant 96 : i32
      %add3A_1654 = arith.addi %add3A_1363, %add3A_1653 : i32
      %add3A_1655 = vector.broadcast %add3A_1654 : i32 to vector<16xi32>
      %add3A_1656 = arith.addi %add3A_1655, %iota3A : vector<16xi32>
      %ge3A_1657 = vector.broadcast %squeeze3A : i32 to vector<16xi32>
      %ge3A_1658 = arith.cmpi sge, %add3A_1656, %ge3A_1657 : vector<16xi32>
      %lt3A_1659 = vector.broadcast %squeeze3A_11 : i32 to vector<16xi32>
      %lt3A_1660 = arith.cmpi slt, %add3A_1656, %lt3A_1659 : vector<16xi32>
      %and3A_1661 = arith.andi %ge3A_1658, %lt3A_1660 : vector<16xi1>
      %add3A_1662 = vector.broadcast %mul3A_4 : i32 to vector<16xi32>
      %add3A_1663 = arith.addi %max3A_1650, %add3A_1662 : vector<16xi32>
      %broadcast_in_dim3A_1664 = vector.broadcast %add3A_6 : i32 to vector<16xi32>
      %select_n3A_1665 = arith.select %and3A_1661, %add3A_1663, %broadcast_in_dim3A_1664 : vector<16xi1>, vector<16xi32>
      %swap3A_1666 = arith.constant 0 : i32
      %swap3A_1667 = arith.index_cast %swap3A_1666 : i32 to index
      %swap3A_1668 = arith.constant 96 : index
      %swap3A_1669 = tpu.vector_load %arg15[%swap3A_1667, %swap3A_1668] {strides = array<i32>} : memref<2x128xi32, #tpu.memory_space<vmem>>, vector<16xi32>,
      tpu.vector_store %arg15[%swap3A_1667, %swap3A_1668], %select_n3A_1665 {strides = array<i32>} : memref<2x128xi32, #tpu.memory_space<vmem>>, vector<16xi32>,
      %get3A_1670 = arith.constant 112 : index
      %get3A_1671 = tpu.vector_load %arg13[%get3A_1670] {strides = array<i32>} : memref<256xi32, #tpu.memory_space<vmem>>, vector<16xi32>,
      %broadcast_in_dim3A_1672 = arith.constant true
      %broadcast_in_dim3A_1673 = vector.broadcast %broadcast_in_dim3A_1672 : i1 to vector<16xi1>
      %masked_cummax3A_1674 = arith.constant -2147483648 : i32
      %masked_cummax3A_1675 = vector.broadcast %masked_cummax3A_1674 : i32 to vector<16xi32>
      %masked_cummax3A_1676 = arith.xori %get3A_1671, %masked_cummax3A_1675 : vector<16xi32>
      %masked_cummax3A_1677 = tpu.scan <max>, %masked_cummax3A_1676 masked %broadcast_in_dim3A_1673 : vector<16xi32>, vector<16xi1> -> vector<16xi32>
      %masked_cummax3A_1678 = arith.xori %masked_cummax3A_1677, %masked_cummax3A_1675 : vector<16xi32>
      %max3A_1679 = vector.broadcast %squeeze3A_1652 : i32 to vector<16xi32>
      %max3A_1680 = arith.maxsi %masked_cummax3A_1678, %max3A_1679 : vector<16xi32>
      %slice3A_1681 = vector.extract_strided_slice %max3A_1680 {offsets = [15], sizes = [1], strides = [1]} : vector<16xi32> to vector<1xi32>
      %squeeze3A_1682 = vector.extract %slice3A_1681[0] : i32 from vector<1xi32>
      %add3A_1683 = arith.constant 112 : i32
      %add3A_1684 = arith.addi %add3A_1363, %add3A_1683 : i32
      %add3A_1685 = vector.broadcast %add3A_1684 : i32 to vector<16xi32>
      %add3A_1686 = arith.addi %add3A_1685, %iota3A : vector<16xi32>
      %ge3A_1687 = vector.broadcast %squeeze3A : i32 to vector<16xi32>
      %ge3A_1688 = arith.cmpi sge, %add3A_1686, %ge3A_1687 : vector<16xi32>
      %lt3A_1689 = vector.broadcast %squeeze3A_11 : i32 to vector<16xi32>
      %lt3A_1690 = arith.cmpi slt, %add3A_1686, %lt3A_1689 : vector<16xi32>
      %and3A_1691 = arith.andi %ge3A_1688, %lt3A_1690 : vector<16xi1>
      %add3A_1692 = vector.broadcast %mul3A_4 : i32 to vector<16xi32>
      %add3A_1693 = arith.addi %max3A_1680, %add3A_1692 : vector<16xi32>
      %broadcast_in_dim3A_1694 = vector.broadcast %add3A_6 : i32 to vector<16xi32>
      %select_n3A_1695 = arith.select %and3A_1691, %add3A_1693, %broadcast_in_dim3A_1694 : vector<16xi1>, vector<16xi32>
      %swap3A_1696 = arith.constant 0 : i32
      %swap3A_1697 = arith.index_cast %swap3A_1696 : i32 to index
      %swap3A_1698 = arith.constant 112 : index
      %swap3A_1699 = tpu.vector_load %arg15[%swap3A_1697, %swap3A_1698] {strides = array<i32>} : memref<2x128xi32, #tpu.memory_space<vmem>>, vector<16xi32>,
      tpu.vector_store %arg15[%swap3A_1697, %swap3A_1698], %select_n3A_1695 {strides = array<i32>} : memref<2x128xi32, #tpu.memory_space<vmem>>, vector<16xi32>,
      %get3A_1700 = arith.constant 128 : index
      %get3A_1701 = tpu.vector_load %arg13[%get3A_1700] {strides = array<i32>} : memref<256xi32, #tpu.memory_space<vmem>>, vector<16xi32>,
      %broadcast_in_dim3A_1702 = arith.constant true
      %broadcast_in_dim3A_1703 = vector.broadcast %broadcast_in_dim3A_1702 : i1 to vector<16xi1>
      %masked_cummax3A_1704 = arith.constant -2147483648 : i32
      %masked_cummax3A_1705 = vector.broadcast %masked_cummax3A_1704 : i32 to vector<16xi32>
      %masked_cummax3A_1706 = arith.xori %get3A_1701, %masked_cummax3A_1705 : vector<16xi32>
      %masked_cummax3A_1707 = tpu.scan <max>, %masked_cummax3A_1706 masked %broadcast_in_dim3A_1703 : vector<16xi32>, vector<16xi1> -> vector<16xi32>
      %masked_cummax3A_1708 = arith.xori %masked_cummax3A_1707, %masked_cummax3A_1705 : vector<16xi32>
      %max3A_1709 = vector.broadcast %squeeze3A_1682 : i32 to vector<16xi32>
      %max3A_1710 = arith.maxsi %masked_cummax3A_1708, %max3A_1709 : vector<16xi32>
      %slice3A_1711 = vector.extract_strided_slice %max3A_1710 {offsets = [15], sizes = [1], strides = [1]} : vector<16xi32> to vector<1xi32>
      %squeeze3A_1712 = vector.extract %slice3A_1711[0] : i32 from vector<1xi32>
      %add3A_1713 = arith.constant 128 : i32
      %add3A_1714 = arith.addi %add3A_1363, %add3A_1713 : i32
      %add3A_1715 = vector.broadcast %add3A_1714 : i32 to vector<16xi32>
      %add3A_1716 = arith.addi %add3A_1715, %iota3A : vector<16xi32>
      %ge3A_1717 = vector.broadcast %squeeze3A : i32 to vector<16xi32>
      %ge3A_1718 = arith.cmpi sge, %add3A_1716, %ge3A_1717 : vector<16xi32>
      %lt3A_1719 = vector.broadcast %squeeze3A_11 : i32 to vector<16xi32>
      %lt3A_1720 = arith.cmpi slt, %add3A_1716, %lt3A_1719 : vector<16xi32>
      %and3A_1721 = arith.andi %ge3A_1718, %lt3A_1720 : vector<16xi1>
      %add3A_1722 = vector.broadcast %mul3A_4 : i32 to vector<16xi32>
      %add3A_1723 = arith.addi %max3A_1710, %add3A_1722 : vector<16xi32>
      %broadcast_in_dim3A_1724 = vector.broadcast %add3A_6 : i32 to vector<16xi32>
      %select_n3A_1725 = arith.select %and3A_1721, %add3A_1723, %broadcast_in_dim3A_1724 : vector<16xi1>, vector<16xi32>
      %swap3A_1726 = arith.constant 1 : i32
      %swap3A_1727 = arith.index_cast %swap3A_1726 : i32 to index
      %swap3A_1728 = arith.constant 0 : index
      %swap3A_1729 = tpu.vector_load %arg15[%swap3A_1727, %swap3A_1728] {strides = array<i32>} : memref<2x128xi32, #tpu.memory_space<vmem>>, vector<16xi32>,
      tpu.vector_store %arg15[%swap3A_1727, %swap3A_1728], %select_n3A_1725 {strides = array<i32>} : memref<2x128xi32, #tpu.memory_space<vmem>>, vector<16xi32>,
      %get3A_1730 = arith.constant 144 : index
      %get3A_1731 = tpu.vector_load %arg13[%get3A_1730] {strides = array<i32>} : memref<256xi32, #tpu.memory_space<vmem>>, vector<16xi32>,
      %broadcast_in_dim3A_1732 = arith.constant true
      %broadcast_in_dim3A_1733 = vector.broadcast %broadcast_in_dim3A_1732 : i1 to vector<16xi1>
      %masked_cummax3A_1734 = arith.constant -2147483648 : i32
      %masked_cummax3A_1735 = vector.broadcast %masked_cummax3A_1734 : i32 to vector<16xi32>
      %masked_cummax3A_1736 = arith.xori %get3A_1731, %masked_cummax3A_1735 : vector<16xi32>
      %masked_cummax3A_1737 = tpu.scan <max>, %masked_cummax3A_1736 masked %broadcast_in_dim3A_1733 : vector<16xi32>, vector<16xi1> -> vector<16xi32>
      %masked_cummax3A_1738 = arith.xori %masked_cummax3A_1737, %masked_cummax3A_1735 : vector<16xi32>
      %max3A_1739 = vector.broadcast %squeeze3A_1712 : i32 to vector<16xi32>
      %max3A_1740 = arith.maxsi %masked_cummax3A_1738, %max3A_1739 : vector<16xi32>
      %slice3A_1741 = vector.extract_strided_slice %max3A_1740 {offsets = [15], sizes = [1], strides = [1]} : vector<16xi32> to vector<1xi32>
      %squeeze3A_1742 = vector.extract %slice3A_1741[0] : i32 from vector<1xi32>
      %add3A_1743 = arith.constant 144 : i32
      %add3A_1744 = arith.addi %add3A_1363, %add3A_1743 : i32
      %add3A_1745 = vector.broadcast %add3A_1744 : i32 to vector<16xi32>
      %add3A_1746 = arith.addi %add3A_1745, %iota3A : vector<16xi32>
      %ge3A_1747 = vector.broadcast %squeeze3A : i32 to vector<16xi32>
      %ge3A_1748 = arith.cmpi sge, %add3A_1746, %ge3A_1747 : vector<16xi32>
      %lt3A_1749 = vector.broadcast %squeeze3A_11 : i32 to vector<16xi32>
      %lt3A_1750 = arith.cmpi slt, %add3A_1746, %lt3A_1749 : vector<16xi32>
      %and3A_1751 = arith.andi %ge3A_1748, %lt3A_1750 : vector<16xi1>
      %add3A_1752 = vector.broadcast %mul3A_4 : i32 to vector<16xi32>
      %add3A_1753 = arith.addi %max3A_1740, %add3A_1752 : vector<16xi32>
      %broadcast_in_dim3A_1754 = vector.broadcast %add3A_6 : i32 to vector<16xi32>
      %select_n3A_1755 = arith.select %and3A_1751, %add3A_1753, %broadcast_in_dim3A_1754 : vector<16xi1>, vector<16xi32>
      %swap3A_1756 = arith.constant 1 : i32
      %swap3A_1757 = arith.index_cast %swap3A_1756 : i32 to index
      %swap3A_1758 = arith.constant 16 : index
      %swap3A_1759 = tpu.vector_load %arg15[%swap3A_1757, %swap3A_1758] {strides = array<i32>} : memref<2x128xi32, #tpu.memory_space<vmem>>, vector<16xi32>,
      tpu.vector_store %arg15[%swap3A_1757, %swap3A_1758], %select_n3A_1755 {strides = array<i32>} : memref<2x128xi32, #tpu.memory_space<vmem>>, vector<16xi32>,
      %get3A_1760 = arith.constant 160 : index
      %get3A_1761 = tpu.vector_load %arg13[%get3A_1760] {strides = array<i32>} : memref<256xi32, #tpu.memory_space<vmem>>, vector<16xi32>,
      %broadcast_in_dim3A_1762 = arith.constant true
      %broadcast_in_dim3A_1763 = vector.broadcast %broadcast_in_dim3A_1762 : i1 to vector<16xi1>
      %masked_cummax3A_1764 = arith.constant -2147483648 : i32
      %masked_cummax3A_1765 = vector.broadcast %masked_cummax3A_1764 : i32 to vector<16xi32>
      %masked_cummax3A_1766 = arith.xori %get3A_1761, %masked_cummax3A_1765 : vector<16xi32>
      %masked_cummax3A_1767 = tpu.scan <max>, %masked_cummax3A_1766 masked %broadcast_in_dim3A_1763 : vector<16xi32>, vector<16xi1> -> vector<16xi32>
      %masked_cummax3A_1768 = arith.xori %masked_cummax3A_1767, %masked_cummax3A_1765 : vector<16xi32>
      %max3A_1769 = vector.broadcast %squeeze3A_1742 : i32 to vector<16xi32>
      %max3A_1770 = arith.maxsi %masked_cummax3A_1768, %max3A_1769 : vector<16xi32>
      %slice3A_1771 = vector.extract_strided_slice %max3A_1770 {offsets = [15], sizes = [1], strides = [1]} : vector<16xi32> to vector<1xi32>
      %squeeze3A_1772 = vector.extract %slice3A_1771[0] : i32 from vector<1xi32>
      %add3A_1773 = arith.constant 160 : i32
      %add3A_1774 = arith.addi %add3A_1363, %add3A_1773 : i32
      %add3A_1775 = vector.broadcast %add3A_1774 : i32 to vector<16xi32>
      %add3A_1776 = arith.addi %add3A_1775, %iota3A : vector<16xi32>
      %ge3A_1777 = vector.broadcast %squeeze3A : i32 to vector<16xi32>
      %ge3A_1778 = arith.cmpi sge, %add3A_1776, %ge3A_1777 : vector<16xi32>
      %lt3A_1779 = vector.broadcast %squeeze3A_11 : i32 to vector<16xi32>
      %lt3A_1780 = arith.cmpi slt, %add3A_1776, %lt3A_1779 : vector<16xi32>
      %and3A_1781 = arith.andi %ge3A_1778, %lt3A_1780 : vector<16xi1>
      %add3A_1782 = vector.broadcast %mul3A_4 : i32 to vector<16xi32>
      %add3A_1783 = arith.addi %max3A_1770, %add3A_1782 : vector<16xi32>
      %broadcast_in_dim3A_1784 = vector.broadcast %add3A_6 : i32 to vector<16xi32>
      %select_n3A_1785 = arith.select %and3A_1781, %add3A_1783, %broadcast_in_dim3A_1784 : vector<16xi1>, vector<16xi32>
      %swap3A_1786 = arith.constant 1 : i32
      %swap3A_1787 = arith.index_cast %swap3A_1786 : i32 to index
      %swap3A_1788 = arith.constant 32 : index
      %swap3A_1789 = tpu.vector_load %arg15[%swap3A_1787, %swap3A_1788] {strides = array<i32>} : memref<2x128xi32, #tpu.memory_space<vmem>>, vector<16xi32>,
      tpu.vector_store %arg15[%swap3A_1787, %swap3A_1788], %select_n3A_1785 {strides = array<i32>} : memref<2x128xi32, #tpu.memory_space<vmem>>, vector<16xi32>,
      %get3A_1790 = arith.constant 176 : index
      %get3A_1791 = tpu.vector_load %arg13[%get3A_1790] {strides = array<i32>} : memref<256xi32, #tpu.memory_space<vmem>>, vector<16xi32>,
      %broadcast_in_dim3A_1792 = arith.constant true
      %broadcast_in_dim3A_1793 = vector.broadcast %broadcast_in_dim3A_1792 : i1 to vector<16xi1>
      %masked_cummax3A_1794 = arith.constant -2147483648 : i32
      %masked_cummax3A_1795 = vector.broadcast %masked_cummax3A_1794 : i32 to vector<16xi32>
      %masked_cummax3A_1796 = arith.xori %get3A_1791, %masked_cummax3A_1795 : vector<16xi32>
      %masked_cummax3A_1797 = tpu.scan <max>, %masked_cummax3A_1796 masked %broadcast_in_dim3A_1793 : vector<16xi32>, vector<16xi1> -> vector<16xi32>
      %masked_cummax3A_1798 = arith.xori %masked_cummax3A_1797, %masked_cummax3A_1795 : vector<16xi32>
      %max3A_1799 = vector.broadcast %squeeze3A_1772 : i32 to vector<16xi32>
      %max3A_1800 = arith.maxsi %masked_cummax3A_1798, %max3A_1799 : vector<16xi32>
      %slice3A_1801 = vector.extract_strided_slice %max3A_1800 {offsets = [15], sizes = [1], strides = [1]} : vector<16xi32> to vector<1xi32>
      %squeeze3A_1802 = vector.extract %slice3A_1801[0] : i32 from vector<1xi32>
      %add3A_1803 = arith.constant 176 : i32
      %add3A_1804 = arith.addi %add3A_1363, %add3A_1803 : i32
      %add3A_1805 = vector.broadcast %add3A_1804 : i32 to vector<16xi32>
      %add3A_1806 = arith.addi %add3A_1805, %iota3A : vector<16xi32>
      %ge3A_1807 = vector.broadcast %squeeze3A : i32 to vector<16xi32>
      %ge3A_1808 = arith.cmpi sge, %add3A_1806, %ge3A_1807 : vector<16xi32>
      %lt3A_1809 = vector.broadcast %squeeze3A_11 : i32 to vector<16xi32>
      %lt3A_1810 = arith.cmpi slt, %add3A_1806, %lt3A_1809 : vector<16xi32>
      %and3A_1811 = arith.andi %ge3A_1808, %lt3A_1810 : vector<16xi1>
      %add3A_1812 = vector.broadcast %mul3A_4 : i32 to vector<16xi32>
      %add3A_1813 = arith.addi %max3A_1800, %add3A_1812 : vector<16xi32>
      %broadcast_in_dim3A_1814 = vector.broadcast %add3A_6 : i32 to vector<16xi32>
      %select_n3A_1815 = arith.select %and3A_1811, %add3A_1813, %broadcast_in_dim3A_1814 : vector<16xi1>, vector<16xi32>
      %swap3A_1816 = arith.constant 1 : i32
      %swap3A_1817 = arith.index_cast %swap3A_1816 : i32 to index
      %swap3A_1818 = arith.constant 48 : index
      %swap3A_1819 = tpu.vector_load %arg15[%swap3A_1817, %swap3A_1818] {strides = array<i32>} : memref<2x128xi32, #tpu.memory_space<vmem>>, vector<16xi32>,
      tpu.vector_store %arg15[%swap3A_1817, %swap3A_1818], %select_n3A_1815 {strides = array<i32>} : memref<2x128xi32, #tpu.memory_space<vmem>>, vector<16xi32>,
      %get3A_1820 = arith.constant 192 : index
      %get3A_1821 = tpu.vector_load %arg13[%get3A_1820] {strides = array<i32>} : memref<256xi32, #tpu.memory_space<vmem>>, vector<16xi32>,
      %broadcast_in_dim3A_1822 = arith.constant true
      %broadcast_in_dim3A_1823 = vector.broadcast %broadcast_in_dim3A_1822 : i1 to vector<16xi1>
      %masked_cummax3A_1824 = arith.constant -2147483648 : i32
      %masked_cummax3A_1825 = vector.broadcast %masked_cummax3A_1824 : i32 to vector<16xi32>
      %masked_cummax3A_1826 = arith.xori %get3A_1821, %masked_cummax3A_1825 : vector<16xi32>
      %masked_cummax3A_1827 = tpu.scan <max>, %masked_cummax3A_1826 masked %broadcast_in_dim3A_1823 : vector<16xi32>, vector<16xi1> -> vector<16xi32>
      %masked_cummax3A_1828 = arith.xori %masked_cummax3A_1827, %masked_cummax3A_1825 : vector<16xi32>
      %max3A_1829 = vector.broadcast %squeeze3A_1802 : i32 to vector<16xi32>
      %max3A_1830 = arith.maxsi %masked_cummax3A_1828, %max3A_1829 : vector<16xi32>
      %slice3A_1831 = vector.extract_strided_slice %max3A_1830 {offsets = [15], sizes = [1], strides = [1]} : vector<16xi32> to vector<1xi32>
      %squeeze3A_1832 = vector.extract %slice3A_1831[0] : i32 from vector<1xi32>
      %add3A_1833 = arith.constant 192 : i32
      %add3A_1834 = arith.addi %add3A_1363, %add3A_1833 : i32
      %add3A_1835 = vector.broadcast %add3A_1834 : i32 to vector<16xi32>
      %add3A_1836 = arith.addi %add3A_1835, %iota3A : vector<16xi32>
      %ge3A_1837 = vector.broadcast %squeeze3A : i32 to vector<16xi32>
      %ge3A_1838 = arith.cmpi sge, %add3A_1836, %ge3A_1837 : vector<16xi32>
      %lt3A_1839 = vector.broadcast %squeeze3A_11 : i32 to vector<16xi32>
      %lt3A_1840 = arith.cmpi slt, %add3A_1836, %lt3A_1839 : vector<16xi32>
      %and3A_1841 = arith.andi %ge3A_1838, %lt3A_1840 : vector<16xi1>
      %add3A_1842 = vector.broadcast %mul3A_4 : i32 to vector<16xi32>
      %add3A_1843 = arith.addi %max3A_1830, %add3A_1842 : vector<16xi32>
      %broadcast_in_dim3A_1844 = vector.broadcast %add3A_6 : i32 to vector<16xi32>
      %select_n3A_1845 = arith.select %and3A_1841, %add3A_1843, %broadcast_in_dim3A_1844 : vector<16xi1>, vector<16xi32>
      %swap3A_1846 = arith.constant 1 : i32
      %swap3A_1847 = arith.index_cast %swap3A_1846 : i32 to index
      %swap3A_1848 = arith.constant 64 : index
      %swap3A_1849 = tpu.vector_load %arg15[%swap3A_1847, %swap3A_1848] {strides = array<i32>} : memref<2x128xi32, #tpu.memory_space<vmem>>, vector<16xi32>,
      tpu.vector_store %arg15[%swap3A_1847, %swap3A_1848], %select_n3A_1845 {strides = array<i32>} : memref<2x128xi32, #tpu.memory_space<vmem>>, vector<16xi32>,
      %get3A_1850 = arith.constant 208 : index
      %get3A_1851 = tpu.vector_load %arg13[%get3A_1850] {strides = array<i32>} : memref<256xi32, #tpu.memory_space<vmem>>, vector<16xi32>,
      %broadcast_in_dim3A_1852 = arith.constant true
      %broadcast_in_dim3A_1853 = vector.broadcast %broadcast_in_dim3A_1852 : i1 to vector<16xi1>
      %masked_cummax3A_1854 = arith.constant -2147483648 : i32
      %masked_cummax3A_1855 = vector.broadcast %masked_cummax3A_1854 : i32 to vector<16xi32>
      %masked_cummax3A_1856 = arith.xori %get3A_1851, %masked_cummax3A_1855 : vector<16xi32>
      %masked_cummax3A_1857 = tpu.scan <max>, %masked_cummax3A_1856 masked %broadcast_in_dim3A_1853 : vector<16xi32>, vector<16xi1> -> vector<16xi32>
      %masked_cummax3A_1858 = arith.xori %masked_cummax3A_1857, %masked_cummax3A_1855 : vector<16xi32>
      %max3A_1859 = vector.broadcast %squeeze3A_1832 : i32 to vector<16xi32>
      %max3A_1860 = arith.maxsi %masked_cummax3A_1858, %max3A_1859 : vector<16xi32>
      %slice3A_1861 = vector.extract_strided_slice %max3A_1860 {offsets = [15], sizes = [1], strides = [1]} : vector<16xi32> to vector<1xi32>
      %squeeze3A_1862 = vector.extract %slice3A_1861[0] : i32 from vector<1xi32>
      %add3A_1863 = arith.constant 208 : i32
      %add3A_1864 = arith.addi %add3A_1363, %add3A_1863 : i32
      %add3A_1865 = vector.broadcast %add3A_1864 : i32 to vector<16xi32>
      %add3A_1866 = arith.addi %add3A_1865, %iota3A : vector<16xi32>
      %ge3A_1867 = vector.broadcast %squeeze3A : i32 to vector<16xi32>
      %ge3A_1868 = arith.cmpi sge, %add3A_1866, %ge3A_1867 : vector<16xi32>
      %lt3A_1869 = vector.broadcast %squeeze3A_11 : i32 to vector<16xi32>
      %lt3A_1870 = arith.cmpi slt, %add3A_1866, %lt3A_1869 : vector<16xi32>
      %and3A_1871 = arith.andi %ge3A_1868, %lt3A_1870 : vector<16xi1>
      %add3A_1872 = vector.broadcast %mul3A_4 : i32 to vector<16xi32>
      %add3A_1873 = arith.addi %max3A_1860, %add3A_1872 : vector<16xi32>
      %broadcast_in_dim3A_1874 = vector.broadcast %add3A_6 : i32 to vector<16xi32>
      %select_n3A_1875 = arith.select %and3A_1871, %add3A_1873, %broadcast_in_dim3A_1874 : vector<16xi1>, vector<16xi32>
      %swap3A_1876 = arith.constant 1 : i32
      %swap3A_1877 = arith.index_cast %swap3A_1876 : i32 to index
      %swap3A_1878 = arith.constant 80 : index
      %swap3A_1879 = tpu.vector_load %arg15[%swap3A_1877, %swap3A_1878] {strides = array<i32>} : memref<2x128xi32, #tpu.memory_space<vmem>>, vector<16xi32>,
      tpu.vector_store %arg15[%swap3A_1877, %swap3A_1878], %select_n3A_1875 {strides = array<i32>} : memref<2x128xi32, #tpu.memory_space<vmem>>, vector<16xi32>,
      %get3A_1880 = arith.constant 224 : index
      %get3A_1881 = tpu.vector_load %arg13[%get3A_1880] {strides = array<i32>} : memref<256xi32, #tpu.memory_space<vmem>>, vector<16xi32>,
      %broadcast_in_dim3A_1882 = arith.constant true
      %broadcast_in_dim3A_1883 = vector.broadcast %broadcast_in_dim3A_1882 : i1 to vector<16xi1>
      %masked_cummax3A_1884 = arith.constant -2147483648 : i32
      %masked_cummax3A_1885 = vector.broadcast %masked_cummax3A_1884 : i32 to vector<16xi32>
      %masked_cummax3A_1886 = arith.xori %get3A_1881, %masked_cummax3A_1885 : vector<16xi32>
      %masked_cummax3A_1887 = tpu.scan <max>, %masked_cummax3A_1886 masked %broadcast_in_dim3A_1883 : vector<16xi32>, vector<16xi1> -> vector<16xi32>
      %masked_cummax3A_1888 = arith.xori %masked_cummax3A_1887, %masked_cummax3A_1885 : vector<16xi32>
      %max3A_1889 = vector.broadcast %squeeze3A_1862 : i32 to vector<16xi32>
      %max3A_1890 = arith.maxsi %masked_cummax3A_1888, %max3A_1889 : vector<16xi32>
      %slice3A_1891 = vector.extract_strided_slice %max3A_1890 {offsets = [15], sizes = [1], strides = [1]} : vector<16xi32> to vector<1xi32>
      %squeeze3A_1892 = vector.extract %slice3A_1891[0] : i32 from vector<1xi32>
      %add3A_1893 = arith.constant 224 : i32
      %add3A_1894 = arith.addi %add3A_1363, %add3A_1893 : i32
      %add3A_1895 = vector.broadcast %add3A_1894 : i32 to vector<16xi32>
      %add3A_1896 = arith.addi %add3A_1895, %iota3A : vector<16xi32>
      %ge3A_1897 = vector.broadcast %squeeze3A : i32 to vector<16xi32>
      %ge3A_1898 = arith.cmpi sge, %add3A_1896, %ge3A_1897 : vector<16xi32>
      %lt3A_1899 = vector.broadcast %squeeze3A_11 : i32 to vector<16xi32>
      %lt3A_1900 = arith.cmpi slt, %add3A_1896, %lt3A_1899 : vector<16xi32>
      %and3A_1901 = arith.andi %ge3A_1898, %lt3A_1900 : vector<16xi1>
      %add3A_1902 = vector.broadcast %mul3A_4 : i32 to vector<16xi32>
      %add3A_1903 = arith.addi %max3A_1890, %add3A_1902 : vector<16xi32>
      %broadcast_in_dim3A_1904 = vector.broadcast %add3A_6 : i32 to vector<16xi32>
      %select_n3A_1905 = arith.select %and3A_1901, %add3A_1903, %broadcast_in_dim3A_1904 : vector<16xi1>, vector<16xi32>
      %swap3A_1906 = arith.constant 1 : i32
      %swap3A_1907 = arith.index_cast %swap3A_1906 : i32 to index
      %swap3A_1908 = arith.constant 96 : index
      %swap3A_1909 = tpu.vector_load %arg15[%swap3A_1907, %swap3A_1908] {strides = array<i32>} : memref<2x128xi32, #tpu.memory_space<vmem>>, vector<16xi32>,
      tpu.vector_store %arg15[%swap3A_1907, %swap3A_1908], %select_n3A_1905 {strides = array<i32>} : memref<2x128xi32, #tpu.memory_space<vmem>>, vector<16xi32>,
      %get3A_1910 = arith.constant 240 : index
      %get3A_1911 = tpu.vector_load %arg13[%get3A_1910] {strides = array<i32>} : memref<256xi32, #tpu.memory_space<vmem>>, vector<16xi32>,
      %broadcast_in_dim3A_1912 = arith.constant true
      %broadcast_in_dim3A_1913 = vector.broadcast %broadcast_in_dim3A_1912 : i1 to vector<16xi1>
      %masked_cummax3A_1914 = arith.constant -2147483648 : i32
      %masked_cummax3A_1915 = vector.broadcast %masked_cummax3A_1914 : i32 to vector<16xi32>
      %masked_cummax3A_1916 = arith.xori %get3A_1911, %masked_cummax3A_1915 : vector<16xi32>
      %masked_cummax3A_1917 = tpu.scan <max>, %masked_cummax3A_1916 masked %broadcast_in_dim3A_1913 : vector<16xi32>, vector<16xi1> -> vector<16xi32>
      %masked_cummax3A_1918 = arith.xori %masked_cummax3A_1917, %masked_cummax3A_1915 : vector<16xi32>
      %max3A_1919 = vector.broadcast %squeeze3A_1892 : i32 to vector<16xi32>
      %max3A_1920 = arith.maxsi %masked_cummax3A_1918, %max3A_1919 : vector<16xi32>
      %slice3A_1921 = vector.extract_strided_slice %max3A_1920 {offsets = [15], sizes = [1], strides = [1]} : vector<16xi32> to vector<1xi32>
      %squeeze3A_1922 = vector.extract %slice3A_1921[0] : i32 from vector<1xi32>
      %add3A_1923 = arith.constant 240 : i32
      %add3A_1924 = arith.addi %add3A_1363, %add3A_1923 : i32
      %add3A_1925 = vector.broadcast %add3A_1924 : i32 to vector<16xi32>
      %add3A_1926 = arith.addi %add3A_1925, %iota3A : vector<16xi32>
      %ge3A_1927 = vector.broadcast %squeeze3A : i32 to vector<16xi32>
      %ge3A_1928 = arith.cmpi sge, %add3A_1926, %ge3A_1927 : vector<16xi32>
      %lt3A_1929 = vector.broadcast %squeeze3A_11 : i32 to vector<16xi32>
      %lt3A_1930 = arith.cmpi slt, %add3A_1926, %lt3A_1929 : vector<16xi32>
      %and3A_1931 = arith.andi %ge3A_1928, %lt3A_1930 : vector<16xi1>
      %add3A_1932 = vector.broadcast %mul3A_4 : i32 to vector<16xi32>
      %add3A_1933 = arith.addi %max3A_1920, %add3A_1932 : vector<16xi32>
      %broadcast_in_dim3A_1934 = vector.broadcast %add3A_6 : i32 to vector<16xi32>
      %select_n3A_1935 = arith.select %and3A_1931, %add3A_1933, %broadcast_in_dim3A_1934 : vector<16xi1>, vector<16xi32>
      %swap3A_1936 = arith.constant 1 : i32
      %swap3A_1937 = arith.index_cast %swap3A_1936 : i32 to index
      %swap3A_1938 = arith.constant 112 : index
      %swap3A_1939 = tpu.vector_load %arg15[%swap3A_1937, %swap3A_1938] {strides = array<i32>} : memref<2x128xi32, #tpu.memory_space<vmem>>, vector<16xi32>,
      tpu.vector_store %arg15[%swap3A_1937, %swap3A_1938], %select_n3A_1935 {strides = array<i32>} : memref<2x128xi32, #tpu.memory_space<vmem>>, vector<16xi32>,
      %dma_start3A_1940 = arith.constant 0 : i32
      %dma_start3A_1941 = arith.constant 0 : i32
      %dma_start3A_1942 = arith.constant 0 : i32
      %dma_start3A_1943 = tpu.memref_slice %arg12[%dma_start3A_1941, %dma_start3A_1942] : memref<256x32xf32, #tpu.memory_space<vmem>> -> memref<128x32xf32, #tpu.memory_space<vmem>>
      %dma_start3A_1944 = arith.constant 0 : i32
      %dma_start3A_1945 = tpu.memref_slice %arg15[%dma_start3A_1940, %dma_start3A_1944] : memref<2x128xi32, #tpu.memory_space<vmem>> -> memref<1x128xi32, #tpu.memory_space<vmem>>
      %dma_start3A_1946 = tpu.memref_squeeze %dma_start3A_1945 : memref<1x128xi32, #tpu.memory_space<vmem>> -> memref<128xi32, #tpu.memory_space<vmem>>
      %dma_start3A_1947 = arith.constant 0 : i32
      %dma_start3A_1948 = arith.constant 0 : i32
      %dma_start3A_1949 = tpu.memref_slice %arg16[%dma_start3A_1947, %dma_start3A_1948] : memref<53376x32xf32, #tpu.memory_space<vmem_shared>> -> memref<53376x32xf32, #tpu.memory_space<vmem_shared>>
      tpu.enqueue_indirect_dma source(%dma_start3A_1943 : memref<128x32xf32, #tpu.memory_space<vmem>>) target(%dma_start3A_1949 : memref<53376x32xf32, #tpu.memory_space<vmem_shared>>) offsets(%dma_start3A_1946 : memref<128xi32, #tpu.memory_space<vmem>>) semaphore(%arg22 : memref<!tpu.dma_semaphore, #tpu.memory_space<semaphore_mem>>) {add = true}
      %dma_start3A_1950 = arith.constant 1 : i32
      %dma_start3A_1951 = arith.constant 128 : i32
      %dma_start3A_1952 = arith.constant 0 : i32
      %dma_start3A_1953 = tpu.memref_slice %arg12[%dma_start3A_1951, %dma_start3A_1952] : memref<256x32xf32, #tpu.memory_space<vmem>> -> memref<128x32xf32, #tpu.memory_space<vmem>>
      %dma_start3A_1954 = arith.constant 0 : i32
      %dma_start3A_1955 = tpu.memref_slice %arg15[%dma_start3A_1950, %dma_start3A_1954] : memref<2x128xi32, #tpu.memory_space<vmem>> -> memref<1x128xi32, #tpu.memory_space<vmem>>
      %dma_start3A_1956 = tpu.memref_squeeze %dma_start3A_1955 : memref<1x128xi32, #tpu.memory_space<vmem>> -> memref<128xi32, #tpu.memory_space<vmem>>
      %dma_start3A_1957 = arith.constant 0 : i32
      %dma_start3A_1958 = arith.constant 0 : i32
      %dma_start3A_1959 = tpu.memref_slice %arg16[%dma_start3A_1957, %dma_start3A_1958] : memref<53376x32xf32, #tpu.memory_space<vmem_shared>> -> memref<53376x32xf32, #tpu.memory_space<vmem_shared>>
      tpu.enqueue_indirect_dma source(%dma_start3A_1953 : memref<128x32xf32, #tpu.memory_space<vmem>>) target(%dma_start3A_1959 : memref<53376x32xf32, #tpu.memory_space<vmem_shared>>) offsets(%dma_start3A_1956 : memref<128xi32, #tpu.memory_space<vmem>>) semaphore(%arg22 : memref<!tpu.dma_semaphore, #tpu.memory_space<semaphore_mem>>) {add = true}
      scf.yield %scan3A_1385#0 : i32
    }
    %while3A_659 = arith.constant 1 : i32
    %while3A_660 = scf.for %while3A_701 = %while3A_656 to %while3A_652 step %while3A_659 iter_args(%while3A_702 = %while3A_658) -> (i32)  : i32 {
      %mul3A_703 = arith.constant 2 : i32
      %mul3A_704 = arith.muli %while3A_701, %mul3A_703 : i32
      %add3A_705 = arith.constant 1 : i32
      %add3A_706 = arith.addi %mul3A_704, %add3A_705 : i32
      %dma_wait3A_707 = arith.constant 0 : i32
      %dma_wait3A_708 = arith.constant 0 : i32
      %dma_wait3A_709 = arith.constant 0 : i32
      %dma_wait3A_710 = tpu.memref_slice %arg12[%dma_wait3A_708, %dma_wait3A_709] : memref<256x32xf32, #tpu.memory_space<vmem>> -> memref<128x32xf32, #tpu.memory_space<vmem>>
      %dma_wait3A_711 = arith.constant 0 : i32
      %dma_wait3A_712 = tpu.memref_slice %arg15[%dma_wait3A_707, %dma_wait3A_711] : memref<2x128xi32, #tpu.memory_space<vmem>> -> memref<1x128xi32, #tpu.memory_space<vmem>>
      %dma_wait3A_713 = tpu.memref_squeeze %dma_wait3A_712 : memref<1x128xi32, #tpu.memory_space<vmem>> -> memref<128xi32, #tpu.memory_space<vmem>>
      %dma_wait3A_714 = arith.constant 0 : i32
      %dma_wait3A_715 = arith.constant 0 : i32
      %dma_wait3A_716 = tpu.memref_slice %arg16[%dma_wait3A_714, %dma_wait3A_715] : memref<53376x32xf32, #tpu.memory_space<vmem_shared>> -> memref<53376x32xf32, #tpu.memory_space<vmem_shared>>
      tpu.wait_indirect_dma semaphore(%arg22 : memref<!tpu.dma_semaphore, #tpu.memory_space<semaphore_mem>>) src(%dma_wait3A_710 : memref<128x32xf32, #tpu.memory_space<vmem>>) dst(%dma_wait3A_716 : memref<53376x32xf32, #tpu.memory_space<vmem_shared>>)
      %dma_wait3A_717 = arith.constant 1 : i32
      %dma_wait3A_718 = arith.constant 128 : i32
      %dma_wait3A_719 = arith.constant 0 : i32
      %dma_wait3A_720 = tpu.memref_slice %arg12[%dma_wait3A_718, %dma_wait3A_719] : memref<256x32xf32, #tpu.memory_space<vmem>> -> memref<128x32xf32, #tpu.memory_space<vmem>>
      %dma_wait3A_721 = arith.constant 0 : i32
      %dma_wait3A_722 = tpu.memref_slice %arg15[%dma_wait3A_717, %dma_wait3A_721] : memref<2x128xi32, #tpu.memory_space<vmem>> -> memref<1x128xi32, #tpu.memory_space<vmem>>
      %dma_wait3A_723 = tpu.memref_squeeze %dma_wait3A_722 : memref<1x128xi32, #tpu.memory_space<vmem>> -> memref<128xi32, #tpu.memory_space<vmem>>
      %dma_wait3A_724 = arith.constant 0 : i32
      %dma_wait3A_725 = arith.constant 0 : i32
      %dma_wait3A_726 = tpu.memref_slice %arg16[%dma_wait3A_724, %dma_wait3A_725] : memref<53376x32xf32, #tpu.memory_space<vmem_shared>> -> memref<53376x32xf32, #tpu.memory_space<vmem_shared>>
      tpu.wait_indirect_dma semaphore(%arg22 : memref<!tpu.dma_semaphore, #tpu.memory_space<semaphore_mem>>) src(%dma_wait3A_720 : memref<128x32xf32, #tpu.memory_space<vmem>>) dst(%dma_wait3A_726 : memref<53376x32xf32, #tpu.memory_space<vmem_shared>>)
      %dma_wait3A_727 = arith.constant 0 : i32
      %dma_wait3A_728 = tpu.memref_slice %arg2[%dma_wait3A_727] : memref<426504xi32, #tpu.memory_space<hbm>> -> memref<128xi32, #tpu.memory_space<hbm>>
      %dma_wait3A_729 = arith.constant 0 : i32
      %dma_wait3A_730 = tpu.memref_slice %arg2[%dma_wait3A_729] : memref<426504xi32, #tpu.memory_space<hbm>> -> memref<128xi32, #tpu.memory_space<hbm>>
      tpu.wait_dma2 semaphore(%arg18 : memref<!tpu.dma_semaphore, #tpu.memory_space<semaphore_mem>>) src(%dma_wait3A_730 : memref<128xi32, #tpu.memory_space<hbm>>) dst(%arg9 : memref<128xi32, #tpu.memory_space<vmem>>)
      %dma_wait3A_731 = arith.constant 0 : i32
      %dma_wait3A_732 = tpu.memref_slice %arg2[%dma_wait3A_731] : memref<426504xi32, #tpu.memory_space<hbm>> -> memref<128xi32, #tpu.memory_space<hbm>>
      %dma_wait3A_733 = arith.constant 0 : i32
      %dma_wait3A_734 = tpu.memref_slice %arg2[%dma_wait3A_733] : memref<426504xi32, #tpu.memory_space<hbm>> -> memref<128xi32, #tpu.memory_space<hbm>>
      tpu.wait_dma2 semaphore(%arg18 : memref<!tpu.dma_semaphore, #tpu.memory_space<semaphore_mem>>) src(%dma_wait3A_734 : memref<128xi32, #tpu.memory_space<hbm>>) dst(%arg10 : memref<128xi32, #tpu.memory_space<vmem>>)
      %dma_start3A_735 = arith.constant 0 : i32
      %dma_start3A_736 = arith.constant 0 : i32
      %dma_start3A_737 = tpu.memref_slice %arg12[%dma_start3A_735, %dma_start3A_736] : memref<256x32xf32, #tpu.memory_space<vmem>> -> memref<128x32xf32, #tpu.memory_space<vmem>>
      %dma_start3A_738 = arith.constant 0 : i32
      %dma_start3A_739 = arith.constant 0 : i32
      %dma_start3A_740 = tpu.memref_slice %arg4[%dma_start3A_738, %dma_start3A_739] : memref<1000000x32xf32, #tpu.memory_space<hbm>> -> memref<1000000x32xf32, #tpu.memory_space<hbm>>
      tpu.enqueue_indirect_dma source(%dma_start3A_740 : memref<1000000x32xf32, #tpu.memory_space<hbm>>) target(%dma_start3A_737 : memref<128x32xf32, #tpu.memory_space<vmem>>) offsets(%arg9 : memref<128xi32, #tpu.memory_space<vmem>>) semaphore(%arg20 : memref<!tpu.dma_semaphore, #tpu.memory_space<semaphore_mem>>)
      %dma_start3A_741 = arith.constant 128 : i32
      %dma_start3A_742 = arith.constant 0 : i32
      %dma_start3A_743 = tpu.memref_slice %arg12[%dma_start3A_741, %dma_start3A_742] : memref<256x32xf32, #tpu.memory_space<vmem>> -> memref<128x32xf32, #tpu.memory_space<vmem>>
      %dma_start3A_744 = arith.constant 0 : i32
      %dma_start3A_745 = arith.constant 0 : i32
      %dma_start3A_746 = tpu.memref_slice %arg4[%dma_start3A_744, %dma_start3A_745] : memref<1000000x32xf32, #tpu.memory_space<hbm>> -> memref<1000000x32xf32, #tpu.memory_space<hbm>>
      tpu.enqueue_indirect_dma source(%dma_start3A_746 : memref<1000000x32xf32, #tpu.memory_space<hbm>>) target(%dma_start3A_743 : memref<128x32xf32, #tpu.memory_space<vmem>>) offsets(%arg10 : memref<128xi32, #tpu.memory_space<vmem>>) semaphore(%arg20 : memref<!tpu.dma_semaphore, #tpu.memory_space<semaphore_mem>>)
      %add3A_747 = arith.constant 2 : i32
      %add3A_748 = arith.addi %mul3A_704, %add3A_747 : i32
      %lt3A = arith.cmpi slt, %add3A_748, %mul3A_87 : i32
      %convert_element_type3A = arith.extui %lt3A : i1 to i32
      %cond3A = arith.constant 0 : i32
      %cond3A_749 = arith.cmpi ne, %convert_element_type3A, %cond3A : i32
      scf.if %cond3A_749 {
        %add3A_1960 = arith.constant 2 : i32
        %add3A_1961 = arith.addi %mul3A_704, %add3A_1960 : i32
        %mul3A_1962 = arith.constant 256 : i32
        %mul3A_1963 = arith.muli %add3A_1961, %mul3A_1962 : i32
        %add3A_1964 = arith.addi %mul3A_29, %mul3A_1963 : i32
        %dma_start3A_1965 = tpu.memref_slice %arg2[%add3A_1964] : memref<426504xi32, #tpu.memory_space<hbm>> -> memref<128xi32, #tpu.memory_space<hbm>>
        %dma_start3A_1966 = tpu.memref_slice %arg2[%add3A_1964] : memref<426504xi32, #tpu.memory_space<hbm>> -> memref<128xi32, #tpu.memory_space<hbm>>
        tpu.enqueue_dma source(%dma_start3A_1966 : memref<128xi32, #tpu.memory_space<hbm>>) target(%arg7 : memref<128xi32, #tpu.memory_space<vmem>>) target_semaphore(%arg17 : memref<!tpu.dma_semaphore, #tpu.memory_space<semaphore_mem>>)
        %add3A_1967 = arith.constant 128 : i32
        %add3A_1968 = arith.addi %add3A_1964, %add3A_1967 : i32
        %dma_start3A_1969 = tpu.memref_slice %arg2[%add3A_1968] : memref<426504xi32, #tpu.memory_space<hbm>> -> memref<128xi32, #tpu.memory_space<hbm>>
        %dma_start3A_1970 = tpu.memref_slice %arg2[%add3A_1968] : memref<426504xi32, #tpu.memory_space<hbm>> -> memref<128xi32, #tpu.memory_space<hbm>>
        tpu.enqueue_dma source(%dma_start3A_1970 : memref<128xi32, #tpu.memory_space<hbm>>) target(%arg8 : memref<128xi32, #tpu.memory_space<vmem>>) target_semaphore(%arg17 : memref<!tpu.dma_semaphore, #tpu.memory_space<semaphore_mem>>)
      } else {
      }
      %mul3A_750 = arith.constant 256 : i32
      %mul3A_751 = arith.muli %mul3A_704, %mul3A_750 : i32
      %add3A_752 = arith.addi %mul3A_29, %mul3A_751 : i32
      %dma_wait3A_753 = arith.constant 0 : i32
      %dma_wait3A_754 = arith.constant 0 : i32
      %dma_wait3A_755 = tpu.memref_slice %arg11[%dma_wait3A_753, %dma_wait3A_754] : memref<256x32xf32, #tpu.memory_space<vmem>> -> memref<128x32xf32, #tpu.memory_space<vmem>>
      %dma_wait3A_756 = arith.constant 0 : i32
      %dma_wait3A_757 = arith.constant 0 : i32
      %dma_wait3A_758 = tpu.memref_slice %arg4[%dma_wait3A_756, %dma_wait3A_757] : memref<1000000x32xf32, #tpu.memory_space<hbm>> -> memref<1000000x32xf32, #tpu.memory_space<hbm>>
      tpu.wait_indirect_dma semaphore(%arg19 : memref<!tpu.dma_semaphore, #tpu.memory_space<semaphore_mem>>) src(%dma_wait3A_758 : memref<1000000x32xf32, #tpu.memory_space<hbm>>) dst(%dma_wait3A_755 : memref<128x32xf32, #tpu.memory_space<vmem>>)
      %dma_wait3A_759 = arith.constant 128 : i32
      %dma_wait3A_760 = arith.constant 0 : i32
      %dma_wait3A_761 = tpu.memref_slice %arg11[%dma_wait3A_759, %dma_wait3A_760] : memref<256x32xf32, #tpu.memory_space<vmem>> -> memref<128x32xf32, #tpu.memory_space<vmem>>
      %dma_wait3A_762 = arith.constant 0 : i32
      %dma_wait3A_763 = arith.constant 0 : i32
      %dma_wait3A_764 = tpu.memref_slice %arg4[%dma_wait3A_762, %dma_wait3A_763] : memref<1000000x32xf32, #tpu.memory_space<hbm>> -> memref<1000000x32xf32, #tpu.memory_space<hbm>>
      tpu.wait_indirect_dma semaphore(%arg19 : memref<!tpu.dma_semaphore, #tpu.memory_space<semaphore_mem>>) src(%dma_wait3A_764 : memref<1000000x32xf32, #tpu.memory_space<hbm>>) dst(%dma_wait3A_761 : memref<128x32xf32, #tpu.memory_space<vmem>>)
      %add3A_765 = arith.constant 256 : i32
      %add3A_766 = arith.addi %add3A_752, %add3A_765 : i32
      %sub3A_767 = arith.constant 1 : i32
      %sub3A_768 = arith.subi %add3A_766, %sub3A_767 : i32
      %scan3A_769 = arith.constant 3328 : i32
      %scan3A_770 = arith.constant 0 : i32
      %scan3A_771 = arith.constant 12 : i32
      %scan3A_772 = arith.addi %scan3A_770, %scan3A_771 : i32
      %scan3A_773 = arith.constant 1 : i32
      %scan3A_774:2 = scf.for %scan3A_1960 = %scan3A_770 to %scan3A_772 step %scan3A_773 iter_args(%scan3A_1961 = %while3A_702, %scan3A_1962 = %scan3A_769) -> (i32, i32)  : i32 {
        %add3A_1963 = arith.addi %scan3A_1961, %scan3A_1962 : i32
        %jit3A_1964 = arith.constant 2 : i32
        %div3A_1965 = arith.divsi %add3A_1963, %jit3A_1964 : i32
        %sign3A_1966 = arith.constant 0 : i32
        %sign3A_1967 = arith.cmpi sgt, %add3A_1963, %sign3A_1966 : i32
        %sign3A_1968 = arith.extui %sign3A_1967 : i1 to i32
        %sign3A_1969 = arith.constant 0 : i32
        %sign3A_1970 = arith.cmpi slt, %add3A_1963, %sign3A_1969 : i32
        %sign3A_1971 = arith.extui %sign3A_1970 : i1 to i32
        %sign3A_1972 = arith.subi %sign3A_1968, %sign3A_1971 : i32
        %sign3A_1973 = arith.constant 0 : i32
        %sign3A_1974 = arith.cmpi sgt, %jit3A_1964, %sign3A_1973 : i32
        %sign3A_1975 = arith.extui %sign3A_1974 : i1 to i32
        %sign3A_1976 = arith.constant 0 : i32
        %sign3A_1977 = arith.cmpi slt, %jit3A_1964, %sign3A_1976 : i32
        %sign3A_1978 = arith.extui %sign3A_1977 : i1 to i32
        %sign3A_1979 = arith.subi %sign3A_1975, %sign3A_1978 : i32
        %ne3A_1980 = arith.cmpi ne, %sign3A_1972, %sign3A_1979 : i32
        %rem3A_1981 = arith.remsi %add3A_1963, %jit3A_1964 : i32
        %ne3A_1982 = arith.constant 0 : i32
        %ne3A_1983 = arith.cmpi ne, %rem3A_1981, %ne3A_1982 : i32
        %and3A_1984 = arith.andi %ne3A_1980, %ne3A_1983 : i1
        %sub3A_1985 = arith.constant 1 : i32
        %sub3A_1986 = arith.subi %div3A_1965, %sub3A_1985 : i32
        %select_n3A_1987 = arith.select %and3A_1984, %sub3A_1986, %div3A_1965 : i32
        %lt3A_1988 = arith.cmpi slt, %scan3A_1961, %scan3A_1962 : i32
        %add3A_1989 = arith.constant 1 : i32
        %add3A_1990 = arith.addi %select_n3A_1987, %add3A_1989 : i32
        %get3A_1991 = arith.index_cast %add3A_1990 : i32 to index
        %get3A_1992 = tpu.vector_load %arg6[%get3A_1991] {strides = array<i32>} : memref<3352xi32, #tpu.memory_space<vmem>>, vector<16xi32>,
        %slice3A_1993 = vector.extract_strided_slice %get3A_1992 {offsets = [0], sizes = [1], strides = [1]} : vector<16xi32> to vector<1xi32>
        %squeeze3A_1994 = vector.extract %slice3A_1993[0] : i32 from vector<1xi32>
        %le3A = arith.cmpi sle, %squeeze3A_1994, %sub3A_768 : i32
        %and3A_1995 = arith.andi %lt3A_1988, %le3A : i1
        %add3A_1996 = arith.constant 1 : i32
        %add3A_1997 = arith.addi %select_n3A_1987, %add3A_1996 : i32
        %select_n3A_1998 = arith.select %and3A_1995, %add3A_1997, %scan3A_1961 : i32
        %select_n3A_1999 = arith.select %and3A_1995, %scan3A_1962, %select_n3A_1987 : i32
        scf.yield %select_n3A_1998, %select_n3A_1999 : i32, i32
      }
      %scan3A_775 = arith.constant 12 : i32
      %swap3A_776 = arith.constant 0 : index
      %swap3A_777 = tpu.vector_load %arg13[%swap3A_776] {strides = array<i32>} : memref<256xi32, #tpu.memory_space<vmem>>, vector<16xi32>,
      tpu.vector_store %arg13[%swap3A_776], %broadcast_in_dim3A_90 {strides = array<i32>} : memref<256xi32, #tpu.memory_space<vmem>>, vector<16xi32>,
      %swap3A_778 = arith.constant 16 : index
      %swap3A_779 = tpu.vector_load %arg13[%swap3A_778] {strides = array<i32>} : memref<256xi32, #tpu.memory_space<vmem>>, vector<16xi32>,
      tpu.vector_store %arg13[%swap3A_778], %broadcast_in_dim3A_90 {strides = array<i32>} : memref<256xi32, #tpu.memory_space<vmem>>, vector<16xi32>,
      %swap3A_780 = arith.constant 32 : index
      %swap3A_781 = tpu.vector_load %arg13[%swap3A_780] {strides = array<i32>} : memref<256xi32, #tpu.memory_space<vmem>>, vector<16xi32>,
      tpu.vector_store %arg13[%swap3A_780], %broadcast_in_dim3A_90 {strides = array<i32>} : memref<256xi32, #tpu.memory_space<vmem>>, vector<16xi32>,
      %swap3A_782 = arith.constant 48 : index
      %swap3A_783 = tpu.vector_load %arg13[%swap3A_782] {strides = array<i32>} : memref<256xi32, #tpu.memory_space<vmem>>, vector<16xi32>,
      tpu.vector_store %arg13[%swap3A_782], %broadcast_in_dim3A_90 {strides = array<i32>} : memref<256xi32, #tpu.memory_space<vmem>>, vector<16xi32>,
      %swap3A_784 = arith.constant 64 : index
      %swap3A_785 = tpu.vector_load %arg13[%swap3A_784] {strides = array<i32>} : memref<256xi32, #tpu.memory_space<vmem>>, vector<16xi32>,
      tpu.vector_store %arg13[%swap3A_784], %broadcast_in_dim3A_90 {strides = array<i32>} : memref<256xi32, #tpu.memory_space<vmem>>, vector<16xi32>,
      %swap3A_786 = arith.constant 80 : index
      %swap3A_787 = tpu.vector_load %arg13[%swap3A_786] {strides = array<i32>} : memref<256xi32, #tpu.memory_space<vmem>>, vector<16xi32>,
      tpu.vector_store %arg13[%swap3A_786], %broadcast_in_dim3A_90 {strides = array<i32>} : memref<256xi32, #tpu.memory_space<vmem>>, vector<16xi32>,
      %swap3A_788 = arith.constant 96 : index
      %swap3A_789 = tpu.vector_load %arg13[%swap3A_788] {strides = array<i32>} : memref<256xi32, #tpu.memory_space<vmem>>, vector<16xi32>,
      tpu.vector_store %arg13[%swap3A_788], %broadcast_in_dim3A_90 {strides = array<i32>} : memref<256xi32, #tpu.memory_space<vmem>>, vector<16xi32>,
      %swap3A_790 = arith.constant 112 : index
      %swap3A_791 = tpu.vector_load %arg13[%swap3A_790] {strides = array<i32>} : memref<256xi32, #tpu.memory_space<vmem>>, vector<16xi32>,
      tpu.vector_store %arg13[%swap3A_790], %broadcast_in_dim3A_90 {strides = array<i32>} : memref<256xi32, #tpu.memory_space<vmem>>, vector<16xi32>,
      %swap3A_792 = arith.constant 128 : index
      %swap3A_793 = tpu.vector_load %arg13[%swap3A_792] {strides = array<i32>} : memref<256xi32, #tpu.memory_space<vmem>>, vector<16xi32>,
      tpu.vector_store %arg13[%swap3A_792], %broadcast_in_dim3A_90 {strides = array<i32>} : memref<256xi32, #tpu.memory_space<vmem>>, vector<16xi32>,
      %swap3A_794 = arith.constant 144 : index
      %swap3A_795 = tpu.vector_load %arg13[%swap3A_794] {strides = array<i32>} : memref<256xi32, #tpu.memory_space<vmem>>, vector<16xi32>,
      tpu.vector_store %arg13[%swap3A_794], %broadcast_in_dim3A_90 {strides = array<i32>} : memref<256xi32, #tpu.memory_space<vmem>>, vector<16xi32>,
      %swap3A_796 = arith.constant 160 : index
      %swap3A_797 = tpu.vector_load %arg13[%swap3A_796] {strides = array<i32>} : memref<256xi32, #tpu.memory_space<vmem>>, vector<16xi32>,
      tpu.vector_store %arg13[%swap3A_796], %broadcast_in_dim3A_90 {strides = array<i32>} : memref<256xi32, #tpu.memory_space<vmem>>, vector<16xi32>,
      %swap3A_798 = arith.constant 176 : index
      %swap3A_799 = tpu.vector_load %arg13[%swap3A_798] {strides = array<i32>} : memref<256xi32, #tpu.memory_space<vmem>>, vector<16xi32>,
      tpu.vector_store %arg13[%swap3A_798], %broadcast_in_dim3A_90 {strides = array<i32>} : memref<256xi32, #tpu.memory_space<vmem>>, vector<16xi32>,
      %swap3A_800 = arith.constant 192 : index
      %swap3A_801 = tpu.vector_load %arg13[%swap3A_800] {strides = array<i32>} : memref<256xi32, #tpu.memory_space<vmem>>, vector<16xi32>,
      tpu.vector_store %arg13[%swap3A_800], %broadcast_in_dim3A_90 {strides = array<i32>} : memref<256xi32, #tpu.memory_space<vmem>>, vector<16xi32>,
      %swap3A_802 = arith.constant 208 : index
      %swap3A_803 = tpu.vector_load %arg13[%swap3A_802] {strides = array<i32>} : memref<256xi32, #tpu.memory_space<vmem>>, vector<16xi32>,
      tpu.vector_store %arg13[%swap3A_802], %broadcast_in_dim3A_90 {strides = array<i32>} : memref<256xi32, #tpu.memory_space<vmem>>, vector<16xi32>,
      %swap3A_804 = arith.constant 224 : index
      %swap3A_805 = tpu.vector_load %arg13[%swap3A_804] {strides = array<i32>} : memref<256xi32, #tpu.memory_space<vmem>>, vector<16xi32>,
      tpu.vector_store %arg13[%swap3A_804], %broadcast_in_dim3A_90 {strides = array<i32>} : memref<256xi32, #tpu.memory_space<vmem>>, vector<16xi32>,
      %swap3A_806 = arith.constant 240 : index
      %swap3A_807 = tpu.vector_load %arg13[%swap3A_806] {strides = array<i32>} : memref<256xi32, #tpu.memory_space<vmem>>, vector<16xi32>,
      tpu.vector_store %arg13[%swap3A_806], %broadcast_in_dim3A_90 {strides = array<i32>} : memref<256xi32, #tpu.memory_space<vmem>>, vector<16xi32>,
      %sub3A_808 = arith.subi %scan3A_774#0, %while3A_702 : i32
      %add3A_809 = arith.constant 16 : i32
      %add3A_810 = arith.addi %sub3A_808, %add3A_809 : i32
      %sub3A_811 = arith.constant 1 : i32
      %sub3A_812 = arith.subi %add3A_810, %sub3A_811 : i32
      %jit3A_813 = arith.constant 16 : i32
      %div3A_814 = arith.divsi %sub3A_812, %jit3A_813 : i32
      %sign3A_815 = arith.constant 0 : i32
      %sign3A_816 = arith.cmpi sgt, %sub3A_812, %sign3A_815 : i32
      %sign3A_817 = arith.extui %sign3A_816 : i1 to i32
      %sign3A_818 = arith.constant 0 : i32
      %sign3A_819 = arith.cmpi slt, %sub3A_812, %sign3A_818 : i32
      %sign3A_820 = arith.extui %sign3A_819 : i1 to i32
      %sign3A_821 = arith.subi %sign3A_817, %sign3A_820 : i32
      %sign3A_822 = arith.constant 0 : i32
      %sign3A_823 = arith.cmpi sgt, %jit3A_813, %sign3A_822 : i32
      %sign3A_824 = arith.extui %sign3A_823 : i1 to i32
      %sign3A_825 = arith.constant 0 : i32
      %sign3A_826 = arith.cmpi slt, %jit3A_813, %sign3A_825 : i32
      %sign3A_827 = arith.extui %sign3A_826 : i1 to i32
      %sign3A_828 = arith.subi %sign3A_824, %sign3A_827 : i32
      %ne3A_829 = arith.cmpi ne, %sign3A_821, %sign3A_828 : i32
      %rem3A_830 = arith.remsi %sub3A_812, %jit3A_813 : i32
      %ne3A_831 = arith.constant 0 : i32
      %ne3A_832 = arith.cmpi ne, %rem3A_830, %ne3A_831 : i32
      %and3A_833 = arith.andi %ne3A_829, %ne3A_832 : i1
      %sub3A_834 = arith.constant 1 : i32
      %sub3A_835 = arith.subi %div3A_814, %sub3A_834 : i32
      %select_n3A_836 = arith.select %and3A_833, %sub3A_835, %div3A_814 : i32
      %while3A_837 = arith.constant 0 : i32
      %while3A_838 = arith.constant 0 : i32
      %while3A_839 = arith.subi %select_n3A_836, %while3A_837 : i32
      %while3A_840 = arith.addi %while3A_837, %while3A_839 : i32
      %while3A_841 = arith.constant 1 : i32
      %while3A_842 = arith.divsi %while3A_839, %while3A_841 : i32
      %while3A_843 = arith.muli %while3A_842, %while3A_841 : i32
      %while3A_844 = arith.addi %while3A_837, %while3A_843 : i32
      %while3A_845 = arith.constant 1 : i32
      %while3A_846 = scf.for %while3A_1960 = %while3A_837 to %while3A_844 step %while3A_845 iter_args(%while3A_1961 = %while3A_838) -> (i32)  : i32 {
        %mul3A_1962 = arith.constant 16 : i32
        %mul3A_1963 = arith.muli %while3A_1960, %mul3A_1962 : i32
        %add3A_1964 = arith.addi %while3A_702, %mul3A_1963 : i32
        %add3A_1965 = arith.constant 1 : i32
        %add3A_1966 = arith.addi %add3A_1964, %add3A_1965 : i32
        %get3A_1967 = arith.index_cast %add3A_1966 : i32 to index
        %get3A_1968 = tpu.vector_load %arg6[%get3A_1967] {strides = array<i32>} : memref<3352xi32, #tpu.memory_space<vmem>>, vector<16xi32>,
        %add3A_1969 = arith.constant 2 : i32
        %add3A_1970 = arith.addi %add3A_1964, %add3A_1969 : i32
        %get3A_1971 = arith.index_cast %add3A_1970 : i32 to index
        %get3A_1972 = tpu.vector_load %arg6[%get3A_1971] {strides = array<i32>} : memref<3352xi32, #tpu.memory_space<vmem>>, vector<16xi32>,
        %add3A_1973 = vector.broadcast %add3A_1964 : i32 to vector<16xi32>
        %add3A_1974 = arith.addi %iota3A, %add3A_1973 : vector<16xi32>
        %lt3A_1975 = vector.broadcast %scan3A_774#0 : i32 to vector<16xi32>
        %lt3A_1976 = arith.cmpi slt, %add3A_1974, %lt3A_1975 : vector<16xi32>
        %lt3A_1977 = arith.cmpi slt, %get3A_1968, %get3A_1972 : vector<16xi32>
        %and3A_1978 = arith.andi %lt3A_1976, %lt3A_1977 : vector<16xi1>
        %sub3A_1979 = vector.broadcast %add3A_752 : i32 to vector<16xi32>
        %sub3A_1980 = arith.subi %get3A_1968, %sub3A_1979 : vector<16xi32>
        %jit3A_1981 = arith.constant 0 : i32
        %jit3A_1982 = arith.constant 255 : i32
        %max3A_1983 = vector.broadcast %jit3A_1981 : i32 to vector<16xi32>
        %max3A_1984 = arith.maxsi %max3A_1983, %sub3A_1980 : vector<16xi32>
        %min3A = vector.broadcast %jit3A_1982 : i32 to vector<16xi32>
        %min3A_1985 = arith.minsi %min3A, %max3A_1984 : vector<16xi32>
        %add3A_1986 = arith.constant 1 : i32
        %add3A_1987 = arith.addi %add3A_1964, %add3A_1986 : i32
        %add3A_1988 = vector.broadcast %add3A_1987 : i32 to vector<16xi32>
        %add3A_1989 = arith.addi %iota3A, %add3A_1988 : vector<16xi32>
        tpu.vector_store_idx %arg13[%min3A_1985], %add3A_1989 masked %and3A_1978 : memref<256xi32, #tpu.memory_space<vmem>>[vector<16xi32>], vector<16xi32>, vector<16xi1>
        %while3A_1990 = arith.constant 0 : i32
        scf.yield %while3A_1990 : i32
      }
      %while3A_847 = arith.constant 1 : i32
      %while3A_848 = scf.for %while3A_1960 = %while3A_844 to %while3A_840 step %while3A_847 iter_args(%while3A_1961 = %while3A_846) -> (i32)  : i32 {
        %mul3A_1962 = arith.constant 16 : i32
        %mul3A_1963 = arith.muli %while3A_1960, %mul3A_1962 : i32
        %add3A_1964 = arith.addi %while3A_702, %mul3A_1963 : i32
        %add3A_1965 = arith.constant 1 : i32
        %add3A_1966 = arith.addi %add3A_1964, %add3A_1965 : i32
        %get3A_1967 = arith.index_cast %add3A_1966 : i32 to index
        %get3A_1968 = tpu.vector_load %arg6[%get3A_1967] {strides = array<i32>} : memref<3352xi32, #tpu.memory_space<vmem>>, vector<16xi32>,
        %add3A_1969 = arith.constant 2 : i32
        %add3A_1970 = arith.addi %add3A_1964, %add3A_1969 : i32
        %get3A_1971 = arith.index_cast %add3A_1970 : i32 to index
        %get3A_1972 = tpu.vector_load %arg6[%get3A_1971] {strides = array<i32>} : memref<3352xi32, #tpu.memory_space<vmem>>, vector<16xi32>,
        %add3A_1973 = vector.broadcast %add3A_1964 : i32 to vector<16xi32>
        %add3A_1974 = arith.addi %iota3A, %add3A_1973 : vector<16xi32>
        %lt3A_1975 = vector.broadcast %scan3A_774#0 : i32 to vector<16xi32>
        %lt3A_1976 = arith.cmpi slt, %add3A_1974, %lt3A_1975 : vector<16xi32>
        %lt3A_1977 = arith.cmpi slt, %get3A_1968, %get3A_1972 : vector<16xi32>
        %and3A_1978 = arith.andi %lt3A_1976, %lt3A_1977 : vector<16xi1>
        %sub3A_1979 = vector.broadcast %add3A_752 : i32 to vector<16xi32>
        %sub3A_1980 = arith.subi %get3A_1968, %sub3A_1979 : vector<16xi32>
        %jit3A_1981 = arith.constant 0 : i32
        %jit3A_1982 = arith.constant 255 : i32
        %max3A_1983 = vector.broadcast %jit3A_1981 : i32 to vector<16xi32>
        %max3A_1984 = arith.maxsi %max3A_1983, %sub3A_1980 : vector<16xi32>
        %min3A = vector.broadcast %jit3A_1982 : i32 to vector<16xi32>
        %min3A_1985 = arith.minsi %min3A, %max3A_1984 : vector<16xi32>
        %add3A_1986 = arith.constant 1 : i32
        %add3A_1987 = arith.addi %add3A_1964, %add3A_1986 : i32
        %add3A_1988 = vector.broadcast %add3A_1987 : i32 to vector<16xi32>
        %add3A_1989 = arith.addi %iota3A, %add3A_1988 : vector<16xi32>
        tpu.vector_store_idx %arg13[%min3A_1985], %add3A_1989 masked %and3A_1978 : memref<256xi32, #tpu.memory_space<vmem>>[vector<16xi32>], vector<16xi32>, vector<16xi1>
        %while3A_1990 = arith.constant 0 : i32
        scf.yield %while3A_1990 : i32
      }
      %get3A_849 = arith.constant 0 : index
      %get3A_850 = tpu.vector_load %arg13[%get3A_849] {strides = array<i32>} : memref<256xi32, #tpu.memory_space<vmem>>, vector<16xi32>,
      %broadcast_in_dim3A_851 = arith.constant true
      %broadcast_in_dim3A_852 = vector.broadcast %broadcast_in_dim3A_851 : i1 to vector<16xi1>
      %masked_cummax3A = arith.constant -2147483648 : i32
      %masked_cummax3A_853 = vector.broadcast %masked_cummax3A : i32 to vector<16xi32>
      %masked_cummax3A_854 = arith.xori %get3A_850, %masked_cummax3A_853 : vector<16xi32>
      %masked_cummax3A_855 = tpu.scan <max>, %masked_cummax3A_854 masked %broadcast_in_dim3A_852 : vector<16xi32>, vector<16xi1> -> vector<16xi32>
      %masked_cummax3A_856 = arith.xori %masked_cummax3A_855, %masked_cummax3A_853 : vector<16xi32>
      %max3A_857 = vector.broadcast %while3A_702 : i32 to vector<16xi32>
      %max3A_858 = arith.maxsi %masked_cummax3A_856, %max3A_857 : vector<16xi32>
      %slice3A_859 = vector.extract_strided_slice %max3A_858 {offsets = [15], sizes = [1], strides = [1]} : vector<16xi32> to vector<1xi32>
      %squeeze3A_860 = vector.extract %slice3A_859[0] : i32 from vector<1xi32>
      %add3A_861 = arith.constant 0 : i32
      %add3A_862 = arith.addi %add3A_752, %add3A_861 : i32
      %add3A_863 = vector.broadcast %add3A_862 : i32 to vector<16xi32>
      %add3A_864 = arith.addi %add3A_863, %iota3A : vector<16xi32>
      %ge3A = vector.broadcast %squeeze3A : i32 to vector<16xi32>
      %ge3A_865 = arith.cmpi sge, %add3A_864, %ge3A : vector<16xi32>
      %lt3A_866 = vector.broadcast %squeeze3A_11 : i32 to vector<16xi32>
      %lt3A_867 = arith.cmpi slt, %add3A_864, %lt3A_866 : vector<16xi32>
      %and3A_868 = arith.andi %ge3A_865, %lt3A_867 : vector<16xi1>
      %add3A_869 = vector.broadcast %mul3A_4 : i32 to vector<16xi32>
      %add3A_870 = arith.addi %max3A_858, %add3A_869 : vector<16xi32>
      %broadcast_in_dim3A_871 = vector.broadcast %add3A_6 : i32 to vector<16xi32>
      %select_n3A_872 = arith.select %and3A_868, %add3A_870, %broadcast_in_dim3A_871 : vector<16xi1>, vector<16xi32>
      %swap3A_873 = arith.constant 0 : i32
      %swap3A_874 = arith.index_cast %swap3A_873 : i32 to index
      %swap3A_875 = arith.constant 0 : index
      %swap3A_876 = tpu.vector_load %arg14[%swap3A_874, %swap3A_875] {strides = array<i32>} : memref<2x128xi32, #tpu.memory_space<vmem>>, vector<16xi32>,
      tpu.vector_store %arg14[%swap3A_874, %swap3A_875], %select_n3A_872 {strides = array<i32>} : memref<2x128xi32, #tpu.memory_space<vmem>>, vector<16xi32>,
      %get3A_877 = arith.constant 16 : index
      %get3A_878 = tpu.vector_load %arg13[%get3A_877] {strides = array<i32>} : memref<256xi32, #tpu.memory_space<vmem>>, vector<16xi32>,
      %broadcast_in_dim3A_879 = arith.constant true
      %broadcast_in_dim3A_880 = vector.broadcast %broadcast_in_dim3A_879 : i1 to vector<16xi1>
      %masked_cummax3A_881 = arith.constant -2147483648 : i32
      %masked_cummax3A_882 = vector.broadcast %masked_cummax3A_881 : i32 to vector<16xi32>
      %masked_cummax3A_883 = arith.xori %get3A_878, %masked_cummax3A_882 : vector<16xi32>
      %masked_cummax3A_884 = tpu.scan <max>, %masked_cummax3A_883 masked %broadcast_in_dim3A_880 : vector<16xi32>, vector<16xi1> -> vector<16xi32>
      %masked_cummax3A_885 = arith.xori %masked_cummax3A_884, %masked_cummax3A_882 : vector<16xi32>
      %max3A_886 = vector.broadcast %squeeze3A_860 : i32 to vector<16xi32>
      %max3A_887 = arith.maxsi %masked_cummax3A_885, %max3A_886 : vector<16xi32>
      %slice3A_888 = vector.extract_strided_slice %max3A_887 {offsets = [15], sizes = [1], strides = [1]} : vector<16xi32> to vector<1xi32>
      %squeeze3A_889 = vector.extract %slice3A_888[0] : i32 from vector<1xi32>
      %add3A_890 = arith.constant 16 : i32
      %add3A_891 = arith.addi %add3A_752, %add3A_890 : i32
      %add3A_892 = vector.broadcast %add3A_891 : i32 to vector<16xi32>
      %add3A_893 = arith.addi %add3A_892, %iota3A : vector<16xi32>
      %ge3A_894 = vector.broadcast %squeeze3A : i32 to vector<16xi32>
      %ge3A_895 = arith.cmpi sge, %add3A_893, %ge3A_894 : vector<16xi32>
      %lt3A_896 = vector.broadcast %squeeze3A_11 : i32 to vector<16xi32>
      %lt3A_897 = arith.cmpi slt, %add3A_893, %lt3A_896 : vector<16xi32>
      %and3A_898 = arith.andi %ge3A_895, %lt3A_897 : vector<16xi1>
      %add3A_899 = vector.broadcast %mul3A_4 : i32 to vector<16xi32>
      %add3A_900 = arith.addi %max3A_887, %add3A_899 : vector<16xi32>
      %broadcast_in_dim3A_901 = vector.broadcast %add3A_6 : i32 to vector<16xi32>
      %select_n3A_902 = arith.select %and3A_898, %add3A_900, %broadcast_in_dim3A_901 : vector<16xi1>, vector<16xi32>
      %swap3A_903 = arith.constant 0 : i32
      %swap3A_904 = arith.index_cast %swap3A_903 : i32 to index
      %swap3A_905 = arith.constant 16 : index
      %swap3A_906 = tpu.vector_load %arg14[%swap3A_904, %swap3A_905] {strides = array<i32>} : memref<2x128xi32, #tpu.memory_space<vmem>>, vector<16xi32>,
      tpu.vector_store %arg14[%swap3A_904, %swap3A_905], %select_n3A_902 {strides = array<i32>} : memref<2x128xi32, #tpu.memory_space<vmem>>, vector<16xi32>,
      %get3A_907 = arith.constant 32 : index
      %get3A_908 = tpu.vector_load %arg13[%get3A_907] {strides = array<i32>} : memref<256xi32, #tpu.memory_space<vmem>>, vector<16xi32>,
      %broadcast_in_dim3A_909 = arith.constant true
      %broadcast_in_dim3A_910 = vector.broadcast %broadcast_in_dim3A_909 : i1 to vector<16xi1>
      %masked_cummax3A_911 = arith.constant -2147483648 : i32
      %masked_cummax3A_912 = vector.broadcast %masked_cummax3A_911 : i32 to vector<16xi32>
      %masked_cummax3A_913 = arith.xori %get3A_908, %masked_cummax3A_912 : vector<16xi32>
      %masked_cummax3A_914 = tpu.scan <max>, %masked_cummax3A_913 masked %broadcast_in_dim3A_910 : vector<16xi32>, vector<16xi1> -> vector<16xi32>
      %masked_cummax3A_915 = arith.xori %masked_cummax3A_914, %masked_cummax3A_912 : vector<16xi32>
      %max3A_916 = vector.broadcast %squeeze3A_889 : i32 to vector<16xi32>
      %max3A_917 = arith.maxsi %masked_cummax3A_915, %max3A_916 : vector<16xi32>
      %slice3A_918 = vector.extract_strided_slice %max3A_917 {offsets = [15], sizes = [1], strides = [1]} : vector<16xi32> to vector<1xi32>
      %squeeze3A_919 = vector.extract %slice3A_918[0] : i32 from vector<1xi32>
      %add3A_920 = arith.constant 32 : i32
      %add3A_921 = arith.addi %add3A_752, %add3A_920 : i32
      %add3A_922 = vector.broadcast %add3A_921 : i32 to vector<16xi32>
      %add3A_923 = arith.addi %add3A_922, %iota3A : vector<16xi32>
      %ge3A_924 = vector.broadcast %squeeze3A : i32 to vector<16xi32>
      %ge3A_925 = arith.cmpi sge, %add3A_923, %ge3A_924 : vector<16xi32>
      %lt3A_926 = vector.broadcast %squeeze3A_11 : i32 to vector<16xi32>
      %lt3A_927 = arith.cmpi slt, %add3A_923, %lt3A_926 : vector<16xi32>
      %and3A_928 = arith.andi %ge3A_925, %lt3A_927 : vector<16xi1>
      %add3A_929 = vector.broadcast %mul3A_4 : i32 to vector<16xi32>
      %add3A_930 = arith.addi %max3A_917, %add3A_929 : vector<16xi32>
      %broadcast_in_dim3A_931 = vector.broadcast %add3A_6 : i32 to vector<16xi32>
      %select_n3A_932 = arith.select %and3A_928, %add3A_930, %broadcast_in_dim3A_931 : vector<16xi1>, vector<16xi32>
      %swap3A_933 = arith.constant 0 : i32
      %swap3A_934 = arith.index_cast %swap3A_933 : i32 to index
      %swap3A_935 = arith.constant 32 : index
      %swap3A_936 = tpu.vector_load %arg14[%swap3A_934, %swap3A_935] {strides = array<i32>} : memref<2x128xi32, #tpu.memory_space<vmem>>, vector<16xi32>,
      tpu.vector_store %arg14[%swap3A_934, %swap3A_935], %select_n3A_932 {strides = array<i32>} : memref<2x128xi32, #tpu.memory_space<vmem>>, vector<16xi32>,
      %get3A_937 = arith.constant 48 : index
      %get3A_938 = tpu.vector_load %arg13[%get3A_937] {strides = array<i32>} : memref<256xi32, #tpu.memory_space<vmem>>, vector<16xi32>,
      %broadcast_in_dim3A_939 = arith.constant true
      %broadcast_in_dim3A_940 = vector.broadcast %broadcast_in_dim3A_939 : i1 to vector<16xi1>
      %masked_cummax3A_941 = arith.constant -2147483648 : i32
      %masked_cummax3A_942 = vector.broadcast %masked_cummax3A_941 : i32 to vector<16xi32>
      %masked_cummax3A_943 = arith.xori %get3A_938, %masked_cummax3A_942 : vector<16xi32>
      %masked_cummax3A_944 = tpu.scan <max>, %masked_cummax3A_943 masked %broadcast_in_dim3A_940 : vector<16xi32>, vector<16xi1> -> vector<16xi32>
      %masked_cummax3A_945 = arith.xori %masked_cummax3A_944, %masked_cummax3A_942 : vector<16xi32>
      %max3A_946 = vector.broadcast %squeeze3A_919 : i32 to vector<16xi32>
      %max3A_947 = arith.maxsi %masked_cummax3A_945, %max3A_946 : vector<16xi32>
      %slice3A_948 = vector.extract_strided_slice %max3A_947 {offsets = [15], sizes = [1], strides = [1]} : vector<16xi32> to vector<1xi32>
      %squeeze3A_949 = vector.extract %slice3A_948[0] : i32 from vector<1xi32>
      %add3A_950 = arith.constant 48 : i32
      %add3A_951 = arith.addi %add3A_752, %add3A_950 : i32
      %add3A_952 = vector.broadcast %add3A_951 : i32 to vector<16xi32>
      %add3A_953 = arith.addi %add3A_952, %iota3A : vector<16xi32>
      %ge3A_954 = vector.broadcast %squeeze3A : i32 to vector<16xi32>
      %ge3A_955 = arith.cmpi sge, %add3A_953, %ge3A_954 : vector<16xi32>
      %lt3A_956 = vector.broadcast %squeeze3A_11 : i32 to vector<16xi32>
      %lt3A_957 = arith.cmpi slt, %add3A_953, %lt3A_956 : vector<16xi32>
      %and3A_958 = arith.andi %ge3A_955, %lt3A_957 : vector<16xi1>
      %add3A_959 = vector.broadcast %mul3A_4 : i32 to vector<16xi32>
      %add3A_960 = arith.addi %max3A_947, %add3A_959 : vector<16xi32>
      %broadcast_in_dim3A_961 = vector.broadcast %add3A_6 : i32 to vector<16xi32>
      %select_n3A_962 = arith.select %and3A_958, %add3A_960, %broadcast_in_dim3A_961 : vector<16xi1>, vector<16xi32>
      %swap3A_963 = arith.constant 0 : i32
      %swap3A_964 = arith.index_cast %swap3A_963 : i32 to index
      %swap3A_965 = arith.constant 48 : index
      %swap3A_966 = tpu.vector_load %arg14[%swap3A_964, %swap3A_965] {strides = array<i32>} : memref<2x128xi32, #tpu.memory_space<vmem>>, vector<16xi32>,
      tpu.vector_store %arg14[%swap3A_964, %swap3A_965], %select_n3A_962 {strides = array<i32>} : memref<2x128xi32, #tpu.memory_space<vmem>>, vector<16xi32>,
      %get3A_967 = arith.constant 64 : index
      %get3A_968 = tpu.vector_load %arg13[%get3A_967] {strides = array<i32>} : memref<256xi32, #tpu.memory_space<vmem>>, vector<16xi32>,
      %broadcast_in_dim3A_969 = arith.constant true
      %broadcast_in_dim3A_970 = vector.broadcast %broadcast_in_dim3A_969 : i1 to vector<16xi1>
      %masked_cummax3A_971 = arith.constant -2147483648 : i32
      %masked_cummax3A_972 = vector.broadcast %masked_cummax3A_971 : i32 to vector<16xi32>
      %masked_cummax3A_973 = arith.xori %get3A_968, %masked_cummax3A_972 : vector<16xi32>
      %masked_cummax3A_974 = tpu.scan <max>, %masked_cummax3A_973 masked %broadcast_in_dim3A_970 : vector<16xi32>, vector<16xi1> -> vector<16xi32>
      %masked_cummax3A_975 = arith.xori %masked_cummax3A_974, %masked_cummax3A_972 : vector<16xi32>
      %max3A_976 = vector.broadcast %squeeze3A_949 : i32 to vector<16xi32>
      %max3A_977 = arith.maxsi %masked_cummax3A_975, %max3A_976 : vector<16xi32>
      %slice3A_978 = vector.extract_strided_slice %max3A_977 {offsets = [15], sizes = [1], strides = [1]} : vector<16xi32> to vector<1xi32>
      %squeeze3A_979 = vector.extract %slice3A_978[0] : i32 from vector<1xi32>
      %add3A_980 = arith.constant 64 : i32
      %add3A_981 = arith.addi %add3A_752, %add3A_980 : i32
      %add3A_982 = vector.broadcast %add3A_981 : i32 to vector<16xi32>
      %add3A_983 = arith.addi %add3A_982, %iota3A : vector<16xi32>
      %ge3A_984 = vector.broadcast %squeeze3A : i32 to vector<16xi32>
      %ge3A_985 = arith.cmpi sge, %add3A_983, %ge3A_984 : vector<16xi32>
      %lt3A_986 = vector.broadcast %squeeze3A_11 : i32 to vector<16xi32>
      %lt3A_987 = arith.cmpi slt, %add3A_983, %lt3A_986 : vector<16xi32>
      %and3A_988 = arith.andi %ge3A_985, %lt3A_987 : vector<16xi1>
      %add3A_989 = vector.broadcast %mul3A_4 : i32 to vector<16xi32>
      %add3A_990 = arith.addi %max3A_977, %add3A_989 : vector<16xi32>
      %broadcast_in_dim3A_991 = vector.broadcast %add3A_6 : i32 to vector<16xi32>
      %select_n3A_992 = arith.select %and3A_988, %add3A_990, %broadcast_in_dim3A_991 : vector<16xi1>, vector<16xi32>
      %swap3A_993 = arith.constant 0 : i32
      %swap3A_994 = arith.index_cast %swap3A_993 : i32 to index
      %swap3A_995 = arith.constant 64 : index
      %swap3A_996 = tpu.vector_load %arg14[%swap3A_994, %swap3A_995] {strides = array<i32>} : memref<2x128xi32, #tpu.memory_space<vmem>>, vector<16xi32>,
      tpu.vector_store %arg14[%swap3A_994, %swap3A_995], %select_n3A_992 {strides = array<i32>} : memref<2x128xi32, #tpu.memory_space<vmem>>, vector<16xi32>,
      %get3A_997 = arith.constant 80 : index
      %get3A_998 = tpu.vector_load %arg13[%get3A_997] {strides = array<i32>} : memref<256xi32, #tpu.memory_space<vmem>>, vector<16xi32>,
      %broadcast_in_dim3A_999 = arith.constant true
      %broadcast_in_dim3A_1000 = vector.broadcast %broadcast_in_dim3A_999 : i1 to vector<16xi1>
      %masked_cummax3A_1001 = arith.constant -2147483648 : i32
      %masked_cummax3A_1002 = vector.broadcast %masked_cummax3A_1001 : i32 to vector<16xi32>
      %masked_cummax3A_1003 = arith.xori %get3A_998, %masked_cummax3A_1002 : vector<16xi32>
      %masked_cummax3A_1004 = tpu.scan <max>, %masked_cummax3A_1003 masked %broadcast_in_dim3A_1000 : vector<16xi32>, vector<16xi1> -> vector<16xi32>
      %masked_cummax3A_1005 = arith.xori %masked_cummax3A_1004, %masked_cummax3A_1002 : vector<16xi32>
      %max3A_1006 = vector.broadcast %squeeze3A_979 : i32 to vector<16xi32>
      %max3A_1007 = arith.maxsi %masked_cummax3A_1005, %max3A_1006 : vector<16xi32>
      %slice3A_1008 = vector.extract_strided_slice %max3A_1007 {offsets = [15], sizes = [1], strides = [1]} : vector<16xi32> to vector<1xi32>
      %squeeze3A_1009 = vector.extract %slice3A_1008[0] : i32 from vector<1xi32>
      %add3A_1010 = arith.constant 80 : i32
      %add3A_1011 = arith.addi %add3A_752, %add3A_1010 : i32
      %add3A_1012 = vector.broadcast %add3A_1011 : i32 to vector<16xi32>
      %add3A_1013 = arith.addi %add3A_1012, %iota3A : vector<16xi32>
      %ge3A_1014 = vector.broadcast %squeeze3A : i32 to vector<16xi32>
      %ge3A_1015 = arith.cmpi sge, %add3A_1013, %ge3A_1014 : vector<16xi32>
      %lt3A_1016 = vector.broadcast %squeeze3A_11 : i32 to vector<16xi32>
      %lt3A_1017 = arith.cmpi slt, %add3A_1013, %lt3A_1016 : vector<16xi32>
      %and3A_1018 = arith.andi %ge3A_1015, %lt3A_1017 : vector<16xi1>
      %add3A_1019 = vector.broadcast %mul3A_4 : i32 to vector<16xi32>
      %add3A_1020 = arith.addi %max3A_1007, %add3A_1019 : vector<16xi32>
      %broadcast_in_dim3A_1021 = vector.broadcast %add3A_6 : i32 to vector<16xi32>
      %select_n3A_1022 = arith.select %and3A_1018, %add3A_1020, %broadcast_in_dim3A_1021 : vector<16xi1>, vector<16xi32>
      %swap3A_1023 = arith.constant 0 : i32
      %swap3A_1024 = arith.index_cast %swap3A_1023 : i32 to index
      %swap3A_1025 = arith.constant 80 : index
      %swap3A_1026 = tpu.vector_load %arg14[%swap3A_1024, %swap3A_1025] {strides = array<i32>} : memref<2x128xi32, #tpu.memory_space<vmem>>, vector<16xi32>,
      tpu.vector_store %arg14[%swap3A_1024, %swap3A_1025], %select_n3A_1022 {strides = array<i32>} : memref<2x128xi32, #tpu.memory_space<vmem>>, vector<16xi32>,
      %get3A_1027 = arith.constant 96 : index
      %get3A_1028 = tpu.vector_load %arg13[%get3A_1027] {strides = array<i32>} : memref<256xi32, #tpu.memory_space<vmem>>, vector<16xi32>,
      %broadcast_in_dim3A_1029 = arith.constant true
      %broadcast_in_dim3A_1030 = vector.broadcast %broadcast_in_dim3A_1029 : i1 to vector<16xi1>
      %masked_cummax3A_1031 = arith.constant -2147483648 : i32
      %masked_cummax3A_1032 = vector.broadcast %masked_cummax3A_1031 : i32 to vector<16xi32>
      %masked_cummax3A_1033 = arith.xori %get3A_1028, %masked_cummax3A_1032 : vector<16xi32>
      %masked_cummax3A_1034 = tpu.scan <max>, %masked_cummax3A_1033 masked %broadcast_in_dim3A_1030 : vector<16xi32>, vector<16xi1> -> vector<16xi32>
      %masked_cummax3A_1035 = arith.xori %masked_cummax3A_1034, %masked_cummax3A_1032 : vector<16xi32>
      %max3A_1036 = vector.broadcast %squeeze3A_1009 : i32 to vector<16xi32>
      %max3A_1037 = arith.maxsi %masked_cummax3A_1035, %max3A_1036 : vector<16xi32>
      %slice3A_1038 = vector.extract_strided_slice %max3A_1037 {offsets = [15], sizes = [1], strides = [1]} : vector<16xi32> to vector<1xi32>
      %squeeze3A_1039 = vector.extract %slice3A_1038[0] : i32 from vector<1xi32>
      %add3A_1040 = arith.constant 96 : i32
      %add3A_1041 = arith.addi %add3A_752, %add3A_1040 : i32
      %add3A_1042 = vector.broadcast %add3A_1041 : i32 to vector<16xi32>
      %add3A_1043 = arith.addi %add3A_1042, %iota3A : vector<16xi32>
      %ge3A_1044 = vector.broadcast %squeeze3A : i32 to vector<16xi32>
      %ge3A_1045 = arith.cmpi sge, %add3A_1043, %ge3A_1044 : vector<16xi32>
      %lt3A_1046 = vector.broadcast %squeeze3A_11 : i32 to vector<16xi32>
      %lt3A_1047 = arith.cmpi slt, %add3A_1043, %lt3A_1046 : vector<16xi32>
      %and3A_1048 = arith.andi %ge3A_1045, %lt3A_1047 : vector<16xi1>
      %add3A_1049 = vector.broadcast %mul3A_4 : i32 to vector<16xi32>
      %add3A_1050 = arith.addi %max3A_1037, %add3A_1049 : vector<16xi32>
      %broadcast_in_dim3A_1051 = vector.broadcast %add3A_6 : i32 to vector<16xi32>
      %select_n3A_1052 = arith.select %and3A_1048, %add3A_1050, %broadcast_in_dim3A_1051 : vector<16xi1>, vector<16xi32>
      %swap3A_1053 = arith.constant 0 : i32
      %swap3A_1054 = arith.index_cast %swap3A_1053 : i32 to index
      %swap3A_1055 = arith.constant 96 : index
      %swap3A_1056 = tpu.vector_load %arg14[%swap3A_1054, %swap3A_1055] {strides = array<i32>} : memref<2x128xi32, #tpu.memory_space<vmem>>, vector<16xi32>,
      tpu.vector_store %arg14[%swap3A_1054, %swap3A_1055], %select_n3A_1052 {strides = array<i32>} : memref<2x128xi32, #tpu.memory_space<vmem>>, vector<16xi32>,
      %get3A_1057 = arith.constant 112 : index
      %get3A_1058 = tpu.vector_load %arg13[%get3A_1057] {strides = array<i32>} : memref<256xi32, #tpu.memory_space<vmem>>, vector<16xi32>,
      %broadcast_in_dim3A_1059 = arith.constant true
      %broadcast_in_dim3A_1060 = vector.broadcast %broadcast_in_dim3A_1059 : i1 to vector<16xi1>
      %masked_cummax3A_1061 = arith.constant -2147483648 : i32
      %masked_cummax3A_1062 = vector.broadcast %masked_cummax3A_1061 : i32 to vector<16xi32>
      %masked_cummax3A_1063 = arith.xori %get3A_1058, %masked_cummax3A_1062 : vector<16xi32>
      %masked_cummax3A_1064 = tpu.scan <max>, %masked_cummax3A_1063 masked %broadcast_in_dim3A_1060 : vector<16xi32>, vector<16xi1> -> vector<16xi32>
      %masked_cummax3A_1065 = arith.xori %masked_cummax3A_1064, %masked_cummax3A_1062 : vector<16xi32>
      %max3A_1066 = vector.broadcast %squeeze3A_1039 : i32 to vector<16xi32>
      %max3A_1067 = arith.maxsi %masked_cummax3A_1065, %max3A_1066 : vector<16xi32>
      %slice3A_1068 = vector.extract_strided_slice %max3A_1067 {offsets = [15], sizes = [1], strides = [1]} : vector<16xi32> to vector<1xi32>
      %squeeze3A_1069 = vector.extract %slice3A_1068[0] : i32 from vector<1xi32>
      %add3A_1070 = arith.constant 112 : i32
      %add3A_1071 = arith.addi %add3A_752, %add3A_1070 : i32
      %add3A_1072 = vector.broadcast %add3A_1071 : i32 to vector<16xi32>
      %add3A_1073 = arith.addi %add3A_1072, %iota3A : vector<16xi32>
      %ge3A_1074 = vector.broadcast %squeeze3A : i32 to vector<16xi32>
      %ge3A_1075 = arith.cmpi sge, %add3A_1073, %ge3A_1074 : vector<16xi32>
      %lt3A_1076 = vector.broadcast %squeeze3A_11 : i32 to vector<16xi32>
      %lt3A_1077 = arith.cmpi slt, %add3A_1073, %lt3A_1076 : vector<16xi32>
      %and3A_1078 = arith.andi %ge3A_1075, %lt3A_1077 : vector<16xi1>
      %add3A_1079 = vector.broadcast %mul3A_4 : i32 to vector<16xi32>
      %add3A_1080 = arith.addi %max3A_1067, %add3A_1079 : vector<16xi32>
      %broadcast_in_dim3A_1081 = vector.broadcast %add3A_6 : i32 to vector<16xi32>
      %select_n3A_1082 = arith.select %and3A_1078, %add3A_1080, %broadcast_in_dim3A_1081 : vector<16xi1>, vector<16xi32>
      %swap3A_1083 = arith.constant 0 : i32
      %swap3A_1084 = arith.index_cast %swap3A_1083 : i32 to index
      %swap3A_1085 = arith.constant 112 : index
      %swap3A_1086 = tpu.vector_load %arg14[%swap3A_1084, %swap3A_1085] {strides = array<i32>} : memref<2x128xi32, #tpu.memory_space<vmem>>, vector<16xi32>,
      tpu.vector_store %arg14[%swap3A_1084, %swap3A_1085], %select_n3A_1082 {strides = array<i32>} : memref<2x128xi32, #tpu.memory_space<vmem>>, vector<16xi32>,
      %get3A_1087 = arith.constant 128 : index
      %get3A_1088 = tpu.vector_load %arg13[%get3A_1087] {strides = array<i32>} : memref<256xi32, #tpu.memory_space<vmem>>, vector<16xi32>,
      %broadcast_in_dim3A_1089 = arith.constant true
      %broadcast_in_dim3A_1090 = vector.broadcast %broadcast_in_dim3A_1089 : i1 to vector<16xi1>
      %masked_cummax3A_1091 = arith.constant -2147483648 : i32
      %masked_cummax3A_1092 = vector.broadcast %masked_cummax3A_1091 : i32 to vector<16xi32>
      %masked_cummax3A_1093 = arith.xori %get3A_1088, %masked_cummax3A_1092 : vector<16xi32>
      %masked_cummax3A_1094 = tpu.scan <max>, %masked_cummax3A_1093 masked %broadcast_in_dim3A_1090 : vector<16xi32>, vector<16xi1> -> vector<16xi32>
      %masked_cummax3A_1095 = arith.xori %masked_cummax3A_1094, %masked_cummax3A_1092 : vector<16xi32>
      %max3A_1096 = vector.broadcast %squeeze3A_1069 : i32 to vector<16xi32>
      %max3A_1097 = arith.maxsi %masked_cummax3A_1095, %max3A_1096 : vector<16xi32>
      %slice3A_1098 = vector.extract_strided_slice %max3A_1097 {offsets = [15], sizes = [1], strides = [1]} : vector<16xi32> to vector<1xi32>
      %squeeze3A_1099 = vector.extract %slice3A_1098[0] : i32 from vector<1xi32>
      %add3A_1100 = arith.constant 128 : i32
      %add3A_1101 = arith.addi %add3A_752, %add3A_1100 : i32
      %add3A_1102 = vector.broadcast %add3A_1101 : i32 to vector<16xi32>
      %add3A_1103 = arith.addi %add3A_1102, %iota3A : vector<16xi32>
      %ge3A_1104 = vector.broadcast %squeeze3A : i32 to vector<16xi32>
      %ge3A_1105 = arith.cmpi sge, %add3A_1103, %ge3A_1104 : vector<16xi32>
      %lt3A_1106 = vector.broadcast %squeeze3A_11 : i32 to vector<16xi32>
      %lt3A_1107 = arith.cmpi slt, %add3A_1103, %lt3A_1106 : vector<16xi32>
      %and3A_1108 = arith.andi %ge3A_1105, %lt3A_1107 : vector<16xi1>
      %add3A_1109 = vector.broadcast %mul3A_4 : i32 to vector<16xi32>
      %add3A_1110 = arith.addi %max3A_1097, %add3A_1109 : vector<16xi32>
      %broadcast_in_dim3A_1111 = vector.broadcast %add3A_6 : i32 to vector<16xi32>
      %select_n3A_1112 = arith.select %and3A_1108, %add3A_1110, %broadcast_in_dim3A_1111 : vector<16xi1>, vector<16xi32>
      %swap3A_1113 = arith.constant 1 : i32
      %swap3A_1114 = arith.index_cast %swap3A_1113 : i32 to index
      %swap3A_1115 = arith.constant 0 : index
      %swap3A_1116 = tpu.vector_load %arg14[%swap3A_1114, %swap3A_1115] {strides = array<i32>} : memref<2x128xi32, #tpu.memory_space<vmem>>, vector<16xi32>,
      tpu.vector_store %arg14[%swap3A_1114, %swap3A_1115], %select_n3A_1112 {strides = array<i32>} : memref<2x128xi32, #tpu.memory_space<vmem>>, vector<16xi32>,
      %get3A_1117 = arith.constant 144 : index
      %get3A_1118 = tpu.vector_load %arg13[%get3A_1117] {strides = array<i32>} : memref<256xi32, #tpu.memory_space<vmem>>, vector<16xi32>,
      %broadcast_in_dim3A_1119 = arith.constant true
      %broadcast_in_dim3A_1120 = vector.broadcast %broadcast_in_dim3A_1119 : i1 to vector<16xi1>
      %masked_cummax3A_1121 = arith.constant -2147483648 : i32
      %masked_cummax3A_1122 = vector.broadcast %masked_cummax3A_1121 : i32 to vector<16xi32>
      %masked_cummax3A_1123 = arith.xori %get3A_1118, %masked_cummax3A_1122 : vector<16xi32>
      %masked_cummax3A_1124 = tpu.scan <max>, %masked_cummax3A_1123 masked %broadcast_in_dim3A_1120 : vector<16xi32>, vector<16xi1> -> vector<16xi32>
      %masked_cummax3A_1125 = arith.xori %masked_cummax3A_1124, %masked_cummax3A_1122 : vector<16xi32>
      %max3A_1126 = vector.broadcast %squeeze3A_1099 : i32 to vector<16xi32>
      %max3A_1127 = arith.maxsi %masked_cummax3A_1125, %max3A_1126 : vector<16xi32>
      %slice3A_1128 = vector.extract_strided_slice %max3A_1127 {offsets = [15], sizes = [1], strides = [1]} : vector<16xi32> to vector<1xi32>
      %squeeze3A_1129 = vector.extract %slice3A_1128[0] : i32 from vector<1xi32>
      %add3A_1130 = arith.constant 144 : i32
      %add3A_1131 = arith.addi %add3A_752, %add3A_1130 : i32
      %add3A_1132 = vector.broadcast %add3A_1131 : i32 to vector<16xi32>
      %add3A_1133 = arith.addi %add3A_1132, %iota3A : vector<16xi32>
      %ge3A_1134 = vector.broadcast %squeeze3A : i32 to vector<16xi32>
      %ge3A_1135 = arith.cmpi sge, %add3A_1133, %ge3A_1134 : vector<16xi32>
      %lt3A_1136 = vector.broadcast %squeeze3A_11 : i32 to vector<16xi32>
      %lt3A_1137 = arith.cmpi slt, %add3A_1133, %lt3A_1136 : vector<16xi32>
      %and3A_1138 = arith.andi %ge3A_1135, %lt3A_1137 : vector<16xi1>
      %add3A_1139 = vector.broadcast %mul3A_4 : i32 to vector<16xi32>
      %add3A_1140 = arith.addi %max3A_1127, %add3A_1139 : vector<16xi32>
      %broadcast_in_dim3A_1141 = vector.broadcast %add3A_6 : i32 to vector<16xi32>
      %select_n3A_1142 = arith.select %and3A_1138, %add3A_1140, %broadcast_in_dim3A_1141 : vector<16xi1>, vector<16xi32>
      %swap3A_1143 = arith.constant 1 : i32
      %swap3A_1144 = arith.index_cast %swap3A_1143 : i32 to index
      %swap3A_1145 = arith.constant 16 : index
      %swap3A_1146 = tpu.vector_load %arg14[%swap3A_1144, %swap3A_1145] {strides = array<i32>} : memref<2x128xi32, #tpu.memory_space<vmem>>, vector<16xi32>,
      tpu.vector_store %arg14[%swap3A_1144, %swap3A_1145], %select_n3A_1142 {strides = array<i32>} : memref<2x128xi32, #tpu.memory_space<vmem>>, vector<16xi32>,
      %get3A_1147 = arith.constant 160 : index
      %get3A_1148 = tpu.vector_load %arg13[%get3A_1147] {strides = array<i32>} : memref<256xi32, #tpu.memory_space<vmem>>, vector<16xi32>,
      %broadcast_in_dim3A_1149 = arith.constant true
      %broadcast_in_dim3A_1150 = vector.broadcast %broadcast_in_dim3A_1149 : i1 to vector<16xi1>
      %masked_cummax3A_1151 = arith.constant -2147483648 : i32
      %masked_cummax3A_1152 = vector.broadcast %masked_cummax3A_1151 : i32 to vector<16xi32>
      %masked_cummax3A_1153 = arith.xori %get3A_1148, %masked_cummax3A_1152 : vector<16xi32>
      %masked_cummax3A_1154 = tpu.scan <max>, %masked_cummax3A_1153 masked %broadcast_in_dim3A_1150 : vector<16xi32>, vector<16xi1> -> vector<16xi32>
      %masked_cummax3A_1155 = arith.xori %masked_cummax3A_1154, %masked_cummax3A_1152 : vector<16xi32>
      %max3A_1156 = vector.broadcast %squeeze3A_1129 : i32 to vector<16xi32>
      %max3A_1157 = arith.maxsi %masked_cummax3A_1155, %max3A_1156 : vector<16xi32>
      %slice3A_1158 = vector.extract_strided_slice %max3A_1157 {offsets = [15], sizes = [1], strides = [1]} : vector<16xi32> to vector<1xi32>
      %squeeze3A_1159 = vector.extract %slice3A_1158[0] : i32 from vector<1xi32>
      %add3A_1160 = arith.constant 160 : i32
      %add3A_1161 = arith.addi %add3A_752, %add3A_1160 : i32
      %add3A_1162 = vector.broadcast %add3A_1161 : i32 to vector<16xi32>
      %add3A_1163 = arith.addi %add3A_1162, %iota3A : vector<16xi32>
      %ge3A_1164 = vector.broadcast %squeeze3A : i32 to vector<16xi32>
      %ge3A_1165 = arith.cmpi sge, %add3A_1163, %ge3A_1164 : vector<16xi32>
      %lt3A_1166 = vector.broadcast %squeeze3A_11 : i32 to vector<16xi32>
      %lt3A_1167 = arith.cmpi slt, %add3A_1163, %lt3A_1166 : vector<16xi32>
      %and3A_1168 = arith.andi %ge3A_1165, %lt3A_1167 : vector<16xi1>
      %add3A_1169 = vector.broadcast %mul3A_4 : i32 to vector<16xi32>
      %add3A_1170 = arith.addi %max3A_1157, %add3A_1169 : vector<16xi32>
      %broadcast_in_dim3A_1171 = vector.broadcast %add3A_6 : i32 to vector<16xi32>
      %select_n3A_1172 = arith.select %and3A_1168, %add3A_1170, %broadcast_in_dim3A_1171 : vector<16xi1>, vector<16xi32>
      %swap3A_1173 = arith.constant 1 : i32
      %swap3A_1174 = arith.index_cast %swap3A_1173 : i32 to index
      %swap3A_1175 = arith.constant 32 : index
      %swap3A_1176 = tpu.vector_load %arg14[%swap3A_1174, %swap3A_1175] {strides = array<i32>} : memref<2x128xi32, #tpu.memory_space<vmem>>, vector<16xi32>,
      tpu.vector_store %arg14[%swap3A_1174, %swap3A_1175], %select_n3A_1172 {strides = array<i32>} : memref<2x128xi32, #tpu.memory_space<vmem>>, vector<16xi32>,
      %get3A_1177 = arith.constant 176 : index
      %get3A_1178 = tpu.vector_load %arg13[%get3A_1177] {strides = array<i32>} : memref<256xi32, #tpu.memory_space<vmem>>, vector<16xi32>,
      %broadcast_in_dim3A_1179 = arith.constant true
      %broadcast_in_dim3A_1180 = vector.broadcast %broadcast_in_dim3A_1179 : i1 to vector<16xi1>
      %masked_cummax3A_1181 = arith.constant -2147483648 : i32
      %masked_cummax3A_1182 = vector.broadcast %masked_cummax3A_1181 : i32 to vector<16xi32>
      %masked_cummax3A_1183 = arith.xori %get3A_1178, %masked_cummax3A_1182 : vector<16xi32>
      %masked_cummax3A_1184 = tpu.scan <max>, %masked_cummax3A_1183 masked %broadcast_in_dim3A_1180 : vector<16xi32>, vector<16xi1> -> vector<16xi32>
      %masked_cummax3A_1185 = arith.xori %masked_cummax3A_1184, %masked_cummax3A_1182 : vector<16xi32>
      %max3A_1186 = vector.broadcast %squeeze3A_1159 : i32 to vector<16xi32>
      %max3A_1187 = arith.maxsi %masked_cummax3A_1185, %max3A_1186 : vector<16xi32>
      %slice3A_1188 = vector.extract_strided_slice %max3A_1187 {offsets = [15], sizes = [1], strides = [1]} : vector<16xi32> to vector<1xi32>
      %squeeze3A_1189 = vector.extract %slice3A_1188[0] : i32 from vector<1xi32>
      %add3A_1190 = arith.constant 176 : i32
      %add3A_1191 = arith.addi %add3A_752, %add3A_1190 : i32
      %add3A_1192 = vector.broadcast %add3A_1191 : i32 to vector<16xi32>
      %add3A_1193 = arith.addi %add3A_1192, %iota3A : vector<16xi32>
      %ge3A_1194 = vector.broadcast %squeeze3A : i32 to vector<16xi32>
      %ge3A_1195 = arith.cmpi sge, %add3A_1193, %ge3A_1194 : vector<16xi32>
      %lt3A_1196 = vector.broadcast %squeeze3A_11 : i32 to vector<16xi32>
      %lt3A_1197 = arith.cmpi slt, %add3A_1193, %lt3A_1196 : vector<16xi32>
      %and3A_1198 = arith.andi %ge3A_1195, %lt3A_1197 : vector<16xi1>
      %add3A_1199 = vector.broadcast %mul3A_4 : i32 to vector<16xi32>
      %add3A_1200 = arith.addi %max3A_1187, %add3A_1199 : vector<16xi32>
      %broadcast_in_dim3A_1201 = vector.broadcast %add3A_6 : i32 to vector<16xi32>
      %select_n3A_1202 = arith.select %and3A_1198, %add3A_1200, %broadcast_in_dim3A_1201 : vector<16xi1>, vector<16xi32>
      %swap3A_1203 = arith.constant 1 : i32
      %swap3A_1204 = arith.index_cast %swap3A_1203 : i32 to index
      %swap3A_1205 = arith.constant 48 : index
      %swap3A_1206 = tpu.vector_load %arg14[%swap3A_1204, %swap3A_1205] {strides = array<i32>} : memref<2x128xi32, #tpu.memory_space<vmem>>, vector<16xi32>,
      tpu.vector_store %arg14[%swap3A_1204, %swap3A_1205], %select_n3A_1202 {strides = array<i32>} : memref<2x128xi32, #tpu.memory_space<vmem>>, vector<16xi32>,
      %get3A_1207 = arith.constant 192 : index
      %get3A_1208 = tpu.vector_load %arg13[%get3A_1207] {strides = array<i32>} : memref<256xi32, #tpu.memory_space<vmem>>, vector<16xi32>,
      %broadcast_in_dim3A_1209 = arith.constant true
      %broadcast_in_dim3A_1210 = vector.broadcast %broadcast_in_dim3A_1209 : i1 to vector<16xi1>
      %masked_cummax3A_1211 = arith.constant -2147483648 : i32
      %masked_cummax3A_1212 = vector.broadcast %masked_cummax3A_1211 : i32 to vector<16xi32>
      %masked_cummax3A_1213 = arith.xori %get3A_1208, %masked_cummax3A_1212 : vector<16xi32>
      %masked_cummax3A_1214 = tpu.scan <max>, %masked_cummax3A_1213 masked %broadcast_in_dim3A_1210 : vector<16xi32>, vector<16xi1> -> vector<16xi32>
      %masked_cummax3A_1215 = arith.xori %masked_cummax3A_1214, %masked_cummax3A_1212 : vector<16xi32>
      %max3A_1216 = vector.broadcast %squeeze3A_1189 : i32 to vector<16xi32>
      %max3A_1217 = arith.maxsi %masked_cummax3A_1215, %max3A_1216 : vector<16xi32>
      %slice3A_1218 = vector.extract_strided_slice %max3A_1217 {offsets = [15], sizes = [1], strides = [1]} : vector<16xi32> to vector<1xi32>
      %squeeze3A_1219 = vector.extract %slice3A_1218[0] : i32 from vector<1xi32>
      %add3A_1220 = arith.constant 192 : i32
      %add3A_1221 = arith.addi %add3A_752, %add3A_1220 : i32
      %add3A_1222 = vector.broadcast %add3A_1221 : i32 to vector<16xi32>
      %add3A_1223 = arith.addi %add3A_1222, %iota3A : vector<16xi32>
      %ge3A_1224 = vector.broadcast %squeeze3A : i32 to vector<16xi32>
      %ge3A_1225 = arith.cmpi sge, %add3A_1223, %ge3A_1224 : vector<16xi32>
      %lt3A_1226 = vector.broadcast %squeeze3A_11 : i32 to vector<16xi32>
      %lt3A_1227 = arith.cmpi slt, %add3A_1223, %lt3A_1226 : vector<16xi32>
      %and3A_1228 = arith.andi %ge3A_1225, %lt3A_1227 : vector<16xi1>
      %add3A_1229 = vector.broadcast %mul3A_4 : i32 to vector<16xi32>
      %add3A_1230 = arith.addi %max3A_1217, %add3A_1229 : vector<16xi32>
      %broadcast_in_dim3A_1231 = vector.broadcast %add3A_6 : i32 to vector<16xi32>
      %select_n3A_1232 = arith.select %and3A_1228, %add3A_1230, %broadcast_in_dim3A_1231 : vector<16xi1>, vector<16xi32>
      %swap3A_1233 = arith.constant 1 : i32
      %swap3A_1234 = arith.index_cast %swap3A_1233 : i32 to index
      %swap3A_1235 = arith.constant 64 : index
      %swap3A_1236 = tpu.vector_load %arg14[%swap3A_1234, %swap3A_1235] {strides = array<i32>} : memref<2x128xi32, #tpu.memory_space<vmem>>, vector<16xi32>,
      tpu.vector_store %arg14[%swap3A_1234, %swap3A_1235], %select_n3A_1232 {strides = array<i32>} : memref<2x128xi32, #tpu.memory_space<vmem>>, vector<16xi32>,
      %get3A_1237 = arith.constant 208 : index
      %get3A_1238 = tpu.vector_load %arg13[%get3A_1237] {strides = array<i32>} : memref<256xi32, #tpu.memory_space<vmem>>, vector<16xi32>,
      %broadcast_in_dim3A_1239 = arith.constant true
      %broadcast_in_dim3A_1240 = vector.broadcast %broadcast_in_dim3A_1239 : i1 to vector<16xi1>
      %masked_cummax3A_1241 = arith.constant -2147483648 : i32
      %masked_cummax3A_1242 = vector.broadcast %masked_cummax3A_1241 : i32 to vector<16xi32>
      %masked_cummax3A_1243 = arith.xori %get3A_1238, %masked_cummax3A_1242 : vector<16xi32>
      %masked_cummax3A_1244 = tpu.scan <max>, %masked_cummax3A_1243 masked %broadcast_in_dim3A_1240 : vector<16xi32>, vector<16xi1> -> vector<16xi32>
      %masked_cummax3A_1245 = arith.xori %masked_cummax3A_1244, %masked_cummax3A_1242 : vector<16xi32>
      %max3A_1246 = vector.broadcast %squeeze3A_1219 : i32 to vector<16xi32>
      %max3A_1247 = arith.maxsi %masked_cummax3A_1245, %max3A_1246 : vector<16xi32>
      %slice3A_1248 = vector.extract_strided_slice %max3A_1247 {offsets = [15], sizes = [1], strides = [1]} : vector<16xi32> to vector<1xi32>
      %squeeze3A_1249 = vector.extract %slice3A_1248[0] : i32 from vector<1xi32>
      %add3A_1250 = arith.constant 208 : i32
      %add3A_1251 = arith.addi %add3A_752, %add3A_1250 : i32
      %add3A_1252 = vector.broadcast %add3A_1251 : i32 to vector<16xi32>
      %add3A_1253 = arith.addi %add3A_1252, %iota3A : vector<16xi32>
      %ge3A_1254 = vector.broadcast %squeeze3A : i32 to vector<16xi32>
      %ge3A_1255 = arith.cmpi sge, %add3A_1253, %ge3A_1254 : vector<16xi32>
      %lt3A_1256 = vector.broadcast %squeeze3A_11 : i32 to vector<16xi32>
      %lt3A_1257 = arith.cmpi slt, %add3A_1253, %lt3A_1256 : vector<16xi32>
      %and3A_1258 = arith.andi %ge3A_1255, %lt3A_1257 : vector<16xi1>
      %add3A_1259 = vector.broadcast %mul3A_4 : i32 to vector<16xi32>
      %add3A_1260 = arith.addi %max3A_1247, %add3A_1259 : vector<16xi32>
      %broadcast_in_dim3A_1261 = vector.broadcast %add3A_6 : i32 to vector<16xi32>
      %select_n3A_1262 = arith.select %and3A_1258, %add3A_1260, %broadcast_in_dim3A_1261 : vector<16xi1>, vector<16xi32>
      %swap3A_1263 = arith.constant 1 : i32
      %swap3A_1264 = arith.index_cast %swap3A_1263 : i32 to index
      %swap3A_1265 = arith.constant 80 : index
      %swap3A_1266 = tpu.vector_load %arg14[%swap3A_1264, %swap3A_1265] {strides = array<i32>} : memref<2x128xi32, #tpu.memory_space<vmem>>, vector<16xi32>,
      tpu.vector_store %arg14[%swap3A_1264, %swap3A_1265], %select_n3A_1262 {strides = array<i32>} : memref<2x128xi32, #tpu.memory_space<vmem>>, vector<16xi32>,
      %get3A_1267 = arith.constant 224 : index
      %get3A_1268 = tpu.vector_load %arg13[%get3A_1267] {strides = array<i32>} : memref<256xi32, #tpu.memory_space<vmem>>, vector<16xi32>,
      %broadcast_in_dim3A_1269 = arith.constant true
      %broadcast_in_dim3A_1270 = vector.broadcast %broadcast_in_dim3A_1269 : i1 to vector<16xi1>
      %masked_cummax3A_1271 = arith.constant -2147483648 : i32
      %masked_cummax3A_1272 = vector.broadcast %masked_cummax3A_1271 : i32 to vector<16xi32>
      %masked_cummax3A_1273 = arith.xori %get3A_1268, %masked_cummax3A_1272 : vector<16xi32>
      %masked_cummax3A_1274 = tpu.scan <max>, %masked_cummax3A_1273 masked %broadcast_in_dim3A_1270 : vector<16xi32>, vector<16xi1> -> vector<16xi32>
      %masked_cummax3A_1275 = arith.xori %masked_cummax3A_1274, %masked_cummax3A_1272 : vector<16xi32>
      %max3A_1276 = vector.broadcast %squeeze3A_1249 : i32 to vector<16xi32>
      %max3A_1277 = arith.maxsi %masked_cummax3A_1275, %max3A_1276 : vector<16xi32>
      %slice3A_1278 = vector.extract_strided_slice %max3A_1277 {offsets = [15], sizes = [1], strides = [1]} : vector<16xi32> to vector<1xi32>
      %squeeze3A_1279 = vector.extract %slice3A_1278[0] : i32 from vector<1xi32>
      %add3A_1280 = arith.constant 224 : i32
      %add3A_1281 = arith.addi %add3A_752, %add3A_1280 : i32
      %add3A_1282 = vector.broadcast %add3A_1281 : i32 to vector<16xi32>
      %add3A_1283 = arith.addi %add3A_1282, %iota3A : vector<16xi32>
      %ge3A_1284 = vector.broadcast %squeeze3A : i32 to vector<16xi32>
      %ge3A_1285 = arith.cmpi sge, %add3A_1283, %ge3A_1284 : vector<16xi32>
      %lt3A_1286 = vector.broadcast %squeeze3A_11 : i32 to vector<16xi32>
      %lt3A_1287 = arith.cmpi slt, %add3A_1283, %lt3A_1286 : vector<16xi32>
      %and3A_1288 = arith.andi %ge3A_1285, %lt3A_1287 : vector<16xi1>
      %add3A_1289 = vector.broadcast %mul3A_4 : i32 to vector<16xi32>
      %add3A_1290 = arith.addi %max3A_1277, %add3A_1289 : vector<16xi32>
      %broadcast_in_dim3A_1291 = vector.broadcast %add3A_6 : i32 to vector<16xi32>
      %select_n3A_1292 = arith.select %and3A_1288, %add3A_1290, %broadcast_in_dim3A_1291 : vector<16xi1>, vector<16xi32>
      %swap3A_1293 = arith.constant 1 : i32
      %swap3A_1294 = arith.index_cast %swap3A_1293 : i32 to index
      %swap3A_1295 = arith.constant 96 : index
      %swap3A_1296 = tpu.vector_load %arg14[%swap3A_1294, %swap3A_1295] {strides = array<i32>} : memref<2x128xi32, #tpu.memory_space<vmem>>, vector<16xi32>,
      tpu.vector_store %arg14[%swap3A_1294, %swap3A_1295], %select_n3A_1292 {strides = array<i32>} : memref<2x128xi32, #tpu.memory_space<vmem>>, vector<16xi32>,
      %get3A_1297 = arith.constant 240 : index
      %get3A_1298 = tpu.vector_load %arg13[%get3A_1297] {strides = array<i32>} : memref<256xi32, #tpu.memory_space<vmem>>, vector<16xi32>,
      %broadcast_in_dim3A_1299 = arith.constant true
      %broadcast_in_dim3A_1300 = vector.broadcast %broadcast_in_dim3A_1299 : i1 to vector<16xi1>
      %masked_cummax3A_1301 = arith.constant -2147483648 : i32
      %masked_cummax3A_1302 = vector.broadcast %masked_cummax3A_1301 : i32 to vector<16xi32>
      %masked_cummax3A_1303 = arith.xori %get3A_1298, %masked_cummax3A_1302 : vector<16xi32>
      %masked_cummax3A_1304 = tpu.scan <max>, %masked_cummax3A_1303 masked %broadcast_in_dim3A_1300 : vector<16xi32>, vector<16xi1> -> vector<16xi32>
      %masked_cummax3A_1305 = arith.xori %masked_cummax3A_1304, %masked_cummax3A_1302 : vector<16xi32>
      %max3A_1306 = vector.broadcast %squeeze3A_1279 : i32 to vector<16xi32>
      %max3A_1307 = arith.maxsi %masked_cummax3A_1305, %max3A_1306 : vector<16xi32>
      %slice3A_1308 = vector.extract_strided_slice %max3A_1307 {offsets = [15], sizes = [1], strides = [1]} : vector<16xi32> to vector<1xi32>
      %squeeze3A_1309 = vector.extract %slice3A_1308[0] : i32 from vector<1xi32>
      %add3A_1310 = arith.constant 240 : i32
      %add3A_1311 = arith.addi %add3A_752, %add3A_1310 : i32
      %add3A_1312 = vector.broadcast %add3A_1311 : i32 to vector<16xi32>
      %add3A_1313 = arith.addi %add3A_1312, %iota3A : vector<16xi32>
      %ge3A_1314 = vector.broadcast %squeeze3A : i32 to vector<16xi32>
      %ge3A_1315 = arith.cmpi sge, %add3A_1313, %ge3A_1314 : vector<16xi32>
      %lt3A_1316 = vector.broadcast %squeeze3A_11 : i32 to vector<16xi32>
      %lt3A_1317 = arith.cmpi slt, %add3A_1313, %lt3A_1316 : vector<16xi32>
      %and3A_1318 = arith.andi %ge3A_1315, %lt3A_1317 : vector<16xi1>
      %add3A_1319 = vector.broadcast %mul3A_4 : i32 to vector<16xi32>
      %add3A_1320 = arith.addi %max3A_1307, %add3A_1319 : vector<16xi32>
      %broadcast_in_dim3A_1321 = vector.broadcast %add3A_6 : i32 to vector<16xi32>
      %select_n3A_1322 = arith.select %and3A_1318, %add3A_1320, %broadcast_in_dim3A_1321 : vector<16xi1>, vector<16xi32>
      %swap3A_1323 = arith.constant 1 : i32
      %swap3A_1324 = arith.index_cast %swap3A_1323 : i32 to index
      %swap3A_1325 = arith.constant 112 : index
      %swap3A_1326 = tpu.vector_load %arg14[%swap3A_1324, %swap3A_1325] {strides = array<i32>} : memref<2x128xi32, #tpu.memory_space<vmem>>, vector<16xi32>,
      tpu.vector_store %arg14[%swap3A_1324, %swap3A_1325], %select_n3A_1322 {strides = array<i32>} : memref<2x128xi32, #tpu.memory_space<vmem>>, vector<16xi32>,
      %dma_start3A_1327 = arith.constant 0 : i32
      %dma_start3A_1328 = arith.constant 0 : i32
      %dma_start3A_1329 = arith.constant 0 : i32
      %dma_start3A_1330 = tpu.memref_slice %arg11[%dma_start3A_1328, %dma_start3A_1329] : memref<256x32xf32, #tpu.memory_space<vmem>> -> memref<128x32xf32, #tpu.memory_space<vmem>>
      %dma_start3A_1331 = arith.constant 0 : i32
      %dma_start3A_1332 = tpu.memref_slice %arg14[%dma_start3A_1327, %dma_start3A_1331] : memref<2x128xi32, #tpu.memory_space<vmem>> -> memref<1x128xi32, #tpu.memory_space<vmem>>
      %dma_start3A_1333 = tpu.memref_squeeze %dma_start3A_1332 : memref<1x128xi32, #tpu.memory_space<vmem>> -> memref<128xi32, #tpu.memory_space<vmem>>
      %dma_start3A_1334 = arith.constant 0 : i32
      %dma_start3A_1335 = arith.constant 0 : i32
      %dma_start3A_1336 = tpu.memref_slice %arg16[%dma_start3A_1334, %dma_start3A_1335] : memref<53376x32xf32, #tpu.memory_space<vmem_shared>> -> memref<53376x32xf32, #tpu.memory_space<vmem_shared>>
      tpu.enqueue_indirect_dma source(%dma_start3A_1330 : memref<128x32xf32, #tpu.memory_space<vmem>>) target(%dma_start3A_1336 : memref<53376x32xf32, #tpu.memory_space<vmem_shared>>) offsets(%dma_start3A_1333 : memref<128xi32, #tpu.memory_space<vmem>>) semaphore(%arg21 : memref<!tpu.dma_semaphore, #tpu.memory_space<semaphore_mem>>) {add = true}
      %dma_start3A_1337 = arith.constant 1 : i32
      %dma_start3A_1338 = arith.constant 128 : i32
      %dma_start3A_1339 = arith.constant 0 : i32
      %dma_start3A_1340 = tpu.memref_slice %arg11[%dma_start3A_1338, %dma_start3A_1339] : memref<256x32xf32, #tpu.memory_space<vmem>> -> memref<128x32xf32, #tpu.memory_space<vmem>>
      %dma_start3A_1341 = arith.constant 0 : i32
      %dma_start3A_1342 = tpu.memref_slice %arg14[%dma_start3A_1337, %dma_start3A_1341] : memref<2x128xi32, #tpu.memory_space<vmem>> -> memref<1x128xi32, #tpu.memory_space<vmem>>
      %dma_start3A_1343 = tpu.memref_squeeze %dma_start3A_1342 : memref<1x128xi32, #tpu.memory_space<vmem>> -> memref<128xi32, #tpu.memory_space<vmem>>
      %dma_start3A_1344 = arith.constant 0 : i32
      %dma_start3A_1345 = arith.constant 0 : i32
      %dma_start3A_1346 = tpu.memref_slice %arg16[%dma_start3A_1344, %dma_start3A_1345] : memref<53376x32xf32, #tpu.memory_space<vmem_shared>> -> memref<53376x32xf32, #tpu.memory_space<vmem_shared>>
      tpu.enqueue_indirect_dma source(%dma_start3A_1340 : memref<128x32xf32, #tpu.memory_space<vmem>>) target(%dma_start3A_1346 : memref<53376x32xf32, #tpu.memory_space<vmem_shared>>) offsets(%dma_start3A_1343 : memref<128xi32, #tpu.memory_space<vmem>>) semaphore(%arg21 : memref<!tpu.dma_semaphore, #tpu.memory_space<semaphore_mem>>) {add = true}
      %add3A_1347 = arith.constant 3 : i32
      %add3A_1348 = arith.addi %mul3A_704, %add3A_1347 : i32
      %lt3A_1349 = arith.cmpi slt, %add3A_1348, %mul3A_87 : i32
      %convert_element_type3A_1350 = arith.extui %lt3A_1349 : i1 to i32
      %cond3A_1351 = arith.constant 0 : i32
      %cond3A_1352 = arith.cmpi ne, %convert_element_type3A_1350, %cond3A_1351 : i32
      scf.if %cond3A_1352 {
        %add3A_1960 = arith.constant 3 : i32
        %add3A_1961 = arith.addi %mul3A_704, %add3A_1960 : i32
        %mul3A_1962 = arith.constant 256 : i32
        %mul3A_1963 = arith.muli %add3A_1961, %mul3A_1962 : i32
        %add3A_1964 = arith.addi %mul3A_29, %mul3A_1963 : i32
        %dma_start3A_1965 = tpu.memref_slice %arg2[%add3A_1964] : memref<426504xi32, #tpu.memory_space<hbm>> -> memref<128xi32, #tpu.memory_space<hbm>>
        %dma_start3A_1966 = tpu.memref_slice %arg2[%add3A_1964] : memref<426504xi32, #tpu.memory_space<hbm>> -> memref<128xi32, #tpu.memory_space<hbm>>
        tpu.enqueue_dma source(%dma_start3A_1966 : memref<128xi32, #tpu.memory_space<hbm>>) target(%arg9 : memref<128xi32, #tpu.memory_space<vmem>>) target_semaphore(%arg18 : memref<!tpu.dma_semaphore, #tpu.memory_space<semaphore_mem>>)
        %add3A_1967 = arith.constant 128 : i32
        %add3A_1968 = arith.addi %add3A_1964, %add3A_1967 : i32
        %dma_start3A_1969 = tpu.memref_slice %arg2[%add3A_1968] : memref<426504xi32, #tpu.memory_space<hbm>> -> memref<128xi32, #tpu.memory_space<hbm>>
        %dma_start3A_1970 = tpu.memref_slice %arg2[%add3A_1968] : memref<426504xi32, #tpu.memory_space<hbm>> -> memref<128xi32, #tpu.memory_space<hbm>>
        tpu.enqueue_dma source(%dma_start3A_1970 : memref<128xi32, #tpu.memory_space<hbm>>) target(%arg10 : memref<128xi32, #tpu.memory_space<vmem>>) target_semaphore(%arg18 : memref<!tpu.dma_semaphore, #tpu.memory_space<semaphore_mem>>)
      } else {
      }
      %add3A_1353 = arith.constant 2 : i32
      %add3A_1354 = arith.addi %mul3A_704, %add3A_1353 : i32
      %lt3A_1355 = arith.cmpi slt, %add3A_1354, %mul3A_87 : i32
      %convert_element_type3A_1356 = arith.extui %lt3A_1355 : i1 to i32
      %cond3A_1357 = arith.constant 0 : i32
      %cond3A_1358 = arith.cmpi ne, %convert_element_type3A_1356, %cond3A_1357 : i32
      scf.if %cond3A_1358 {
        %add3A_1960 = arith.constant 2 : i32
        %add3A_1961 = arith.addi %mul3A_704, %add3A_1960 : i32
        %dma_wait3A_1962 = arith.constant 0 : i32
        %dma_wait3A_1963 = arith.constant 0 : i32
        %dma_wait3A_1964 = arith.constant 0 : i32
        %dma_wait3A_1965 = tpu.memref_slice %arg11[%dma_wait3A_1963, %dma_wait3A_1964] : memref<256x32xf32, #tpu.memory_space<vmem>> -> memref<128x32xf32, #tpu.memory_space<vmem>>
        %dma_wait3A_1966 = arith.constant 0 : i32
        %dma_wait3A_1967 = tpu.memref_slice %arg14[%dma_wait3A_1962, %dma_wait3A_1966] : memref<2x128xi32, #tpu.memory_space<vmem>> -> memref<1x128xi32, #tpu.memory_space<vmem>>
        %dma_wait3A_1968 = tpu.memref_squeeze %dma_wait3A_1967 : memref<1x128xi32, #tpu.memory_space<vmem>> -> memref<128xi32, #tpu.memory_space<vmem>>
        %dma_wait3A_1969 = arith.constant 0 : i32
        %dma_wait3A_1970 = arith.constant 0 : i32
        %dma_wait3A_1971 = tpu.memref_slice %arg16[%dma_wait3A_1969, %dma_wait3A_1970] : memref<53376x32xf32, #tpu.memory_space<vmem_shared>> -> memref<53376x32xf32, #tpu.memory_space<vmem_shared>>
        tpu.wait_indirect_dma semaphore(%arg21 : memref<!tpu.dma_semaphore, #tpu.memory_space<semaphore_mem>>) src(%dma_wait3A_1965 : memref<128x32xf32, #tpu.memory_space<vmem>>) dst(%dma_wait3A_1971 : memref<53376x32xf32, #tpu.memory_space<vmem_shared>>)
        %dma_wait3A_1972 = arith.constant 1 : i32
        %dma_wait3A_1973 = arith.constant 128 : i32
        %dma_wait3A_1974 = arith.constant 0 : i32
        %dma_wait3A_1975 = tpu.memref_slice %arg11[%dma_wait3A_1973, %dma_wait3A_1974] : memref<256x32xf32, #tpu.memory_space<vmem>> -> memref<128x32xf32, #tpu.memory_space<vmem>>
        %dma_wait3A_1976 = arith.constant 0 : i32
        %dma_wait3A_1977 = tpu.memref_slice %arg14[%dma_wait3A_1972, %dma_wait3A_1976] : memref<2x128xi32, #tpu.memory_space<vmem>> -> memref<1x128xi32, #tpu.memory_space<vmem>>
        %dma_wait3A_1978 = tpu.memref_squeeze %dma_wait3A_1977 : memref<1x128xi32, #tpu.memory_space<vmem>> -> memref<128xi32, #tpu.memory_space<vmem>>
        %dma_wait3A_1979 = arith.constant 0 : i32
        %dma_wait3A_1980 = arith.constant 0 : i32
        %dma_wait3A_1981 = tpu.memref_slice %arg16[%dma_wait3A_1979, %dma_wait3A_1980] : memref<53376x32xf32, #tpu.memory_space<vmem_shared>> -> memref<53376x32xf32, #tpu.memory_space<vmem_shared>>
        tpu.wait_indirect_dma semaphore(%arg21 : memref<!tpu.dma_semaphore, #tpu.memory_space<semaphore_mem>>) src(%dma_wait3A_1975 : memref<128x32xf32, #tpu.memory_space<vmem>>) dst(%dma_wait3A_1981 : memref<53376x32xf32, #tpu.memory_space<vmem_shared>>)
        %dma_wait3A_1982 = arith.constant 0 : i32
        %dma_wait3A_1983 = tpu.memref_slice %arg2[%dma_wait3A_1982] : memref<426504xi32, #tpu.memory_space<hbm>> -> memref<128xi32, #tpu.memory_space<hbm>>
        %dma_wait3A_1984 = arith.constant 0 : i32
        %dma_wait3A_1985 = tpu.memref_slice %arg2[%dma_wait3A_1984] : memref<426504xi32, #tpu.memory_space<hbm>> -> memref<128xi32, #tpu.memory_space<hbm>>
        tpu.wait_dma2 semaphore(%arg17 : memref<!tpu.dma_semaphore, #tpu.memory_space<semaphore_mem>>) src(%dma_wait3A_1985 : memref<128xi32, #tpu.memory_space<hbm>>) dst(%arg7 : memref<128xi32, #tpu.memory_space<vmem>>)
        %dma_wait3A_1986 = arith.constant 0 : i32
        %dma_wait3A_1987 = tpu.memref_slice %arg2[%dma_wait3A_1986] : memref<426504xi32, #tpu.memory_space<hbm>> -> memref<128xi32, #tpu.memory_space<hbm>>
        %dma_wait3A_1988 = arith.constant 0 : i32
        %dma_wait3A_1989 = tpu.memref_slice %arg2[%dma_wait3A_1988] : memref<426504xi32, #tpu.memory_space<hbm>> -> memref<128xi32, #tpu.memory_space<hbm>>
        tpu.wait_dma2 semaphore(%arg17 : memref<!tpu.dma_semaphore, #tpu.memory_space<semaphore_mem>>) src(%dma_wait3A_1989 : memref<128xi32, #tpu.memory_space<hbm>>) dst(%arg8 : memref<128xi32, #tpu.memory_space<vmem>>)
        %dma_start3A_1990 = arith.constant 0 : i32
        %dma_start3A_1991 = arith.constant 0 : i32
        %dma_start3A_1992 = tpu.memref_slice %arg11[%dma_start3A_1990, %dma_start3A_1991] : memref<256x32xf32, #tpu.memory_space<vmem>> -> memref<128x32xf32, #tpu.memory_space<vmem>>
        %dma_start3A_1993 = arith.constant 0 : i32
        %dma_start3A_1994 = arith.constant 0 : i32
        %dma_start3A_1995 = tpu.memref_slice %arg4[%dma_start3A_1993, %dma_start3A_1994] : memref<1000000x32xf32, #tpu.memory_space<hbm>> -> memref<1000000x32xf32, #tpu.memory_space<hbm>>
        tpu.enqueue_indirect_dma source(%dma_start3A_1995 : memref<1000000x32xf32, #tpu.memory_space<hbm>>) target(%dma_start3A_1992 : memref<128x32xf32, #tpu.memory_space<vmem>>) offsets(%arg7 : memref<128xi32, #tpu.memory_space<vmem>>) semaphore(%arg19 : memref<!tpu.dma_semaphore, #tpu.memory_space<semaphore_mem>>)
        %dma_start3A_1996 = arith.constant 128 : i32
        %dma_start3A_1997 = arith.constant 0 : i32
        %dma_start3A_1998 = tpu.memref_slice %arg11[%dma_start3A_1996, %dma_start3A_1997] : memref<256x32xf32, #tpu.memory_space<vmem>> -> memref<128x32xf32, #tpu.memory_space<vmem>>
        %dma_start3A_1999 = arith.constant 0 : i32
        %dma_start3A_2000 = arith.constant 0 : i32
        %dma_start3A_2001 = tpu.memref_slice %arg4[%dma_start3A_1999, %dma_start3A_2000] : memref<1000000x32xf32, #tpu.memory_space<hbm>> -> memref<1000000x32xf32, #tpu.memory_space<hbm>>
        tpu.enqueue_indirect_dma source(%dma_start3A_2001 : memref<1000000x32xf32, #tpu.memory_space<hbm>>) target(%dma_start3A_1998 : memref<128x32xf32, #tpu.memory_space<vmem>>) offsets(%arg8 : memref<128xi32, #tpu.memory_space<vmem>>) semaphore(%arg19 : memref<!tpu.dma_semaphore, #tpu.memory_space<semaphore_mem>>)
      } else {
      }
      %add3A_1359 = arith.constant 1 : i32
      %add3A_1360 = arith.addi %mul3A_704, %add3A_1359 : i32
      %mul3A_1361 = arith.constant 256 : i32
      %mul3A_1362 = arith.muli %add3A_1360, %mul3A_1361 : i32
      %add3A_1363 = arith.addi %mul3A_29, %mul3A_1362 : i32
      %dma_wait3A_1364 = arith.constant 0 : i32
      %dma_wait3A_1365 = arith.constant 0 : i32
      %dma_wait3A_1366 = tpu.memref_slice %arg12[%dma_wait3A_1364, %dma_wait3A_1365] : memref<256x32xf32, #tpu.memory_space<vmem>> -> memref<128x32xf32, #tpu.memory_space<vmem>>
      %dma_wait3A_1367 = arith.constant 0 : i32
      %dma_wait3A_1368 = arith.constant 0 : i32
      %dma_wait3A_1369 = tpu.memref_slice %arg4[%dma_wait3A_1367, %dma_wait3A_1368] : memref<1000000x32xf32, #tpu.memory_space<hbm>> -> memref<1000000x32xf32, #tpu.memory_space<hbm>>
      tpu.wait_indirect_dma semaphore(%arg20 : memref<!tpu.dma_semaphore, #tpu.memory_space<semaphore_mem>>) src(%dma_wait3A_1369 : memref<1000000x32xf32, #tpu.memory_space<hbm>>) dst(%dma_wait3A_1366 : memref<128x32xf32, #tpu.memory_space<vmem>>)
      %dma_wait3A_1370 = arith.constant 128 : i32
      %dma_wait3A_1371 = arith.constant 0 : i32
      %dma_wait3A_1372 = tpu.memref_slice %arg12[%dma_wait3A_1370, %dma_wait3A_1371] : memref<256x32xf32, #tpu.memory_space<vmem>> -> memref<128x32xf32, #tpu.memory_space<vmem>>
      %dma_wait3A_1373 = arith.constant 0 : i32
      %dma_wait3A_1374 = arith.constant 0 : i32
      %dma_wait3A_1375 = tpu.memref_slice %arg4[%dma_wait3A_1373, %dma_wait3A_1374] : memref<1000000x32xf32, #tpu.memory_space<hbm>> -> memref<1000000x32xf32, #tpu.memory_space<hbm>>
      tpu.wait_indirect_dma semaphore(%arg20 : memref<!tpu.dma_semaphore, #tpu.memory_space<semaphore_mem>>) src(%dma_wait3A_1375 : memref<1000000x32xf32, #tpu.memory_space<hbm>>) dst(%dma_wait3A_1372 : memref<128x32xf32, #tpu.memory_space<vmem>>)
      %add3A_1376 = arith.constant 256 : i32
      %add3A_1377 = arith.addi %add3A_1363, %add3A_1376 : i32
      %sub3A_1378 = arith.constant 1 : i32
      %sub3A_1379 = arith.subi %add3A_1377, %sub3A_1378 : i32
      %scan3A_1380 = arith.constant 3328 : i32
      %scan3A_1381 = arith.constant 0 : i32
      %scan3A_1382 = arith.constant 12 : i32
      %scan3A_1383 = arith.addi %scan3A_1381, %scan3A_1382 : i32
      %scan3A_1384 = arith.constant 1 : i32
      %scan3A_1385:2 = scf.for %scan3A_1960 = %scan3A_1381 to %scan3A_1383 step %scan3A_1384 iter_args(%scan3A_1961 = %scan3A_774#0, %scan3A_1962 = %scan3A_1380) -> (i32, i32)  : i32 {
        %add3A_1963 = arith.addi %scan3A_1961, %scan3A_1962 : i32
        %jit3A_1964 = arith.constant 2 : i32
        %div3A_1965 = arith.divsi %add3A_1963, %jit3A_1964 : i32
        %sign3A_1966 = arith.constant 0 : i32
        %sign3A_1967 = arith.cmpi sgt, %add3A_1963, %sign3A_1966 : i32
        %sign3A_1968 = arith.extui %sign3A_1967 : i1 to i32
        %sign3A_1969 = arith.constant 0 : i32
        %sign3A_1970 = arith.cmpi slt, %add3A_1963, %sign3A_1969 : i32
        %sign3A_1971 = arith.extui %sign3A_1970 : i1 to i32
        %sign3A_1972 = arith.subi %sign3A_1968, %sign3A_1971 : i32
        %sign3A_1973 = arith.constant 0 : i32
        %sign3A_1974 = arith.cmpi sgt, %jit3A_1964, %sign3A_1973 : i32
        %sign3A_1975 = arith.extui %sign3A_1974 : i1 to i32
        %sign3A_1976 = arith.constant 0 : i32
        %sign3A_1977 = arith.cmpi slt, %jit3A_1964, %sign3A_1976 : i32
        %sign3A_1978 = arith.extui %sign3A_1977 : i1 to i32
        %sign3A_1979 = arith.subi %sign3A_1975, %sign3A_1978 : i32
        %ne3A_1980 = arith.cmpi ne, %sign3A_1972, %sign3A_1979 : i32
        %rem3A_1981 = arith.remsi %add3A_1963, %jit3A_1964 : i32
        %ne3A_1982 = arith.constant 0 : i32
        %ne3A_1983 = arith.cmpi ne, %rem3A_1981, %ne3A_1982 : i32
        %and3A_1984 = arith.andi %ne3A_1980, %ne3A_1983 : i1
        %sub3A_1985 = arith.constant 1 : i32
        %sub3A_1986 = arith.subi %div3A_1965, %sub3A_1985 : i32
        %select_n3A_1987 = arith.select %and3A_1984, %sub3A_1986, %div3A_1965 : i32
        %lt3A_1988 = arith.cmpi slt, %scan3A_1961, %scan3A_1962 : i32
        %add3A_1989 = arith.constant 1 : i32
        %add3A_1990 = arith.addi %select_n3A_1987, %add3A_1989 : i32
        %get3A_1991 = arith.index_cast %add3A_1990 : i32 to index
        %get3A_1992 = tpu.vector_load %arg6[%get3A_1991] {strides = array<i32>} : memref<3352xi32, #tpu.memory_space<vmem>>, vector<16xi32>,
        %slice3A_1993 = vector.extract_strided_slice %get3A_1992 {offsets = [0], sizes = [1], strides = [1]} : vector<16xi32> to vector<1xi32>
        %squeeze3A_1994 = vector.extract %slice3A_1993[0] : i32 from vector<1xi32>
        %le3A = arith.cmpi sle, %squeeze3A_1994, %sub3A_1379 : i32
        %and3A_1995 = arith.andi %lt3A_1988, %le3A : i1
        %add3A_1996 = arith.constant 1 : i32
        %add3A_1997 = arith.addi %select_n3A_1987, %add3A_1996 : i32
        %select_n3A_1998 = arith.select %and3A_1995, %add3A_1997, %scan3A_1961 : i32
        %select_n3A_1999 = arith.select %and3A_1995, %scan3A_1962, %select_n3A_1987 : i32
        scf.yield %select_n3A_1998, %select_n3A_1999 : i32, i32
      }
      %scan3A_1386 = arith.constant 12 : i32
      %swap3A_1387 = arith.constant 0 : index
      %swap3A_1388 = tpu.vector_load %arg13[%swap3A_1387] {strides = array<i32>} : memref<256xi32, #tpu.memory_space<vmem>>, vector<16xi32>,
      tpu.vector_store %arg13[%swap3A_1387], %broadcast_in_dim3A_90 {strides = array<i32>} : memref<256xi32, #tpu.memory_space<vmem>>, vector<16xi32>,
      %swap3A_1389 = arith.constant 16 : index
      %swap3A_1390 = tpu.vector_load %arg13[%swap3A_1389] {strides = array<i32>} : memref<256xi32, #tpu.memory_space<vmem>>, vector<16xi32>,
      tpu.vector_store %arg13[%swap3A_1389], %broadcast_in_dim3A_90 {strides = array<i32>} : memref<256xi32, #tpu.memory_space<vmem>>, vector<16xi32>,
      %swap3A_1391 = arith.constant 32 : index
      %swap3A_1392 = tpu.vector_load %arg13[%swap3A_1391] {strides = array<i32>} : memref<256xi32, #tpu.memory_space<vmem>>, vector<16xi32>,
      tpu.vector_store %arg13[%swap3A_1391], %broadcast_in_dim3A_90 {strides = array<i32>} : memref<256xi32, #tpu.memory_space<vmem>>, vector<16xi32>,
      %swap3A_1393 = arith.constant 48 : index
      %swap3A_1394 = tpu.vector_load %arg13[%swap3A_1393] {strides = array<i32>} : memref<256xi32, #tpu.memory_space<vmem>>, vector<16xi32>,
      tpu.vector_store %arg13[%swap3A_1393], %broadcast_in_dim3A_90 {strides = array<i32>} : memref<256xi32, #tpu.memory_space<vmem>>, vector<16xi32>,
      %swap3A_1395 = arith.constant 64 : index
      %swap3A_1396 = tpu.vector_load %arg13[%swap3A_1395] {strides = array<i32>} : memref<256xi32, #tpu.memory_space<vmem>>, vector<16xi32>,
      tpu.vector_store %arg13[%swap3A_1395], %broadcast_in_dim3A_90 {strides = array<i32>} : memref<256xi32, #tpu.memory_space<vmem>>, vector<16xi32>,
      %swap3A_1397 = arith.constant 80 : index
      %swap3A_1398 = tpu.vector_load %arg13[%swap3A_1397] {strides = array<i32>} : memref<256xi32, #tpu.memory_space<vmem>>, vector<16xi32>,
      tpu.vector_store %arg13[%swap3A_1397], %broadcast_in_dim3A_90 {strides = array<i32>} : memref<256xi32, #tpu.memory_space<vmem>>, vector<16xi32>,
      %swap3A_1399 = arith.constant 96 : index
      %swap3A_1400 = tpu.vector_load %arg13[%swap3A_1399] {strides = array<i32>} : memref<256xi32, #tpu.memory_space<vmem>>, vector<16xi32>,
      tpu.vector_store %arg13[%swap3A_1399], %broadcast_in_dim3A_90 {strides = array<i32>} : memref<256xi32, #tpu.memory_space<vmem>>, vector<16xi32>,
      %swap3A_1401 = arith.constant 112 : index
      %swap3A_1402 = tpu.vector_load %arg13[%swap3A_1401] {strides = array<i32>} : memref<256xi32, #tpu.memory_space<vmem>>, vector<16xi32>,
      tpu.vector_store %arg13[%swap3A_1401], %broadcast_in_dim3A_90 {strides = array<i32>} : memref<256xi32, #tpu.memory_space<vmem>>, vector<16xi32>,
      %swap3A_1403 = arith.constant 128 : index
      %swap3A_1404 = tpu.vector_load %arg13[%swap3A_1403] {strides = array<i32>} : memref<256xi32, #tpu.memory_space<vmem>>, vector<16xi32>,
      tpu.vector_store %arg13[%swap3A_1403], %broadcast_in_dim3A_90 {strides = array<i32>} : memref<256xi32, #tpu.memory_space<vmem>>, vector<16xi32>,
      %swap3A_1405 = arith.constant 144 : index
      %swap3A_1406 = tpu.vector_load %arg13[%swap3A_1405] {strides = array<i32>} : memref<256xi32, #tpu.memory_space<vmem>>, vector<16xi32>,
      tpu.vector_store %arg13[%swap3A_1405], %broadcast_in_dim3A_90 {strides = array<i32>} : memref<256xi32, #tpu.memory_space<vmem>>, vector<16xi32>,
      %swap3A_1407 = arith.constant 160 : index
      %swap3A_1408 = tpu.vector_load %arg13[%swap3A_1407] {strides = array<i32>} : memref<256xi32, #tpu.memory_space<vmem>>, vector<16xi32>,
      tpu.vector_store %arg13[%swap3A_1407], %broadcast_in_dim3A_90 {strides = array<i32>} : memref<256xi32, #tpu.memory_space<vmem>>, vector<16xi32>,
      %swap3A_1409 = arith.constant 176 : index
      %swap3A_1410 = tpu.vector_load %arg13[%swap3A_1409] {strides = array<i32>} : memref<256xi32, #tpu.memory_space<vmem>>, vector<16xi32>,
      tpu.vector_store %arg13[%swap3A_1409], %broadcast_in_dim3A_90 {strides = array<i32>} : memref<256xi32, #tpu.memory_space<vmem>>, vector<16xi32>,
      %swap3A_1411 = arith.constant 192 : index
      %swap3A_1412 = tpu.vector_load %arg13[%swap3A_1411] {strides = array<i32>} : memref<256xi32, #tpu.memory_space<vmem>>, vector<16xi32>,
      tpu.vector_store %arg13[%swap3A_1411], %broadcast_in_dim3A_90 {strides = array<i32>} : memref<256xi32, #tpu.memory_space<vmem>>, vector<16xi32>,
      %swap3A_1413 = arith.constant 208 : index
      %swap3A_1414 = tpu.vector_load %arg13[%swap3A_1413] {strides = array<i32>} : memref<256xi32, #tpu.memory_space<vmem>>, vector<16xi32>,
      tpu.vector_store %arg13[%swap3A_1413], %broadcast_in_dim3A_90 {strides = array<i32>} : memref<256xi32, #tpu.memory_space<vmem>>, vector<16xi32>,
      %swap3A_1415 = arith.constant 224 : index
      %swap3A_1416 = tpu.vector_load %arg13[%swap3A_1415] {strides = array<i32>} : memref<256xi32, #tpu.memory_space<vmem>>, vector<16xi32>,
      tpu.vector_store %arg13[%swap3A_1415], %broadcast_in_dim3A_90 {strides = array<i32>} : memref<256xi32, #tpu.memory_space<vmem>>, vector<16xi32>,
      %swap3A_1417 = arith.constant 240 : index
      %swap3A_1418 = tpu.vector_load %arg13[%swap3A_1417] {strides = array<i32>} : memref<256xi32, #tpu.memory_space<vmem>>, vector<16xi32>,
      tpu.vector_store %arg13[%swap3A_1417], %broadcast_in_dim3A_90 {strides = array<i32>} : memref<256xi32, #tpu.memory_space<vmem>>, vector<16xi32>,
      %sub3A_1419 = arith.subi %scan3A_1385#0, %scan3A_774#0 : i32
      %add3A_1420 = arith.constant 16 : i32
      %add3A_1421 = arith.addi %sub3A_1419, %add3A_1420 : i32
      %sub3A_1422 = arith.constant 1 : i32
      %sub3A_1423 = arith.subi %add3A_1421, %sub3A_1422 : i32
      %jit3A_1424 = arith.constant 16 : i32
      %div3A_1425 = arith.divsi %sub3A_1423, %jit3A_1424 : i32
      %sign3A_1426 = arith.constant 0 : i32
      %sign3A_1427 = arith.cmpi sgt, %sub3A_1423, %sign3A_1426 : i32
      %sign3A_1428 = arith.extui %sign3A_1427 : i1 to i32
      %sign3A_1429 = arith.constant 0 : i32
      %sign3A_1430 = arith.cmpi slt, %sub3A_1423, %sign3A_1429 : i32
      %sign3A_1431 = arith.extui %sign3A_1430 : i1 to i32
      %sign3A_1432 = arith.subi %sign3A_1428, %sign3A_1431 : i32
      %sign3A_1433 = arith.constant 0 : i32
      %sign3A_1434 = arith.cmpi sgt, %jit3A_1424, %sign3A_1433 : i32
      %sign3A_1435 = arith.extui %sign3A_1434 : i1 to i32
      %sign3A_1436 = arith.constant 0 : i32
      %sign3A_1437 = arith.cmpi slt, %jit3A_1424, %sign3A_1436 : i32
      %sign3A_1438 = arith.extui %sign3A_1437 : i1 to i32
      %sign3A_1439 = arith.subi %sign3A_1435, %sign3A_1438 : i32
      %ne3A_1440 = arith.cmpi ne, %sign3A_1432, %sign3A_1439 : i32
      %rem3A_1441 = arith.remsi %sub3A_1423, %jit3A_1424 : i32
      %ne3A_1442 = arith.constant 0 : i32
      %ne3A_1443 = arith.cmpi ne, %rem3A_1441, %ne3A_1442 : i32
      %and3A_1444 = arith.andi %ne3A_1440, %ne3A_1443 : i1
      %sub3A_1445 = arith.constant 1 : i32
      %sub3A_1446 = arith.subi %div3A_1425, %sub3A_1445 : i32
      %select_n3A_1447 = arith.select %and3A_1444, %sub3A_1446, %div3A_1425 : i32
      %while3A_1448 = arith.constant 0 : i32
      %while3A_1449 = arith.constant 0 : i32
      %while3A_1450 = arith.subi %select_n3A_1447, %while3A_1448 : i32
      %while3A_1451 = arith.addi %while3A_1448, %while3A_1450 : i32
      %while3A_1452 = arith.constant 1 : i32
      %while3A_1453 = arith.divsi %while3A_1450, %while3A_1452 : i32
      %while3A_1454 = arith.muli %while3A_1453, %while3A_1452 : i32
      %while3A_1455 = arith.addi %while3A_1448, %while3A_1454 : i32
      %while3A_1456 = arith.constant 1 : i32
      %while3A_1457 = scf.for %while3A_1960 = %while3A_1448 to %while3A_1455 step %while3A_1456 iter_args(%while3A_1961 = %while3A_1449) -> (i32)  : i32 {
        %mul3A_1962 = arith.constant 16 : i32
        %mul3A_1963 = arith.muli %while3A_1960, %mul3A_1962 : i32
        %add3A_1964 = arith.addi %scan3A_774#0, %mul3A_1963 : i32
        %add3A_1965 = arith.constant 1 : i32
        %add3A_1966 = arith.addi %add3A_1964, %add3A_1965 : i32
        %get3A_1967 = arith.index_cast %add3A_1966 : i32 to index
        %get3A_1968 = tpu.vector_load %arg6[%get3A_1967] {strides = array<i32>} : memref<3352xi32, #tpu.memory_space<vmem>>, vector<16xi32>,
        %add3A_1969 = arith.constant 2 : i32
        %add3A_1970 = arith.addi %add3A_1964, %add3A_1969 : i32
        %get3A_1971 = arith.index_cast %add3A_1970 : i32 to index
        %get3A_1972 = tpu.vector_load %arg6[%get3A_1971] {strides = array<i32>} : memref<3352xi32, #tpu.memory_space<vmem>>, vector<16xi32>,
        %add3A_1973 = vector.broadcast %add3A_1964 : i32 to vector<16xi32>
        %add3A_1974 = arith.addi %iota3A, %add3A_1973 : vector<16xi32>
        %lt3A_1975 = vector.broadcast %scan3A_1385#0 : i32 to vector<16xi32>
        %lt3A_1976 = arith.cmpi slt, %add3A_1974, %lt3A_1975 : vector<16xi32>
        %lt3A_1977 = arith.cmpi slt, %get3A_1968, %get3A_1972 : vector<16xi32>
        %and3A_1978 = arith.andi %lt3A_1976, %lt3A_1977 : vector<16xi1>
        %sub3A_1979 = vector.broadcast %add3A_1363 : i32 to vector<16xi32>
        %sub3A_1980 = arith.subi %get3A_1968, %sub3A_1979 : vector<16xi32>
        %jit3A_1981 = arith.constant 0 : i32
        %jit3A_1982 = arith.constant 255 : i32
        %max3A_1983 = vector.broadcast %jit3A_1981 : i32 to vector<16xi32>
        %max3A_1984 = arith.maxsi %max3A_1983, %sub3A_1980 : vector<16xi32>
        %min3A = vector.broadcast %jit3A_1982 : i32 to vector<16xi32>
        %min3A_1985 = arith.minsi %min3A, %max3A_1984 : vector<16xi32>
        %add3A_1986 = arith.constant 1 : i32
        %add3A_1987 = arith.addi %add3A_1964, %add3A_1986 : i32
        %add3A_1988 = vector.broadcast %add3A_1987 : i32 to vector<16xi32>
        %add3A_1989 = arith.addi %iota3A, %add3A_1988 : vector<16xi32>
        tpu.vector_store_idx %arg13[%min3A_1985], %add3A_1989 masked %and3A_1978 : memref<256xi32, #tpu.memory_space<vmem>>[vector<16xi32>], vector<16xi32>, vector<16xi1>
        %while3A_1990 = arith.constant 0 : i32
        scf.yield %while3A_1990 : i32
      }
      %while3A_1458 = arith.constant 1 : i32
      %while3A_1459 = scf.for %while3A_1960 = %while3A_1455 to %while3A_1451 step %while3A_1458 iter_args(%while3A_1961 = %while3A_1457) -> (i32)  : i32 {
        %mul3A_1962 = arith.constant 16 : i32
        %mul3A_1963 = arith.muli %while3A_1960, %mul3A_1962 : i32
        %add3A_1964 = arith.addi %scan3A_774#0, %mul3A_1963 : i32
        %add3A_1965 = arith.constant 1 : i32
        %add3A_1966 = arith.addi %add3A_1964, %add3A_1965 : i32
        %get3A_1967 = arith.index_cast %add3A_1966 : i32 to index
        %get3A_1968 = tpu.vector_load %arg6[%get3A_1967] {strides = array<i32>} : memref<3352xi32, #tpu.memory_space<vmem>>, vector<16xi32>,
        %add3A_1969 = arith.constant 2 : i32
        %add3A_1970 = arith.addi %add3A_1964, %add3A_1969 : i32
        %get3A_1971 = arith.index_cast %add3A_1970 : i32 to index
        %get3A_1972 = tpu.vector_load %arg6[%get3A_1971] {strides = array<i32>} : memref<3352xi32, #tpu.memory_space<vmem>>, vector<16xi32>,
        %add3A_1973 = vector.broadcast %add3A_1964 : i32 to vector<16xi32>
        %add3A_1974 = arith.addi %iota3A, %add3A_1973 : vector<16xi32>
        %lt3A_1975 = vector.broadcast %scan3A_1385#0 : i32 to vector<16xi32>
        %lt3A_1976 = arith.cmpi slt, %add3A_1974, %lt3A_1975 : vector<16xi32>
        %lt3A_1977 = arith.cmpi slt, %get3A_1968, %get3A_1972 : vector<16xi32>
        %and3A_1978 = arith.andi %lt3A_1976, %lt3A_1977 : vector<16xi1>
        %sub3A_1979 = vector.broadcast %add3A_1363 : i32 to vector<16xi32>
        %sub3A_1980 = arith.subi %get3A_1968, %sub3A_1979 : vector<16xi32>
        %jit3A_1981 = arith.constant 0 : i32
        %jit3A_1982 = arith.constant 255 : i32
        %max3A_1983 = vector.broadcast %jit3A_1981 : i32 to vector<16xi32>
        %max3A_1984 = arith.maxsi %max3A_1983, %sub3A_1980 : vector<16xi32>
        %min3A = vector.broadcast %jit3A_1982 : i32 to vector<16xi32>
        %min3A_1985 = arith.minsi %min3A, %max3A_1984 : vector<16xi32>
        %add3A_1986 = arith.constant 1 : i32
        %add3A_1987 = arith.addi %add3A_1964, %add3A_1986 : i32
        %add3A_1988 = vector.broadcast %add3A_1987 : i32 to vector<16xi32>
        %add3A_1989 = arith.addi %iota3A, %add3A_1988 : vector<16xi32>
        tpu.vector_store_idx %arg13[%min3A_1985], %add3A_1989 masked %and3A_1978 : memref<256xi32, #tpu.memory_space<vmem>>[vector<16xi32>], vector<16xi32>, vector<16xi1>
        %while3A_1990 = arith.constant 0 : i32
        scf.yield %while3A_1990 : i32
      }
      %get3A_1460 = arith.constant 0 : index
      %get3A_1461 = tpu.vector_load %arg13[%get3A_1460] {strides = array<i32>} : memref<256xi32, #tpu.memory_space<vmem>>, vector<16xi32>,
      %broadcast_in_dim3A_1462 = arith.constant true
      %broadcast_in_dim3A_1463 = vector.broadcast %broadcast_in_dim3A_1462 : i1 to vector<16xi1>
      %masked_cummax3A_1464 = arith.constant -2147483648 : i32
      %masked_cummax3A_1465 = vector.broadcast %masked_cummax3A_1464 : i32 to vector<16xi32>
      %masked_cummax3A_1466 = arith.xori %get3A_1461, %masked_cummax3A_1465 : vector<16xi32>
      %masked_cummax3A_1467 = tpu.scan <max>, %masked_cummax3A_1466 masked %broadcast_in_dim3A_1463 : vector<16xi32>, vector<16xi1> -> vector<16xi32>
      %masked_cummax3A_1468 = arith.xori %masked_cummax3A_1467, %masked_cummax3A_1465 : vector<16xi32>
      %max3A_1469 = vector.broadcast %scan3A_774#0 : i32 to vector<16xi32>
      %max3A_1470 = arith.maxsi %masked_cummax3A_1468, %max3A_1469 : vector<16xi32>
      %slice3A_1471 = vector.extract_strided_slice %max3A_1470 {offsets = [15], sizes = [1], strides = [1]} : vector<16xi32> to vector<1xi32>
      %squeeze3A_1472 = vector.extract %slice3A_1471[0] : i32 from vector<1xi32>
      %add3A_1473 = arith.constant 0 : i32
      %add3A_1474 = arith.addi %add3A_1363, %add3A_1473 : i32
      %add3A_1475 = vector.broadcast %add3A_1474 : i32 to vector<16xi32>
      %add3A_1476 = arith.addi %add3A_1475, %iota3A : vector<16xi32>
      %ge3A_1477 = vector.broadcast %squeeze3A : i32 to vector<16xi32>
      %ge3A_1478 = arith.cmpi sge, %add3A_1476, %ge3A_1477 : vector<16xi32>
      %lt3A_1479 = vector.broadcast %squeeze3A_11 : i32 to vector<16xi32>
      %lt3A_1480 = arith.cmpi slt, %add3A_1476, %lt3A_1479 : vector<16xi32>
      %and3A_1481 = arith.andi %ge3A_1478, %lt3A_1480 : vector<16xi1>
      %add3A_1482 = vector.broadcast %mul3A_4 : i32 to vector<16xi32>
      %add3A_1483 = arith.addi %max3A_1470, %add3A_1482 : vector<16xi32>
      %broadcast_in_dim3A_1484 = vector.broadcast %add3A_6 : i32 to vector<16xi32>
      %select_n3A_1485 = arith.select %and3A_1481, %add3A_1483, %broadcast_in_dim3A_1484 : vector<16xi1>, vector<16xi32>
      %swap3A_1486 = arith.constant 0 : i32
      %swap3A_1487 = arith.index_cast %swap3A_1486 : i32 to index
      %swap3A_1488 = arith.constant 0 : index
      %swap3A_1489 = tpu.vector_load %arg15[%swap3A_1487, %swap3A_1488] {strides = array<i32>} : memref<2x128xi32, #tpu.memory_space<vmem>>, vector<16xi32>,
      tpu.vector_store %arg15[%swap3A_1487, %swap3A_1488], %select_n3A_1485 {strides = array<i32>} : memref<2x128xi32, #tpu.memory_space<vmem>>, vector<16xi32>,
      %get3A_1490 = arith.constant 16 : index
      %get3A_1491 = tpu.vector_load %arg13[%get3A_1490] {strides = array<i32>} : memref<256xi32, #tpu.memory_space<vmem>>, vector<16xi32>,
      %broadcast_in_dim3A_1492 = arith.constant true
      %broadcast_in_dim3A_1493 = vector.broadcast %broadcast_in_dim3A_1492 : i1 to vector<16xi1>
      %masked_cummax3A_1494 = arith.constant -2147483648 : i32
      %masked_cummax3A_1495 = vector.broadcast %masked_cummax3A_1494 : i32 to vector<16xi32>
      %masked_cummax3A_1496 = arith.xori %get3A_1491, %masked_cummax3A_1495 : vector<16xi32>
      %masked_cummax3A_1497 = tpu.scan <max>, %masked_cummax3A_1496 masked %broadcast_in_dim3A_1493 : vector<16xi32>, vector<16xi1> -> vector<16xi32>
      %masked_cummax3A_1498 = arith.xori %masked_cummax3A_1497, %masked_cummax3A_1495 : vector<16xi32>
      %max3A_1499 = vector.broadcast %squeeze3A_1472 : i32 to vector<16xi32>
      %max3A_1500 = arith.maxsi %masked_cummax3A_1498, %max3A_1499 : vector<16xi32>
      %slice3A_1501 = vector.extract_strided_slice %max3A_1500 {offsets = [15], sizes = [1], strides = [1]} : vector<16xi32> to vector<1xi32>
      %squeeze3A_1502 = vector.extract %slice3A_1501[0] : i32 from vector<1xi32>
      %add3A_1503 = arith.constant 16 : i32
      %add3A_1504 = arith.addi %add3A_1363, %add3A_1503 : i32
      %add3A_1505 = vector.broadcast %add3A_1504 : i32 to vector<16xi32>
      %add3A_1506 = arith.addi %add3A_1505, %iota3A : vector<16xi32>
      %ge3A_1507 = vector.broadcast %squeeze3A : i32 to vector<16xi32>
      %ge3A_1508 = arith.cmpi sge, %add3A_1506, %ge3A_1507 : vector<16xi32>
      %lt3A_1509 = vector.broadcast %squeeze3A_11 : i32 to vector<16xi32>
      %lt3A_1510 = arith.cmpi slt, %add3A_1506, %lt3A_1509 : vector<16xi32>
      %and3A_1511 = arith.andi %ge3A_1508, %lt3A_1510 : vector<16xi1>
      %add3A_1512 = vector.broadcast %mul3A_4 : i32 to vector<16xi32>
      %add3A_1513 = arith.addi %max3A_1500, %add3A_1512 : vector<16xi32>
      %broadcast_in_dim3A_1514 = vector.broadcast %add3A_6 : i32 to vector<16xi32>
      %select_n3A_1515 = arith.select %and3A_1511, %add3A_1513, %broadcast_in_dim3A_1514 : vector<16xi1>, vector<16xi32>
      %swap3A_1516 = arith.constant 0 : i32
      %swap3A_1517 = arith.index_cast %swap3A_1516 : i32 to index
      %swap3A_1518 = arith.constant 16 : index
      %swap3A_1519 = tpu.vector_load %arg15[%swap3A_1517, %swap3A_1518] {strides = array<i32>} : memref<2x128xi32, #tpu.memory_space<vmem>>, vector<16xi32>,
      tpu.vector_store %arg15[%swap3A_1517, %swap3A_1518], %select_n3A_1515 {strides = array<i32>} : memref<2x128xi32, #tpu.memory_space<vmem>>, vector<16xi32>,
      %get3A_1520 = arith.constant 32 : index
      %get3A_1521 = tpu.vector_load %arg13[%get3A_1520] {strides = array<i32>} : memref<256xi32, #tpu.memory_space<vmem>>, vector<16xi32>,
      %broadcast_in_dim3A_1522 = arith.constant true
      %broadcast_in_dim3A_1523 = vector.broadcast %broadcast_in_dim3A_1522 : i1 to vector<16xi1>
      %masked_cummax3A_1524 = arith.constant -2147483648 : i32
      %masked_cummax3A_1525 = vector.broadcast %masked_cummax3A_1524 : i32 to vector<16xi32>
      %masked_cummax3A_1526 = arith.xori %get3A_1521, %masked_cummax3A_1525 : vector<16xi32>
      %masked_cummax3A_1527 = tpu.scan <max>, %masked_cummax3A_1526 masked %broadcast_in_dim3A_1523 : vector<16xi32>, vector<16xi1> -> vector<16xi32>
      %masked_cummax3A_1528 = arith.xori %masked_cummax3A_1527, %masked_cummax3A_1525 : vector<16xi32>
      %max3A_1529 = vector.broadcast %squeeze3A_1502 : i32 to vector<16xi32>
      %max3A_1530 = arith.maxsi %masked_cummax3A_1528, %max3A_1529 : vector<16xi32>
      %slice3A_1531 = vector.extract_strided_slice %max3A_1530 {offsets = [15], sizes = [1], strides = [1]} : vector<16xi32> to vector<1xi32>
      %squeeze3A_1532 = vector.extract %slice3A_1531[0] : i32 from vector<1xi32>
      %add3A_1533 = arith.constant 32 : i32
      %add3A_1534 = arith.addi %add3A_1363, %add3A_1533 : i32
      %add3A_1535 = vector.broadcast %add3A_1534 : i32 to vector<16xi32>
      %add3A_1536 = arith.addi %add3A_1535, %iota3A : vector<16xi32>
      %ge3A_1537 = vector.broadcast %squeeze3A : i32 to vector<16xi32>
      %ge3A_1538 = arith.cmpi sge, %add3A_1536, %ge3A_1537 : vector<16xi32>
      %lt3A_1539 = vector.broadcast %squeeze3A_11 : i32 to vector<16xi32>
      %lt3A_1540 = arith.cmpi slt, %add3A_1536, %lt3A_1539 : vector<16xi32>
      %and3A_1541 = arith.andi %ge3A_1538, %lt3A_1540 : vector<16xi1>
      %add3A_1542 = vector.broadcast %mul3A_4 : i32 to vector<16xi32>
      %add3A_1543 = arith.addi %max3A_1530, %add3A_1542 : vector<16xi32>
      %broadcast_in_dim3A_1544 = vector.broadcast %add3A_6 : i32 to vector<16xi32>
      %select_n3A_1545 = arith.select %and3A_1541, %add3A_1543, %broadcast_in_dim3A_1544 : vector<16xi1>, vector<16xi32>
      %swap3A_1546 = arith.constant 0 : i32
      %swap3A_1547 = arith.index_cast %swap3A_1546 : i32 to index
      %swap3A_1548 = arith.constant 32 : index
      %swap3A_1549 = tpu.vector_load %arg15[%swap3A_1547, %swap3A_1548] {strides = array<i32>} : memref<2x128xi32, #tpu.memory_space<vmem>>, vector<16xi32>,
      tpu.vector_store %arg15[%swap3A_1547, %swap3A_1548], %select_n3A_1545 {strides = array<i32>} : memref<2x128xi32, #tpu.memory_space<vmem>>, vector<16xi32>,
      %get3A_1550 = arith.constant 48 : index
      %get3A_1551 = tpu.vector_load %arg13[%get3A_1550] {strides = array<i32>} : memref<256xi32, #tpu.memory_space<vmem>>, vector<16xi32>,
      %broadcast_in_dim3A_1552 = arith.constant true
      %broadcast_in_dim3A_1553 = vector.broadcast %broadcast_in_dim3A_1552 : i1 to vector<16xi1>
      %masked_cummax3A_1554 = arith.constant -2147483648 : i32
      %masked_cummax3A_1555 = vector.broadcast %masked_cummax3A_1554 : i32 to vector<16xi32>
      %masked_cummax3A_1556 = arith.xori %get3A_1551, %masked_cummax3A_1555 : vector<16xi32>
      %masked_cummax3A_1557 = tpu.scan <max>, %masked_cummax3A_1556 masked %broadcast_in_dim3A_1553 : vector<16xi32>, vector<16xi1> -> vector<16xi32>
      %masked_cummax3A_1558 = arith.xori %masked_cummax3A_1557, %masked_cummax3A_1555 : vector<16xi32>
      %max3A_1559 = vector.broadcast %squeeze3A_1532 : i32 to vector<16xi32>
      %max3A_1560 = arith.maxsi %masked_cummax3A_1558, %max3A_1559 : vector<16xi32>
      %slice3A_1561 = vector.extract_strided_slice %max3A_1560 {offsets = [15], sizes = [1], strides = [1]} : vector<16xi32> to vector<1xi32>
      %squeeze3A_1562 = vector.extract %slice3A_1561[0] : i32 from vector<1xi32>
      %add3A_1563 = arith.constant 48 : i32
      %add3A_1564 = arith.addi %add3A_1363, %add3A_1563 : i32
      %add3A_1565 = vector.broadcast %add3A_1564 : i32 to vector<16xi32>
      %add3A_1566 = arith.addi %add3A_1565, %iota3A : vector<16xi32>
      %ge3A_1567 = vector.broadcast %squeeze3A : i32 to vector<16xi32>
      %ge3A_1568 = arith.cmpi sge, %add3A_1566, %ge3A_1567 : vector<16xi32>
      %lt3A_1569 = vector.broadcast %squeeze3A_11 : i32 to vector<16xi32>
      %lt3A_1570 = arith.cmpi slt, %add3A_1566, %lt3A_1569 : vector<16xi32>
      %and3A_1571 = arith.andi %ge3A_1568, %lt3A_1570 : vector<16xi1>
      %add3A_1572 = vector.broadcast %mul3A_4 : i32 to vector<16xi32>
      %add3A_1573 = arith.addi %max3A_1560, %add3A_1572 : vector<16xi32>
      %broadcast_in_dim3A_1574 = vector.broadcast %add3A_6 : i32 to vector<16xi32>
      %select_n3A_1575 = arith.select %and3A_1571, %add3A_1573, %broadcast_in_dim3A_1574 : vector<16xi1>, vector<16xi32>
      %swap3A_1576 = arith.constant 0 : i32
      %swap3A_1577 = arith.index_cast %swap3A_1576 : i32 to index
      %swap3A_1578 = arith.constant 48 : index
      %swap3A_1579 = tpu.vector_load %arg15[%swap3A_1577, %swap3A_1578] {strides = array<i32>} : memref<2x128xi32, #tpu.memory_space<vmem>>, vector<16xi32>,
      tpu.vector_store %arg15[%swap3A_1577, %swap3A_1578], %select_n3A_1575 {strides = array<i32>} : memref<2x128xi32, #tpu.memory_space<vmem>>, vector<16xi32>,
      %get3A_1580 = arith.constant 64 : index
      %get3A_1581 = tpu.vector_load %arg13[%get3A_1580] {strides = array<i32>} : memref<256xi32, #tpu.memory_space<vmem>>, vector<16xi32>,
      %broadcast_in_dim3A_1582 = arith.constant true
      %broadcast_in_dim3A_1583 = vector.broadcast %broadcast_in_dim3A_1582 : i1 to vector<16xi1>
      %masked_cummax3A_1584 = arith.constant -2147483648 : i32
      %masked_cummax3A_1585 = vector.broadcast %masked_cummax3A_1584 : i32 to vector<16xi32>
      %masked_cummax3A_1586 = arith.xori %get3A_1581, %masked_cummax3A_1585 : vector<16xi32>
      %masked_cummax3A_1587 = tpu.scan <max>, %masked_cummax3A_1586 masked %broadcast_in_dim3A_1583 : vector<16xi32>, vector<16xi1> -> vector<16xi32>
      %masked_cummax3A_1588 = arith.xori %masked_cummax3A_1587, %masked_cummax3A_1585 : vector<16xi32>
      %max3A_1589 = vector.broadcast %squeeze3A_1562 : i32 to vector<16xi32>
      %max3A_1590 = arith.maxsi %masked_cummax3A_1588, %max3A_1589 : vector<16xi32>
      %slice3A_1591 = vector.extract_strided_slice %max3A_1590 {offsets = [15], sizes = [1], strides = [1]} : vector<16xi32> to vector<1xi32>
      %squeeze3A_1592 = vector.extract %slice3A_1591[0] : i32 from vector<1xi32>
      %add3A_1593 = arith.constant 64 : i32
      %add3A_1594 = arith.addi %add3A_1363, %add3A_1593 : i32
      %add3A_1595 = vector.broadcast %add3A_1594 : i32 to vector<16xi32>
      %add3A_1596 = arith.addi %add3A_1595, %iota3A : vector<16xi32>
      %ge3A_1597 = vector.broadcast %squeeze3A : i32 to vector<16xi32>
      %ge3A_1598 = arith.cmpi sge, %add3A_1596, %ge3A_1597 : vector<16xi32>
      %lt3A_1599 = vector.broadcast %squeeze3A_11 : i32 to vector<16xi32>
      %lt3A_1600 = arith.cmpi slt, %add3A_1596, %lt3A_1599 : vector<16xi32>
      %and3A_1601 = arith.andi %ge3A_1598, %lt3A_1600 : vector<16xi1>
      %add3A_1602 = vector.broadcast %mul3A_4 : i32 to vector<16xi32>
      %add3A_1603 = arith.addi %max3A_1590, %add3A_1602 : vector<16xi32>
      %broadcast_in_dim3A_1604 = vector.broadcast %add3A_6 : i32 to vector<16xi32>
      %select_n3A_1605 = arith.select %and3A_1601, %add3A_1603, %broadcast_in_dim3A_1604 : vector<16xi1>, vector<16xi32>
      %swap3A_1606 = arith.constant 0 : i32
      %swap3A_1607 = arith.index_cast %swap3A_1606 : i32 to index
      %swap3A_1608 = arith.constant 64 : index
      %swap3A_1609 = tpu.vector_load %arg15[%swap3A_1607, %swap3A_1608] {strides = array<i32>} : memref<2x128xi32, #tpu.memory_space<vmem>>, vector<16xi32>,
      tpu.vector_store %arg15[%swap3A_1607, %swap3A_1608], %select_n3A_1605 {strides = array<i32>} : memref<2x128xi32, #tpu.memory_space<vmem>>, vector<16xi32>,
      %get3A_1610 = arith.constant 80 : index
      %get3A_1611 = tpu.vector_load %arg13[%get3A_1610] {strides = array<i32>} : memref<256xi32, #tpu.memory_space<vmem>>, vector<16xi32>,
      %broadcast_in_dim3A_1612 = arith.constant true
      %broadcast_in_dim3A_1613 = vector.broadcast %broadcast_in_dim3A_1612 : i1 to vector<16xi1>
      %masked_cummax3A_1614 = arith.constant -2147483648 : i32
      %masked_cummax3A_1615 = vector.broadcast %masked_cummax3A_1614 : i32 to vector<16xi32>
      %masked_cummax3A_1616 = arith.xori %get3A_1611, %masked_cummax3A_1615 : vector<16xi32>
      %masked_cummax3A_1617 = tpu.scan <max>, %masked_cummax3A_1616 masked %broadcast_in_dim3A_1613 : vector<16xi32>, vector<16xi1> -> vector<16xi32>
      %masked_cummax3A_1618 = arith.xori %masked_cummax3A_1617, %masked_cummax3A_1615 : vector<16xi32>
      %max3A_1619 = vector.broadcast %squeeze3A_1592 : i32 to vector<16xi32>
      %max3A_1620 = arith.maxsi %masked_cummax3A_1618, %max3A_1619 : vector<16xi32>
      %slice3A_1621 = vector.extract_strided_slice %max3A_1620 {offsets = [15], sizes = [1], strides = [1]} : vector<16xi32> to vector<1xi32>
      %squeeze3A_1622 = vector.extract %slice3A_1621[0] : i32 from vector<1xi32>
      %add3A_1623 = arith.constant 80 : i32
      %add3A_1624 = arith.addi %add3A_1363, %add3A_1623 : i32
      %add3A_1625 = vector.broadcast %add3A_1624 : i32 to vector<16xi32>
      %add3A_1626 = arith.addi %add3A_1625, %iota3A : vector<16xi32>
      %ge3A_1627 = vector.broadcast %squeeze3A : i32 to vector<16xi32>
      %ge3A_1628 = arith.cmpi sge, %add3A_1626, %ge3A_1627 : vector<16xi32>
      %lt3A_1629 = vector.broadcast %squeeze3A_11 : i32 to vector<16xi32>
      %lt3A_1630 = arith.cmpi slt, %add3A_1626, %lt3A_1629 : vector<16xi32>
      %and3A_1631 = arith.andi %ge3A_1628, %lt3A_1630 : vector<16xi1>
      %add3A_1632 = vector.broadcast %mul3A_4 : i32 to vector<16xi32>
      %add3A_1633 = arith.addi %max3A_1620, %add3A_1632 : vector<16xi32>
      %broadcast_in_dim3A_1634 = vector.broadcast %add3A_6 : i32 to vector<16xi32>
      %select_n3A_1635 = arith.select %and3A_1631, %add3A_1633, %broadcast_in_dim3A_1634 : vector<16xi1>, vector<16xi32>
      %swap3A_1636 = arith.constant 0 : i32
      %swap3A_1637 = arith.index_cast %swap3A_1636 : i32 to index
      %swap3A_1638 = arith.constant 80 : index
      %swap3A_1639 = tpu.vector_load %arg15[%swap3A_1637, %swap3A_1638] {strides = array<i32>} : memref<2x128xi32, #tpu.memory_space<vmem>>, vector<16xi32>,
      tpu.vector_store %arg15[%swap3A_1637, %swap3A_1638], %select_n3A_1635 {strides = array<i32>} : memref<2x128xi32, #tpu.memory_space<vmem>>, vector<16xi32>,
      %get3A_1640 = arith.constant 96 : index
      %get3A_1641 = tpu.vector_load %arg13[%get3A_1640] {strides = array<i32>} : memref<256xi32, #tpu.memory_space<vmem>>, vector<16xi32>,
      %broadcast_in_dim3A_1642 = arith.constant true
      %broadcast_in_dim3A_1643 = vector.broadcast %broadcast_in_dim3A_1642 : i1 to vector<16xi1>
      %masked_cummax3A_1644 = arith.constant -2147483648 : i32
      %masked_cummax3A_1645 = vector.broadcast %masked_cummax3A_1644 : i32 to vector<16xi32>
      %masked_cummax3A_1646 = arith.xori %get3A_1641, %masked_cummax3A_1645 : vector<16xi32>
      %masked_cummax3A_1647 = tpu.scan <max>, %masked_cummax3A_1646 masked %broadcast_in_dim3A_1643 : vector<16xi32>, vector<16xi1> -> vector<16xi32>
      %masked_cummax3A_1648 = arith.xori %masked_cummax3A_1647, %masked_cummax3A_1645 : vector<16xi32>
      %max3A_1649 = vector.broadcast %squeeze3A_1622 : i32 to vector<16xi32>
      %max3A_1650 = arith.maxsi %masked_cummax3A_1648, %max3A_1649 : vector<16xi32>
      %slice3A_1651 = vector.extract_strided_slice %max3A_1650 {offsets = [15], sizes = [1], strides = [1]} : vector<16xi32> to vector<1xi32>
      %squeeze3A_1652 = vector.extract %slice3A_1651[0] : i32 from vector<1xi32>
      %add3A_1653 = arith.constant 96 : i32
      %add3A_1654 = arith.addi %add3A_1363, %add3A_1653 : i32
      %add3A_1655 = vector.broadcast %add3A_1654 : i32 to vector<16xi32>
      %add3A_1656 = arith.addi %add3A_1655, %iota3A : vector<16xi32>
      %ge3A_1657 = vector.broadcast %squeeze3A : i32 to vector<16xi32>
      %ge3A_1658 = arith.cmpi sge, %add3A_1656, %ge3A_1657 : vector<16xi32>
      %lt3A_1659 = vector.broadcast %squeeze3A_11 : i32 to vector<16xi32>
      %lt3A_1660 = arith.cmpi slt, %add3A_1656, %lt3A_1659 : vector<16xi32>
      %and3A_1661 = arith.andi %ge3A_1658, %lt3A_1660 : vector<16xi1>
      %add3A_1662 = vector.broadcast %mul3A_4 : i32 to vector<16xi32>
      %add3A_1663 = arith.addi %max3A_1650, %add3A_1662 : vector<16xi32>
      %broadcast_in_dim3A_1664 = vector.broadcast %add3A_6 : i32 to vector<16xi32>
      %select_n3A_1665 = arith.select %and3A_1661, %add3A_1663, %broadcast_in_dim3A_1664 : vector<16xi1>, vector<16xi32>
      %swap3A_1666 = arith.constant 0 : i32
      %swap3A_1667 = arith.index_cast %swap3A_1666 : i32 to index
      %swap3A_1668 = arith.constant 96 : index
      %swap3A_1669 = tpu.vector_load %arg15[%swap3A_1667, %swap3A_1668] {strides = array<i32>} : memref<2x128xi32, #tpu.memory_space<vmem>>, vector<16xi32>,
      tpu.vector_store %arg15[%swap3A_1667, %swap3A_1668], %select_n3A_1665 {strides = array<i32>} : memref<2x128xi32, #tpu.memory_space<vmem>>, vector<16xi32>,
      %get3A_1670 = arith.constant 112 : index
      %get3A_1671 = tpu.vector_load %arg13[%get3A_1670] {strides = array<i32>} : memref<256xi32, #tpu.memory_space<vmem>>, vector<16xi32>,
      %broadcast_in_dim3A_1672 = arith.constant true
      %broadcast_in_dim3A_1673 = vector.broadcast %broadcast_in_dim3A_1672 : i1 to vector<16xi1>
      %masked_cummax3A_1674 = arith.constant -2147483648 : i32
      %masked_cummax3A_1675 = vector.broadcast %masked_cummax3A_1674 : i32 to vector<16xi32>
      %masked_cummax3A_1676 = arith.xori %get3A_1671, %masked_cummax3A_1675 : vector<16xi32>
      %masked_cummax3A_1677 = tpu.scan <max>, %masked_cummax3A_1676 masked %broadcast_in_dim3A_1673 : vector<16xi32>, vector<16xi1> -> vector<16xi32>
      %masked_cummax3A_1678 = arith.xori %masked_cummax3A_1677, %masked_cummax3A_1675 : vector<16xi32>
      %max3A_1679 = vector.broadcast %squeeze3A_1652 : i32 to vector<16xi32>
      %max3A_1680 = arith.maxsi %masked_cummax3A_1678, %max3A_1679 : vector<16xi32>
      %slice3A_1681 = vector.extract_strided_slice %max3A_1680 {offsets = [15], sizes = [1], strides = [1]} : vector<16xi32> to vector<1xi32>
      %squeeze3A_1682 = vector.extract %slice3A_1681[0] : i32 from vector<1xi32>
      %add3A_1683 = arith.constant 112 : i32
      %add3A_1684 = arith.addi %add3A_1363, %add3A_1683 : i32
      %add3A_1685 = vector.broadcast %add3A_1684 : i32 to vector<16xi32>
      %add3A_1686 = arith.addi %add3A_1685, %iota3A : vector<16xi32>
      %ge3A_1687 = vector.broadcast %squeeze3A : i32 to vector<16xi32>
      %ge3A_1688 = arith.cmpi sge, %add3A_1686, %ge3A_1687 : vector<16xi32>
      %lt3A_1689 = vector.broadcast %squeeze3A_11 : i32 to vector<16xi32>
      %lt3A_1690 = arith.cmpi slt, %add3A_1686, %lt3A_1689 : vector<16xi32>
      %and3A_1691 = arith.andi %ge3A_1688, %lt3A_1690 : vector<16xi1>
      %add3A_1692 = vector.broadcast %mul3A_4 : i32 to vector<16xi32>
      %add3A_1693 = arith.addi %max3A_1680, %add3A_1692 : vector<16xi32>
      %broadcast_in_dim3A_1694 = vector.broadcast %add3A_6 : i32 to vector<16xi32>
      %select_n3A_1695 = arith.select %and3A_1691, %add3A_1693, %broadcast_in_dim3A_1694 : vector<16xi1>, vector<16xi32>
      %swap3A_1696 = arith.constant 0 : i32
      %swap3A_1697 = arith.index_cast %swap3A_1696 : i32 to index
      %swap3A_1698 = arith.constant 112 : index
      %swap3A_1699 = tpu.vector_load %arg15[%swap3A_1697, %swap3A_1698] {strides = array<i32>} : memref<2x128xi32, #tpu.memory_space<vmem>>, vector<16xi32>,
      tpu.vector_store %arg15[%swap3A_1697, %swap3A_1698], %select_n3A_1695 {strides = array<i32>} : memref<2x128xi32, #tpu.memory_space<vmem>>, vector<16xi32>,
      %get3A_1700 = arith.constant 128 : index
      %get3A_1701 = tpu.vector_load %arg13[%get3A_1700] {strides = array<i32>} : memref<256xi32, #tpu.memory_space<vmem>>, vector<16xi32>,
      %broadcast_in_dim3A_1702 = arith.constant true
      %broadcast_in_dim3A_1703 = vector.broadcast %broadcast_in_dim3A_1702 : i1 to vector<16xi1>
      %masked_cummax3A_1704 = arith.constant -2147483648 : i32
      %masked_cummax3A_1705 = vector.broadcast %masked_cummax3A_1704 : i32 to vector<16xi32>
      %masked_cummax3A_1706 = arith.xori %get3A_1701, %masked_cummax3A_1705 : vector<16xi32>
      %masked_cummax3A_1707 = tpu.scan <max>, %masked_cummax3A_1706 masked %broadcast_in_dim3A_1703 : vector<16xi32>, vector<16xi1> -> vector<16xi32>
      %masked_cummax3A_1708 = arith.xori %masked_cummax3A_1707, %masked_cummax3A_1705 : vector<16xi32>
      %max3A_1709 = vector.broadcast %squeeze3A_1682 : i32 to vector<16xi32>
      %max3A_1710 = arith.maxsi %masked_cummax3A_1708, %max3A_1709 : vector<16xi32>
      %slice3A_1711 = vector.extract_strided_slice %max3A_1710 {offsets = [15], sizes = [1], strides = [1]} : vector<16xi32> to vector<1xi32>
      %squeeze3A_1712 = vector.extract %slice3A_1711[0] : i32 from vector<1xi32>
      %add3A_1713 = arith.constant 128 : i32
      %add3A_1714 = arith.addi %add3A_1363, %add3A_1713 : i32
      %add3A_1715 = vector.broadcast %add3A_1714 : i32 to vector<16xi32>
      %add3A_1716 = arith.addi %add3A_1715, %iota3A : vector<16xi32>
      %ge3A_1717 = vector.broadcast %squeeze3A : i32 to vector<16xi32>
      %ge3A_1718 = arith.cmpi sge, %add3A_1716, %ge3A_1717 : vector<16xi32>
      %lt3A_1719 = vector.broadcast %squeeze3A_11 : i32 to vector<16xi32>
      %lt3A_1720 = arith.cmpi slt, %add3A_1716, %lt3A_1719 : vector<16xi32>
      %and3A_1721 = arith.andi %ge3A_1718, %lt3A_1720 : vector<16xi1>
      %add3A_1722 = vector.broadcast %mul3A_4 : i32 to vector<16xi32>
      %add3A_1723 = arith.addi %max3A_1710, %add3A_1722 : vector<16xi32>
      %broadcast_in_dim3A_1724 = vector.broadcast %add3A_6 : i32 to vector<16xi32>
      %select_n3A_1725 = arith.select %and3A_1721, %add3A_1723, %broadcast_in_dim3A_1724 : vector<16xi1>, vector<16xi32>
      %swap3A_1726 = arith.constant 1 : i32
      %swap3A_1727 = arith.index_cast %swap3A_1726 : i32 to index
      %swap3A_1728 = arith.constant 0 : index
      %swap3A_1729 = tpu.vector_load %arg15[%swap3A_1727, %swap3A_1728] {strides = array<i32>} : memref<2x128xi32, #tpu.memory_space<vmem>>, vector<16xi32>,
      tpu.vector_store %arg15[%swap3A_1727, %swap3A_1728], %select_n3A_1725 {strides = array<i32>} : memref<2x128xi32, #tpu.memory_space<vmem>>, vector<16xi32>,
      %get3A_1730 = arith.constant 144 : index
      %get3A_1731 = tpu.vector_load %arg13[%get3A_1730] {strides = array<i32>} : memref<256xi32, #tpu.memory_space<vmem>>, vector<16xi32>,
      %broadcast_in_dim3A_1732 = arith.constant true
      %broadcast_in_dim3A_1733 = vector.broadcast %broadcast_in_dim3A_1732 : i1 to vector<16xi1>
      %masked_cummax3A_1734 = arith.constant -2147483648 : i32
      %masked_cummax3A_1735 = vector.broadcast %masked_cummax3A_1734 : i32 to vector<16xi32>
      %masked_cummax3A_1736 = arith.xori %get3A_1731, %masked_cummax3A_1735 : vector<16xi32>
      %masked_cummax3A_1737 = tpu.scan <max>, %masked_cummax3A_1736 masked %broadcast_in_dim3A_1733 : vector<16xi32>, vector<16xi1> -> vector<16xi32>
      %masked_cummax3A_1738 = arith.xori %masked_cummax3A_1737, %masked_cummax3A_1735 : vector<16xi32>
      %max3A_1739 = vector.broadcast %squeeze3A_1712 : i32 to vector<16xi32>
      %max3A_1740 = arith.maxsi %masked_cummax3A_1738, %max3A_1739 : vector<16xi32>
      %slice3A_1741 = vector.extract_strided_slice %max3A_1740 {offsets = [15], sizes = [1], strides = [1]} : vector<16xi32> to vector<1xi32>
      %squeeze3A_1742 = vector.extract %slice3A_1741[0] : i32 from vector<1xi32>
      %add3A_1743 = arith.constant 144 : i32
      %add3A_1744 = arith.addi %add3A_1363, %add3A_1743 : i32
      %add3A_1745 = vector.broadcast %add3A_1744 : i32 to vector<16xi32>
      %add3A_1746 = arith.addi %add3A_1745, %iota3A : vector<16xi32>
      %ge3A_1747 = vector.broadcast %squeeze3A : i32 to vector<16xi32>
      %ge3A_1748 = arith.cmpi sge, %add3A_1746, %ge3A_1747 : vector<16xi32>
      %lt3A_1749 = vector.broadcast %squeeze3A_11 : i32 to vector<16xi32>
      %lt3A_1750 = arith.cmpi slt, %add3A_1746, %lt3A_1749 : vector<16xi32>
      %and3A_1751 = arith.andi %ge3A_1748, %lt3A_1750 : vector<16xi1>
      %add3A_1752 = vector.broadcast %mul3A_4 : i32 to vector<16xi32>
      %add3A_1753 = arith.addi %max3A_1740, %add3A_1752 : vector<16xi32>
      %broadcast_in_dim3A_1754 = vector.broadcast %add3A_6 : i32 to vector<16xi32>
      %select_n3A_1755 = arith.select %and3A_1751, %add3A_1753, %broadcast_in_dim3A_1754 : vector<16xi1>, vector<16xi32>
      %swap3A_1756 = arith.constant 1 : i32
      %swap3A_1757 = arith.index_cast %swap3A_1756 : i32 to index
      %swap3A_1758 = arith.constant 16 : index
      %swap3A_1759 = tpu.vector_load %arg15[%swap3A_1757, %swap3A_1758] {strides = array<i32>} : memref<2x128xi32, #tpu.memory_space<vmem>>, vector<16xi32>,
      tpu.vector_store %arg15[%swap3A_1757, %swap3A_1758], %select_n3A_1755 {strides = array<i32>} : memref<2x128xi32, #tpu.memory_space<vmem>>, vector<16xi32>,
      %get3A_1760 = arith.constant 160 : index
      %get3A_1761 = tpu.vector_load %arg13[%get3A_1760] {strides = array<i32>} : memref<256xi32, #tpu.memory_space<vmem>>, vector<16xi32>,
      %broadcast_in_dim3A_1762 = arith.constant true
      %broadcast_in_dim3A_1763 = vector.broadcast %broadcast_in_dim3A_1762 : i1 to vector<16xi1>
      %masked_cummax3A_1764 = arith.constant -2147483648 : i32
      %masked_cummax3A_1765 = vector.broadcast %masked_cummax3A_1764 : i32 to vector<16xi32>
      %masked_cummax3A_1766 = arith.xori %get3A_1761, %masked_cummax3A_1765 : vector<16xi32>
      %masked_cummax3A_1767 = tpu.scan <max>, %masked_cummax3A_1766 masked %broadcast_in_dim3A_1763 : vector<16xi32>, vector<16xi1> -> vector<16xi32>
      %masked_cummax3A_1768 = arith.xori %masked_cummax3A_1767, %masked_cummax3A_1765 : vector<16xi32>
      %max3A_1769 = vector.broadcast %squeeze3A_1742 : i32 to vector<16xi32>
      %max3A_1770 = arith.maxsi %masked_cummax3A_1768, %max3A_1769 : vector<16xi32>
      %slice3A_1771 = vector.extract_strided_slice %max3A_1770 {offsets = [15], sizes = [1], strides = [1]} : vector<16xi32> to vector<1xi32>
      %squeeze3A_1772 = vector.extract %slice3A_1771[0] : i32 from vector<1xi32>
      %add3A_1773 = arith.constant 160 : i32
      %add3A_1774 = arith.addi %add3A_1363, %add3A_1773 : i32
      %add3A_1775 = vector.broadcast %add3A_1774 : i32 to vector<16xi32>
      %add3A_1776 = arith.addi %add3A_1775, %iota3A : vector<16xi32>
      %ge3A_1777 = vector.broadcast %squeeze3A : i32 to vector<16xi32>
      %ge3A_1778 = arith.cmpi sge, %add3A_1776, %ge3A_1777 : vector<16xi32>
      %lt3A_1779 = vector.broadcast %squeeze3A_11 : i32 to vector<16xi32>
      %lt3A_1780 = arith.cmpi slt, %add3A_1776, %lt3A_1779 : vector<16xi32>
      %and3A_1781 = arith.andi %ge3A_1778, %lt3A_1780 : vector<16xi1>
      %add3A_1782 = vector.broadcast %mul3A_4 : i32 to vector<16xi32>
      %add3A_1783 = arith.addi %max3A_1770, %add3A_1782 : vector<16xi32>
      %broadcast_in_dim3A_1784 = vector.broadcast %add3A_6 : i32 to vector<16xi32>
      %select_n3A_1785 = arith.select %and3A_1781, %add3A_1783, %broadcast_in_dim3A_1784 : vector<16xi1>, vector<16xi32>
      %swap3A_1786 = arith.constant 1 : i32
      %swap3A_1787 = arith.index_cast %swap3A_1786 : i32 to index
      %swap3A_1788 = arith.constant 32 : index
      %swap3A_1789 = tpu.vector_load %arg15[%swap3A_1787, %swap3A_1788] {strides = array<i32>} : memref<2x128xi32, #tpu.memory_space<vmem>>, vector<16xi32>,
      tpu.vector_store %arg15[%swap3A_1787, %swap3A_1788], %select_n3A_1785 {strides = array<i32>} : memref<2x128xi32, #tpu.memory_space<vmem>>, vector<16xi32>,
      %get3A_1790 = arith.constant 176 : index
      %get3A_1791 = tpu.vector_load %arg13[%get3A_1790] {strides = array<i32>} : memref<256xi32, #tpu.memory_space<vmem>>, vector<16xi32>,
      %broadcast_in_dim3A_1792 = arith.constant true
      %broadcast_in_dim3A_1793 = vector.broadcast %broadcast_in_dim3A_1792 : i1 to vector<16xi1>
      %masked_cummax3A_1794 = arith.constant -2147483648 : i32
      %masked_cummax3A_1795 = vector.broadcast %masked_cummax3A_1794 : i32 to vector<16xi32>
      %masked_cummax3A_1796 = arith.xori %get3A_1791, %masked_cummax3A_1795 : vector<16xi32>
      %masked_cummax3A_1797 = tpu.scan <max>, %masked_cummax3A_1796 masked %broadcast_in_dim3A_1793 : vector<16xi32>, vector<16xi1> -> vector<16xi32>
      %masked_cummax3A_1798 = arith.xori %masked_cummax3A_1797, %masked_cummax3A_1795 : vector<16xi32>
      %max3A_1799 = vector.broadcast %squeeze3A_1772 : i32 to vector<16xi32>
      %max3A_1800 = arith.maxsi %masked_cummax3A_1798, %max3A_1799 : vector<16xi32>
      %slice3A_1801 = vector.extract_strided_slice %max3A_1800 {offsets = [15], sizes = [1], strides = [1]} : vector<16xi32> to vector<1xi32>
      %squeeze3A_1802 = vector.extract %slice3A_1801[0] : i32 from vector<1xi32>
      %add3A_1803 = arith.constant 176 : i32
      %add3A_1804 = arith.addi %add3A_1363, %add3A_1803 : i32
      %add3A_1805 = vector.broadcast %add3A_1804 : i32 to vector<16xi32>
      %add3A_1806 = arith.addi %add3A_1805, %iota3A : vector<16xi32>
      %ge3A_1807 = vector.broadcast %squeeze3A : i32 to vector<16xi32>
      %ge3A_1808 = arith.cmpi sge, %add3A_1806, %ge3A_1807 : vector<16xi32>
      %lt3A_1809 = vector.broadcast %squeeze3A_11 : i32 to vector<16xi32>
      %lt3A_1810 = arith.cmpi slt, %add3A_1806, %lt3A_1809 : vector<16xi32>
      %and3A_1811 = arith.andi %ge3A_1808, %lt3A_1810 : vector<16xi1>
      %add3A_1812 = vector.broadcast %mul3A_4 : i32 to vector<16xi32>
      %add3A_1813 = arith.addi %max3A_1800, %add3A_1812 : vector<16xi32>
      %broadcast_in_dim3A_1814 = vector.broadcast %add3A_6 : i32 to vector<16xi32>
      %select_n3A_1815 = arith.select %and3A_1811, %add3A_1813, %broadcast_in_dim3A_1814 : vector<16xi1>, vector<16xi32>
      %swap3A_1816 = arith.constant 1 : i32
      %swap3A_1817 = arith.index_cast %swap3A_1816 : i32 to index
      %swap3A_1818 = arith.constant 48 : index
      %swap3A_1819 = tpu.vector_load %arg15[%swap3A_1817, %swap3A_1818] {strides = array<i32>} : memref<2x128xi32, #tpu.memory_space<vmem>>, vector<16xi32>,
      tpu.vector_store %arg15[%swap3A_1817, %swap3A_1818], %select_n3A_1815 {strides = array<i32>} : memref<2x128xi32, #tpu.memory_space<vmem>>, vector<16xi32>,
      %get3A_1820 = arith.constant 192 : index
      %get3A_1821 = tpu.vector_load %arg13[%get3A_1820] {strides = array<i32>} : memref<256xi32, #tpu.memory_space<vmem>>, vector<16xi32>,
      %broadcast_in_dim3A_1822 = arith.constant true
      %broadcast_in_dim3A_1823 = vector.broadcast %broadcast_in_dim3A_1822 : i1 to vector<16xi1>
      %masked_cummax3A_1824 = arith.constant -2147483648 : i32
      %masked_cummax3A_1825 = vector.broadcast %masked_cummax3A_1824 : i32 to vector<16xi32>
      %masked_cummax3A_1826 = arith.xori %get3A_1821, %masked_cummax3A_1825 : vector<16xi32>
      %masked_cummax3A_1827 = tpu.scan <max>, %masked_cummax3A_1826 masked %broadcast_in_dim3A_1823 : vector<16xi32>, vector<16xi1> -> vector<16xi32>
      %masked_cummax3A_1828 = arith.xori %masked_cummax3A_1827, %masked_cummax3A_1825 : vector<16xi32>
      %max3A_1829 = vector.broadcast %squeeze3A_1802 : i32 to vector<16xi32>
      %max3A_1830 = arith.maxsi %masked_cummax3A_1828, %max3A_1829 : vector<16xi32>
      %slice3A_1831 = vector.extract_strided_slice %max3A_1830 {offsets = [15], sizes = [1], strides = [1]} : vector<16xi32> to vector<1xi32>
      %squeeze3A_1832 = vector.extract %slice3A_1831[0] : i32 from vector<1xi32>
      %add3A_1833 = arith.constant 192 : i32
      %add3A_1834 = arith.addi %add3A_1363, %add3A_1833 : i32
      %add3A_1835 = vector.broadcast %add3A_1834 : i32 to vector<16xi32>
      %add3A_1836 = arith.addi %add3A_1835, %iota3A : vector<16xi32>
      %ge3A_1837 = vector.broadcast %squeeze3A : i32 to vector<16xi32>
      %ge3A_1838 = arith.cmpi sge, %add3A_1836, %ge3A_1837 : vector<16xi32>
      %lt3A_1839 = vector.broadcast %squeeze3A_11 : i32 to vector<16xi32>
      %lt3A_1840 = arith.cmpi slt, %add3A_1836, %lt3A_1839 : vector<16xi32>
      %and3A_1841 = arith.andi %ge3A_1838, %lt3A_1840 : vector<16xi1>
      %add3A_1842 = vector.broadcast %mul3A_4 : i32 to vector<16xi32>
      %add3A_1843 = arith.addi %max3A_1830, %add3A_1842 : vector<16xi32>
      %broadcast_in_dim3A_1844 = vector.broadcast %add3A_6 : i32 to vector<16xi32>
      %select_n3A_1845 = arith.select %and3A_1841, %add3A_1843, %broadcast_in_dim3A_1844 : vector<16xi1>, vector<16xi32>
      %swap3A_1846 = arith.constant 1 : i32
      %swap3A_1847 = arith.index_cast %swap3A_1846 : i32 to index
      %swap3A_1848 = arith.constant 64 : index
      %swap3A_1849 = tpu.vector_load %arg15[%swap3A_1847, %swap3A_1848] {strides = array<i32>} : memref<2x128xi32, #tpu.memory_space<vmem>>, vector<16xi32>,
      tpu.vector_store %arg15[%swap3A_1847, %swap3A_1848], %select_n3A_1845 {strides = array<i32>} : memref<2x128xi32, #tpu.memory_space<vmem>>, vector<16xi32>,
      %get3A_1850 = arith.constant 208 : index
      %get3A_1851 = tpu.vector_load %arg13[%get3A_1850] {strides = array<i32>} : memref<256xi32, #tpu.memory_space<vmem>>, vector<16xi32>,
      %broadcast_in_dim3A_1852 = arith.constant true
      %broadcast_in_dim3A_1853 = vector.broadcast %broadcast_in_dim3A_1852 : i1 to vector<16xi1>
      %masked_cummax3A_1854 = arith.constant -2147483648 : i32
      %masked_cummax3A_1855 = vector.broadcast %masked_cummax3A_1854 : i32 to vector<16xi32>
      %masked_cummax3A_1856 = arith.xori %get3A_1851, %masked_cummax3A_1855 : vector<16xi32>
      %masked_cummax3A_1857 = tpu.scan <max>, %masked_cummax3A_1856 masked %broadcast_in_dim3A_1853 : vector<16xi32>, vector<16xi1> -> vector<16xi32>
      %masked_cummax3A_1858 = arith.xori %masked_cummax3A_1857, %masked_cummax3A_1855 : vector<16xi32>
      %max3A_1859 = vector.broadcast %squeeze3A_1832 : i32 to vector<16xi32>
      %max3A_1860 = arith.maxsi %masked_cummax3A_1858, %max3A_1859 : vector<16xi32>
      %slice3A_1861 = vector.extract_strided_slice %max3A_1860 {offsets = [15], sizes = [1], strides = [1]} : vector<16xi32> to vector<1xi32>
      %squeeze3A_1862 = vector.extract %slice3A_1861[0] : i32 from vector<1xi32>
      %add3A_1863 = arith.constant 208 : i32
      %add3A_1864 = arith.addi %add3A_1363, %add3A_1863 : i32
      %add3A_1865 = vector.broadcast %add3A_1864 : i32 to vector<16xi32>
      %add3A_1866 = arith.addi %add3A_1865, %iota3A : vector<16xi32>
      %ge3A_1867 = vector.broadcast %squeeze3A : i32 to vector<16xi32>
      %ge3A_1868 = arith.cmpi sge, %add3A_1866, %ge3A_1867 : vector<16xi32>
      %lt3A_1869 = vector.broadcast %squeeze3A_11 : i32 to vector<16xi32>
      %lt3A_1870 = arith.cmpi slt, %add3A_1866, %lt3A_1869 : vector<16xi32>
      %and3A_1871 = arith.andi %ge3A_1868, %lt3A_1870 : vector<16xi1>
      %add3A_1872 = vector.broadcast %mul3A_4 : i32 to vector<16xi32>
      %add3A_1873 = arith.addi %max3A_1860, %add3A_1872 : vector<16xi32>
      %broadcast_in_dim3A_1874 = vector.broadcast %add3A_6 : i32 to vector<16xi32>
      %select_n3A_1875 = arith.select %and3A_1871, %add3A_1873, %broadcast_in_dim3A_1874 : vector<16xi1>, vector<16xi32>
      %swap3A_1876 = arith.constant 1 : i32
      %swap3A_1877 = arith.index_cast %swap3A_1876 : i32 to index
      %swap3A_1878 = arith.constant 80 : index
      %swap3A_1879 = tpu.vector_load %arg15[%swap3A_1877, %swap3A_1878] {strides = array<i32>} : memref<2x128xi32, #tpu.memory_space<vmem>>, vector<16xi32>,
      tpu.vector_store %arg15[%swap3A_1877, %swap3A_1878], %select_n3A_1875 {strides = array<i32>} : memref<2x128xi32, #tpu.memory_space<vmem>>, vector<16xi32>,
      %get3A_1880 = arith.constant 224 : index
      %get3A_1881 = tpu.vector_load %arg13[%get3A_1880] {strides = array<i32>} : memref<256xi32, #tpu.memory_space<vmem>>, vector<16xi32>,
      %broadcast_in_dim3A_1882 = arith.constant true
      %broadcast_in_dim3A_1883 = vector.broadcast %broadcast_in_dim3A_1882 : i1 to vector<16xi1>
      %masked_cummax3A_1884 = arith.constant -2147483648 : i32
      %masked_cummax3A_1885 = vector.broadcast %masked_cummax3A_1884 : i32 to vector<16xi32>
      %masked_cummax3A_1886 = arith.xori %get3A_1881, %masked_cummax3A_1885 : vector<16xi32>
      %masked_cummax3A_1887 = tpu.scan <max>, %masked_cummax3A_1886 masked %broadcast_in_dim3A_1883 : vector<16xi32>, vector<16xi1> -> vector<16xi32>
      %masked_cummax3A_1888 = arith.xori %masked_cummax3A_1887, %masked_cummax3A_1885 : vector<16xi32>
      %max3A_1889 = vector.broadcast %squeeze3A_1862 : i32 to vector<16xi32>
      %max3A_1890 = arith.maxsi %masked_cummax3A_1888, %max3A_1889 : vector<16xi32>
      %slice3A_1891 = vector.extract_strided_slice %max3A_1890 {offsets = [15], sizes = [1], strides = [1]} : vector<16xi32> to vector<1xi32>
      %squeeze3A_1892 = vector.extract %slice3A_1891[0] : i32 from vector<1xi32>
      %add3A_1893 = arith.constant 224 : i32
      %add3A_1894 = arith.addi %add3A_1363, %add3A_1893 : i32
      %add3A_1895 = vector.broadcast %add3A_1894 : i32 to vector<16xi32>
      %add3A_1896 = arith.addi %add3A_1895, %iota3A : vector<16xi32>
      %ge3A_1897 = vector.broadcast %squeeze3A : i32 to vector<16xi32>
      %ge3A_1898 = arith.cmpi sge, %add3A_1896, %ge3A_1897 : vector<16xi32>
      %lt3A_1899 = vector.broadcast %squeeze3A_11 : i32 to vector<16xi32>
      %lt3A_1900 = arith.cmpi slt, %add3A_1896, %lt3A_1899 : vector<16xi32>
      %and3A_1901 = arith.andi %ge3A_1898, %lt3A_1900 : vector<16xi1>
      %add3A_1902 = vector.broadcast %mul3A_4 : i32 to vector<16xi32>
      %add3A_1903 = arith.addi %max3A_1890, %add3A_1902 : vector<16xi32>
      %broadcast_in_dim3A_1904 = vector.broadcast %add3A_6 : i32 to vector<16xi32>
      %select_n3A_1905 = arith.select %and3A_1901, %add3A_1903, %broadcast_in_dim3A_1904 : vector<16xi1>, vector<16xi32>
      %swap3A_1906 = arith.constant 1 : i32
      %swap3A_1907 = arith.index_cast %swap3A_1906 : i32 to index
      %swap3A_1908 = arith.constant 96 : index
      %swap3A_1909 = tpu.vector_load %arg15[%swap3A_1907, %swap3A_1908] {strides = array<i32>} : memref<2x128xi32, #tpu.memory_space<vmem>>, vector<16xi32>,
      tpu.vector_store %arg15[%swap3A_1907, %swap3A_1908], %select_n3A_1905 {strides = array<i32>} : memref<2x128xi32, #tpu.memory_space<vmem>>, vector<16xi32>,
      %get3A_1910 = arith.constant 240 : index
      %get3A_1911 = tpu.vector_load %arg13[%get3A_1910] {strides = array<i32>} : memref<256xi32, #tpu.memory_space<vmem>>, vector<16xi32>,
      %broadcast_in_dim3A_1912 = arith.constant true
      %broadcast_in_dim3A_1913 = vector.broadcast %broadcast_in_dim3A_1912 : i1 to vector<16xi1>
      %masked_cummax3A_1914 = arith.constant -2147483648 : i32
      %masked_cummax3A_1915 = vector.broadcast %masked_cummax3A_1914 : i32 to vector<16xi32>
      %masked_cummax3A_1916 = arith.xori %get3A_1911, %masked_cummax3A_1915 : vector<16xi32>
      %masked_cummax3A_1917 = tpu.scan <max>, %masked_cummax3A_1916 masked %broadcast_in_dim3A_1913 : vector<16xi32>, vector<16xi1> -> vector<16xi32>
      %masked_cummax3A_1918 = arith.xori %masked_cummax3A_1917, %masked_cummax3A_1915 : vector<16xi32>
      %max3A_1919 = vector.broadcast %squeeze3A_1892 : i32 to vector<16xi32>
      %max3A_1920 = arith.maxsi %masked_cummax3A_1918, %max3A_1919 : vector<16xi32>
      %slice3A_1921 = vector.extract_strided_slice %max3A_1920 {offsets = [15], sizes = [1], strides = [1]} : vector<16xi32> to vector<1xi32>
      %squeeze3A_1922 = vector.extract %slice3A_1921[0] : i32 from vector<1xi32>
      %add3A_1923 = arith.constant 240 : i32
      %add3A_1924 = arith.addi %add3A_1363, %add3A_1923 : i32
      %add3A_1925 = vector.broadcast %add3A_1924 : i32 to vector<16xi32>
      %add3A_1926 = arith.addi %add3A_1925, %iota3A : vector<16xi32>
      %ge3A_1927 = vector.broadcast %squeeze3A : i32 to vector<16xi32>
      %ge3A_1928 = arith.cmpi sge, %add3A_1926, %ge3A_1927 : vector<16xi32>
      %lt3A_1929 = vector.broadcast %squeeze3A_11 : i32 to vector<16xi32>
      %lt3A_1930 = arith.cmpi slt, %add3A_1926, %lt3A_1929 : vector<16xi32>
      %and3A_1931 = arith.andi %ge3A_1928, %lt3A_1930 : vector<16xi1>
      %add3A_1932 = vector.broadcast %mul3A_4 : i32 to vector<16xi32>
      %add3A_1933 = arith.addi %max3A_1920, %add3A_1932 : vector<16xi32>
      %broadcast_in_dim3A_1934 = vector.broadcast %add3A_6 : i32 to vector<16xi32>
      %select_n3A_1935 = arith.select %and3A_1931, %add3A_1933, %broadcast_in_dim3A_1934 : vector<16xi1>, vector<16xi32>
      %swap3A_1936 = arith.constant 1 : i32
      %swap3A_1937 = arith.index_cast %swap3A_1936 : i32 to index
      %swap3A_1938 = arith.constant 112 : index
      %swap3A_1939 = tpu.vector_load %arg15[%swap3A_1937, %swap3A_1938] {strides = array<i32>} : memref<2x128xi32, #tpu.memory_space<vmem>>, vector<16xi32>,
      tpu.vector_store %arg15[%swap3A_1937, %swap3A_1938], %select_n3A_1935 {strides = array<i32>} : memref<2x128xi32, #tpu.memory_space<vmem>>, vector<16xi32>,
      %dma_start3A_1940 = arith.constant 0 : i32
      %dma_start3A_1941 = arith.constant 0 : i32
      %dma_start3A_1942 = arith.constant 0 : i32
      %dma_start3A_1943 = tpu.memref_slice %arg12[%dma_start3A_1941, %dma_start3A_1942] : memref<256x32xf32, #tpu.memory_space<vmem>> -> memref<128x32xf32, #tpu.memory_space<vmem>>
      %dma_start3A_1944 = arith.constant 0 : i32
      %dma_start3A_1945 = tpu.memref_slice %arg15[%dma_start3A_1940, %dma_start3A_1944] : memref<2x128xi32, #tpu.memory_space<vmem>> -> memref<1x128xi32, #tpu.memory_space<vmem>>
      %dma_start3A_1946 = tpu.memref_squeeze %dma_start3A_1945 : memref<1x128xi32, #tpu.memory_space<vmem>> -> memref<128xi32, #tpu.memory_space<vmem>>
      %dma_start3A_1947 = arith.constant 0 : i32
      %dma_start3A_1948 = arith.constant 0 : i32
      %dma_start3A_1949 = tpu.memref_slice %arg16[%dma_start3A_1947, %dma_start3A_1948] : memref<53376x32xf32, #tpu.memory_space<vmem_shared>> -> memref<53376x32xf32, #tpu.memory_space<vmem_shared>>
      tpu.enqueue_indirect_dma source(%dma_start3A_1943 : memref<128x32xf32, #tpu.memory_space<vmem>>) target(%dma_start3A_1949 : memref<53376x32xf32, #tpu.memory_space<vmem_shared>>) offsets(%dma_start3A_1946 : memref<128xi32, #tpu.memory_space<vmem>>) semaphore(%arg22 : memref<!tpu.dma_semaphore, #tpu.memory_space<semaphore_mem>>) {add = true}
      %dma_start3A_1950 = arith.constant 1 : i32
      %dma_start3A_1951 = arith.constant 128 : i32
      %dma_start3A_1952 = arith.constant 0 : i32
      %dma_start3A_1953 = tpu.memref_slice %arg12[%dma_start3A_1951, %dma_start3A_1952] : memref<256x32xf32, #tpu.memory_space<vmem>> -> memref<128x32xf32, #tpu.memory_space<vmem>>
      %dma_start3A_1954 = arith.constant 0 : i32
      %dma_start3A_1955 = tpu.memref_slice %arg15[%dma_start3A_1950, %dma_start3A_1954] : memref<2x128xi32, #tpu.memory_space<vmem>> -> memref<1x128xi32, #tpu.memory_space<vmem>>
      %dma_start3A_1956 = tpu.memref_squeeze %dma_start3A_1955 : memref<1x128xi32, #tpu.memory_space<vmem>> -> memref<128xi32, #tpu.memory_space<vmem>>
      %dma_start3A_1957 = arith.constant 0 : i32
      %dma_start3A_1958 = arith.constant 0 : i32
      %dma_start3A_1959 = tpu.memref_slice %arg16[%dma_start3A_1957, %dma_start3A_1958] : memref<53376x32xf32, #tpu.memory_space<vmem_shared>> -> memref<53376x32xf32, #tpu.memory_space<vmem_shared>>
      tpu.enqueue_indirect_dma source(%dma_start3A_1953 : memref<128x32xf32, #tpu.memory_space<vmem>>) target(%dma_start3A_1959 : memref<53376x32xf32, #tpu.memory_space<vmem_shared>>) offsets(%dma_start3A_1956 : memref<128xi32, #tpu.memory_space<vmem>>) semaphore(%arg22 : memref<!tpu.dma_semaphore, #tpu.memory_space<semaphore_mem>>) {add = true}
      scf.yield %scan3A_1385#0 : i32
    }
    %dma_wait3A_661 = arith.constant 0 : i32
    %dma_wait3A_662 = arith.constant 0 : i32
    %dma_wait3A_663 = arith.constant 0 : i32
    %dma_wait3A_664 = tpu.memref_slice %arg11[%dma_wait3A_662, %dma_wait3A_663] : memref<256x32xf32, #tpu.memory_space<vmem>> -> memref<128x32xf32, #tpu.memory_space<vmem>>
    %dma_wait3A_665 = arith.constant 0 : i32
    %dma_wait3A_666 = tpu.memref_slice %arg14[%dma_wait3A_661, %dma_wait3A_665] : memref<2x128xi32, #tpu.memory_space<vmem>> -> memref<1x128xi32, #tpu.memory_space<vmem>>
    %dma_wait3A_667 = tpu.memref_squeeze %dma_wait3A_666 : memref<1x128xi32, #tpu.memory_space<vmem>> -> memref<128xi32, #tpu.memory_space<vmem>>
    %dma_wait3A_668 = arith.constant 0 : i32
    %dma_wait3A_669 = arith.constant 0 : i32
    %dma_wait3A_670 = tpu.memref_slice %arg16[%dma_wait3A_668, %dma_wait3A_669] : memref<53376x32xf32, #tpu.memory_space<vmem_shared>> -> memref<53376x32xf32, #tpu.memory_space<vmem_shared>>
    tpu.wait_indirect_dma semaphore(%arg21 : memref<!tpu.dma_semaphore, #tpu.memory_space<semaphore_mem>>) src(%dma_wait3A_664 : memref<128x32xf32, #tpu.memory_space<vmem>>) dst(%dma_wait3A_670 : memref<53376x32xf32, #tpu.memory_space<vmem_shared>>)
    %dma_wait3A_671 = arith.constant 1 : i32
    %dma_wait3A_672 = arith.constant 128 : i32
    %dma_wait3A_673 = arith.constant 0 : i32
    %dma_wait3A_674 = tpu.memref_slice %arg11[%dma_wait3A_672, %dma_wait3A_673] : memref<256x32xf32, #tpu.memory_space<vmem>> -> memref<128x32xf32, #tpu.memory_space<vmem>>
    %dma_wait3A_675 = arith.constant 0 : i32
    %dma_wait3A_676 = tpu.memref_slice %arg14[%dma_wait3A_671, %dma_wait3A_675] : memref<2x128xi32, #tpu.memory_space<vmem>> -> memref<1x128xi32, #tpu.memory_space<vmem>>
    %dma_wait3A_677 = tpu.memref_squeeze %dma_wait3A_676 : memref<1x128xi32, #tpu.memory_space<vmem>> -> memref<128xi32, #tpu.memory_space<vmem>>
    %dma_wait3A_678 = arith.constant 0 : i32
    %dma_wait3A_679 = arith.constant 0 : i32
    %dma_wait3A_680 = tpu.memref_slice %arg16[%dma_wait3A_678, %dma_wait3A_679] : memref<53376x32xf32, #tpu.memory_space<vmem_shared>> -> memref<53376x32xf32, #tpu.memory_space<vmem_shared>>
    tpu.wait_indirect_dma semaphore(%arg21 : memref<!tpu.dma_semaphore, #tpu.memory_space<semaphore_mem>>) src(%dma_wait3A_674 : memref<128x32xf32, #tpu.memory_space<vmem>>) dst(%dma_wait3A_680 : memref<53376x32xf32, #tpu.memory_space<vmem_shared>>)
    %dma_wait3A_681 = arith.constant 0 : i32
    %dma_wait3A_682 = arith.constant 0 : i32
    %dma_wait3A_683 = arith.constant 0 : i32
    %dma_wait3A_684 = tpu.memref_slice %arg12[%dma_wait3A_682, %dma_wait3A_683] : memref<256x32xf32, #tpu.memory_space<vmem>> -> memref<128x32xf32, #tpu.memory_space<vmem>>
    %dma_wait3A_685 = arith.constant 0 : i32
    %dma_wait3A_686 = tpu.memref_slice %arg15[%dma_wait3A_681, %dma_wait3A_685] : memref<2x128xi32, #tpu.memory_space<vmem>> -> memref<1x128xi32, #tpu.memory_space<vmem>>
    %dma_wait3A_687 = tpu.memref_squeeze %dma_wait3A_686 : memref<1x128xi32, #tpu.memory_space<vmem>> -> memref<128xi32, #tpu.memory_space<vmem>>
    %dma_wait3A_688 = arith.constant 0 : i32
    %dma_wait3A_689 = arith.constant 0 : i32
    %dma_wait3A_690 = tpu.memref_slice %arg16[%dma_wait3A_688, %dma_wait3A_689] : memref<53376x32xf32, #tpu.memory_space<vmem_shared>> -> memref<53376x32xf32, #tpu.memory_space<vmem_shared>>
    tpu.wait_indirect_dma semaphore(%arg22 : memref<!tpu.dma_semaphore, #tpu.memory_space<semaphore_mem>>) src(%dma_wait3A_684 : memref<128x32xf32, #tpu.memory_space<vmem>>) dst(%dma_wait3A_690 : memref<53376x32xf32, #tpu.memory_space<vmem_shared>>)
    %dma_wait3A_691 = arith.constant 1 : i32
    %dma_wait3A_692 = arith.constant 128 : i32
    %dma_wait3A_693 = arith.constant 0 : i32
    %dma_wait3A_694 = tpu.memref_slice %arg12[%dma_wait3A_692, %dma_wait3A_693] : memref<256x32xf32, #tpu.memory_space<vmem>> -> memref<128x32xf32, #tpu.memory_space<vmem>>
    %dma_wait3A_695 = arith.constant 0 : i32
    %dma_wait3A_696 = tpu.memref_slice %arg15[%dma_wait3A_691, %dma_wait3A_695] : memref<2x128xi32, #tpu.memory_space<vmem>> -> memref<1x128xi32, #tpu.memory_space<vmem>>
    %dma_wait3A_697 = tpu.memref_squeeze %dma_wait3A_696 : memref<1x128xi32, #tpu.memory_space<vmem>> -> memref<128xi32, #tpu.memory_space<vmem>>
    %dma_wait3A_698 = arith.constant 0 : i32
    %dma_wait3A_699 = arith.constant 0 : i32
    %dma_wait3A_700 = tpu.memref_slice %arg16[%dma_wait3A_698, %dma_wait3A_699] : memref<53376x32xf32, #tpu.memory_space<vmem_shared>> -> memref<53376x32xf32, #tpu.memory_space<vmem_shared>>
    tpu.wait_indirect_dma semaphore(%arg22 : memref<!tpu.dma_semaphore, #tpu.memory_space<semaphore_mem>>) src(%dma_wait3A_694 : memref<128x32xf32, #tpu.memory_space<vmem>>) dst(%dma_wait3A_700 : memref<53376x32xf32, #tpu.memory_space<vmem_shared>>)
    "tpu.region"() ({
      %run_scoped3A = tpu.sem_alloc : memref<!tpu.dma_semaphore, #tpu.memory_space<semaphore_mem>>
      %dma_start3A_701 = arith.constant 0 : i32
      %dma_start3A_702 = tpu.memref_slice %arg5[%mul3A_2, %dma_start3A_701] : memref<106496x32xf32, #tpu.memory_space<hbm>> -> memref<3328x32xf32, #tpu.memory_space<hbm>>
      %dma_start3A_703 = arith.constant 0 : i32
      %dma_start3A_704 = tpu.memref_slice %arg16[%mul3A_4, %dma_start3A_703] : memref<53376x32xf32, #tpu.memory_space<vmem_shared>> -> memref<3328x32xf32, #tpu.memory_space<vmem_shared>>
      tpu.enqueue_dma source(%dma_start3A_704 : memref<3328x32xf32, #tpu.memory_space<vmem_shared>>) target(%dma_start3A_702 : memref<3328x32xf32, #tpu.memory_space<hbm>>) target_semaphore(%run_scoped3A : memref<!tpu.dma_semaphore, #tpu.memory_space<semaphore_mem>>)
      %dma_wait3A_705 = arith.constant 0 : i32
      %dma_wait3A_706 = tpu.memref_slice %arg5[%mul3A_2, %dma_wait3A_705] : memref<106496x32xf32, #tpu.memory_space<hbm>> -> memref<3328x32xf32, #tpu.memory_space<hbm>>
      %dma_wait3A_707 = arith.constant 0 : i32
      %dma_wait3A_708 = tpu.memref_slice %arg16[%mul3A_4, %dma_wait3A_707] : memref<53376x32xf32, #tpu.memory_space<vmem_shared>> -> memref<3328x32xf32, #tpu.memory_space<vmem_shared>>
      tpu.wait_dma2 semaphore(%run_scoped3A : memref<!tpu.dma_semaphore, #tpu.memory_space<semaphore_mem>>) src(%dma_wait3A_708 : memref<3328x32xf32, #tpu.memory_space<vmem_shared>>) dst(%dma_wait3A_706 : memref<3328x32xf32, #tpu.memory_space<hbm>>)
      tpu.yield
    }) : () -> ()
    return
  }
}

</mosaic_0001>

<sc_bundles>
// kernel: kernel.3.cloned.1.call-start
scs
__scs_entry_jumppad:
0x0: {  	(pc) =	sbr.rel $0x88, $3  }
0x1: {  	(tag) =	ssettag $0x0;
	lr =	simm.s32 $0x1  }
0x2: {  	[smem:$0x3F9E] =	sst lr;
	_ =	strace $0xD0000000  }
0x3: {  	_ = 	snop  }
0x4: {  	_ = 	snop  }
0x5: {  	_ = 	snop  }
0x6: {  	_ = 	snop  }
0x7: {  	_ = 	snop  }
__scs_overlays_trampoline_lowered:
0x8: {  	[smem:$0x3FAD] =	sst s0  }
0x9: {  	[smem:$0x3FAE] =	sst s1  }
0xa: {  	[smem:$0x3FAF] =	sst s2  }
0xb: {  	[smem:$0x3FB0] =	sst s3  }
0xc: {  	[smem:$0x3FB1] =	sst s4  }
0xd: {  	[smem:$0x3FB2] =	sst s5  }
0xe: {  	[smem:$0x3FB3] =	sst s6  }
0xf: {  	[smem:$0x3FB4] =	sst s7  }
0x10: {  	[smem:$0x3FB5] =	sst s8  }
0x11: {  	[smem:$0x3FB6] =	sst s9;
	s0 =	simm.s32 @!p0 $0x0  }
0x12: {  	s1 =	sld [smem:$0x3F9C];
	s0 =	simm.s32 @p0 $0x1  }
0x13: {  	[smem:$0x3FB7] =	sst s0;
	s0 =	simm.s32 @!p1 $0x0  }
0x14: {  	s2 =	sld [smem:$0x3F9B];
	s0 =	simm.s32 @p1 $0x1  }
0x15: {  	[smem:$0x3FB8] =	sst s0;
	s0 =	simm.s32 @!p2 $0x0  }
0x16: {  	s3 =	sld [smem:$0x3FDB];
	s0 =	simm.s32 @p2 $0x1  }
0x17: {  	s4 =	simm.s32 $0x1BF5;
	[smem:$0x3FBA] =	sst s0  }
0x18: {  	s0 =	sld [smem:$0x3F9D];
	_ =	swait.ge [sflag:s4], $0x0  }
0x19: {  	s7 =	sld [smem:$0x3F9E]  }
0x1a: {  	s8 =	sadd.s32 $0xFFFFE003, lr  }
0x1b: {  	s9 =	sadd.s32 $0xFFFFFEF7, lr;
	s5 =	simm.s32 $0xFFFFFFFF;
	p2 =	slt.u32 s8, $0xFFFFF086  }
0x1c: {  	p1 =	slt.u32 s9, $0xF7A;
	s5 =	simm.s32 @!p2 $0x0  }
0x1d: {  	s5 =	simm.s32 @p1 $0x1;
	p0 =	seq.s32 s7, s2  }
0x1e: {  	s7 =	smul.u32 @!p0 $0xF7A, s2;
	p2 =	seq.s32 @!p0 s5, $0x0  }
0x1f: {  	s9 =	smul.u32 $0xF7A, s1;
	s8 =	simm.s32 @!p0 $0x1BF5;
	p2 =	por !p2, p0  }
0x20: {  	[sflag:s8] =	ssyncset.s32 @!p0 $0xFFFFF086;
	s6 =	sadd.s32 @!p0 s3, s7;
	s7 =	simm.s32 @!p0 $0x108  }
0x21: {  	s3 =	sadd.s32 s3, s9;
	s6 =	sadd.s32 @!p0 $0x88, s6;
	s7 =	simm.s32 @p2 $0x1082  }
0x22: {  	[simem:s7], [sflag:s8] =	dma.local @!p0 [hbm:s6], $0xF7A  }
0x23: {  	s9 =	sor.u32 $0xD0000000, s2;
	s6 =	simm.s32 $0x108;
	_ =	swait.ge @!p0 [sflag:s8], $0x0  }
0x24: {  	s3 =	sadd.s32 $0x88, s3;
	s6 =	simm.s32 @!p1 $0x1082;
	[sflag:s4] =	ssyncset.s32 $0xFFFFF086  }
0x25: {  	[simem:s6], [sflag:s4] =	dma.local [hbm:s3], $0xF7A  }
0x26: {  	[smem:$0x3F9E] =	sst s1;
	(tag) =	ssettag s2;
	_ =	strace s9  }
0x27: {  	s1 =	sld [smem:$0x3FAE]  }
0x28: {  	s2 =	sld [smem:$0x3FAF]  }
0x29: {  	s4 =	sld [smem:$0x3FB1]  }
0x2a: {  	p0 =	seq.s32 s5, $0x0;
	s5 =	sld [smem:$0x3FB2]  }
0x2b: {  	s6 =	sld [smem:$0x3FB3]  }
0x2c: {  	s7 =	sld [smem:$0x3FB4]  }
0x2d: {  	s3 =	simm.s32 $0x108;
	s8 =	sld [smem:$0x3FB5]  }
0x2e: {  	s3 =	simm.s32 @!p0 $0x1082;
	s9 =	sld [smem:$0x3FB6]  }
0x2f: {  	lr =	sadd.s32 s0, s3;
	s0 =	sld [smem:$0x3FAD]  }
0x30: {  	s3 =	sld [smem:$0x3FB0]  }
0x31: {  	[smem:$0x3FB9] =	sst s10  }
0x32: {  	s10 =	sld [smem:$0x3FB7];
	_ =	sdelay $0x3  }
0x33: {  	p0 =	seq.s32 s10, $0x1;
	s10 =	sld [smem:$0x3FB9];
	_ =	sdelay $0x3  }
0x34: {  	[smem:$0x3FB9] =	sst s10  }
0x35: {  	s10 =	sld [smem:$0x3FB8];
	_ =	sdelay $0x3  }
0x36: {  	p1 =	seq.s32 s10, $0x1;
	s10 =	sld [smem:$0x3FB9];
	_ =	sdelay $0x3  }
0x37: {  	[smem:$0x3FB9] =	sst s10  }
0x38: {  	s10 =	sld [smem:$0x3FBA]  }
0x39: {  	_ = 	snop;
	(pc) =	sbr.ind lr, $3  }
0x3a: {  	_ = 	snop  }
0x3b: {  	_ = 	snop  }
0x3c: {  	p2 =	seq.s32 s10, $0x1;
	s10 =	sld [smem:$0x3FB9]  }
0x3d: {  	_ =	shalt  }
0x3e: {  	_ =	shalt  }
0x3f: {  	_ =	shalt  }
0x40: {  	_ =	shalt  }
0x41: {  	_ =	shalt  }
0x42: {  	_ =	shalt  }
0x43: {  	_ =	shalt  }
0x44: {  	_ =	shalt  }
0x45: {  	_ =	shalt  }
0x46: {  	_ =	shalt  }
0x47: {  	_ =	shalt  }
0x48: {  	_ =	shalt  }
0x49: {  	_ =	shalt  }
0x4a: {  	_ =	shalt  }
0x4b: {  	_ =	shalt  }
0x4c: {  	_ =	shalt  }
0x4d: {  	_ =	shalt  }
0x4e: {  	_ =	shalt  }
0x4f: {  	_ =	shalt  }
0x50: {  	_ =	shalt  }
0x51: {  	_ =	shalt  }
0x52: {  	_ =	shalt  }
0x53: {  	_ =	shalt  }
0x54: {  	_ =	shalt  }
0x55: {  	_ =	shalt  }
0x56: {  	_ =	shalt  }
0x57: {  	_ =	shalt  }
0x58: {  	_ =	shalt  }
0x59: {  	_ =	shalt  }
0x5a: {  	_ =	shalt  }
0x5b: {  	_ =	shalt  }
0x5c: {  	_ =	shalt  }
0x5d: {  	_ =	shalt  }
0x5e: {  	_ =	shalt  }
0x5f: {  	_ =	shalt  }
0x60: {  	_ =	shalt  }
0x61: {  	_ =	shalt  }
0x62: {  	_ =	shalt  }
0x63: {  	_ =	shalt  }
0x64: {  	_ =	shalt  }
0x65: {  	_ =	shalt  }
0x66: {  	_ =	shalt  }
0x67: {  	_ =	shalt  }
0x68: {  	_ =	shalt  }
0x69: {  	_ =	shalt  }
0x6a: {  	_ =	shalt  }
0x6b: {  	_ =	shalt  }
0x6c: {  	_ =	shalt  }
0x6d: {  	_ =	shalt  }
0x6e: {  	_ =	shalt  }
0x6f: {  	_ =	shalt  }
0x70: {  	_ =	shalt  }
0x71: {  	_ =	shalt  }
0x72: {  	_ =	shalt  }
0x73: {  	_ =	shalt  }
0x74: {  	_ =	shalt  }
0x75: {  	_ =	shalt  }
0x76: {  	_ =	shalt  }
0x77: {  	_ =	shalt  }
0x78: {  	_ =	shalt  }
0x79: {  	_ =	shalt  }
0x7a: {  	_ =	shalt  }
0x7b: {  	_ =	shalt  }
0x7c: {  	_ =	shalt  }
0x7d: {  	_ =	shalt  }
0x7e: {  	_ =	shalt  }
0x7f: {  	_ =	shalt  }
0x80: {  	_ =	shalt  }
0x81: {  	_ =	shalt  }
0x82: {  	_ =	shalt  }
0x83: {  	_ =	shalt  }
0x84: {  	_ =	shalt  }
0x85: {  	_ =	shalt  }
0x86: {  	_ =	shalt  }
0x87: {  	_ =	shalt  }
.Lfunc_end0:
.L_simem_size_0:
called_computation_lowered:
.L_overlay_start_0:
0x88: {  	s2 =	sld [smem:$0x3FD9]  }
0x89: {  	s3 =	sld [smem:$0x3FFE];
	_ =	sdelay $0x1  }
0x8a: {  	s1 =	srdreg.scid  }
0x8b: {  	s0 =	sand.u32 $0x1, s1  }
0x8c: {  	s17 =	sshll.u32 s0, $0xA;
	s2 =	sadd.s32 s3, s2  }
0x8d: {  	s2 =	sadd.s32 s2, s17  }
0x8e: {  	[smem:$0x3FC5] =	sst s2  }
0x8f: {  	_ = 	snop  }
0x90: {  	s2 =	sld [smem:$0x3FD0];
	(tm) =	ssettm $0x1  }
0x91: {  	s18 =	sld [smem:$0x3FFB];
	_ =	sdelay $0x3  }
0x92: {  	_ =	strace s18  }
0x93: {  	s3 =	sld [smem:$0x3FFC];
	_ =	sdelay $0x3  }
0x94: {  	_ =	strace s3  }
0x95: {  	s3 =	sld [smem:$0x3FFD];
	_ =	sdelay $0x3  }
0x96: {  	_ =	strace s3  }
0x97: {  	_ =	strace $0x8FFFFFFF  }
0x98: {  	s19 =	sld [smem:$0x3FDB];
	_ =	sdelay $0x1  }
0x99: {  	s4 =	simm.s32 $_scs_section_size  }
0x9a: {  	s5 =	simm.s32 $_size__tile_overlayer_lowered;
	s6 =	simm.s32 $_tile_overlayer_lowered  }
0x9b: {  	s22 =	simm.s32 $0x1BFF;
	s21 =	sshll.u32 s6, $0x1;
	s3 =	sadd.s32 s4, s19  }
0x9c: {  	s7 =	simm.s32 $0x0;
	s20 =	sshll.u32 s5, $0x1;
	s5 =	sadd.s32 s21, s3  }
0x9d: {  	[timem:s7], [sflag:s22] =	dma.local [hbm:s5], s20  }
0x9e: {  	_ =	swait.ge [sflag:s22], s20  }
0x9f: {  	s4 =	ssub.s32 $0x0, s20;
	[sflag:s22] =	ssyncset.done $0x0  }
0xa0: {  	[sflag:s22] =	ssyncadd.s32 s4;
	_ =	sdelay $0x1  }
0xa1: {  	s23 =	simm.s32 $0x1B8B  }
0xa2: {  	_ =	swait.ge [sflag:s23], $0x1  }
0xa3: {  	[sflag:s23] =	ssyncset.done $0x0  }
0xa4: {  	s25 =	simm.s32 $0x1B8E;
	s24 =	sld [smem:$0x3FFE];
	[sflag:s23] =	ssyncadd.s32 $0xFFFFFFFF  }
0xa5: {  	s26 =	simm.s32 $execute0_lowered;
	[smem:$0x3FD2] =	sst s25  }
0xa6: {  	s5 =	sshll.u32 s26, $0x1;
	_ =	strace $0x80000046;
	[dreg:$0x1] =	wrdreg $0xFFFFFFFF  }
0xa7: {  	s28 =	simm.s32 $_size_execute0_lowered;
	s3 =	sadd.s32 s3, s5;
	[dreg:$0x0] =	wrdreg $0x0  }
0xa8: {  	s5 =	sshll.u32 s28, $0x1;
	[dreg:$0x2] =	wrdreg s3  }
0xa9: {  	[dreg:$0x3] =	wrdreg s5  }
0xaa: {  	[dreg:$0x4] =	wrdreg $0xC0  }
0xab: {  	_ =	task [dreg:s7], $0x5FFFF  }
0xac: {  	[dreg:$0x1] =	wrdreg $0xFFFFFFFF  }
0xad: {  	[dreg:$0x0] =	wrdreg $0x60  }
0xae: {  	[dreg:$0x2] =	wrdreg s24  }
0xaf: {  	[dreg:$0x3] =	wrdreg s2  }
0xb0: {  	[dreg:$0x4] =	wrdreg $0x52180  }
0xb1: {  	[dreg:$0x5] =	wrdreg $0x9  }
0xb2: {  	_ =	task.clear_ibuf [dreg:s7], $0x6FFFF;
	_ =	strace $0x90000046  }
0xb3: {  	s29 =	simm.s32 $0x9;
	_ =	strace $0x80000048  }
0xb4: {  	_ =	swait.ge [sflag:s29], $0x1  }
0xb5: {  	[sflag:s29] =	ssyncadd.s32 $0xFFFFFFFF  }
0xb6: {  	_ =	strace $0x90000048  }
0xb7: {  	_ =	sfence  }
0xb8: {  	s30 =	sld [smem:$0x0];
	_ =	sdelay $0x2  }
0xb9: {  	s31 =	sshll.u32 s1, $0xD;
	s1 =	sshrl.u32 s1, $0x2  }
0xba: {  	s3 =	sand.u32 $0x4000, s31;
	s1 =	sadd.s32 s1, s30  }
0xbb: {  	s0 =	sor.u32 s3, s0;
	s1 =	sshll.u32 s1, $0x11  }
0xbc: {  	s0 =	sor.u32 s1, s0  }
0xbd: {  	s0 =	sadd.s32 $0x8F2B, s0  }
0xbe: {  	[sflag:s0] =	ssyncadd.remote.s32 $0x1  }
0xbf: {  	_ =	sfence.sel $0xFFFF  }
0xc0: {  	[dreg:$0x0] =	wrdreg $0xFFFFFFFF;
	(pc) =	sbr.abs _section_cstart, $3  }
0xc1: {  	[dreg:$0x1] =	wrdreg $0xFFFFFFFF  }
0xc2: {  	_ =	task.clear_ibuf [dreg:s7], $0x2FFFF;
	_ =	strace $0x9FFFFFFF  }
0xc3: {  	(tm) =	ssettm $0x7FFFFFFF  }
tec
execute0_lowered:
.L_overlay_start_1:
0x0: {  	(tag) =	ssettag $0x1  }
0x1: {  	s0 =	rddreg [dreg:$0x0]  }
0x2: {  	s1 =	rddreg [dreg:$0x1]  }
0x3: {  	s3 =	srdreg.scid;
	s10 =	stileid.u32  }
0x4: {  	s2 =	rddreg [dreg:$0x2];
	s5 =	simm.s32 $0x0;
	s7 =	smul.u32 $0x68400, s10  }
0x5: {  	s28 =	simm.s32 $0x80;
	s31 =	simm.s32 $0x1F18;
	s3 =	sand.u32 $0x1, s3  }
0x6: {  	s4 =	sshll.u32 s10, $0x1;
	[smem:$0x7FF] =	sst s5;
	s7 =	sshrl.u32 s7, $0x2  }
0x7: {  	s13 =	smul.u32 $0xD08, s10;
	s5 =	sadd.s32 $0xF42C00, s0;
	s17 =	sadd.s32 s7, s2  }
0x8: {  	_ =	strace $0x80000047;
	s14 =	sadd.s32 $0x2000, s17;
	[dreg:$0x4] =	wrdreg s17  }
0x9: {  	s10 =	simm.s32 $0xE98;
	s15 =	sadd.s32 $0x4000, s17;
	[dreg:$0x6] =	wrdreg s14  }
0xa: {  	s6 =	sor.u32 s3, s4;
	s16 =	sadd.s32 $0x6000, s17;
	[dreg:$0x7] =	wrdreg s15  }
0xb: {  	s4 =	sadd.s32 $0x800, s0;
	s18 =	sadd.s32 $0x8000, s17;
	[dreg:$0x8] =	wrdreg s16  }
0xc: {  	s3 =	ssub.s32 $0x2, s3;
	s19 =	sadd.s32 $0xA000, s17;
	[dreg:$0x9] =	wrdreg s18  }
0xd: {  	s9 =	smul.u32 $0x1A0, s6;
	s20 =	sadd.s32 $0xC000, s17;
	[dreg:$0xa] =	wrdreg s19  }
0xe: {  	s24 =	smul.u32 $0x3400, s6;
	s21 =	sadd.s32 $0xE000, s17;
	[dreg:$0xb] =	wrdreg s20  }
0xf: {  	s7 =	sadd.s32 $0xD00, s13;
	s22 =	sadd.s32 $0x10000, s17;
	[dreg:$0xc] =	wrdreg s21  }
0x10: {  	v1 =	vmov s13;
	s13 =	simm.s32 $0x2F18;
	s23 =	sadd.s32 $0x12000, s17;
	[dreg:$0xd] =	wrdreg s22  }
0x11: {  	s8 =	sadd.s32 s9, s0;
	s25 =	sadd.s32 $0x14000, s17;
	[dreg:$0xe] =	wrdreg s23  }
0x12: {  	s9 =	sshrl.u32 s3, $0x1;
	s26 =	sadd.s32 $0x16000, s17;
	[dreg:$0xf] =	wrdreg s25  }
0x13: {  	s29 =	sshll.u32 s7, $0x5;
	s30 =	sadd.s32 $0x18000, s17;
	[dreg:$0x10] =	wrdreg s26  }
0x14: {  	s1 =	sadd.s32 s1, s24;
	s11 =	ssub.s32 s3, s9;
	[dreg:$0x11] =	wrdreg s30  }
0x15: {  	s12 =	sadd.s32 $0xDA00, s8;
	s6 =	sadd.s32 s29, s2;
	[dreg:$0x13] =	wrdreg s1  }
0x16: {  	s8 =	simm.s32 $0x8;
	s25 =	simm.s32 $0xF18;
	s26 =	simm.s32 $0x7  }
.Ltmp0:
0x17: {  	s3 =	simm.s32 $0x5198;
	s20 =	simm.s32 $0x5;
	(pc) =	sbr.rel .LBB2_1-.Ltmp0, $4  }
0x18: {  	s9 =	simm.s32 $0xE18;
	s14 =	simm.s32 $0x3F18;
	[dreg:$0x5] =	wrdreg s12  }
0x19: {  	s15 =	simm.s32 $0x3;
	s16 =	simm.s32 $0x4;
	[dreg:$0x12] =	wrdreg s6  }
0x1a: {  	v2 =	vimm.f32 $0.0e+00;
	s0 =	smax.u32 s11, $0x1;
	s11 =	simm.s32 $0x6;
	s12 =	simm.s32 $0x2  }
0x1b: {  	v3 =	vimm.s32 $0x0;
	v4 =	vlaneseq.u32;
	v0 =	vmov s7;
	s6 =	simm.s32 $0x0;
	[dreg:$0x14] =	wrdreg s0;
	s0 =	simm.s32 $0x4F18  }
.LBB2_23:
0x1c: {  	s20 =	simm.s32 $0x5  }
0x1d: {  	_ =	swait.ge [sflag:s20], $0x1000  }
0x1e: {  	[sflag:s20] =	ssyncset.done $0x0  }
0x1f: {  	[sflag:s20] =	ssyncadd.s32 $0xFFFFF000  }
0x20: {  	_ =	swait.ge [sflag:s20], $0x1000  }
0x21: {  	[sflag:s20] =	ssyncset.done $0x0  }
0x22: {  	[sflag:s20] =	ssyncadd.s32 $0xFFFFF000  }
0x23: {  	_ =	swait.ge [sflag:s11], $0x1000  }
0x24: {  	[sflag:s11] =	ssyncset.done $0x0  }
0x25: {  	s1 =	stileid.u32;
	[sflag:s11] =	ssyncadd.s32 $0xFFFFF000  }
0x26: {  	s8 =	simm.s32 $0x8;
	s1 =	sshll.u32 s1, $0x6;
	_ =	swait.ge [sflag:s11], $0x1000  }
0x27: {  	s1 =	sor.u32 $0x1C08, s1;
	[sflag:s11] =	ssyncset.done $0x0;
	s17 =	rddreg [dreg:$0x4]  }
0x28: {  	s7 =	rddreg [dreg:$0x13];
	[sflag:s11] =	ssyncadd.s32 $0xFFFFF000;
	s6 =	sshrl.u32 s17, $0x3  }
0x29: {  	[hbm:s7], [sflag:s1] =	dma.local [spmem:s6], $0x3400  }
0x2a: {  	_ =	swait.ge [sflag:s8], $0x3400  }
0x2b: {  	s29 =	rddreg [dreg:$0x15]  }
0x2c: {  	s30 =	rddreg [dreg:$0x14];
	s6 =	sadd.s32 $0x1, s29  }
0x2d: {  	p0 =	sne.s32 s6, s30  }
.Ltmp1:
0x2e: {  	_ = 	snop;
	(pc) =	sbr.rel @!p0 .LBB2_24-.Ltmp1, $3  }
0x2f: {  	_ =	sdelay $0x1  }
0x30: {  	[sflag:s8] =	ssyncset.done $0x0  }
0x31: {  	[sflag:s8] =	ssyncadd.s32 $0xFFFFCC00  }
.LBB2_1:
0x32: {  	[dreg:$0x15] =	wrdreg s6  }
0x33: {  	s1 =	simm.s32 $0x0;
	s30 =	rddreg [dreg:$0x5]  }
0x34: {  	[tilespmem:s1], [sflag:$0x8] =	stream.linear.gather [hbm4b:s30+s1], $0xD18, $0x38;
	[tilespmem:$0x1F318] =	vst v63  }
0x35: {  	_ =	swait.ge [sflag:s8], $0xD18  }
0x36: {  	[sflag:s8] =	ssyncset.done $0x0  }
0x37: {  	[sflag:s8] =	ssyncadd.s32 $0xFFFFF2E8  }
0x38: {  	v5 =	vld [tilespmem:$0x0]  }
0x39: {  	s6 =	simm.s32 $0x80;
	s7 =	simm.s32 $0x0;
	v6 =	vld [tilespmem:$0xD00]  }
.LBB2_2:
0x3a: {  	p0 =	sne.s32 s6, $0x7F80;
	[tilespmem:s7+$0xF18] =	vst v2;
	s8 =	smov.u32 s6;
	s6 =	sadd.s32 $0x80, s6  }
.Ltmp2:
0x3b: {  	[tilespmem:s7+$0xF28] =	vst v2;
	(pc) =	sbr.rel @p0 .LBB2_2-.Ltmp2, $2  }
0x3c: {  	_ =	sdelay $0x2  }
0x3d: {  	s7 =	sshra.s32 s8, $0x2  }
0x3e: {  	[tilespmem:s7+$0xF18] =	vst v2  }
0x3f: {  	[tilespmem:s7+$0xF28] =	vst v2  }
0x40: {  	[tilespmem:$0x5018] =	vst v0  }
0x41: {  	[tilespmem:$0x5028] =	vst v0  }
0x42: {  	[tilespmem:$0x5038] =	vst v0  }
0x43: {  	[tilespmem:$0x5048] =	vst v0  }
0x44: {  	[tilespmem:$0x5058] =	vst v0  }
0x45: {  	[tilespmem:$0x5068] =	vst v0  }
0x46: {  	[tilespmem:$0x5078] =	vst v0  }
0x47: {  	[tilespmem:$0x5088] =	vst v0  }
0x48: {  	[tilespmem:$0x5098] =	vst v0  }
0x49: {  	[tilespmem:$0x50A8] =	vst v0  }
0x4a: {  	[tilespmem:$0x50B8] =	vst v0  }
0x4b: {  	[tilespmem:$0x50C8] =	vst v0  }
0x4c: {  	[tilespmem:$0x50D8] =	vst v0  }
0x4d: {  	[tilespmem:$0x50E8] =	vst v0  }
0x4e: {  	[tilespmem:$0x50F8] =	vst v0  }
0x4f: {  	[tilespmem:$0x5108] =	vst v0  }
0x50: {  	[tilespmem:$0x5118] =	vst v0  }
0x51: {  	[tilespmem:$0x5128] =	vst v0  }
0x52: {  	[tilespmem:$0x5138] =	vst v0  }
0x53: {  	[tilespmem:$0x5148] =	vst v0  }
0x54: {  	[tilespmem:$0x5158] =	vst v0  }
0x55: {  	[tilespmem:$0x5168] =	vst v0  }
0x56: {  	[tilespmem:$0x5178] =	vst v0  }
0x57: {  	[tilespmem:$0x5188] =	vst v0  }
0x58: {  	[tilespmem:$0x5198] =	vst v0  }
0x59: {  	[tilespmem:$0x51A8] =	vst v0  }
0x5a: {  	[tilespmem:$0x51B8] =	vst v0  }
0x5b: {  	[tilespmem:$0x51C8] =	vst v0  }
0x5c: {  	[tilespmem:$0x51D8] =	vst v0  }
0x5d: {  	[tilespmem:$0x51E8] =	vst v0  }
0x5e: {  	[tilespmem:$0x51F8] =	vst v0  }
0x5f: {  	[tilespmem:$0x5208] =	vst v0  }
0x60: {  	[spmem:s17] =	stream.linear.scatter [tilespmem:s25], [sflag:$0x7], $0x2000, $0x38;
	[tilespmem:$0x1F318] =	vst v63  }
0x61: {  	s1 =	rddreg [dreg:$0x6]  }
0x62: {  	[spmem:s1] =	stream.linear.scatter [tilespmem:s25], [sflag:$0x7], $0x2000, $0x38;
	[tilespmem:$0x1F318] =	vst v63  }
0x63: {  	s22 =	rddreg [dreg:$0x7]  }
0x64: {  	[spmem:s22] =	stream.linear.scatter [tilespmem:s25], [sflag:$0x7], $0x2000, $0x38;
	[tilespmem:$0x1F318] =	vst v63  }
0x65: {  	s23 =	rddreg [dreg:$0x8]  }
0x66: {  	[spmem:s23] =	stream.linear.scatter [tilespmem:s25], [sflag:$0x7], $0x2000, $0x38;
	[tilespmem:$0x1F318] =	vst v63  }
0x67: {  	s24 =	rddreg [dreg:$0x9]  }
0x68: {  	(v2sf) =	vpush v5, $0x0;
	[spmem:s24] =	stream.linear.scatter [tilespmem:s25], [sflag:$0x7], $0x2000, $0x38;
	[tilespmem:$0x1F318] =	vst v63  }
0x69: {  	s29 =	rddreg [dreg:$0xa]  }
0x6a: {  	(v2sf) =	vpush v6, $0x0;
	[spmem:s29] =	stream.linear.scatter [tilespmem:s25], [sflag:$0x7], $0x2000, $0x38;
	[tilespmem:$0x1F318] =	vst v63  }
0x6b: {  	s30 =	rddreg [dreg:$0xb]  }
0x6c: {  	[spmem:s30] =	stream.linear.scatter [tilespmem:s25], [sflag:$0x7], $0x2000, $0x38;
	[tilespmem:$0x1F318] =	vst v63  }
0x6d: {  	s6 =	rddreg [dreg:$0xc]  }
0x6e: {  	[spmem:s6] =	stream.linear.scatter [tilespmem:s25], [sflag:$0x7], $0x2000, $0x38;
	[tilespmem:$0x1F318] =	vst v63  }
0x6f: {  	s7 =	rddreg [dreg:$0xd]  }
0x70: {  	[spmem:s7] =	stream.linear.scatter [tilespmem:s25], [sflag:$0x7], $0x2000, $0x38;
	[tilespmem:$0x1F318] =	vst v63  }
0x71: {  	s8 =	rddreg [dreg:$0xe]  }
0x72: {  	[spmem:s8] =	stream.linear.scatter [tilespmem:s25], [sflag:$0x7], $0x2000, $0x38;
	[tilespmem:$0x1F318] =	vst v63  }
0x73: {  	s17 =	rddreg [dreg:$0xf]  }
0x74: {  	[spmem:s17] =	stream.linear.scatter [tilespmem:s25], [sflag:$0x7], $0x2000, $0x38;
	[tilespmem:$0x1F318] =	vst v63  }
0x75: {  	s18 =	rddreg [dreg:$0x10]  }
0x76: {  	[spmem:s18] =	stream.linear.scatter [tilespmem:s25], [sflag:$0x7], $0x2000, $0x38;
	[tilespmem:$0x1F318] =	vst v63  }
0x77: {  	s21 =	rddreg [dreg:$0x11];
	s19 =	spop (v2sf)  }
0x78: {  	[spmem:s21] =	stream.linear.scatter [tilespmem:s25], [sflag:$0x7], $0x2000, $0x38;
	[tilespmem:$0x1F318] =	vst v63  }
0x79: {  	s22 =	rddreg [dreg:$0x12];
	s6 =	spop (v2sf)  }
0x7a: {  	[spmem:s22] =	stream.linear.scatter [tilespmem:s25], [sflag:$0x7], $0x100, $0x38;
	[tilespmem:$0x1F318] =	vst v63  }
0x7b: {  	_ =	swait.ge [sflag:s26], $0x2000  }
0x7c: {  	[sflag:s26] =	ssyncset.done $0x0  }
0x7d: {  	[sflag:s26] =	ssyncadd.s32 $0xFFFFE000  }
0x7e: {  	_ =	swait.ge [sflag:s26], $0x2000  }
0x7f: {  	[sflag:s26] =	ssyncset.done $0x0  }
0x80: {  	[sflag:s26] =	ssyncadd.s32 $0xFFFFE000  }
0x81: {  	_ =	swait.ge [sflag:s26], $0x2000  }
0x82: {  	[sflag:s26] =	ssyncset.done $0x0  }
0x83: {  	[sflag:s26] =	ssyncadd.s32 $0xFFFFE000  }
0x84: {  	_ =	swait.ge [sflag:s26], $0x2000  }
0x85: {  	[sflag:s26] =	ssyncset.done $0x0  }
0x86: {  	[sflag:s26] =	ssyncadd.s32 $0xFFFFE000  }
0x87: {  	_ =	swait.ge [sflag:s26], $0x2000  }
0x88: {  	[sflag:s26] =	ssyncset.done $0x0  }
0x89: {  	[sflag:s26] =	ssyncadd.s32 $0xFFFFE000  }
0x8a: {  	_ =	swait.ge [sflag:s26], $0x2000  }
0x8b: {  	[sflag:s26] =	ssyncset.done $0x0  }
0x8c: {  	[sflag:s26] =	ssyncadd.s32 $0xFFFFE000  }
0x8d: {  	_ =	swait.ge [sflag:s26], $0x2000  }
0x8e: {  	[sflag:s26] =	ssyncset.done $0x0  }
0x8f: {  	[sflag:s26] =	ssyncadd.s32 $0xFFFFE000  }
0x90: {  	_ =	swait.ge [sflag:s26], $0x2000  }
0x91: {  	[sflag:s26] =	ssyncset.done $0x0  }
0x92: {  	[sflag:s26] =	ssyncadd.s32 $0xFFFFE000  }
0x93: {  	_ =	swait.ge [sflag:s26], $0x2000  }
0x94: {  	[sflag:s26] =	ssyncset.done $0x0  }
0x95: {  	[sflag:s26] =	ssyncadd.s32 $0xFFFFE000  }
0x96: {  	_ =	swait.ge [sflag:s26], $0x2000  }
0x97: {  	[sflag:s26] =	ssyncset.done $0x0  }
0x98: {  	[sflag:s26] =	ssyncadd.s32 $0xFFFFE000  }
0x99: {  	_ =	swait.ge [sflag:s26], $0x2000  }
0x9a: {  	[sflag:s26] =	ssyncset.done $0x0  }
0x9b: {  	[sflag:s26] =	ssyncadd.s32 $0xFFFFE000  }
0x9c: {  	_ =	swait.ge [sflag:s26], $0x2000  }
0x9d: {  	[sflag:s26] =	ssyncset.done $0x0  }
0x9e: {  	[sflag:s26] =	ssyncadd.s32 $0xFFFFE000  }
0x9f: {  	s24 =	simm.s32 $0x5018;
	s23 =	sand.u32 $0x7, s19;
	_ =	swait.ge [sflag:s26], $0x2000  }
0xa0: {  	p0 =	slt.s32 s19, $0x1;
	p1 =	sne.s32 s23, $0x0;
	[sflag:s26] =	ssyncset.done $0x0  }
0xa1: {  	p0 =	por !p0, !p1;
	s8 =	sshra.s32 s19, $0x1F;
	[sflag:s26] =	ssyncadd.s32 $0xFFFFE000  }
0xa2: {  	p0 =	por !p0, !p0;
	s8 =	sshrl.u32 s8, $0x1D;
	_ =	swait.ge [sflag:s26], $0x100  }
0xa3: {  	s7 =	sadd.s32 s8, s19;
	s8 =	simm.s32 $0x1;
	[sflag:s26] =	ssyncset.done $0x0  }
0xa4: {  	s7 =	sshra.s32 s7, $0x3;
	s8 =	simm.s32 @!p0 $0x0;
	[sflag:s26] =	ssyncadd.s32 $0xFFFFFF00  }
0xa5: {  	[spmem:s2] =	stream.indirect.scatter.add.f32 [tilespmem:s25], [sflag:$0x5], $0x20, s24, s28, $0xb8;
	[tilespmem:$0x1F318] =	vst v63  }
0xa6: {  	s29 =	simm.s32 $0x5098;
	s7 =	ssub.s32 s7, s8  }
0xa7: {  	[spmem:s2] =	stream.indirect.scatter.add.f32 [tilespmem:s31], [sflag:$0x5], $0x20, s29, s28, $0xb8;
	[tilespmem:$0x1F318] =	vst v63  }
0xa8: {  	s30 =	simm.s32 $0x5118;
	s17 =	sshll.u32 s7, $0x3  }
0xa9: {  	[spmem:s2] =	stream.indirect.scatter.add.f32 [tilespmem:s25], [sflag:$0x6], $0x20, s30, s28, $0xb8;
	[tilespmem:$0x1F318] =	vst v63  }
0xaa: {  	s18 =	simm.s32 $0xD18;
	s8 =	sand.u32 $0x1FFFFFFF, s7;
	s19 =	sadd.s32 $0x80, s17  }
0xab: {  	[spmem:s2] =	stream.indirect.scatter.add.f32 [tilespmem:s31], [sflag:$0x6], $0x20, s3, s28, $0xb8;
	[tilespmem:$0x1F318] =	vst v63  }
0xac: {  	s8 =	sadd.s32 s4, s8;
	s7 =	sshrl.u32 s19, $0x3;
	s22 =	simm.s32 $0x0  }
0xad: {  	[tilespmem:s18], [sflag:$0x1] =	stream.linear.gather [hbm4b:s8+s22], $0x80, $0x38;
	[tilespmem:$0x1F318] =	vst v63  }
0xae: {  	s19 =	simm.s32 $0xD98;
	s7 =	sadd.s32 s4, s7  }
0xaf: {  	[tilespmem:s19], [sflag:$0x1] =	stream.linear.gather [hbm4b:s7+s22], $0x80, $0x38;
	[tilespmem:$0x1F318] =	vst v63  }
0xb0: {  	_ =	swait.ge [sflag:s20], $0x1000  }
0xb1: {  	[sflag:s20] =	ssyncset.done $0x0  }
0xb2: {  	[sflag:s20] =	ssyncadd.s32 $0xFFFFF000  }
0xb3: {  	s6 =	ssub.s32 s6, s17;
	_ =	swait.ge [sflag:s20], $0x1000  }
0xb4: {  	s6 =	sadd.s32 $0xFF, s6;
	[sflag:s20] =	ssyncset.done $0x0  }
0xb5: {  	s21 =	simm.s32 $0x1;
	s24 =	sand.u32 $0xFF, s6;
	[sflag:s20] =	ssyncadd.s32 $0xFFFFF000  }
0xb6: {  	p5 =	slt.s32 s6, $0x1;
	p6 =	sne.s32 s24, $0x0;
	_ =	swait.ge [sflag:s21], $0x80  }
0xb7: {  	s23 =	sshra.s32 s6, $0x1F;
	p0 =	por !p5, !p6;
	[sflag:s21] =	ssyncset.done $0x0  }
0xb8: {  	p0 =	por !p0, !p0;
	s7 =	sshrl.u32 s23, $0x18;
	[sflag:s21] =	ssyncadd.s32 $0xFFFFFF80  }
0xb9: {  	s8 =	simm.s32 $0x1;
	s6 =	sadd.s32 s7, s6;
	_ =	swait.ge [sflag:s21], $0x80  }
0xba: {  	s8 =	simm.s32 @!p0 $0x0;
	s6 =	sshra.s32 s6, $0x8;
	[sflag:s21] =	ssyncset.done $0x0  }
0xbb: {  	s29 =	sadd.s32 $0x100, s17;
	s6 =	ssub.s32 s6, s8;
	[sflag:s21] =	ssyncadd.s32 $0xFFFFFF80  }
0xbc: {  	[tilespmem:s25], [sflag:$0x3] =	stream.indirect.gather [hbm4b:s5+s28], $0x20, s18, s28, $0xb8;
	[tilespmem:$0x1F318] =	vst v63  }
0xbd: {  	s30 =	sadd.s32 $0x180, s17;
	s7 =	sshrl.u32 s29, $0x3;
	p0 =	sgt.s32 s6, $0x1  }
0xbe: {  	[tilespmem:s31], [sflag:$0x3] =	stream.indirect.gather [hbm4b:s5+s28], $0x20, s19, s28, $0xb8;
	[tilespmem:$0x1F318] =	vst v63  }
.Ltmp3:
0xbf: {  	s7 =	sadd.s32 s4, s7;
	s6 =	simm.s32 @!p0 $0x1;
	(pc) =	sbr.rel .LBB2_4-.Ltmp3, $4  }
0xc0: {  	[tilespmem:s9], [sflag:$0x2] =	stream.linear.gather [hbm4b:s7+s22], $0x80, $0x38;
	[tilespmem:$0x1F318] =	vst v63  }
0xc1: {  	s6 =	sadd.s32 $0x1, s6;
	s20 =	simm.s32 $0x0;
	s7 =	sshrl.u32 s30, $0x3  }
0xc2: {  	s18 =	sand.u32 $0x7FFFFFFE, s6;
	s19 =	sshrl.u32 s6, $0x1;
	s7 =	sadd.s32 s4, s7  }
0xc3: {  	v5 =	vbroadcast v5, $0x0;
	v6 =	vbroadcast v6, $0x0;
	[tilespmem:s10], [sflag:$0x2] =	stream.linear.gather [hbm4b:s7+s22], $0x80, $0x38;
	[tilespmem:$0x1F318] =	vst v63  }
.LBB2_17:
0xc4: {  	s7 =	smov.u32 s21  }
.LBB2_21:
0xc5: {  	v10 =	vld [tilespmem:s8+$0x0];
	_ =	sdelay $0x1  }
0xc6: {  	s1 =	sadd.s32 @p0 $0x10, s7;
	s7 =	smov.u32 s21  }
0xc7: {  	s7 =	smov.u32 @p0 s1  }
0xc8: {  	v12 =	vsub.s32 v9, v7;
	v11 =	vadd.s32 s7, v4  }
0xc9: {  	vm2 =	vgt.s32 v12, $0x0;
	vm0 =	vlt.s32 v11, v8;
	vm1 =	vlt.s32 v9, v10  }
0xca: {  	v8 =	vnsel vm2, $0x0, v12;
	vm0 =	vmand vm0, vm1  }
0xcb: {  	v8 =	vmin.u32 v8, $0xFF;
	_ =	sdelay $0x2  }
0xcc: {  	s1 =	sadd.s32 $0x1, s7  }
0xcd: {  	v63 =	vadd.s32 s1, v4  }
0xce: {  	[tilespmem:v8+s0+$0x0] =	vst.idx.msk vm0, v63  }
.LBB2_22:
0xcf: {  	v8 =	vld [tilespmem:$0x4F18];
	_ =	sdelay $0x3  }
0xd0: {  	v9 =	vld [tilespmem:$0x4F28]  }
0xd1: {  	v8 =	vxor.u32 $0x80000000, v8  }
0xd2: {  	(xrf0) =	vmax.scan.msk.u32 $0xffff, v8;
	_ =	sdelay $0x1  }
0xd3: {  	v8 =	vld [tilespmem:$0x4F38]  }
0xd4: {  	v9 =	vxor.u32 $0x80000000, v9  }
0xd5: {  	(xrf0) =	vmax.scan.msk.u32 $0xffff, v9;
	_ =	sdelay $0x1  }
0xd6: {  	v10 =	vld [tilespmem:$0x4F48];
	v18, _, _ =	vpop (xrf0)  }
0xd7: {  	v8 =	vxor.u32 $0x80000000, v8;
	v9 =	vxor.u32 $0x80000000, v18  }
0xd8: {  	(xrf0) =	vmax.scan.msk.u32 $0xffff, v8;
	vm0 =	vgt.s32 v9, s21  }
0xd9: {  	v8 =	vnsel vm0, s21, v9  }
0xda: {  	v12 =	vld [tilespmem:$0x4F58];
	v19, _, _ =	vpop (xrf0);
	v11 =	vbroadcast v8, $0xF  }
0xdb: {  	v10 =	vxor.u32 $0x80000000, v10;
	v9 =	vxor.u32 $0x80000000, v19  }
0xdc: {  	(xrf0) =	vmax.scan.msk.u32 $0xffff, v10;
	vm10 =	vgt.s32 v9, v11  }
0xdd: {  	v13 =	vld [tilespmem:$0x4F68];
	v9 =	vsel vm10, v9, v11  }
0xde: {  	v20, _, _ =	vpop (xrf0);
	v11 =	vbroadcast v9, $0xF  }
0xdf: {  	v12 =	vxor.u32 $0x80000000, v12;
	v10 =	vxor.u32 $0x80000000, v20  }
0xe0: {  	(xrf0) =	vmax.scan.msk.u32 $0xffff, v12;
	vm11 =	vgt.s32 v10, v11  }
0xe1: {  	v10 =	vsel vm11, v10, v11  }
0xe2: {  	v14 =	vld [tilespmem:$0x4F78];
	v13 =	vxor.u32 $0x80000000, v13;
	v21, _, _ =	vpop (xrf0);
	v22 =	vbroadcast v10, $0xF  }
0xe3: {  	v15 =	vld [tilespmem:$0x4F88];
	(xrf0) =	vmax.scan.msk.u32 $0xffff, v13;
	v11 =	vxor.u32 $0x80000000, v21  }
0xe4: {  	vm12 =	vgt.s32 v11, v22  }
0xe5: {  	v7 =	vadd.s32 v4, v7;
	v11 =	vsel vm12, v11, v22  }
0xe6: {  	s1 =	sadd.s32 $0x10, s6;
	vm1 =	vge.s32 v7, v5;
	v23, _, _ =	vpop (xrf0);
	v24 =	vbroadcast v11, $0xF  }
0xe7: {  	v35 =	vadd.s32 s1, v4;
	v14 =	vxor.u32 $0x80000000, v14;
	v12 =	vxor.u32 $0x80000000, v23  }
0xe8: {  	v16 =	vld [tilespmem:$0x4F98];
	s7 =	sadd.s32 $0x30, s6;
	s8 =	sadd.s32 $0x40, s6;
	vm7 =	vlt.s32 v7, v6;
	v15 =	vxor.u32 $0x80000000, v15;
	(xrf0) =	vmax.scan.msk.u32 $0xffff, v14;
	vm13 =	vgt.s32 v12, v24  }
0xe9: {  	v17 =	vld [tilespmem:$0x4FA8];
	s23 =	sadd.s32 $0x60, s6;
	s24 =	sadd.s32 $0x70, s6;
	v40 =	vadd.s32 s7, v4;
	v43 =	vadd.s32 s8, v4;
	v25, _, _ =	vpop (xrf0);
	(xrf0) =	vmax.scan.msk.u32 $0xffff, v15;
	v12 =	vsel vm13, v12, v24  }
0xea: {  	s29 =	sadd.s32 $0x80, s6;
	v50 =	vadd.s32 s23, v4;
	v51 =	vadd.s32 s24, v4;
	v26 =	vbroadcast v12, $0xF  }
0xeb: {  	v54 =	vadd.s32 s29, v4;
	s7 =	sadd.s32 $0xA0, s6;
	vm2 =	vge.s32 v35, v5;
	v13 =	vxor.u32 $0x80000000, v25  }
0xec: {  	s8 =	sadd.s32 $0xB0, s6;
	vm3 =	vlt.s32 v35, v6;
	v56 =	vadd.s32 s7, v4;
	vm14 =	vgt.s32 v13, v26  }
0xed: {  	s23 =	sadd.s32 $0xD0, s6;
	v58 =	vadd.s32 s8, v4;
	v16 =	vxor.u32 $0x80000000, v16;
	v13 =	vsel vm14, v13, v26  }
0xee: {  	s24 =	sadd.s32 $0xE0, s6;
	s29 =	sadd.s32 $0xF0, s6;
	v61 =	vadd.s32 s23, v4;
	v17 =	vxor.u32 $0x80000000, v17;
	v18 =	vld [tilespmem:$0x4FB8];
	v27, _, _ =	vpop (xrf0);
	(xrf0) =	vmax.scan.msk.u32 $0xffff, v16;
	v28 =	vbroadcast v13, $0xF  }
0xef: {  	v62 =	vadd.s32 s24, v4;
	v63 =	vadd.s32 s29, v4;
	v19 =	vld [tilespmem:$0x4FC8];
	v14 =	vxor.u32 $0x80000000, v27;
	v29, _, _ =	vpop (xrf0);
	(xrf0) =	vmax.scan.msk.u32 $0xffff, v17  }
0xf0: {  	vm8 =	vmand vm2, vm3;
	vm0 =	vmand vm1, vm7;
	s21 =	sadd.s32 $0x50, s6;
	v20 =	vld [tilespmem:$0x4FD8];
	vm15 =	vgt.s32 v14, v28  }
0xf1: {  	v39 =	vld [tilespmem:$0x4FF8];
	v8 =	vadd.s32 v1, v8;
	v47 =	vadd.s32 s21, v4;
	s21 =	sadd.s32 $0xC0, s6;
	v14 =	vsel vm15, v14, v28  }
0xf2: {  	v8 =	vsel vm0, v8, v0;
	v59 =	vadd.s32 s21, v4;
	v21 =	vld [tilespmem:$0x4FE8];
	v30 =	vbroadcast v14, $0xF  }
0xf3: {  	v18 =	vxor.u32 $0x80000000, v18;
	v9 =	vadd.s32 v1, v9;
	v15 =	vxor.u32 $0x80000000, v29  }
0xf4: {  	v19 =	vxor.u32 $0x80000000, v19;
	v9 =	vsel vm8, v9, v0;
	v31, _, _ =	vpop (xrf0);
	(xrf0) =	vmax.scan.msk.u32 $0xffff, v18;
	vm4 =	vgt.s32 v15, v30  }
0xf5: {  	vm8 =	vge.s32 v47, v5;
	v36 =	vxor.u32 $0x80000000, v20;
	v33, _, _ =	vpop (xrf0);
	(xrf0) =	vmax.scan.msk.u32 $0xffff, v19;
	v15 =	vsel vm4, v15, v30  }
0xf6: {  	s30 =	sadd.s32 $0x20, s6;
	v10 =	vadd.s32 v1, v10;
	v20 =	vxor.u32 $0x80000000, v39;
	v23 =	vld [tilespmem:$0x5008];
	v32 =	vbroadcast v15, $0xF  }
0xf7: {  	v22 =	vadd.s32 s30, v4;
	v21 =	vxor.u32 $0x80000000, v21;
	v16 =	vxor.u32 $0x80000000, v31  }
0xf8: {  	s30 =	sadd.s32 $0x90, s6;
	vm10 =	vge.s32 v22, v5;
	vm11 =	vlt.s32 v22, v6;
	vm5 =	vgt.s32 v16, v32  }
0xf9: {  	v11 =	vadd.s32 v1, v11;
	v55 =	vadd.s32 s30, v4;
	v16 =	vsel vm5, v16, v32  }
0xfa: {  	vm0 =	vmand vm10, vm11;
	vm11 =	vge.s32 v50, v5;
	v7, _, _ =	vpop (xrf0);
	(xrf0) =	vmax.scan.msk.u32 $0xffff, v36;
	v34 =	vbroadcast v16, $0xF  }
0xfb: {  	v10 =	vsel vm0, v10, v0;
	v46 =	vxor.u32 $0x80000000, v23;
	v17 =	vxor.u32 $0x80000000, v33;
	v37, _, _ =	vpop (xrf0);
	(xrf0) =	vmax.scan.msk.u32 $0xffff, v21  }
0xfc: {  	vm13 =	vge.s32 v40, v5;
	v12 =	vadd.s32 v1, v12;
	vm6 =	vgt.s32 v17, v34  }
0xfd: {  	vm14 =	vlt.s32 v40, v6;
	v13 =	vadd.s32 v1, v13;
	v17 =	vsel vm6, v17, v34  }
0xfe: {  	vm15 =	vmand vm13, vm14;
	vm14 =	vge.s32 v51, v5;
	v18 =	vbroadcast v17, $0xF  }
0xff: {  	v11 =	vsel vm15, v11, v0;
	vm15 =	vlt.s32 v51, v6;
	v7 =	vxor.u32 $0x80000000, v7  }
0x100: {  	v14 =	vadd.s32 v1, v14;
	vm1 =	vmand vm14, vm15;
	v41, _, _ =	vpop (xrf0);
	(xrf0) =	vmax.scan.msk.u32 $0xffff, v20;
	vm9 =	vgt.s32 v7, v18  }
0x101: {  	vm14 =	vlt.s32 v58, v6;
	v15 =	vadd.s32 v1, v15;
	v44, _, _ =	vpop (xrf0);
	(xrf0) =	vmax.scan.msk.u32 $0xffff, v46;
	v7 =	vsel vm9, v7, v18  }
0x102: {  	v15 =	vsel vm1, v15, v0;
	vm5 =	vge.s32 v43, v5;
	v38 =	vbroadcast v7, $0xF  }
0x103: {  	[tilespmem:$0x5118] =	vst v8;
	v8 =	vadd.s32 v1, v16;
	v19 =	vxor.u32 $0x80000000, v41;
	v18 =	vxor.u32 $0x80000000, v37  }
0x104: {  	v45 =	vxor.u32 $0x80000000, v44;
	vm6 =	vlt.s32 v43, v6;
	vm12 =	vgt.s32 v18, v38  }
0x105: {  	vm0 =	vmand vm5, vm6;
	vm5 =	vge.s32 v54, v5;
	v18 =	vsel vm12, v18, v38  }
0x106: {  	vm6 =	vlt.s32 v54, v6;
	v48, _, _ =	vpop (xrf0);
	vm9 =	vlt.s32 v47, v6;
	v42 =	vbroadcast v18, $0xF  }
0x107: {  	v57 =	vadd.s32 v1, v17;
	v12 =	vsel vm0, v12, v0;
	v52, _, _ =	vpop (xrf0);
	vm0 =	vmand vm8, vm9  }
0x108: {  	v23 =	vxor.u32 $0x80000000, v52;
	vm8 =	vlt.s32 v55, v6;
	vm4 =	vgt.s32 v19, v42  }
0x109: {  	v7 =	vadd.s32 v1, v7;
	v13 =	vsel vm0, v13, v0;
	v19 =	vsel vm4, v19, v42  }
0x10a: {  	vm0 =	vmand vm5, vm6;
	vm12 =	vlt.s32 v50, v6;
	v22 =	vbroadcast v19, $0xF  }
0x10b: {  	vm5 =	vlt.s32 v59, v6;
	v8 =	vsel vm0, v8, v0;
	vm13 =	vmand vm11, vm12  }
0x10c: {  	[tilespmem:$0x5128] =	vst v9;
	vm11 =	vlt.s32 v56, v6;
	v60 =	vadd.s32 v1, v18;
	vm7 =	vgt.s32 v45, v22  }
0x10d: {  	[tilespmem:$0x5138] =	vst v10;
	v14 =	vsel vm13, v14, v0;
	vm13 =	vge.s32 v58, v5;
	v20 =	vsel vm7, v45, v22  }
0x10e: {  	[tilespmem:$0x5148] =	vst v11;
	vm15 =	vmand vm13, vm14;
	vm13 =	vge.s32 v63, v5;
	v49 =	vbroadcast v20, $0xF  }
0x10f: {  	[tilespmem:$0x5188] =	vst v15;
	vm14 =	vlt.s32 v63, v6;
	v10 =	vsel vm15, v60, v0;
	v22 =	vxor.u32 $0x80000000, v48  }
0x110: {  	[tilespmem:$0x5158] =	vst v12;
	vm15 =	vmand vm13, vm14;
	vm7 =	vge.s32 v55, v5;
	vm10 =	vgt.s32 v22, v49  }
0x111: {  	[tilespmem:$0x5198] =	vst v8;
	v8 =	vadd.s32 v1, v19;
	vm9 =	vmand vm7, vm8;
	v21 =	vsel vm10, v22, v49  }
0x112: {  	[tilespmem:$0x5168] =	vst v13;
	vm7 =	vge.s32 v61, v5;
	vm10 =	vge.s32 v56, v5;
	v24 =	vbroadcast v21, $0xF  }
0x113: {  	[tilespmem:$0x5178] =	vst v14;
	vm8 =	vlt.s32 v61, v6;
	v9 =	vsel vm9, v57, v0;
	vm12 =	vmand vm10, vm11  }
0x114: {  	[tilespmem:$0x51C8] =	vst v10;
	vm9 =	vmand vm7, vm8;
	v7 =	vsel vm12, v7, v0;
	vm4 =	vgt.s32 v23, v24  }
0x115: {  	[tilespmem:$0x51B8] =	vst v7;
	v7 =	vadd.s32 v1, v20;
	v53 =	vsel vm4, v23, v24;
	vm4 =	vge.s32 v59, v5  }
0x116: {  	[tilespmem:$0x51A8] =	vst v9;
	vm10 =	vge.s32 v62, v5;
	v7 =	vsel vm9, v7, v0;
	vm6 =	vmand vm4, vm5  }
0x117: {  	s20 =	sadd.s32 $0x1, s20;
	vm11 =	vlt.s32 v62, v6;
	[tilespmem:$0x51E8] =	vst v7;
	v7 =	vadd.s32 v1, v53;
	v8 =	vsel vm6, v8, v0  }
0x118: {  	p0 =	sne.s32 s20, s19;
	vm12 =	vmand vm10, vm11;
	v7 =	vsel vm15, v7, v0;
	[tilespmem:$0x51D8] =	vst v8;
	v8 =	vadd.s32 v1, v21  }
.Ltmp4:
0x119: {  	[tilespmem:$0x5208] =	vst v7;
	v8 =	vsel vm12, v8, v0;
	(pc) =	sbr.rel @!p0 .LBB2_23-.Ltmp4, $4  }
0x11a: {  	s30 =	simm.s32 $0x5118;
	[tilespmem:$0x51F8] =	vst v8  }
0x11b: {  	[spmem:s2] =	stream.indirect.scatter.add.f32 [tilespmem:s13], [sflag:$0x6], $0x20, s30, s28, $0xb8;
	[tilespmem:$0x1F318] =	vst v63  }
0x11c: {  	_ = 	snop  }
0x11d: {  	[spmem:s2] =	stream.indirect.scatter.add.f32 [tilespmem:s14], [sflag:$0x6], $0x20, s3, s28, $0xb8;
	[tilespmem:$0x1F318] =	vst v63  }
.LBB2_4:
0x11e: {  	_ =	swait.ge [sflag:s11], $0x1000  }
0x11f: {  	[sflag:s11] =	ssyncset.done $0x0  }
0x120: {  	[sflag:s11] =	ssyncadd.s32 $0xFFFFF000  }
0x121: {  	_ =	swait.ge [sflag:s11], $0x1000  }
0x122: {  	[sflag:s11] =	ssyncset.done $0x0  }
0x123: {  	[sflag:s11] =	ssyncadd.s32 $0xFFFFF000  }
0x124: {  	_ =	swait.ge [sflag:s12], $0x80  }
0x125: {  	s23 =	sshll.u32 s20, $0x1;
	[sflag:s12] =	ssyncset.done $0x0  }
0x126: {  	s6 =	sadd.s32 $0x2, s23;
	[sflag:s12] =	ssyncadd.s32 $0xFFFFFF80  }
0x127: {  	p0 =	sge.u32 s6, s18;
	_ =	swait.ge [sflag:s12], $0x80  }
0x128: {  	s6 =	sshll.u32 @!p0 s6, $0x8;
	[sflag:s12] =	ssyncset.done $0x0  }
0x129: {  	s6 =	sadd.s32 @!p0 s17, s6;
	[sflag:s12] =	ssyncadd.s32 $0xFFFFFF80  }
0x12a: {  	[tilespmem:s13], [sflag:$0x4] =	stream.indirect.gather [hbm4b:s5+s28], $0x20, s9, s28, $0xb8;
	[tilespmem:$0x1F318] =	vst v63  }
0x12b: {  	s8 =	simm.s32 @!p0 $0x0;
	s7 =	sshrl.u32 @!p0 s6, $0x3;
	s6 =	sadd.s32 @!p0 $0x80, s6  }
0x12c: {  	[tilespmem:s14], [sflag:$0x4] =	stream.indirect.gather [hbm4b:s5+s28], $0x20, s10, s28, $0xb8;
	[tilespmem:$0x1F318] =	vst v63  }
0x12d: {  	s21 =	simm.s32 @!p0 $0xD18;
	s7 =	sadd.s32 @!p0 s4, s7;
	s6 =	sshrl.u32 @!p0 s6, $0x3  }
0x12e: {  	[tilespmem:s21], [sflag:$0x1] =	stream.linear.gather @!p0 [hbm4b:s7+s8], $0x80, $0x38;
	[tilespmem:$0x1F318] =	vst v63  }
0x12f: {  	s6 =	sadd.s32 @!p0 s4, s6;
	s7 =	simm.s32 @!p0 $0xD98  }
0x130: {  	[tilespmem:s7], [sflag:$0x1] =	stream.linear.gather @!p0 [hbm4b:s6+s8], $0x80, $0x38;
	[tilespmem:$0x1F318] =	vst v63  }
0x131: {  	_ =	swait.ge [sflag:s15], $0x1000  }
0x132: {  	[sflag:s15] =	ssyncset.done $0x0  }
0x133: {  	s29 =	simm.s32 $0xD00;
	s30 =	sadd.s32 $0xD00, s22;
	[sflag:s15] =	ssyncadd.s32 $0xFFFFF000  }
0x134: {  	p1 =	slt.s32 s22, $0xD00;
	s6 =	sshll.u32 s20, $0x9;
	_ =	swait.ge [sflag:s15], $0x1000  }
0x135: {  	s21 =	smov.u32 s22;
	s24 =	sadd.s32 s17, s6;
	[sflag:s15] =	ssyncset.done $0x0  }
0x136: {  	s7 =	simm.s32 $0xB;
	s8 =	sadd.s32 $0xFF, s24;
	[sflag:s15] =	ssyncadd.s32 $0xFFFFF000  }
.LBB2_5:
0x137: {  	s1 =	smov.u32 s29  }
0x138: {  	p2 =	sne.s32 s7, $0x1;
	s29 =	sand.u32 $0x1, s30  }
0x139: {  	p3 =	slt.s32 s30, $0x1;
	p4 =	seq.s32 s29, $0x1  }
0x13a: {  	s29 =	sshrl.u32 s30, $0x1F;
	p3 =	por !p3, !p4  }
0x13b: {  	s29 =	sadd.s32 s29, s30;
	s30 =	simm.s32 $0x1;
	p3 =	por !p3, !p3  }
0x13c: {  	s29 =	sshra.s32 s29, $0x1;
	s30 =	simm.s32 @!p3 $0x0  }
0x13d: {  	s29 =	ssub.s32 s29, s30  }
0x13e: {  	v7 =	vld [tilespmem:s29+$0x1];
	_ =	sdelay $0x4  }
0x13f: {  	(v2sf) =	vpush v7, $0x0;
	_ =	sdelay $0xe  }
0x140: {  	s30 =	spop (v2sf)  }
.Ltmp5:
0x141: {  	p3 =	sle.s32 s30, s8;
	(pc) =	sbr.rel @p2 .LBB2_5-.Ltmp5, $4  }
0x142: {  	p1 =	por !p1, !p3  }
0x143: {  	s30 =	sadd.s32 $0x1, s29;
	p1 =	por !p1, !p1  }
0x144: {  	s21 =	smov.u32 @p1 s30;
	s29 =	smov.u32 @p1 s1  }
0x145: {  	s7 =	sadd.s32 $0xFFFFFFFF, s7;
	s30 =	sadd.s32 s21, s29;
	p1 =	slt.s32 s21, s29  }
0x146: {  	s1 =	sand.u32 $0x1, s30  }
0x147: {  	p2 =	slt.s32 s30, $0x1;
	p3 =	seq.s32 s1, $0x1  }
0x148: {  	s29 =	sshrl.u32 s30, $0x1F;
	p2 =	por !p2, !p3  }
0x149: {  	s7 =	simm.s32 $0x1;
	s1 =	sadd.s32 s29, s30;
	p2 =	por !p2, !p2  }
0x14a: {  	s1 =	sshra.s32 s1, $0x1;
	s7 =	simm.s32 @!p2 $0x0  }
0x14b: {  	s1 =	ssub.s32 s1, s7  }
0x14c: {  	v7 =	vld [tilespmem:s1+$0x1];
	_ =	sdelay $0x4  }
0x14d: {  	(v2sf) =	vpush v7, $0x0;
	_ =	sdelay $0xe  }
0x14e: {  	s30 =	spop (v2sf)  }
0x14f: {  	p4 =	sle.s32 s30, s8  }
0x150: {  	p1 =	por !p1, !p4  }
0x151: {  	[tilespmem:$0x4F18] =	vst v3;
	s1 =	sadd.s32 $0x1, s1;
	p1 =	por !p1, !p1  }
0x152: {  	[tilespmem:$0x4F28] =	vst v3;
	s21 =	smov.u32 @p1 s1  }
0x153: {  	[tilespmem:$0x4F38] =	vst v3;
	s1 =	ssub.s32 s21, s22  }
0x154: {  	[tilespmem:$0x4F48] =	vst v3;
	s1 =	sadd.s32 $0xF, s1  }
0x155: {  	[tilespmem:$0x4F58] =	vst v3;
	s8 =	sand.u32 $0xF, s1  }
0x156: {  	[tilespmem:$0x4F68] =	vst v3;
	s29 =	sshra.s32 s1, $0x1F;
	p5 =	slt.s32 s1, $0x1;
	p6 =	sne.s32 s8, $0x0  }
0x157: {  	[tilespmem:$0x4F78] =	vst v3;
	s30 =	sshrl.u32 s29, $0x1C;
	p1 =	por !p5, !p6  }
0x158: {  	s7 =	simm.s32 $0x1;
	[tilespmem:$0x4F88] =	vst v3;
	s1 =	sadd.s32 s30, s1;
	p1 =	por !p1, !p1  }
0x159: {  	[tilespmem:$0x4F98] =	vst v3;
	s1 =	sshra.s32 s1, $0x4;
	s7 =	simm.s32 @!p1 $0x0  }
0x15a: {  	[tilespmem:$0x4FA8] =	vst v3;
	s7 =	ssub.s32 s1, s7  }
0x15b: {  	[tilespmem:$0x4FB8] =	vst v3;
	p1 =	sgt.s32 s7, $0x0  }
.Ltmp6:
0x15c: {  	[tilespmem:$0x4FC8] =	vst v3;
	(pc) =	sbr.rel @!p1 .LBB2_13-.Ltmp6, $4  }
0x15d: {  	[tilespmem:$0x4FD8] =	vst v3  }
0x15e: {  	[tilespmem:$0x4FE8] =	vst v3  }
0x15f: {  	[tilespmem:$0x4FF8] =	vst v3  }
0x160: {  	[tilespmem:$0x5008] =	vst v3;
	v7 =	vmov s24  }
0x161: {  	p2 =	sne.s32 s7, $0x1  }
.Ltmp7:
0x162: {  	_ = 	snop;
	(pc) =	sbr.rel @!p2 .LBB2_8-.Ltmp7, $4  }
0x163: {  	s1 =	sshll.u32 s22, $0x2  }
0x164: {  	s1 =	sshra.s32 s1, $0x2  }
0x165: {  	s8 =	sadd.s32 $0x2, s1  }
0x166: {  	v8 =	vmov s21;
	v7 =	vmov s24;
	s7 =	sadd.s32 $0xFFFFFFFF, s7;
	p1 =	por $0x0, $0x0;
	v9 =	vld [tilespmem:s8+$0xFFFFFFFF]  }
0x167: {  	v10 =	vld [tilespmem:s8+$0x0];
	_ =	sdelay $0x3  }
0x168: {  	v11 =	vadd.s32 s22, v4;
	v12 =	vsub.s32 v9, v7  }
0x169: {  	vm0 =	vlt.s32 v11, v8;
	vm1 =	vlt.s32 v9, v10;
	vm2 =	vgt.s32 v12, $0x0  }
0x16a: {  	vm0 =	vmand vm0, vm1;
	v9 =	vnsel vm2, $0x0, v12  }
0x16b: {  	v9 =	vmin.u32 v9, $0xFF  }
0x16c: {  	p2 =	sne.s32 s7, $0x1  }
.Ltmp8:
0x16d: {  	_ = 	snop;
	(pc) =	sbr.rel @!p2 .LBB2_10-.Ltmp8, $4  }
0x16e: {  	s1 =	sadd.s32 $0x1, s22  }
0x16f: {  	v10 =	vadd.s32 s1, v4  }
0x170: {  	s8 =	sadd.s32 $0x10, s8;
	[tilespmem:v9+s0+$0x0] =	vst.idx.msk vm0, v10  }
0x171: {  	s29 =	sadd.s32 $0xFFFFFFFF, s7;
	p1 =	por $0x1, $0x1;
	s7 =	smov.u32 s22;
	v9 =	vld [tilespmem:s8+$0xFFFFFFFF]  }
.LBB2_11:
0x172: {  	p2 =	sne.s32 s29, $0x1;
	v10 =	vld [tilespmem:s8+$0x0];
	_ =	sdelay $0x2  }
0x173: {  	s7 =	sadd.s32 $0x10, s7  }
0x174: {  	v11 =	vadd.s32 s7, v4;
	v12 =	vsub.s32 v9, v7  }
0x175: {  	vm0 =	vlt.s32 v11, v8;
	vm1 =	vlt.s32 v9, v10;
	vm2 =	vgt.s32 v12, $0x0  }
0x176: {  	vm0 =	vmand vm0, vm1;
	v9 =	vnsel vm2, $0x0, v12  }
0x177: {  	v9 =	vmin.u32 v9, $0xFF;
	_ =	sdelay $0x1  }
.Ltmp9:
0x178: {  	(pc) =	sbr.rel @p2 .LBB2_11-.Ltmp9, $4  }
0x179: {  	s1 =	sadd.s32 $0x1, s7  }
0x17a: {  	v10 =	vadd.s32 s1, v4  }
0x17b: {  	s8 =	sadd.s32 $0x10, s8;
	[tilespmem:v9+s0+$0x0] =	vst.idx.msk vm0, v10  }
0x17c: {  	s29 =	sadd.s32 $0xFFFFFFFF, s29;
	v9 =	vld [tilespmem:s8+$0xFFFFFFFF]  }
.LBB2_12:
0x17d: {  	v10 =	vld [tilespmem:s8+$0x0];
	_ =	sdelay $0x1  }
0x17e: {  	s1 =	sadd.s32 @p1 $0x10, s7;
	s7 =	smov.u32 s22  }
0x17f: {  	s7 =	smov.u32 @p1 s1  }
0x180: {  	v11 =	vadd.s32 s7, v4;
	v12 =	vsub.s32 v9, v7  }
0x181: {  	vm0 =	vlt.s32 v11, v8;
	vm1 =	vlt.s32 v9, v10;
	vm2 =	vgt.s32 v12, $0x0  }
0x182: {  	vm0 =	vmand vm0, vm1;
	v8 =	vnsel vm2, $0x0, v12  }
0x183: {  	v8 =	vmin.u32 v8, $0xFF;
	_ =	sdelay $0x2  }
0x184: {  	s1 =	sadd.s32 $0x1, s7  }
0x185: {  	v63 =	vadd.s32 s1, v4  }
0x186: {  	[tilespmem:v8+s0+$0x0] =	vst.idx.msk vm0, v63  }
.LBB2_13:
0x187: {  	v8 =	vld [tilespmem:$0x4F18];
	_ =	sdelay $0x3  }
0x188: {  	v9 =	vld [tilespmem:$0x4F28]  }
0x189: {  	v8 =	vxor.u32 $0x80000000, v8  }
0x18a: {  	(xrf0) =	vmax.scan.msk.u32 $0xffff, v8;
	_ =	sdelay $0x1  }
0x18b: {  	v8 =	vld [tilespmem:$0x4F38]  }
0x18c: {  	v9 =	vxor.u32 $0x80000000, v9  }
0x18d: {  	(xrf0) =	vmax.scan.msk.u32 $0xffff, v9;
	_ =	sdelay $0x1  }
0x18e: {  	v10 =	vld [tilespmem:$0x4F48];
	v18, _, _ =	vpop (xrf0)  }
0x18f: {  	v8 =	vxor.u32 $0x80000000, v8;
	v9 =	vxor.u32 $0x80000000, v18  }
0x190: {  	(xrf0) =	vmax.scan.msk.u32 $0xffff, v8;
	vm0 =	vgt.s32 v9, s22  }
0x191: {  	v8 =	vnsel vm0, s22, v9  }
0x192: {  	v12 =	vld [tilespmem:$0x4F58];
	v19, _, _ =	vpop (xrf0);
	v11 =	vbroadcast v8, $0xF  }
0x193: {  	v10 =	vxor.u32 $0x80000000, v10;
	v9 =	vxor.u32 $0x80000000, v19  }
0x194: {  	(xrf0) =	vmax.scan.msk.u32 $0xffff, v10;
	vm10 =	vgt.s32 v9, v11  }
0x195: {  	v13 =	vld [tilespmem:$0x4F68];
	v9 =	vsel vm10, v9, v11  }
0x196: {  	v20, _, _ =	vpop (xrf0);
	v11 =	vbroadcast v9, $0xF  }
0x197: {  	v12 =	vxor.u32 $0x80000000, v12;
	v10 =	vxor.u32 $0x80000000, v20  }
0x198: {  	(xrf0) =	vmax.scan.msk.u32 $0xffff, v12;
	vm11 =	vgt.s32 v10, v11  }
0x199: {  	v10 =	vsel vm11, v10, v11  }
0x19a: {  	v14 =	vld [tilespmem:$0x4F78];
	v13 =	vxor.u32 $0x80000000, v13;
	v21, _, _ =	vpop (xrf0);
	v22 =	vbroadcast v10, $0xF  }
0x19b: {  	v15 =	vld [tilespmem:$0x4F88];
	(xrf0) =	vmax.scan.msk.u32 $0xffff, v13;
	v11 =	vxor.u32 $0x80000000, v21  }
0x19c: {  	vm12 =	vgt.s32 v11, v22  }
0x19d: {  	v7 =	vadd.s32 v4, v7;
	v11 =	vsel vm12, v11, v22  }
0x19e: {  	s1 =	sadd.s32 $0x10, s24;
	vm1 =	vge.s32 v7, v5;
	v23, _, _ =	vpop (xrf0);
	v24 =	vbroadcast v11, $0xF  }
0x19f: {  	v35 =	vadd.s32 s1, v4;
	v14 =	vxor.u32 $0x80000000, v14;
	v12 =	vxor.u32 $0x80000000, v23  }
0x1a0: {  	v16 =	vld [tilespmem:$0x4F98];
	s7 =	sadd.s32 $0x30, s24;
	s8 =	sadd.s32 $0x40, s24;
	vm7 =	vlt.s32 v7, v6;
	v15 =	vxor.u32 $0x80000000, v15;
	(xrf0) =	vmax.scan.msk.u32 $0xffff, v14;
	vm13 =	vgt.s32 v12, v24  }
0x1a1: {  	v17 =	vld [tilespmem:$0x4FA8];
	s29 =	sadd.s32 $0x60, s24;
	v40 =	vadd.s32 s7, v4;
	v43 =	vadd.s32 s8, v4;
	v25, _, _ =	vpop (xrf0);
	(xrf0) =	vmax.scan.msk.u32 $0xffff, v15;
	v12 =	vsel vm13, v12, v24  }
0x1a2: {  	v50 =	vadd.s32 s29, v4;
	s7 =	sadd.s32 $0x80, s24;
	vm2 =	vge.s32 v35, v5;
	v26 =	vbroadcast v12, $0xF  }
0x1a3: {  	s8 =	sadd.s32 $0x90, s24;
	s29 =	sadd.s32 $0xB0, s24;
	vm3 =	vlt.s32 v35, v6;
	v54 =	vadd.s32 s7, v4;
	v13 =	vxor.u32 $0x80000000, v25  }
0x1a4: {  	v55 =	vadd.s32 s8, v4;
	v58 =	vadd.s32 s29, v4;
	vm14 =	vgt.s32 v13, v26  }
0x1a5: {  	s7 =	sadd.s32 $0xD0, s24;
	vm8 =	vmand vm2, vm3;
	v16 =	vxor.u32 $0x80000000, v16;
	v18 =	vld [tilespmem:$0x4FB8];
	v13 =	vsel vm14, v13, v26  }
0x1a6: {  	s8 =	sadd.s32 $0xE0, s24;
	v61 =	vadd.s32 s7, v4;
	v17 =	vxor.u32 $0x80000000, v17;
	v19 =	vld [tilespmem:$0x4FC8];
	v27, _, _ =	vpop (xrf0);
	(xrf0) =	vmax.scan.msk.u32 $0xffff, v16;
	v28 =	vbroadcast v13, $0xF  }
0x1a7: {  	v62 =	vadd.s32 s8, v4;
	vm0 =	vmand vm1, vm7;
	s22 =	sadd.s32 $0x50, s24;
	v14 =	vxor.u32 $0x80000000, v27;
	v29, _, _ =	vpop (xrf0);
	(xrf0) =	vmax.scan.msk.u32 $0xffff, v17  }
0x1a8: {  	v8 =	vadd.s32 v1, v8;
	v47 =	vadd.s32 s22, v4;
	s22 =	sadd.s32 $0xA0, s24;
	v20 =	vld [tilespmem:$0x4FD8];
	vm15 =	vgt.s32 v14, v28  }
0x1a9: {  	v39 =	vld [tilespmem:$0x4FF8];
	v8 =	vsel vm0, v8, v0;
	v56 =	vadd.s32 s22, v4;
	s22 =	sadd.s32 $0xF0, s24;
	v14 =	vsel vm15, v14, v28  }
0x1aa: {  	v18 =	vxor.u32 $0x80000000, v18;
	v63 =	vadd.s32 s22, v4;
	v21 =	vld [tilespmem:$0x4FE8];
	v30 =	vbroadcast v14, $0xF  }
0x1ab: {  	v19 =	vxor.u32 $0x80000000, v19;
	v9 =	vadd.s32 v1, v9;
	v15 =	vxor.u32 $0x80000000, v29  }
0x1ac: {  	v9 =	vsel vm8, v9, v0;
	vm8 =	vge.s32 v47, v5;
	v31, _, _ =	vpop (xrf0);
	(xrf0) =	vmax.scan.msk.u32 $0xffff, v18;
	vm4 =	vgt.s32 v15, v30  }
0x1ad: {  	s30 =	sadd.s32 $0x20, s24;
	v36 =	vxor.u32 $0x80000000, v20;
	v10 =	vadd.s32 v1, v10;
	v33, _, _ =	vpop (xrf0);
	(xrf0) =	vmax.scan.msk.u32 $0xffff, v19;
	v15 =	vsel vm4, v15, v30  }
0x1ae: {  	v20 =	vxor.u32 $0x80000000, v39;
	v23 =	vld [tilespmem:$0x5008];
	v22 =	vadd.s32 s30, v4;
	v32 =	vbroadcast v15, $0xF  }
0x1af: {  	v21 =	vxor.u32 $0x80000000, v21;
	vm10 =	vge.s32 v22, v5;
	v16 =	vxor.u32 $0x80000000, v31  }
0x1b0: {  	s30 =	sadd.s32 $0x70, s24;
	vm11 =	vlt.s32 v22, v6;
	v11 =	vadd.s32 v1, v11;
	vm5 =	vgt.s32 v16, v32  }
0x1b1: {  	v51 =	vadd.s32 s30, v4;
	s30 =	sadd.s32 $0xC0, s24;
	vm0 =	vmand vm10, vm11;
	v16 =	vsel vm5, v16, v32  }
0x1b2: {  	vm11 =	vge.s32 v50, v5;
	v59 =	vadd.s32 s30, v4;
	v7, _, _ =	vpop (xrf0);
	(xrf0) =	vmax.scan.msk.u32 $0xffff, v36;
	v34 =	vbroadcast v16, $0xF  }
0x1b3: {  	v10 =	vsel vm0, v10, v0;
	v46 =	vxor.u32 $0x80000000, v23;
	v17 =	vxor.u32 $0x80000000, v33;
	v37, _, _ =	vpop (xrf0);
	(xrf0) =	vmax.scan.msk.u32 $0xffff, v21  }
0x1b4: {  	vm13 =	vge.s32 v40, v5;
	v12 =	vadd.s32 v1, v12;
	vm6 =	vgt.s32 v17, v34  }
0x1b5: {  	vm14 =	vlt.s32 v40, v6;
	v13 =	vadd.s32 v1, v13;
	v17 =	vsel vm6, v17, v34  }
0x1b6: {  	vm15 =	vmand vm13, vm14;
	vm14 =	vge.s32 v51, v5;
	v18 =	vbroadcast v17, $0xF  }
0x1b7: {  	v11 =	vsel vm15, v11, v0;
	vm15 =	vlt.s32 v51, v6;
	v7 =	vxor.u32 $0x80000000, v7  }
0x1b8: {  	v14 =	vadd.s32 v1, v14;
	vm1 =	vmand vm14, vm15;
	v41, _, _ =	vpop (xrf0);
	(xrf0) =	vmax.scan.msk.u32 $0xffff, v20;
	vm9 =	vgt.s32 v7, v18  }
0x1b9: {  	vm14 =	vlt.s32 v58, v6;
	v15 =	vadd.s32 v1, v15;
	v44, _, _ =	vpop (xrf0);
	(xrf0) =	vmax.scan.msk.u32 $0xffff, v46;
	v7 =	vsel vm9, v7, v18  }
0x1ba: {  	v15 =	vsel vm1, v15, v0;
	vm5 =	vge.s32 v43, v5;
	v38 =	vbroadcast v7, $0xF  }
0x1bb: {  	[tilespmem:$0x5018] =	vst v8;
	v8 =	vadd.s32 v1, v16;
	v19 =	vxor.u32 $0x80000000, v41;
	v18 =	vxor.u32 $0x80000000, v37  }
0x1bc: {  	v45 =	vxor.u32 $0x80000000, v44;
	vm6 =	vlt.s32 v43, v6;
	vm12 =	vgt.s32 v18, v38  }
0x1bd: {  	vm0 =	vmand vm5, vm6;
	vm5 =	vge.s32 v54, v5;
	v18 =	vsel vm12, v18, v38  }
0x1be: {  	vm6 =	vlt.s32 v54, v6;
	v48, _, _ =	vpop (xrf0);
	vm9 =	vlt.s32 v47, v6;
	v42 =	vbroadcast v18, $0xF  }
0x1bf: {  	v57 =	vadd.s32 v1, v17;
	v12 =	vsel vm0, v12, v0;
	v52, _, _ =	vpop (xrf0);
	vm0 =	vmand vm8, vm9  }
0x1c0: {  	v23 =	vxor.u32 $0x80000000, v52;
	vm8 =	vlt.s32 v55, v6;
	vm4 =	vgt.s32 v19, v42  }
0x1c1: {  	v7 =	vadd.s32 v1, v7;
	v13 =	vsel vm0, v13, v0;
	v19 =	vsel vm4, v19, v42  }
0x1c2: {  	vm0 =	vmand vm5, vm6;
	vm12 =	vlt.s32 v50, v6;
	v22 =	vbroadcast v19, $0xF  }
0x1c3: {  	vm5 =	vlt.s32 v59, v6;
	v8 =	vsel vm0, v8, v0;
	vm13 =	vmand vm11, vm12  }
0x1c4: {  	[tilespmem:$0x5028] =	vst v9;
	vm11 =	vlt.s32 v56, v6;
	v60 =	vadd.s32 v1, v18;
	vm7 =	vgt.s32 v45, v22  }
0x1c5: {  	[tilespmem:$0x5038] =	vst v10;
	v14 =	vsel vm13, v14, v0;
	vm13 =	vge.s32 v58, v5;
	v20 =	vsel vm7, v45, v22  }
0x1c6: {  	[tilespmem:$0x5048] =	vst v11;
	vm15 =	vmand vm13, vm14;
	vm13 =	vge.s32 v63, v5;
	v49 =	vbroadcast v20, $0xF  }
0x1c7: {  	[tilespmem:$0x5088] =	vst v15;
	vm14 =	vlt.s32 v63, v6;
	v10 =	vsel vm15, v60, v0;
	v22 =	vxor.u32 $0x80000000, v48  }
0x1c8: {  	[tilespmem:$0x5058] =	vst v12;
	vm15 =	vmand vm13, vm14;
	vm7 =	vge.s32 v55, v5;
	vm10 =	vgt.s32 v22, v49  }
0x1c9: {  	[tilespmem:$0x5098] =	vst v8;
	v8 =	vadd.s32 v1, v19;
	vm9 =	vmand vm7, vm8;
	v21 =	vsel vm10, v22, v49  }
0x1ca: {  	[tilespmem:$0x5068] =	vst v13;
	vm7 =	vge.s32 v61, v5;
	vm10 =	vge.s32 v56, v5;
	v24 =	vbroadcast v21, $0xF  }
0x1cb: {  	[tilespmem:$0x5078] =	vst v14;
	vm8 =	vlt.s32 v61, v6;
	v9 =	vsel vm9, v57, v0;
	vm12 =	vmand vm10, vm11  }
0x1cc: {  	[tilespmem:$0x50C8] =	vst v10;
	vm9 =	vmand vm7, vm8;
	v7 =	vsel vm12, v7, v0;
	vm4 =	vgt.s32 v23, v24  }
0x1cd: {  	[tilespmem:$0x50B8] =	vst v7;
	v7 =	vadd.s32 v1, v20;
	v53 =	vsel vm4, v23, v24;
	vm4 =	vge.s32 v59, v5  }
0x1ce: {  	[tilespmem:$0x50A8] =	vst v9;
	vm10 =	vge.s32 v62, v5;
	v7 =	vsel vm9, v7, v0;
	vm6 =	vmand vm4, vm5  }
0x1cf: {  	s1 =	sadd.s32 $0x3, s23;
	vm11 =	vlt.s32 v62, v6;
	[tilespmem:$0x50E8] =	vst v7;
	v7 =	vadd.s32 v1, v53;
	v8 =	vsel vm6, v8, v0  }
0x1d0: {  	p1 =	sge.u32 s1, s18;
	vm12 =	vmand vm10, vm11;
	v7 =	vsel vm15, v7, v0;
	[tilespmem:$0x50D8] =	vst v8;
	v8 =	vadd.s32 v1, v21  }
0x1d1: {  	s1 =	sshll.u32 @!p1 s1, $0x8;
	[tilespmem:$0x5108] =	vst v7;
	v8 =	vsel vm12, v8, v0  }
0x1d2: {  	s29 =	simm.s32 $0x5098;
	s1 =	sadd.s32 @!p1 s17, s1;
	s24 =	simm.s32 $0x5018;
	[tilespmem:$0x50F8] =	vst v8  }
0x1d3: {  	[spmem:s2] =	stream.indirect.scatter.add.f32 [tilespmem:s25], [sflag:$0x5], $0x20, s24, s28, $0xb8;
	[tilespmem:$0x1F318] =	vst v63  }
0x1d4: {  	s8 =	simm.s32 @!p1 $0x0;
	s7 =	sshrl.u32 @!p1 s1, $0x3;
	s1 =	sadd.s32 @!p1 $0x80, s1  }
0x1d5: {  	[spmem:s2] =	stream.indirect.scatter.add.f32 [tilespmem:s31], [sflag:$0x5], $0x20, s29, s28, $0xb8;
	[tilespmem:$0x1F318] =	vst v63  }
0x1d6: {  	s7 =	sadd.s32 @!p1 s4, s7;
	s1 =	sshrl.u32 @!p1 s1, $0x3;
	s22 =	simm.s32 @!p1 $0xE18  }
0x1d7: {  	[tilespmem:s22], [sflag:$0x2] =	stream.linear.gather @!p1 [hbm4b:s7+s8], $0x80, $0x38;
	[tilespmem:$0x1F318] =	vst v63  }
0x1d8: {  	s1 =	sadd.s32 @!p1 s4, s1;
	s7 =	simm.s32 @!p1 $0xE98  }
0x1d9: {  	[tilespmem:s7], [sflag:$0x2] =	stream.linear.gather @!p1 [hbm4b:s1+s8], $0x80, $0x38;
	[tilespmem:$0x1F318] =	vst v63  }
0x1da: {  	s1 =	simm.s32 @!p0 $0x5  }
0x1db: {  	_ =	swait.ge @!p0 [sflag:s1], $0x1000  }
0x1dc: {  	[sflag:s1] =	ssyncset.done @!p0 $0x0  }
0x1dd: {  	[sflag:s1] =	ssyncadd.s32 @!p0 $0xFFFFF000  }
0x1de: {  	_ =	swait.ge @!p0 [sflag:s1], $0x1000  }
0x1df: {  	[sflag:s1] =	ssyncset.done @!p0 $0x0  }
0x1e0: {  	[sflag:s1] =	ssyncadd.s32 @!p0 $0xFFFFF000;
	s1 =	simm.s32 @!p0 $0x1  }
0x1e1: {  	_ =	swait.ge @!p0 [sflag:s1], $0x80  }
0x1e2: {  	[sflag:s1] =	ssyncset.done @!p0 $0x0  }
0x1e3: {  	[sflag:s1] =	ssyncadd.s32 @!p0 $0xFFFFFF80  }
0x1e4: {  	_ =	swait.ge @!p0 [sflag:s1], $0x80  }
0x1e5: {  	s7 =	simm.s32 @!p0 $0xD18;
	[sflag:s1] =	ssyncset.done @!p0 $0x0  }
0x1e6: {  	s8 =	simm.s32 @!p0 $0xF18;
	[sflag:s1] =	ssyncadd.s32 @!p0 $0xFFFFFF80;
	s1 =	simm.s32 @!p0 $0x80  }
0x1e7: {  	[tilespmem:s8], [sflag:$0x3] =	stream.indirect.gather @!p0 [hbm4b:s5+s1], $0x20, s7, s1, $0xb8;
	[tilespmem:$0x1F318] =	vst v63  }
0x1e8: {  	s7 =	simm.s32 @!p0 $0xD98;
	s8 =	simm.s32 @!p0 $0x1F18  }
0x1e9: {  	[tilespmem:s8], [sflag:$0x3] =	stream.indirect.gather @!p0 [hbm4b:s5+s1], $0x20, s7, s1, $0xb8;
	[tilespmem:$0x1F318] =	vst v63  }
0x1ea: {  	_ =	swait.ge [sflag:s16], $0x1000  }
0x1eb: {  	[sflag:s16] =	ssyncset.done $0x0  }
0x1ec: {  	s23 =	simm.s32 $0xD00;
	s30 =	sadd.s32 s6, s17;
	[sflag:s16] =	ssyncadd.s32 $0xFFFFF000  }
0x1ed: {  	s6 =	sadd.s32 $0x100, s30;
	s24 =	sadd.s32 $0xD00, s21;
	_ =	swait.ge [sflag:s16], $0x1000  }
0x1ee: {  	s22 =	smov.u32 s21;
	s8 =	sadd.s32 $0x1FF, s30;
	[sflag:s16] =	ssyncset.done $0x0  }
0x1ef: {  	p0 =	slt.s32 s21, $0xD00;
	s7 =	simm.s32 $0xB;
	[sflag:s16] =	ssyncadd.s32 $0xFFFFF000  }
.LBB2_14:
0x1f0: {  	s1 =	smov.u32 s23  }
0x1f1: {  	p1 =	sne.s32 s7, $0x1;
	s23 =	sand.u32 $0x1, s24  }
0x1f2: {  	p2 =	slt.s32 s24, $0x1;
	p3 =	seq.s32 s23, $0x1  }
0x1f3: {  	s23 =	sshrl.u32 s24, $0x1F;
	p2 =	por !p2, !p3  }
0x1f4: {  	s23 =	sadd.s32 s23, s24;
	s24 =	simm.s32 $0x1;
	p2 =	por !p2, !p2  }
0x1f5: {  	s23 =	sshra.s32 s23, $0x1;
	s24 =	simm.s32 @!p2 $0x0  }
0x1f6: {  	s23 =	ssub.s32 s23, s24  }
0x1f7: {  	v7 =	vld [tilespmem:s23+$0x1];
	_ =	sdelay $0x4  }
0x1f8: {  	(v2sf) =	vpush v7, $0x0;
	_ =	sdelay $0xe  }
0x1f9: {  	s24 =	spop (v2sf)  }
.Ltmp10:
0x1fa: {  	p2 =	sle.s32 s24, s8;
	(pc) =	sbr.rel @p1 .LBB2_14-.Ltmp10, $4  }
0x1fb: {  	p0 =	por !p0, !p2  }
0x1fc: {  	s24 =	sadd.s32 $0x1, s23;
	p0 =	por !p0, !p0  }
0x1fd: {  	s22 =	smov.u32 @p0 s24;
	s23 =	smov.u32 @p0 s1  }
0x1fe: {  	s7 =	sadd.s32 $0xFFFFFFFF, s7;
	s24 =	sadd.s32 s22, s23;
	p0 =	slt.s32 s22, s23  }
0x1ff: {  	s1 =	sand.u32 $0x1, s24  }
0x200: {  	p1 =	slt.s32 s24, $0x1;
	p2 =	seq.s32 s1, $0x1  }
0x201: {  	s7 =	sshrl.u32 s24, $0x1F;
	p1 =	por !p1, !p2  }
0x202: {  	s1 =	sadd.s32 s7, s24;
	s7 =	simm.s32 $0x1;
	p1 =	por !p1, !p1  }
0x203: {  	s1 =	sshra.s32 s1, $0x1;
	s7 =	simm.s32 @!p1 $0x0  }
0x204: {  	s1 =	ssub.s32 s1, s7  }
0x205: {  	v7 =	vld [tilespmem:s1+$0x1];
	_ =	sdelay $0x4  }
0x206: {  	(v2sf) =	vpush v7, $0x0;
	_ =	sdelay $0xe  }
0x207: {  	s23 =	spop (v2sf)  }
0x208: {  	p4 =	sle.s32 s23, s8  }
0x209: {  	p0 =	por !p0, !p4  }
0x20a: {  	[tilespmem:$0x4F18] =	vst v3;
	s1 =	sadd.s32 $0x1, s1;
	p0 =	por !p0, !p0  }
0x20b: {  	[tilespmem:$0x4F28] =	vst v3;
	s22 =	smov.u32 @p0 s1  }
0x20c: {  	[tilespmem:$0x4F38] =	vst v3;
	s1 =	ssub.s32 s22, s21  }
0x20d: {  	[tilespmem:$0x4F48] =	vst v3;
	s1 =	sadd.s32 $0xF, s1  }
0x20e: {  	[tilespmem:$0x4F58] =	vst v3;
	s24 =	sand.u32 $0xF, s1  }
0x20f: {  	[tilespmem:$0x4F68] =	vst v3;
	s29 =	sshra.s32 s1, $0x1F;
	p5 =	slt.s32 s1, $0x1;
	p6 =	sne.s32 s24, $0x0  }
0x210: {  	[tilespmem:$0x4F78] =	vst v3;
	s30 =	sshrl.u32 s29, $0x1C;
	p0 =	por !p5, !p6  }
0x211: {  	s7 =	simm.s32 $0x1;
	[tilespmem:$0x4F88] =	vst v3;
	s1 =	sadd.s32 s30, s1;
	p0 =	por !p0, !p0  }
0x212: {  	[tilespmem:$0x4F98] =	vst v3;
	s1 =	sshra.s32 s1, $0x4;
	s7 =	simm.s32 @!p0 $0x0  }
0x213: {  	[tilespmem:$0x4FA8] =	vst v3;
	s7 =	ssub.s32 s1, s7  }
0x214: {  	[tilespmem:$0x4FB8] =	vst v3;
	p0 =	sgt.s32 s7, $0x0  }
.Ltmp11:
0x215: {  	[tilespmem:$0x4FC8] =	vst v3;
	(pc) =	sbr.rel @!p0 .LBB2_22-.Ltmp11, $4  }
0x216: {  	[tilespmem:$0x4FD8] =	vst v3  }
0x217: {  	[tilespmem:$0x4FE8] =	vst v3  }
0x218: {  	[tilespmem:$0x4FF8] =	vst v3  }
0x219: {  	[tilespmem:$0x5008] =	vst v3;
	v7 =	vmov s6  }
0x21a: {  	p1 =	sne.s32 s7, $0x1  }
.Ltmp12:
0x21b: {  	_ = 	snop;
	(pc) =	sbr.rel @!p1 .LBB2_17-.Ltmp12, $4  }
0x21c: {  	s1 =	sshll.u32 s21, $0x2  }
0x21d: {  	s1 =	sshra.s32 s1, $0x2  }
0x21e: {  	s8 =	sadd.s32 $0x2, s1  }
0x21f: {  	v8 =	vmov s22;
	v7 =	vmov s6;
	s7 =	sadd.s32 $0xFFFFFFFF, s7;
	p0 =	por $0x0, $0x0;
	v9 =	vld [tilespmem:s8+$0xFFFFFFFF]  }
0x220: {  	v10 =	vld [tilespmem:s8+$0x0];
	_ =	sdelay $0x3  }
0x221: {  	v11 =	vadd.s32 s21, v4;
	v12 =	vsub.s32 v9, v7  }
0x222: {  	vm0 =	vlt.s32 v11, v8;
	vm1 =	vlt.s32 v9, v10;
	vm2 =	vgt.s32 v12, $0x0  }
0x223: {  	vm0 =	vmand vm0, vm1;
	v9 =	vnsel vm2, $0x0, v12  }
0x224: {  	v9 =	vmin.u32 v9, $0xFF  }
0x225: {  	p1 =	sne.s32 s7, $0x1  }
.Ltmp13:
0x226: {  	_ = 	snop;
	(pc) =	sbr.rel @!p1 .LBB2_19-.Ltmp13, $4  }
0x227: {  	s1 =	sadd.s32 $0x1, s21  }
0x228: {  	v10 =	vadd.s32 s1, v4  }
0x229: {  	s8 =	sadd.s32 $0x10, s8;
	[tilespmem:v9+s0+$0x0] =	vst.idx.msk vm0, v10  }
0x22a: {  	s23 =	sadd.s32 $0xFFFFFFFF, s7;
	p0 =	por $0x1, $0x1;
	s7 =	smov.u32 s21;
	v9 =	vld [tilespmem:s8+$0xFFFFFFFF]  }
.LBB2_20:
0x22b: {  	p1 =	sne.s32 s23, $0x1;
	v10 =	vld [tilespmem:s8+$0x0];
	_ =	sdelay $0x2  }
0x22c: {  	s7 =	sadd.s32 $0x10, s7  }
0x22d: {  	v12 =	vsub.s32 v9, v7;
	v11 =	vadd.s32 s7, v4  }
0x22e: {  	vm2 =	vgt.s32 v12, $0x0;
	vm0 =	vlt.s32 v11, v8;
	vm1 =	vlt.s32 v9, v10  }
0x22f: {  	v9 =	vnsel vm2, $0x0, v12;
	vm0 =	vmand vm0, vm1  }
0x230: {  	v9 =	vmin.u32 v9, $0xFF;
	_ =	sdelay $0x1  }
.Ltmp14:
0x231: {  	(pc) =	sbr.rel @p1 .LBB2_20-.Ltmp14, $4  }
0x232: {  	s1 =	sadd.s32 $0x1, s7  }
0x233: {  	v10 =	vadd.s32 s1, v4  }
0x234: {  	s8 =	sadd.s32 $0x10, s8;
	[tilespmem:v9+s0+$0x0] =	vst.idx.msk vm0, v10  }
0x235: {  	s23 =	sadd.s32 $0xFFFFFFFF, s23;
	v9 =	vld [tilespmem:s8+$0xFFFFFFFF]  }
.Ltmp15:
0x236: {  	_ = 	snop;
	(pc) =	sbr.rel .LBB2_21-.Ltmp15, $1  }
0x237: {  	_ =	sdelay $0x3  }
.LBB2_8:
.Ltmp16:
0x238: {  	(pc) =	sbr.rel .LBB2_12-.Ltmp16, $2  }
0x239: {  	_ =	sdelay $0x2  }
0x23a: {  	s7 =	smov.u32 s22  }
.LBB2_10:
.Ltmp17:
0x23b: {  	(pc) =	sbr.rel .LBB2_12-.Ltmp17, $2  }
0x23c: {  	_ =	sdelay $0x2  }
0x23d: {  	s7 =	smov.u32 s22  }
.LBB2_19:
.Ltmp18:
0x23e: {  	(pc) =	sbr.rel .LBB2_21-.Ltmp18, $2  }
0x23f: {  	_ =	sdelay $0x2  }
0x240: {  	s7 =	smov.u32 s21  }
.LBB2_24:
0x241: {  	_ =	sfence.sel $0x180000  }
0x242: {  	[bflag:$0x0] =	sbarrier.arrive $0xFFFF  }
0x243: {  	_ =	strace $0x90000047  }
0x244: {  	s0 =	stileid.u32;
	[bflag:$0x2] =	sbarrier.arrive $0xFFFF  }
0x245: {  	p0 =	sne.s32 s0, $0x0;
	s0 =	rddreg [dreg:$0x3]  }
0x246: {  	s0 =	sadd.s32 @!p0 $0x100000, s0  }
0x247: {  	[sflag:s0] =	ssyncadd.tile.s32 @!p0 $0x1;
	_ =	shalt  }
.Lfunc_end2:
_tile_overlayer_lowered:
.L_overlay_start_2:
0x248: {  	(tag) =	ssettag $0x2  }
0x249: {  	s0 =	rddreg [dreg:$0x0];
	s2 =	stileid.u32  }
0x24a: {  	s1 =	rddreg [dreg:$0x1];
	p0 =	sne.s32 s2, $0x0  }
0x24b: {  	s3 =	rddreg [dreg:$0x2];
	[bflag:$0x3] =	sbarrier.arrive $0xFFFF;
	s2 =	simm.s32 @!p0 $0x1C08  }
0x24c: {  	[timem:s3], [sflag:s2] =	dma.local @!p0 [hbm:s0], s1  }
0x24d: {  	s0 =	simm.s32 @!p0 $0x8  }
0x24e: {  	_ =	swait.ge @!p0 [sflag:s0], s1  }
0x24f: {  	s1 =	ssub.s32 @!p0 $0x0, s1;
	[sflag:s0] =	ssyncset.done @!p0 $0x0  }
0x250: {  	[sflag:s0] =	ssyncadd.s32 @!p0 s1  }
0x251: {  	[bflag:$0x3] =	sbarrier.arrive $0xFFFF  }
0x252: {  	_ =	shalt  }

</sc_bundles>
